<compile_context>
chip_gen: v7x
topology: tpu7x:2x2x1
jax: 0.10.2.dev20260603
libtpu: 0.0.44.dev20260713+nightly
codegen_flags: <defaults>
</compile_context>

<pallas_src>
import functools

import jax
import jax.numpy as jnp
from jax import lax
from jax.experimental import pallas as pl
from jax.experimental.pallas import tpu as pltpu
from jax.experimental.pallas import tpu_sc as plsc

_N = 10000
_E = 320000
_D = 128
_CP = 16
_COORDS_RANGE = 10.0

_NC = 2
_NS = 16
_NW = _NC * _NS
_EPW = _E // _NW

_CH = 200
_NCHUNK = _EPW // _CH
_NGRP = (_CH + 15) // 16

_CHS = 200
_NCHUNKS = _EPW // _CHS
_NGRPS = (_CHS + 15) // 16

_ROWS_PER_TILE = _N // _NS


def _silu(x):
    return x * jax.nn.sigmoid(x)


def _sc_gather(nf, c16, src, dst, off, e_seg):
    epw = e_seg // _NW
    nchunk = epw // _CH
    mesh = plsc.VectorSubcoreMesh(core_axis_name="c", subcore_axis_name="s")

    slot_types = [
        pltpu.VMEM((_CH,), jnp.int32),
        pltpu.VMEM((_CH,), jnp.int32),
        pltpu.VMEM((_CH, _D), jnp.float32),
        pltpu.VMEM((_CH, _D), jnp.float32),
        pltpu.VMEM((_CH, _CP), jnp.float32),
        pltpu.VMEM((_CH, _CP), jnp.float32),
        pltpu.VMEM((8, _CH), jnp.float32),
    ]

    @functools.partial(
        pl.kernel,
        out_type=(
            jax.ShapeDtypeStruct((e_seg, _D), jnp.float32),
            jax.ShapeDtypeStruct((e_seg, _D), jnp.float32),
            jax.ShapeDtypeStruct((8, e_seg), jnp.float32),
        ),
        mesh=mesh,
        scratch_types=slot_types + slot_types + [
            pltpu.SemaphoreType.DMA,
            pltpu.SemaphoreType.DMA,
            pltpu.SemaphoreType.DMA,
            pltpu.SemaphoreType.DMA,
        ],
        compiler_params=pltpu.CompilerParams(use_tc_tiling_on_sc=False,
                                             needs_layout_passes=False),
    )
    def k(nf_hbm, c16_hbm, src_hbm, dst_hbm,
          gs_hbm, gd_hbm, dT_hbm, *scr):
        slots = (tuple(scr[0:7]), tuple(scr[7:14]))
        semg = (scr[14], scr[15])
        sems = (scr[16], scr[17])
        c = lax.axis_index("c")
        s = lax.axis_index("s")
        wid = s * _NC + c
        base0 = off + wid * epw

        zero16 = jnp.zeros((16,), jnp.float32)
        for b in range(2):
            dT_b = slots[b][6]

            @pl.loop(0, _NGRP)
            def _(g, dT_b=dT_b):
                e0 = jnp.minimum(g * 16, _CH - 16)
                for r in range(4, 8):
                    dT_b[r, pl.ds(e0, 16)] = zero16

        def issue(j, b):
            idx_s, idx_d, buf_s, buf_d, buf_cs, buf_cd, _ = slots[b]
            base = base0 + j * _CH
            pltpu.sync_copy(src_hbm.at[pl.ds(base, _CH)], idx_s)
            pltpu.sync_copy(dst_hbm.at[pl.ds(base, _CH)], idx_d)
            pltpu.async_copy(nf_hbm.at[idx_s], buf_s, semg[b])
            pltpu.async_copy(nf_hbm.at[idx_d], buf_d, semg[b])
            pltpu.async_copy(c16_hbm.at[idx_s], buf_cs, semg[b])
            pltpu.async_copy(c16_hbm.at[idx_d], buf_cd, semg[b])

        def drain_stores(b):
            _, _, buf_s, buf_d, _, _, dT_buf = slots[b]
            pltpu.make_async_copy(buf_s, gs_hbm.at[pl.ds(0, _CH)],
                                  sems[b]).wait()
            pltpu.make_async_copy(buf_d, gd_hbm.at[pl.ds(0, _CH)],
                                  sems[b]).wait()
            pltpu.make_async_copy(dT_buf, dT_hbm.at[:, pl.ds(0, _CH)],
                                  sems[b]).wait()

        def process(j, b):
            idx_s, idx_d, buf_s, buf_d, buf_cs, buf_cd, dT_buf = slots[b]
            lbase = wid * epw + j * _CH
            pltpu.make_async_copy(nf_hbm.at[idx_s], buf_s, semg[b]).wait()
            pltpu.make_async_copy(nf_hbm.at[idx_d], buf_d, semg[b]).wait()
            pltpu.make_async_copy(c16_hbm.at[idx_s], buf_cs, semg[b]).wait()
            pltpu.make_async_copy(c16_hbm.at[idx_d], buf_cd, semg[b]).wait()

            @pl.loop(0, _NGRP)
            def _(g):
                e0 = jnp.minimum(g * 16, _CH - 16)
                rows = lax.iota(jnp.int32, 16) + e0
                d3 = []
                for cdim in range(3):
                    col = jnp.full((16,), cdim, jnp.int32)
                    a = plsc.load_gather(buf_cs, [rows, col])
                    b_ = plsc.load_gather(buf_cd, [rows, col])
                    d3.append(a - b_)
                r2 = d3[0] * d3[0] + d3[1] * d3[1] + d3[2] * d3[2]
                for cdim in range(3):
                    dT_buf[cdim, pl.ds(e0, 16)] = d3[cdim]
                dT_buf[3, pl.ds(e0, 16)] = r2

            pltpu.async_copy(buf_s, gs_hbm.at[pl.ds(lbase, _CH)], sems[b])
            pltpu.async_copy(buf_d, gd_hbm.at[pl.ds(lbase, _CH)], sems[b])
            pltpu.async_copy(dT_buf, dT_hbm.at[:, pl.ds(lbase, _CH)], sems[b])

        issue(0, 0)

        @pl.loop(0, nchunk, step=2)
        def _(j):
            for b in range(2):
                jj = j + b
                nxt = jj + 1

                @pl.when(nxt < nchunk)
                def _(b=b, nxt=nxt):
                    @pl.when(nxt >= 2)
                    def _():
                        drain_stores(1 - b)
                    issue(nxt, 1 - b)

                @pl.when(jj < nchunk)
                def _(jj=jj, b=b):
                    process(jj, b)

        drain_stores(0)
        drain_stores(1)

    return k(nf, c16, src, dst)


_BE = 640


def _edge_body(nfs_ref, nfd_ref, dT_ref, ef_ref,
               Ws_ref, Wd_ref, Wec_ref, wr_ref, b1_ref,
               We2_ref, be2_ref, wa_ref, ba_ref, wco_ref,
               mh_ref, mxT_ref):
    tT = dT_ref[...].T
    r2 = tT[:, 3:4]
    radial = jnp.sqrt(r2 + 1e-12)

    pre = (jnp.dot(nfs_ref[...].astype(jnp.bfloat16), Ws_ref[...],
                   preferred_element_type=jnp.float32)
           + jnp.dot(nfd_ref[...].astype(jnp.bfloat16), Wd_ref[...],
                     preferred_element_type=jnp.float32)
           + jnp.dot(ef_ref[...].astype(jnp.bfloat16), Wec_ref[...],
                     preferred_element_type=jnp.float32)
           + radial * wr_ref[...]
           + b1_ref[...])
    h1 = _silu(pre[:, :_D])
    c1 = _silu(pre[:, _D:])
    m = _silu(jnp.dot(h1.astype(jnp.bfloat16), We2_ref[...],
                      preferred_element_type=jnp.float32)
              + be2_ref[...])
    attl = jnp.dot(m.astype(jnp.bfloat16), wa_ref[...],
                   preferred_element_type=jnp.float32)[:, :1]
    att = jax.nn.sigmoid(attl + ba_ref[...])
    mh_ref[...] = m * att
    cc = jnp.dot(c1.astype(jnp.bfloat16), wco_ref[...],
                 preferred_element_type=jnp.float32)[:, :1]
    gate = jnp.tanh(cc) * (_COORDS_RANGE / (radial + 1.0))
    lane8 = lax.broadcasted_iota(jnp.int32, (1, 8), 1)
    mxT = (tT * gate * (lane8 < 3)).T
    mxT_ref[...] = mxT


def _tc_edge(nfs, nfd, dT, ef, off, Ws, Wd, Wec, wr, b1, We2, be2, wa, ba, wco):
    e_seg = nfs.shape[0]
    nblk = e_seg // _BE
    off_blk = off // _BE
    full = lambda r, c_: pl.BlockSpec((r, c_), lambda i: (0, 0))
    blk = lambda c_: pl.BlockSpec((_BE, c_), lambda i: (i, 0))
    efblk = pl.BlockSpec((_BE, 16), lambda i: (i + off_blk, 0))
    tblk = pl.BlockSpec((8, _BE), lambda i: (0, i))
    return pl.pallas_call(
        _edge_body,
        grid=(nblk,),
        in_specs=[
            blk(_D), blk(_D), tblk, efblk,
            full(_D, 256), full(_D, 256), full(16, 256), full(1, 256),
            full(1, 256), full(_D, _D), full(1, _D), full(_D, 8),
            full(1, 1), full(_D, 8),
        ],
        out_specs=[blk(_D), tblk],
        out_shape=(
            jax.ShapeDtypeStruct((e_seg, _D), jnp.float32),
            jax.ShapeDtypeStruct((8, e_seg), jnp.float32),
        ),
    )(nfs, nfd, dT, ef, Ws, Wd, Wec, wr, b1, We2, be2, wa, ba, wco)


def _sc_scatter(mh, mxT, dst, off, zh, zx):
    e_seg = mh.shape[0]
    epw = e_seg // _NW
    nchunks = epw // _CHS
    mesh = plsc.VectorSubcoreMesh(core_axis_name="c", subcore_axis_name="s")

    @functools.partial(
        pl.kernel,
        out_type=(
            jax.ShapeDtypeStruct((_NC, _N, _D), jnp.float32),
            jax.ShapeDtypeStruct((_NC, _N, _CP), jnp.float32),
        ),
        mesh=mesh,
        scratch_types=[
            pltpu.VMEM_SHARED((_N, _D), jnp.float32),
            pltpu.VMEM_SHARED((_N, _CP), jnp.float32),
            pltpu.VMEM((_CHS,), jnp.int32),
            pltpu.VMEM((_CHS, _D), jnp.float32),
            pltpu.VMEM((8, _CHS), jnp.float32),
            pltpu.VMEM((_CHS, _CP), jnp.float32),
            pltpu.SemaphoreType.DMA,
        ],
        compiler_params=pltpu.CompilerParams(use_tc_tiling_on_sc=False,
                                             needs_layout_passes=False),
    )
    def k(mh_hbm, mxT_hbm, dst_hbm, zh_hbm, zx_hbm,
          ph_hbm, px_hbm,
          h_acc, x_acc, idx_v, buf_h, bufT, buf_x, sem):
        c = lax.axis_index("c")
        s = lax.axis_index("s")
        wid = s * _NC + c
        base0 = wid * epw
        row0 = s * _ROWS_PER_TILE
        gbase0 = off + base0

        zero16 = jnp.zeros((16,), jnp.float32)

        @pl.loop(0, _CHS)
        def _(r):
            buf_x[r] = zero16

        pltpu.sync_copy(zh_hbm.at[pl.ds(row0, _ROWS_PER_TILE)],
                        h_acc.at[pl.ds(row0, _ROWS_PER_TILE)])
        pltpu.sync_copy(zx_hbm.at[pl.ds(row0, _ROWS_PER_TILE)],
                        x_acc.at[pl.ds(row0, _ROWS_PER_TILE)])
        plsc.subcore_barrier()

        @pl.loop(0, nchunks)
        def _(j):
            gbase = gbase0 + j * _CHS
            base = base0 + j * _CHS
            pltpu.async_copy(dst_hbm.at[pl.ds(gbase, _CHS)], idx_v, sem)
            pltpu.async_copy(mh_hbm.at[pl.ds(base, _CHS)], buf_h, sem)
            pltpu.async_copy(mxT_hbm.at[:, pl.ds(base, _CHS)], bufT, sem)
            pltpu.make_async_copy(dst_hbm.at[pl.ds(gbase, _CHS)], idx_v,
                                  sem).wait()
            pltpu.make_async_copy(mh_hbm.at[pl.ds(base, _CHS)], buf_h,
                                  sem).wait()
            pltpu.make_async_copy(mxT_hbm.at[:, pl.ds(base, _CHS)], bufT,
                                  sem).wait()

            @pl.loop(0, _NGRPS)
            def _(g):
                e0 = jnp.minimum(g * 16, _CHS - 16)
                rows = lax.iota(jnp.int32, 16) + e0
                for cdim in range(3):
                    col = jnp.full((16,), cdim, jnp.int32)
                    vec = bufT[cdim, pl.ds(e0, 16)]
                    plsc.store_scatter(buf_x, [rows, col], vec)

            pltpu.sync_copy(buf_h, h_acc.at[idx_v], add=True)
            pltpu.sync_copy(buf_x, x_acc.at[idx_v], add=True)

        plsc.subcore_barrier()

        pltpu.sync_copy(h_acc.at[pl.ds(row0, _ROWS_PER_TILE)],
                        ph_hbm.at[c].at[pl.ds(row0, _ROWS_PER_TILE)])
        pltpu.sync_copy(x_acc.at[pl.ds(row0, _ROWS_PER_TILE)],
                        px_hbm.at[c].at[pl.ds(row0, _ROWS_PER_TILE)])

    return k(mh, mxT, dst, zh, zx)


_BN = 1000


def _node_body(nf_ref, c16_ref, z_ref,
               ph0_ref, ph1_ref, ph2_ref, ph3_ref,
               px0_ref, px1_ref, px2_ref, px3_ref,
               Wn1a_ref, Wn1b_ref, bn1_ref, Wn2_ref, bn2_ref, g_ref, b_ref,
               h_ref, x_ref):
    zinv = 1.0 / z_ref[...]
    hn = ((ph0_ref[...] + ph1_ref[...])
          + (ph2_ref[...] + ph3_ref[...])) * zinv
    xn = ((px0_ref[...] + px1_ref[...])
          + (px2_ref[...] + px3_ref[...])) * zinv
    t = _silu(jnp.dot(nf_ref[...].astype(jnp.bfloat16), Wn1a_ref[...],
                      preferred_element_type=jnp.float32)
              + jnp.dot(hn.astype(jnp.bfloat16), Wn1b_ref[...],
                        preferred_element_type=jnp.float32)
              + bn1_ref[...])
    h = jnp.dot(t.astype(jnp.bfloat16), Wn2_ref[...],
                preferred_element_type=jnp.float32) + bn2_ref[...]
    mu = jnp.mean(h, axis=1, keepdims=True)
    var = jnp.mean((h - mu) * (h - mu), axis=1, keepdims=True)
    h_ref[...] = (h - mu) / jnp.sqrt(var + 1e-5) * g_ref[...] + b_ref[...]
    x_ref[...] = c16_ref[...] + xn


def _tc_node(nf, c16, z, phs, pxs, Wn1a, Wn1b, bn1, Wn2, bn2, g, b):
    nblk = _N // _BN
    full = lambda r, c_: pl.BlockSpec((r, c_), lambda i: (0, 0))
    blk = lambda c_: pl.BlockSpec((_BN, c_), lambda i: (i, 0))
    return pl.pallas_call(
        _node_body,
        grid=(nblk,),
        in_specs=[
            blk(_D), blk(_CP), blk(1),
            blk(_D), blk(_D), blk(_D), blk(_D),
            blk(_CP), blk(_CP), blk(_CP), blk(_CP),
            full(_D, _D), full(_D, _D), full(1, _D), full(_D, _D),
            full(1, _D), full(1, _D), full(1, _D),
        ],
        out_specs=[blk(_D), blk(_CP)],
        out_shape=(
            jax.ShapeDtypeStruct((_N, _D), jnp.float32),
            jax.ShapeDtypeStruct((_N, _CP), jnp.float32),
        ),
    )(nf, c16, z, *phs, *pxs, Wn1a, Wn1b, bn1, Wn2, bn2, g, b)


def kernel(node_feat, coord_feat, z, edge_feat, edge_index,
           We1, be1, We2, be2, Wa, ba, Wc1, bc1, Wc_out,
           Wn1, bn1, Wn2, bn2, ln_g, ln_b):
    src = edge_index[0].astype(jnp.int32)
    dst = edge_index[1].astype(jnp.int32)
    c16 = jnp.pad(coord_feat, ((0, 0), (0, _CP - 3)))

    Ws = jnp.concatenate([We1[:_D], Wc1[:_D]], axis=1).astype(jnp.bfloat16)
    Wd = jnp.concatenate([We1[_D:2 * _D], Wc1[_D:2 * _D]], axis=1).astype(jnp.bfloat16)
    Wec = jnp.concatenate([We1[2 * _D + 1:], Wc1[2 * _D + 1:]],
                          axis=1).astype(jnp.bfloat16)
    wr = jnp.concatenate([We1[2 * _D], Wc1[2 * _D]])[None, :]
    b1 = jnp.concatenate([be1, bc1])[None, :]
    be2r = be2[None, :]
    wa = jnp.tile(Wa, (1, 8)).astype(jnp.bfloat16)
    bar = ba.reshape(1, 1)
    wco = jnp.tile(Wc_out, (1, 8)).astype(jnp.bfloat16)
    Wn1a = Wn1[:_D].astype(jnp.bfloat16)
    Wn1b = Wn1[_D:].astype(jnp.bfloat16)
    Wn2b = Wn2.astype(jnp.bfloat16)
    bn1r = bn1[None, :]
    bn2r = bn2[None, :]
    gr = ln_g[None, :]
    br = ln_b[None, :]

    zh = jnp.zeros((_N, _D), jnp.float32)
    zx = jnp.zeros((_N, _CP), jnp.float32)
    We2b = We2.astype(jnp.bfloat16)

    half = _E // 2
    phs, pxs = [], []
    gathered = [_sc_gather(node_feat, c16, src, dst, lo, half)
                for lo in (0, half)]
    for (lo, (gs, gd, dT)) in zip((0, half), gathered):
        mh, mxT = _tc_edge(gs, gd, dT, edge_feat, lo,
                           Ws, Wd, Wec, wr, b1, We2b,
                           be2r, wa, bar, wco)
        ph, px = _sc_scatter(mh, mxT, dst, lo, zh, zx)
        phs.extend([ph[0], ph[1]])
        pxs.extend([px[0], px[1]])
    h, x16 = _tc_node(node_feat, c16, z, phs, pxs,
                      Wn1a, Wn1b, bn1r, Wn2b, bn2r, gr, br)
    return (h, x16[:, :3])

# --- scband reference (transcript-rebuilt; emitter-appended) ---
"""Pipeline reference for scband-receptor-conv-64982855188920 (READ-ONLY COPY).

The authoritative reference and input builder live on the scoring server;
editing this copy changes nothing except your own understanding.
"""

import jax, jax.numpy as jnp
import numpy as np

N = 10000
E = 320000
D_IN = 128
D_HID = 128
D_OUT = 128
D_EDGE = 16
COORDS_RANGE = 10.0
F_IN = D_IN * 2 + D_EDGE + 1  # 273


def silu(x):
    return x * jax.nn.sigmoid(x)


def setup_inputs(seed: int = 0) -> dict:
    key = jax.random.key(seed)
    ks = jax.random.split(key, 20)
    node_feat = jax.random.normal(ks[0], (N, D_IN), dtype=jnp.float32)
    coord_feat = jax.random.normal(ks[1], (N, 3), dtype=jnp.float32)
    z = jnp.ones((N, 1), dtype=jnp.float32)
    edge_feat = jax.random.normal(ks[2], (E, D_EDGE), dtype=jnp.float32)
    edge_index = jax.random.randint(ks[3], (2, E), 0, N, dtype=jnp.int64)
    s = 0.02
    # edge_mlp: Linear(F_IN,H), SiLU, Linear(H,H), SiLU
    We1 = jax.random.normal(ks[4], (F_IN, D_HID), dtype=jnp.float32) * s
    be1 = jnp.zeros((D_HID,), dtype=jnp.float32)
    We2 = jax.random.normal(ks[5], (D_HID, D_HID), dtype=jnp.float32) * s
    be2 = jnp.zeros((D_HID,), dtype=jnp.float32)
    # soft_attention: Linear(H,1), Sigmoid
    Wa = jax.random.normal(ks[6], (D_HID, 1), dtype=jnp.float32) * s
    ba = jnp.zeros((1,), dtype=jnp.float32)
    # coord_mlp: Linear(F_IN,H), SiLU, Linear(H,1, bias=False) with tiny init
    Wc1 = jax.random.normal(ks[7], (F_IN, D_HID), dtype=jnp.float32) * s
    bc1 = jnp.zeros((D_HID,), dtype=jnp.float32)
    Wc_out = jax.random.normal(ks[8], (D_HID, 1), dtype=jnp.float32) * 0.001
    # node_mlp: Linear(D_IN+H,H), SiLU, Linear(H,D_OUT)
    Wn1 = jax.random.normal(ks[9], (D_IN + D_HID, D_HID), dtype=jnp.float32) * s
    bn1 = jnp.zeros((D_HID,), dtype=jnp.float32)
    Wn2 = jax.random.normal(ks[10], (D_HID, D_OUT), dtype=jnp.float32) * s
    bn2 = jnp.zeros((D_OUT,), dtype=jnp.float32)
    # layer norm params
    ln_g = jnp.ones((D_OUT,), dtype=jnp.float32)
    ln_b = jnp.zeros((D_OUT,), dtype=jnp.float32)
    return {
        "node_feat": node_feat, "coord_feat": coord_feat, "z": z,
        "edge_feat": edge_feat, "edge_index": edge_index,
        "We1": We1, "be1": be1, "We2": We2, "be2": be2,
        "Wa": Wa, "ba": ba, "Wc1": Wc1, "bc1": bc1, "Wc_out": Wc_out,
        "Wn1": Wn1, "bn1": bn1, "Wn2": Wn2, "bn2": bn2,
        "ln_g": ln_g, "ln_b": ln_b,
    }


def reference(node_feat, coord_feat, z, edge_feat, edge_index,
              We1, be1, We2, be2, Wa, ba, Wc1, bc1, Wc_out,
              Wn1, bn1, Wn2, bn2, ln_g, ln_b):
    src = edge_index[0]
    dst = edge_index[1]
    # u_sub_v('x','x','x_diff')
    x_diff = coord_feat[src] - coord_feat[dst]
    radial = jnp.sqrt(jnp.sum(x_diff * x_diff, axis=1, keepdims=True) + 1e-12)
    x_diff = x_diff / (radial + 1.0)
    # message function (edge_feat_size > 0 branch)
    f = jnp.concatenate([node_feat[src], node_feat[dst], radial, edge_feat], axis=-1)
    m = silu(silu(f @ We1 + be1) @ We2 + be2)
    att = jax.nn.sigmoid(m @ Wa + ba)
    msg_h = m * att
    # use_tanh branch
    c = silu(f @ Wc1 + bc1) @ Wc_out
    msg_x = jnp.tanh(c) * x_diff * COORDS_RANGE
    # aggregate at destination nodes (DGL update_all copy_e + sum)
    x_neigh = jax.ops.segment_sum(msg_x, dst, num_segments=N)
    h_neigh = jax.ops.segment_sum(msg_h, dst, num_segments=N)
    h_neigh = h_neigh / z
    x_neigh = x_neigh / z
    h = silu(jnp.concatenate([node_feat, h_neigh], axis=-1) @ Wn1 + bn1) @ Wn2 + bn2
    x = coord_feat + x_neigh
    # LayerNorm (norm=True)
    mu = jnp.mean(h, axis=-1, keepdims=True)
    var = jnp.var(h, axis=-1, keepdims=True)
    h = (h - mu) / jnp.sqrt(var + 1e-5) * ln_g + ln_b
    return (h, x)

if __name__ == "__main__":
    import jax
    _d = setup_inputs()
    print(jax.jit(kernel)(*tuple(_d.values())))

</pallas_src>

<mosaic_0001>
#map = affine_map<(d0, d1) -> (0, 0)>
#map1 = affine_map<(d0, d1) -> (0)>
module attributes {stable_mosaic.version = 14 : i64} {
  func.func @k(%arg0: i32, %arg1: i32, %arg2: memref<10000x128xf32, #tpu.memory_space<hbm>>, %arg3: memref<10000x16xf32, #tpu.memory_space<hbm>>, %arg4: memref<320000xi32, #tpu.memory_space<hbm>>, %arg5: memref<320000xi32, #tpu.memory_space<hbm>>, %arg6: memref<160000x128xf32, #tpu.memory_space<hbm>>, %arg7: memref<160000x128xf32, #tpu.memory_space<hbm>>, %arg8: memref<8x160000xf32, #tpu.memory_space<hbm>>, %arg9: memref<200xi32, #tpu.memory_space<vmem>>, %arg10: memref<200xi32, #tpu.memory_space<vmem>>, %arg11: memref<200x128xf32, #tpu.memory_space<vmem>>, %arg12: memref<200x128xf32, #tpu.memory_space<vmem>>, %arg13: memref<200x16xf32, #tpu.memory_space<vmem>>, %arg14: memref<200x16xf32, #tpu.memory_space<vmem>>, %arg15: memref<8x200xf32, #tpu.memory_space<vmem>>, %arg16: memref<200xi32, #tpu.memory_space<vmem>>, %arg17: memref<200xi32, #tpu.memory_space<vmem>>, %arg18: memref<200x128xf32, #tpu.memory_space<vmem>>, %arg19: memref<200x128xf32, #tpu.memory_space<vmem>>, %arg20: memref<200x16xf32, #tpu.memory_space<vmem>>, %arg21: memref<200x16xf32, #tpu.memory_space<vmem>>, %arg22: memref<8x200xf32, #tpu.memory_space<vmem>>, %arg23: memref<!tpu.dma_semaphore, #tpu.memory_space<semaphore_mem>>, %arg24: memref<!tpu.dma_semaphore, #tpu.memory_space<semaphore_mem>>, %arg25: memref<!tpu.dma_semaphore, #tpu.memory_space<semaphore_mem>>, %arg26: memref<!tpu.dma_semaphore, #tpu.memory_space<semaphore_mem>>) attributes {dimension_semantics = [#tpu.dimension_semantics<core_parallel>, #tpu.dimension_semantics<subcore_parallel>], iteration_bounds = array<i64: 2, 16>, scalar_prefetch = 0 : i64, scratch_operands = 18 : i64, tpu.core_type = #tpu.core_type<sc_vector_subcore>, window_params = [{transform_indices = #map}, {transform_indices = #map}, {transform_indices = #map1}, {transform_indices = #map1}, {transform_indices = #map}, {transform_indices = #map}, {transform_indices = #map}]} {
    %mul3A = arith.constant 2 : i32
    %mul3A_0 = arith.muli %arg1, %mul3A : i32
    %add3A = arith.addi %mul3A_0, %arg0 : i32
    %mul3A_1 = arith.constant 5000 : i32
    %mul3A_2 = arith.muli %add3A, %mul3A_1 : i32
    %add3A_3 = arith.constant 0 : i32
    %add3A_4 = arith.addi %add3A_3, %mul3A_2 : i32
    %broadcast_in_dim3A = arith.constant 0.000000e+00 : f32
    %broadcast_in_dim3A_5 = vector.broadcast %broadcast_in_dim3A : f32 to vector<16xf32>
    %scan3A = arith.constant 0 : i32
    %scan3A_6 = arith.constant 13 : i32
    %scan3A_7 = arith.addi %scan3A, %scan3A_6 : i32
    %scan3A_8 = arith.constant 1 : i32
    scf.for %scan3A_68 = %scan3A to %scan3A_7 step %scan3A_8  : i32 {
      %mul3A_69 = arith.constant 1 : i32
      %mul3A_70 = arith.muli %scan3A_68, %mul3A_69 : i32
      %add3A_71 = arith.constant 0 : i32
      %add3A_72 = arith.addi %add3A_71, %mul3A_70 : i32
      %mul3A_73 = arith.constant 16 : i32
      %mul3A_74 = arith.muli %add3A_72, %mul3A_73 : i32
      %min3A = arith.constant 184 : i32
      %min3A_75 = arith.minsi %mul3A_74, %min3A : i32
      %swap3A = arith.constant 4 : i32
      %swap3A_76 = arith.index_cast %swap3A : i32 to index
      %swap3A_77 = arith.index_cast %min3A_75 : i32 to index
      %swap3A_78 = tpu.vector_load %arg15[%swap3A_76, %swap3A_77] {strides = array<i32>} : memref<8x200xf32, #tpu.memory_space<vmem>>, vector<16xf32>,
      tpu.vector_store %arg15[%swap3A_76, %swap3A_77], %broadcast_in_dim3A_5 {strides = array<i32>} : memref<8x200xf32, #tpu.memory_space<vmem>>, vector<16xf32>,
      %swap3A_79 = arith.constant 5 : i32
      %swap3A_80 = arith.index_cast %swap3A_79 : i32 to index
      %swap3A_81 = arith.index_cast %min3A_75 : i32 to index
      %swap3A_82 = tpu.vector_load %arg15[%swap3A_80, %swap3A_81] {strides = array<i32>} : memref<8x200xf32, #tpu.memory_space<vmem>>, vector<16xf32>,
      tpu.vector_store %arg15[%swap3A_80, %swap3A_81], %broadcast_in_dim3A_5 {strides = array<i32>} : memref<8x200xf32, #tpu.memory_space<vmem>>, vector<16xf32>,
      %swap3A_83 = arith.constant 6 : i32
      %swap3A_84 = arith.index_cast %swap3A_83 : i32 to index
      %swap3A_85 = arith.index_cast %min3A_75 : i32 to index
      %swap3A_86 = tpu.vector_load %arg15[%swap3A_84, %swap3A_85] {strides = array<i32>} : memref<8x200xf32, #tpu.memory_space<vmem>>, vector<16xf32>,
      tpu.vector_store %arg15[%swap3A_84, %swap3A_85], %broadcast_in_dim3A_5 {strides = array<i32>} : memref<8x200xf32, #tpu.memory_space<vmem>>, vector<16xf32>,
      %swap3A_87 = arith.constant 7 : i32
      %swap3A_88 = arith.index_cast %swap3A_87 : i32 to index
      %swap3A_89 = arith.index_cast %min3A_75 : i32 to index
      %swap3A_90 = tpu.vector_load %arg15[%swap3A_88, %swap3A_89] {strides = array<i32>} : memref<8x200xf32, #tpu.memory_space<vmem>>, vector<16xf32>,
      tpu.vector_store %arg15[%swap3A_88, %swap3A_89], %broadcast_in_dim3A_5 {strides = array<i32>} : memref<8x200xf32, #tpu.memory_space<vmem>>, vector<16xf32>,
    }
    %scan3A_9 = arith.constant 13 : i32
    %scan3A_10 = arith.constant 0 : i32
    %scan3A_11 = arith.constant 13 : i32
    %scan3A_12 = arith.addi %scan3A_10, %scan3A_11 : i32
    %scan3A_13 = arith.constant 1 : i32
    scf.for %scan3A_68 = %scan3A_10 to %scan3A_12 step %scan3A_13  : i32 {
      %mul3A_69 = arith.constant 1 : i32
      %mul3A_70 = arith.muli %scan3A_68, %mul3A_69 : i32
      %add3A_71 = arith.constant 0 : i32
      %add3A_72 = arith.addi %add3A_71, %mul3A_70 : i32
      %mul3A_73 = arith.constant 16 : i32
      %mul3A_74 = arith.muli %add3A_72, %mul3A_73 : i32
      %min3A = arith.constant 184 : i32
      %min3A_75 = arith.minsi %mul3A_74, %min3A : i32
      %swap3A = arith.constant 4 : i32
      %swap3A_76 = arith.index_cast %swap3A : i32 to index
      %swap3A_77 = arith.index_cast %min3A_75 : i32 to index
      %swap3A_78 = tpu.vector_load %arg22[%swap3A_76, %swap3A_77] {strides = array<i32>} : memref<8x200xf32, #tpu.memory_space<vmem>>, vector<16xf32>,
      tpu.vector_store %arg22[%swap3A_76, %swap3A_77], %broadcast_in_dim3A_5 {strides = array<i32>} : memref<8x200xf32, #tpu.memory_space<vmem>>, vector<16xf32>,
      %swap3A_79 = arith.constant 5 : i32
      %swap3A_80 = arith.index_cast %swap3A_79 : i32 to index
      %swap3A_81 = arith.index_cast %min3A_75 : i32 to index
      %swap3A_82 = tpu.vector_load %arg22[%swap3A_80, %swap3A_81] {strides = array<i32>} : memref<8x200xf32, #tpu.memory_space<vmem>>, vector<16xf32>,
      tpu.vector_store %arg22[%swap3A_80, %swap3A_81], %broadcast_in_dim3A_5 {strides = array<i32>} : memref<8x200xf32, #tpu.memory_space<vmem>>, vector<16xf32>,
      %swap3A_83 = arith.constant 6 : i32
      %swap3A_84 = arith.index_cast %swap3A_83 : i32 to index
      %swap3A_85 = arith.index_cast %min3A_75 : i32 to index
      %swap3A_86 = tpu.vector_load %arg22[%swap3A_84, %swap3A_85] {strides = array<i32>} : memref<8x200xf32, #tpu.memory_space<vmem>>, vector<16xf32>,
      tpu.vector_store %arg22[%swap3A_84, %swap3A_85], %broadcast_in_dim3A_5 {strides = array<i32>} : memref<8x200xf32, #tpu.memory_space<vmem>>, vector<16xf32>,
      %swap3A_87 = arith.constant 7 : i32
      %swap3A_88 = arith.index_cast %swap3A_87 : i32 to index
      %swap3A_89 = arith.index_cast %min3A_75 : i32 to index
      %swap3A_90 = tpu.vector_load %arg22[%swap3A_88, %swap3A_89] {strides = array<i32>} : memref<8x200xf32, #tpu.memory_space<vmem>>, vector<16xf32>,
      tpu.vector_store %arg22[%swap3A_88, %swap3A_89], %broadcast_in_dim3A_5 {strides = array<i32>} : memref<8x200xf32, #tpu.memory_space<vmem>>, vector<16xf32>,
    }
    %scan3A_14 = arith.constant 13 : i32
    %add3A_15 = arith.constant 0 : i32
    %add3A_16 = arith.addi %add3A_4, %add3A_15 : i32
    "tpu.region"() ({
      %run_scoped3A = tpu.sem_alloc : memref<!tpu.dma_semaphore, #tpu.memory_space<semaphore_mem>>
      %dma_start3A_68 = tpu.memref_slice %arg4[%add3A_16] : memref<320000xi32, #tpu.memory_space<hbm>> -> memref<200xi32, #tpu.memory_space<hbm>>
      %dma_start3A_69 = tpu.memref_slice %arg4[%add3A_16] : memref<320000xi32, #tpu.memory_space<hbm>> -> memref<200xi32, #tpu.memory_space<hbm>>
      tpu.enqueue_dma source(%dma_start3A_69 : memref<200xi32, #tpu.memory_space<hbm>>) target(%arg9 : memref<200xi32, #tpu.memory_space<vmem>>) target_semaphore(%run_scoped3A : memref<!tpu.dma_semaphore, #tpu.memory_space<semaphore_mem>>)
      %dma_wait3A_70 = tpu.memref_slice %arg4[%add3A_16] : memref<320000xi32, #tpu.memory_space<hbm>> -> memref<200xi32, #tpu.memory_space<hbm>>
      %dma_wait3A_71 = tpu.memref_slice %arg4[%add3A_16] : memref<320000xi32, #tpu.memory_space<hbm>> -> memref<200xi32, #tpu.memory_space<hbm>>
      tpu.wait_dma2 semaphore(%run_scoped3A : memref<!tpu.dma_semaphore, #tpu.memory_space<semaphore_mem>>) src(%dma_wait3A_71 : memref<200xi32, #tpu.memory_space<hbm>>) dst(%arg9 : memref<200xi32, #tpu.memory_space<vmem>>)
      tpu.yield
    }) : () -> ()
    "tpu.region"() ({
      %run_scoped3A = tpu.sem_alloc : memref<!tpu.dma_semaphore, #tpu.memory_space<semaphore_mem>>
      %dma_start3A_68 = tpu.memref_slice %arg5[%add3A_16] : memref<320000xi32, #tpu.memory_space<hbm>> -> memref<200xi32, #tpu.memory_space<hbm>>
      %dma_start3A_69 = tpu.memref_slice %arg5[%add3A_16] : memref<320000xi32, #tpu.memory_space<hbm>> -> memref<200xi32, #tpu.memory_space<hbm>>
      tpu.enqueue_dma source(%dma_start3A_69 : memref<200xi32, #tpu.memory_space<hbm>>) target(%arg10 : memref<200xi32, #tpu.memory_space<vmem>>) target_semaphore(%run_scoped3A : memref<!tpu.dma_semaphore, #tpu.memory_space<semaphore_mem>>)
      %dma_wait3A_70 = tpu.memref_slice %arg5[%add3A_16] : memref<320000xi32, #tpu.memory_space<hbm>> -> memref<200xi32, #tpu.memory_space<hbm>>
      %dma_wait3A_71 = tpu.memref_slice %arg5[%add3A_16] : memref<320000xi32, #tpu.memory_space<hbm>> -> memref<200xi32, #tpu.memory_space<hbm>>
      tpu.wait_dma2 semaphore(%run_scoped3A : memref<!tpu.dma_semaphore, #tpu.memory_space<semaphore_mem>>) src(%dma_wait3A_71 : memref<200xi32, #tpu.memory_space<hbm>>) dst(%arg10 : memref<200xi32, #tpu.memory_space<vmem>>)
      tpu.yield
    }) : () -> ()
    %dma_start3A = arith.constant 0 : i32
    %dma_start3A_17 = arith.constant 0 : i32
    %dma_start3A_18 = tpu.memref_slice %arg2[%dma_start3A, %dma_start3A_17] : memref<10000x128xf32, #tpu.memory_space<hbm>> -> memref<10000x128xf32, #tpu.memory_space<hbm>>
    tpu.enqueue_indirect_dma source(%dma_start3A_18 : memref<10000x128xf32, #tpu.memory_space<hbm>>) target(%arg11 : memref<200x128xf32, #tpu.memory_space<vmem>>) offsets(%arg9 : memref<200xi32, #tpu.memory_space<vmem>>) semaphore(%arg23 : memref<!tpu.dma_semaphore, #tpu.memory_space<semaphore_mem>>)
    %dma_start3A_19 = arith.constant 0 : i32
    %dma_start3A_20 = arith.constant 0 : i32
    %dma_start3A_21 = tpu.memref_slice %arg2[%dma_start3A_19, %dma_start3A_20] : memref<10000x128xf32, #tpu.memory_space<hbm>> -> memref<10000x128xf32, #tpu.memory_space<hbm>>
    tpu.enqueue_indirect_dma source(%dma_start3A_21 : memref<10000x128xf32, #tpu.memory_space<hbm>>) target(%arg12 : memref<200x128xf32, #tpu.memory_space<vmem>>) offsets(%arg10 : memref<200xi32, #tpu.memory_space<vmem>>) semaphore(%arg23 : memref<!tpu.dma_semaphore, #tpu.memory_space<semaphore_mem>>)
    %dma_start3A_22 = arith.constant 0 : i32
    %dma_start3A_23 = arith.constant 0 : i32
    %dma_start3A_24 = tpu.memref_slice %arg3[%dma_start3A_22, %dma_start3A_23] : memref<10000x16xf32, #tpu.memory_space<hbm>> -> memref<10000x16xf32, #tpu.memory_space<hbm>>
    tpu.enqueue_indirect_dma source(%dma_start3A_24 : memref<10000x16xf32, #tpu.memory_space<hbm>>) target(%arg13 : memref<200x16xf32, #tpu.memory_space<vmem>>) offsets(%arg9 : memref<200xi32, #tpu.memory_space<vmem>>) semaphore(%arg23 : memref<!tpu.dma_semaphore, #tpu.memory_space<semaphore_mem>>)
    %dma_start3A_25 = arith.constant 0 : i32
    %dma_start3A_26 = arith.constant 0 : i32
    %dma_start3A_27 = tpu.memref_slice %arg3[%dma_start3A_25, %dma_start3A_26] : memref<10000x16xf32, #tpu.memory_space<hbm>> -> memref<10000x16xf32, #tpu.memory_space<hbm>>
    tpu.enqueue_indirect_dma source(%dma_start3A_27 : memref<10000x16xf32, #tpu.memory_space<hbm>>) target(%arg14 : memref<200x16xf32, #tpu.memory_space<vmem>>) offsets(%arg10 : memref<200xi32, #tpu.memory_space<vmem>>) semaphore(%arg23 : memref<!tpu.dma_semaphore, #tpu.memory_space<semaphore_mem>>)
    %scan3A_28 = arith.constant 0 : i32
    %scan3A_29 = arith.constant 13 : i32
    %scan3A_30 = arith.addi %scan3A_28, %scan3A_29 : i32
    %scan3A_31 = arith.constant 1 : i32
    scf.for %scan3A_68 = %scan3A_28 to %scan3A_30 step %scan3A_31  : i32 {
      %mul3A_69 = arith.constant 2 : i32
      %mul3A_70 = arith.muli %scan3A_68, %mul3A_69 : i32
      %add3A_71 = arith.constant 0 : i32
      %add3A_72 = arith.addi %add3A_71, %mul3A_70 : i32
      %add3A_73 = arith.constant 0 : i32
      %add3A_74 = arith.addi %add3A_72, %add3A_73 : i32
      %add3A_75 = arith.constant 1 : i32
      %add3A_76 = arith.addi %add3A_74, %add3A_75 : i32
      %lt3A = arith.constant 25 : i32
      %lt3A_77 = arith.cmpi slt, %add3A_76, %lt3A : i32
      %convert_element_type3A = arith.extui %lt3A_77 : i1 to i32
      %cond3A = arith.constant 0 : i32
      %cond3A_78 = arith.cmpi ne, %convert_element_type3A, %cond3A : i32
      scf.if %cond3A_78 {
        %ge3A = arith.constant 2 : i32
        %ge3A_98 = arith.cmpi sge, %add3A_76, %ge3A : i32
        %convert_element_type3A_99 = arith.extui %ge3A_98 : i1 to i32
        %cond3A_100 = arith.constant 0 : i32
        %cond3A_101 = arith.cmpi ne, %convert_element_type3A_99, %cond3A_100 : i32
        scf.if %cond3A_101 {
          %dma_wait3A_117 = arith.constant 0 : i32
          %dma_wait3A_118 = arith.constant 0 : i32
          %dma_wait3A_119 = tpu.memref_slice %arg6[%dma_wait3A_117, %dma_wait3A_118] : memref<160000x128xf32, #tpu.memory_space<hbm>> -> memref<200x128xf32, #tpu.memory_space<hbm>>
          %dma_wait3A_120 = arith.constant 0 : i32
          %dma_wait3A_121 = arith.constant 0 : i32
          %dma_wait3A_122 = tpu.memref_slice %arg6[%dma_wait3A_120, %dma_wait3A_121] : memref<160000x128xf32, #tpu.memory_space<hbm>> -> memref<200x128xf32, #tpu.memory_space<hbm>>
          tpu.wait_dma2 semaphore(%arg26 : memref<!tpu.dma_semaphore, #tpu.memory_space<semaphore_mem>>) src(%arg18 : memref<200x128xf32, #tpu.memory_space<vmem>>) dst(%dma_wait3A_122 : memref<200x128xf32, #tpu.memory_space<hbm>>)
          %dma_wait3A_123 = arith.constant 0 : i32
          %dma_wait3A_124 = arith.constant 0 : i32
          %dma_wait3A_125 = tpu.memref_slice %arg7[%dma_wait3A_123, %dma_wait3A_124] : memref<160000x128xf32, #tpu.memory_space<hbm>> -> memref<200x128xf32, #tpu.memory_space<hbm>>
          %dma_wait3A_126 = arith.constant 0 : i32
          %dma_wait3A_127 = arith.constant 0 : i32
          %dma_wait3A_128 = tpu.memref_slice %arg7[%dma_wait3A_126, %dma_wait3A_127] : memref<160000x128xf32, #tpu.memory_space<hbm>> -> memref<200x128xf32, #tpu.memory_space<hbm>>
          tpu.wait_dma2 semaphore(%arg26 : memref<!tpu.dma_semaphore, #tpu.memory_space<semaphore_mem>>) src(%arg19 : memref<200x128xf32, #tpu.memory_space<vmem>>) dst(%dma_wait3A_128 : memref<200x128xf32, #tpu.memory_space<hbm>>)
          %dma_wait3A_129 = arith.constant 0 : i32
          %dma_wait3A_130 = arith.constant 0 : i32
          %dma_wait3A_131 = tpu.memref_slice %arg8[%dma_wait3A_129, %dma_wait3A_130] : memref<8x160000xf32, #tpu.memory_space<hbm>> -> memref<8x200xf32, #tpu.memory_space<hbm>>
          %dma_wait3A_132 = arith.constant 0 : i32
          %dma_wait3A_133 = arith.constant 0 : i32
          %dma_wait3A_134 = tpu.memref_slice %arg8[%dma_wait3A_132, %dma_wait3A_133] : memref<8x160000xf32, #tpu.memory_space<hbm>> -> memref<8x200xf32, #tpu.memory_space<hbm>>
          tpu.wait_dma2 semaphore(%arg26 : memref<!tpu.dma_semaphore, #tpu.memory_space<semaphore_mem>>) src(%arg22 : memref<8x200xf32, #tpu.memory_space<vmem>>) dst(%dma_wait3A_134 : memref<8x200xf32, #tpu.memory_space<hbm>>)
        } else {
        }
        %mul3A_102 = arith.constant 200 : i32
        %mul3A_103 = arith.muli %add3A_76, %mul3A_102 : i32
        %add3A_104 = arith.addi %add3A_4, %mul3A_103 : i32
        "tpu.region"() ({
          %run_scoped3A = tpu.sem_alloc : memref<!tpu.dma_semaphore, #tpu.memory_space<semaphore_mem>>
          %dma_start3A_117 = tpu.memref_slice %arg4[%add3A_104] : memref<320000xi32, #tpu.memory_space<hbm>> -> memref<200xi32, #tpu.memory_space<hbm>>
          %dma_start3A_118 = tpu.memref_slice %arg4[%add3A_104] : memref<320000xi32, #tpu.memory_space<hbm>> -> memref<200xi32, #tpu.memory_space<hbm>>
          tpu.enqueue_dma source(%dma_start3A_118 : memref<200xi32, #tpu.memory_space<hbm>>) target(%arg16 : memref<200xi32, #tpu.memory_space<vmem>>) target_semaphore(%run_scoped3A : memref<!tpu.dma_semaphore, #tpu.memory_space<semaphore_mem>>)
          %dma_wait3A_119 = tpu.memref_slice %arg4[%add3A_104] : memref<320000xi32, #tpu.memory_space<hbm>> -> memref<200xi32, #tpu.memory_space<hbm>>
          %dma_wait3A_120 = tpu.memref_slice %arg4[%add3A_104] : memref<320000xi32, #tpu.memory_space<hbm>> -> memref<200xi32, #tpu.memory_space<hbm>>
          tpu.wait_dma2 semaphore(%run_scoped3A : memref<!tpu.dma_semaphore, #tpu.memory_space<semaphore_mem>>) src(%dma_wait3A_120 : memref<200xi32, #tpu.memory_space<hbm>>) dst(%arg16 : memref<200xi32, #tpu.memory_space<vmem>>)
          tpu.yield
        }) : () -> ()
        "tpu.region"() ({
          %run_scoped3A = tpu.sem_alloc : memref<!tpu.dma_semaphore, #tpu.memory_space<semaphore_mem>>
          %dma_start3A_117 = tpu.memref_slice %arg5[%add3A_104] : memref<320000xi32, #tpu.memory_space<hbm>> -> memref<200xi32, #tpu.memory_space<hbm>>
          %dma_start3A_118 = tpu.memref_slice %arg5[%add3A_104] : memref<320000xi32, #tpu.memory_space<hbm>> -> memref<200xi32, #tpu.memory_space<hbm>>
          tpu.enqueue_dma source(%dma_start3A_118 : memref<200xi32, #tpu.memory_space<hbm>>) target(%arg17 : memref<200xi32, #tpu.memory_space<vmem>>) target_semaphore(%run_scoped3A : memref<!tpu.dma_semaphore, #tpu.memory_space<semaphore_mem>>)
          %dma_wait3A_119 = tpu.memref_slice %arg5[%add3A_104] : memref<320000xi32, #tpu.memory_space<hbm>> -> memref<200xi32, #tpu.memory_space<hbm>>
          %dma_wait3A_120 = tpu.memref_slice %arg5[%add3A_104] : memref<320000xi32, #tpu.memory_space<hbm>> -> memref<200xi32, #tpu.memory_space<hbm>>
          tpu.wait_dma2 semaphore(%run_scoped3A : memref<!tpu.dma_semaphore, #tpu.memory_space<semaphore_mem>>) src(%dma_wait3A_120 : memref<200xi32, #tpu.memory_space<hbm>>) dst(%arg17 : memref<200xi32, #tpu.memory_space<vmem>>)
          tpu.yield
        }) : () -> ()
        %dma_start3A_105 = arith.constant 0 : i32
        %dma_start3A_106 = arith.constant 0 : i32
        %dma_start3A_107 = tpu.memref_slice %arg2[%dma_start3A_105, %dma_start3A_106] : memref<10000x128xf32, #tpu.memory_space<hbm>> -> memref<10000x128xf32, #tpu.memory_space<hbm>>
        tpu.enqueue_indirect_dma source(%dma_start3A_107 : memref<10000x128xf32, #tpu.memory_space<hbm>>) target(%arg18 : memref<200x128xf32, #tpu.memory_space<vmem>>) offsets(%arg16 : memref<200xi32, #tpu.memory_space<vmem>>) semaphore(%arg24 : memref<!tpu.dma_semaphore, #tpu.memory_space<semaphore_mem>>)
        %dma_start3A_108 = arith.constant 0 : i32
        %dma_start3A_109 = arith.constant 0 : i32
        %dma_start3A_110 = tpu.memref_slice %arg2[%dma_start3A_108, %dma_start3A_109] : memref<10000x128xf32, #tpu.memory_space<hbm>> -> memref<10000x128xf32, #tpu.memory_space<hbm>>
        tpu.enqueue_indirect_dma source(%dma_start3A_110 : memref<10000x128xf32, #tpu.memory_space<hbm>>) target(%arg19 : memref<200x128xf32, #tpu.memory_space<vmem>>) offsets(%arg17 : memref<200xi32, #tpu.memory_space<vmem>>) semaphore(%arg24 : memref<!tpu.dma_semaphore, #tpu.memory_space<semaphore_mem>>)
        %dma_start3A_111 = arith.constant 0 : i32
        %dma_start3A_112 = arith.constant 0 : i32
        %dma_start3A_113 = tpu.memref_slice %arg3[%dma_start3A_111, %dma_start3A_112] : memref<10000x16xf32, #tpu.memory_space<hbm>> -> memref<10000x16xf32, #tpu.memory_space<hbm>>
        tpu.enqueue_indirect_dma source(%dma_start3A_113 : memref<10000x16xf32, #tpu.memory_space<hbm>>) target(%arg20 : memref<200x16xf32, #tpu.memory_space<vmem>>) offsets(%arg16 : memref<200xi32, #tpu.memory_space<vmem>>) semaphore(%arg24 : memref<!tpu.dma_semaphore, #tpu.memory_space<semaphore_mem>>)
        %dma_start3A_114 = arith.constant 0 : i32
        %dma_start3A_115 = arith.constant 0 : i32
        %dma_start3A_116 = tpu.memref_slice %arg3[%dma_start3A_114, %dma_start3A_115] : memref<10000x16xf32, #tpu.memory_space<hbm>> -> memref<10000x16xf32, #tpu.memory_space<hbm>>
        tpu.enqueue_indirect_dma source(%dma_start3A_116 : memref<10000x16xf32, #tpu.memory_space<hbm>>) target(%arg21 : memref<200x16xf32, #tpu.memory_space<vmem>>) offsets(%arg17 : memref<200xi32, #tpu.memory_space<vmem>>) semaphore(%arg24 : memref<!tpu.dma_semaphore, #tpu.memory_space<semaphore_mem>>)
      } else {
      }
      %lt3A_79 = arith.constant 25 : i32
      %lt3A_80 = arith.cmpi slt, %add3A_74, %lt3A_79 : i32
      %convert_element_type3A_81 = arith.extui %lt3A_80 : i1 to i32
      %cond3A_82 = arith.constant 0 : i32
      %cond3A_83 = arith.cmpi ne, %convert_element_type3A_81, %cond3A_82 : i32
      scf.if %cond3A_83 {
        %mul3A_98 = arith.constant 5000 : i32
        %mul3A_99 = arith.muli %add3A, %mul3A_98 : i32
        %mul3A_100 = arith.constant 200 : i32
        %mul3A_101 = arith.muli %add3A_74, %mul3A_100 : i32
        %add3A_102 = arith.addi %mul3A_99, %mul3A_101 : i32
        %dma_wait3A_103 = arith.constant 0 : i32
        %dma_wait3A_104 = arith.constant 0 : i32
        %dma_wait3A_105 = tpu.memref_slice %arg2[%dma_wait3A_103, %dma_wait3A_104] : memref<10000x128xf32, #tpu.memory_space<hbm>> -> memref<10000x128xf32, #tpu.memory_space<hbm>>
        tpu.wait_indirect_dma semaphore(%arg23 : memref<!tpu.dma_semaphore, #tpu.memory_space<semaphore_mem>>) src(%dma_wait3A_105 : memref<10000x128xf32, #tpu.memory_space<hbm>>) dst(%arg11 : memref<200x128xf32, #tpu.memory_space<vmem>>)
        %dma_wait3A_106 = arith.constant 0 : i32
        %dma_wait3A_107 = arith.constant 0 : i32
        %dma_wait3A_108 = tpu.memref_slice %arg2[%dma_wait3A_106, %dma_wait3A_107] : memref<10000x128xf32, #tpu.memory_space<hbm>> -> memref<10000x128xf32, #tpu.memory_space<hbm>>
        tpu.wait_indirect_dma semaphore(%arg23 : memref<!tpu.dma_semaphore, #tpu.memory_space<semaphore_mem>>) src(%dma_wait3A_108 : memref<10000x128xf32, #tpu.memory_space<hbm>>) dst(%arg12 : memref<200x128xf32, #tpu.memory_space<vmem>>)
        %dma_wait3A_109 = arith.constant 0 : i32
        %dma_wait3A_110 = arith.constant 0 : i32
        %dma_wait3A_111 = tpu.memref_slice %arg3[%dma_wait3A_109, %dma_wait3A_110] : memref<10000x16xf32, #tpu.memory_space<hbm>> -> memref<10000x16xf32, #tpu.memory_space<hbm>>
        tpu.wait_indirect_dma semaphore(%arg23 : memref<!tpu.dma_semaphore, #tpu.memory_space<semaphore_mem>>) src(%dma_wait3A_111 : memref<10000x16xf32, #tpu.memory_space<hbm>>) dst(%arg13 : memref<200x16xf32, #tpu.memory_space<vmem>>)
        %dma_wait3A_112 = arith.constant 0 : i32
        %dma_wait3A_113 = arith.constant 0 : i32
        %dma_wait3A_114 = tpu.memref_slice %arg3[%dma_wait3A_112, %dma_wait3A_113] : memref<10000x16xf32, #tpu.memory_space<hbm>> -> memref<10000x16xf32, #tpu.memory_space<hbm>>
        tpu.wait_indirect_dma semaphore(%arg23 : memref<!tpu.dma_semaphore, #tpu.memory_space<semaphore_mem>>) src(%dma_wait3A_114 : memref<10000x16xf32, #tpu.memory_space<hbm>>) dst(%arg14 : memref<200x16xf32, #tpu.memory_space<vmem>>)
        %scan3A_115 = arith.constant 0 : i32
        %scan3A_116 = arith.constant 13 : i32
        %scan3A_117 = arith.addi %scan3A_115, %scan3A_116 : i32
        %scan3A_118 = arith.constant 1 : i32
        scf.for %scan3A_132 = %scan3A_115 to %scan3A_117 step %scan3A_118  : i32 {
          %mul3A_133 = arith.constant 1 : i32
          %mul3A_134 = arith.muli %scan3A_132, %mul3A_133 : i32
          %add3A_135 = arith.constant 0 : i32
          %add3A_136 = arith.addi %add3A_135, %mul3A_134 : i32
          %mul3A_137 = arith.constant 16 : i32
          %mul3A_138 = arith.muli %add3A_136, %mul3A_137 : i32
          %min3A = arith.constant 184 : i32
          %min3A_139 = arith.minsi %mul3A_138, %min3A : i32
          %iota3A = tpu.iota {dimensions = array<i32: 0>} : vector<16xi32>
          %add3A_140 = vector.broadcast %min3A_139 : i32 to vector<16xi32>
          %add3A_141 = arith.addi %iota3A, %add3A_140 : vector<16xi32>
          %broadcast_in_dim3A_142 = arith.constant 0 : i32
          %broadcast_in_dim3A_143 = vector.broadcast %broadcast_in_dim3A_142 : i32 to vector<16xi32>
          %gather3A = tpu.vector_load_idx %arg13[%add3A_141, %broadcast_in_dim3A_143] : memref<200x16xf32, #tpu.memory_space<vmem>>[vector<16xi32>, vector<16xi32>], vector<16xf32>,
          %gather3A_144 = tpu.vector_load_idx %arg14[%add3A_141, %broadcast_in_dim3A_143] : memref<200x16xf32, #tpu.memory_space<vmem>>[vector<16xi32>, vector<16xi32>], vector<16xf32>,
          %sub3A = arith.subf %gather3A, %gather3A_144 : vector<16xf32>
          %broadcast_in_dim3A_145 = arith.constant 1 : i32
          %broadcast_in_dim3A_146 = vector.broadcast %broadcast_in_dim3A_145 : i32 to vector<16xi32>
          %gather3A_147 = tpu.vector_load_idx %arg13[%add3A_141, %broadcast_in_dim3A_146] : memref<200x16xf32, #tpu.memory_space<vmem>>[vector<16xi32>, vector<16xi32>], vector<16xf32>,
          %gather3A_148 = tpu.vector_load_idx %arg14[%add3A_141, %broadcast_in_dim3A_146] : memref<200x16xf32, #tpu.memory_space<vmem>>[vector<16xi32>, vector<16xi32>], vector<16xf32>,
          %sub3A_149 = arith.subf %gather3A_147, %gather3A_148 : vector<16xf32>
          %broadcast_in_dim3A_150 = arith.constant 2 : i32
          %broadcast_in_dim3A_151 = vector.broadcast %broadcast_in_dim3A_150 : i32 to vector<16xi32>
          %gather3A_152 = tpu.vector_load_idx %arg13[%add3A_141, %broadcast_in_dim3A_151] : memref<200x16xf32, #tpu.memory_space<vmem>>[vector<16xi32>, vector<16xi32>], vector<16xf32>,
          %gather3A_153 = tpu.vector_load_idx %arg14[%add3A_141, %broadcast_in_dim3A_151] : memref<200x16xf32, #tpu.memory_space<vmem>>[vector<16xi32>, vector<16xi32>], vector<16xf32>,
          %sub3A_154 = arith.subf %gather3A_152, %gather3A_153 : vector<16xf32>
          %mul3A_155 = arith.mulf %sub3A, %sub3A : vector<16xf32>
          %mul3A_156 = arith.mulf %sub3A_149, %sub3A_149 : vector<16xf32>
          %add3A_157 = arith.addf %mul3A_155, %mul3A_156 : vector<16xf32>
          %mul3A_158 = arith.mulf %sub3A_154, %sub3A_154 : vector<16xf32>
          %add3A_159 = arith.addf %add3A_157, %mul3A_158 : vector<16xf32>
          %swap3A = arith.constant 0 : i32
          %swap3A_160 = arith.index_cast %swap3A : i32 to index
          %swap3A_161 = arith.index_cast %min3A_139 : i32 to index
          %swap3A_162 = tpu.vector_load %arg15[%swap3A_160, %swap3A_161] {strides = array<i32>} : memref<8x200xf32, #tpu.memory_space<vmem>>, vector<16xf32>,
          tpu.vector_store %arg15[%swap3A_160, %swap3A_161], %sub3A {strides = array<i32>} : memref<8x200xf32, #tpu.memory_space<vmem>>, vector<16xf32>,
          %swap3A_163 = arith.constant 1 : i32
          %swap3A_164 = arith.index_cast %swap3A_163 : i32 to index
          %swap3A_165 = arith.index_cast %min3A_139 : i32 to index
          %swap3A_166 = tpu.vector_load %arg15[%swap3A_164, %swap3A_165] {strides = array<i32>} : memref<8x200xf32, #tpu.memory_space<vmem>>, vector<16xf32>,
          tpu.vector_store %arg15[%swap3A_164, %swap3A_165], %sub3A_149 {strides = array<i32>} : memref<8x200xf32, #tpu.memory_space<vmem>>, vector<16xf32>,
          %swap3A_167 = arith.constant 2 : i32
          %swap3A_168 = arith.index_cast %swap3A_167 : i32 to index
          %swap3A_169 = arith.index_cast %min3A_139 : i32 to index
          %swap3A_170 = tpu.vector_load %arg15[%swap3A_168, %swap3A_169] {strides = array<i32>} : memref<8x200xf32, #tpu.memory_space<vmem>>, vector<16xf32>,
          tpu.vector_store %arg15[%swap3A_168, %swap3A_169], %sub3A_154 {strides = array<i32>} : memref<8x200xf32, #tpu.memory_space<vmem>>, vector<16xf32>,
          %swap3A_171 = arith.constant 3 : i32
          %swap3A_172 = arith.index_cast %swap3A_171 : i32 to index
          %swap3A_173 = arith.index_cast %min3A_139 : i32 to index
          %swap3A_174 = tpu.vector_load %arg15[%swap3A_172, %swap3A_173] {strides = array<i32>} : memref<8x200xf32, #tpu.memory_space<vmem>>, vector<16xf32>,
          tpu.vector_store %arg15[%swap3A_172, %swap3A_173], %add3A_159 {strides = array<i32>} : memref<8x200xf32, #tpu.memory_space<vmem>>, vector<16xf32>,
        }
        %scan3A_119 = arith.constant 13 : i32
        %dma_start3A_120 = arith.constant 0 : i32
        %dma_start3A_121 = tpu.memref_slice %arg6[%add3A_102, %dma_start3A_120] : memref<160000x128xf32, #tpu.memory_space<hbm>> -> memref<200x128xf32, #tpu.memory_space<hbm>>
        %dma_start3A_122 = arith.constant 0 : i32
        %dma_start3A_123 = tpu.memref_slice %arg6[%add3A_102, %dma_start3A_122] : memref<160000x128xf32, #tpu.memory_space<hbm>> -> memref<200x128xf32, #tpu.memory_space<hbm>>
        tpu.enqueue_dma source(%arg11 : memref<200x128xf32, #tpu.memory_space<vmem>>) target(%dma_start3A_123 : memref<200x128xf32, #tpu.memory_space<hbm>>) target_semaphore(%arg25 : memref<!tpu.dma_semaphore, #tpu.memory_space<semaphore_mem>>)
        %dma_start3A_124 = arith.constant 0 : i32
        %dma_start3A_125 = tpu.memref_slice %arg7[%add3A_102, %dma_start3A_124] : memref<160000x128xf32, #tpu.memory_space<hbm>> -> memref<200x128xf32, #tpu.memory_space<hbm>>
        %dma_start3A_126 = arith.constant 0 : i32
        %dma_start3A_127 = tpu.memref_slice %arg7[%add3A_102, %dma_start3A_126] : memref<160000x128xf32, #tpu.memory_space<hbm>> -> memref<200x128xf32, #tpu.memory_space<hbm>>
        tpu.enqueue_dma source(%arg12 : memref<200x128xf32, #tpu.memory_space<vmem>>) target(%dma_start3A_127 : memref<200x128xf32, #tpu.memory_space<hbm>>) target_semaphore(%arg25 : memref<!tpu.dma_semaphore, #tpu.memory_space<semaphore_mem>>)
        %dma_start3A_128 = arith.constant 0 : i32
        %dma_start3A_129 = tpu.memref_slice %arg8[%dma_start3A_128, %add3A_102] : memref<8x160000xf32, #tpu.memory_space<hbm>> -> memref<8x200xf32, #tpu.memory_space<hbm>>
        %dma_start3A_130 = arith.constant 0 : i32
        %dma_start3A_131 = tpu.memref_slice %arg8[%dma_start3A_130, %add3A_102] : memref<8x160000xf32, #tpu.memory_space<hbm>> -> memref<8x200xf32, #tpu.memory_space<hbm>>
        tpu.enqueue_dma source(%arg15 : memref<8x200xf32, #tpu.memory_space<vmem>>) target(%dma_start3A_131 : memref<8x200xf32, #tpu.memory_space<hbm>>) target_semaphore(%arg25 : memref<!tpu.dma_semaphore, #tpu.memory_space<semaphore_mem>>)
      } else {
      }
      %add3A_84 = arith.constant 1 : i32
      %add3A_85 = arith.addi %add3A_72, %add3A_84 : i32
      %add3A_86 = arith.constant 1 : i32
      %add3A_87 = arith.addi %add3A_85, %add3A_86 : i32
      %lt3A_88 = arith.constant 25 : i32
      %lt3A_89 = arith.cmpi slt, %add3A_87, %lt3A_88 : i32
      %convert_element_type3A_90 = arith.extui %lt3A_89 : i1 to i32
      %cond3A_91 = arith.constant 0 : i32
      %cond3A_92 = arith.cmpi ne, %convert_element_type3A_90, %cond3A_91 : i32
      scf.if %cond3A_92 {
        %ge3A = arith.constant 2 : i32
        %ge3A_98 = arith.cmpi sge, %add3A_87, %ge3A : i32
        %convert_element_type3A_99 = arith.extui %ge3A_98 : i1 to i32
        %cond3A_100 = arith.constant 0 : i32
        %cond3A_101 = arith.cmpi ne, %convert_element_type3A_99, %cond3A_100 : i32
        scf.if %cond3A_101 {
          %dma_wait3A_117 = arith.constant 0 : i32
          %dma_wait3A_118 = arith.constant 0 : i32
          %dma_wait3A_119 = tpu.memref_slice %arg6[%dma_wait3A_117, %dma_wait3A_118] : memref<160000x128xf32, #tpu.memory_space<hbm>> -> memref<200x128xf32, #tpu.memory_space<hbm>>
          %dma_wait3A_120 = arith.constant 0 : i32
          %dma_wait3A_121 = arith.constant 0 : i32
          %dma_wait3A_122 = tpu.memref_slice %arg6[%dma_wait3A_120, %dma_wait3A_121] : memref<160000x128xf32, #tpu.memory_space<hbm>> -> memref<200x128xf32, #tpu.memory_space<hbm>>
          tpu.wait_dma2 semaphore(%arg25 : memref<!tpu.dma_semaphore, #tpu.memory_space<semaphore_mem>>) src(%arg11 : memref<200x128xf32, #tpu.memory_space<vmem>>) dst(%dma_wait3A_122 : memref<200x128xf32, #tpu.memory_space<hbm>>)
          %dma_wait3A_123 = arith.constant 0 : i32
          %dma_wait3A_124 = arith.constant 0 : i32
          %dma_wait3A_125 = tpu.memref_slice %arg7[%dma_wait3A_123, %dma_wait3A_124] : memref<160000x128xf32, #tpu.memory_space<hbm>> -> memref<200x128xf32, #tpu.memory_space<hbm>>
          %dma_wait3A_126 = arith.constant 0 : i32
          %dma_wait3A_127 = arith.constant 0 : i32
          %dma_wait3A_128 = tpu.memref_slice %arg7[%dma_wait3A_126, %dma_wait3A_127] : memref<160000x128xf32, #tpu.memory_space<hbm>> -> memref<200x128xf32, #tpu.memory_space<hbm>>
          tpu.wait_dma2 semaphore(%arg25 : memref<!tpu.dma_semaphore, #tpu.memory_space<semaphore_mem>>) src(%arg12 : memref<200x128xf32, #tpu.memory_space<vmem>>) dst(%dma_wait3A_128 : memref<200x128xf32, #tpu.memory_space<hbm>>)
          %dma_wait3A_129 = arith.constant 0 : i32
          %dma_wait3A_130 = arith.constant 0 : i32
          %dma_wait3A_131 = tpu.memref_slice %arg8[%dma_wait3A_129, %dma_wait3A_130] : memref<8x160000xf32, #tpu.memory_space<hbm>> -> memref<8x200xf32, #tpu.memory_space<hbm>>
          %dma_wait3A_132 = arith.constant 0 : i32
          %dma_wait3A_133 = arith.constant 0 : i32
          %dma_wait3A_134 = tpu.memref_slice %arg8[%dma_wait3A_132, %dma_wait3A_133] : memref<8x160000xf32, #tpu.memory_space<hbm>> -> memref<8x200xf32, #tpu.memory_space<hbm>>
          tpu.wait_dma2 semaphore(%arg25 : memref<!tpu.dma_semaphore, #tpu.memory_space<semaphore_mem>>) src(%arg15 : memref<8x200xf32, #tpu.memory_space<vmem>>) dst(%dma_wait3A_134 : memref<8x200xf32, #tpu.memory_space<hbm>>)
        } else {
        }
        %mul3A_102 = arith.constant 200 : i32
        %mul3A_103 = arith.muli %add3A_87, %mul3A_102 : i32
        %add3A_104 = arith.addi %add3A_4, %mul3A_103 : i32
        "tpu.region"() ({
          %run_scoped3A = tpu.sem_alloc : memref<!tpu.dma_semaphore, #tpu.memory_space<semaphore_mem>>
          %dma_start3A_117 = tpu.memref_slice %arg4[%add3A_104] : memref<320000xi32, #tpu.memory_space<hbm>> -> memref<200xi32, #tpu.memory_space<hbm>>
          %dma_start3A_118 = tpu.memref_slice %arg4[%add3A_104] : memref<320000xi32, #tpu.memory_space<hbm>> -> memref<200xi32, #tpu.memory_space<hbm>>
          tpu.enqueue_dma source(%dma_start3A_118 : memref<200xi32, #tpu.memory_space<hbm>>) target(%arg9 : memref<200xi32, #tpu.memory_space<vmem>>) target_semaphore(%run_scoped3A : memref<!tpu.dma_semaphore, #tpu.memory_space<semaphore_mem>>)
          %dma_wait3A_119 = tpu.memref_slice %arg4[%add3A_104] : memref<320000xi32, #tpu.memory_space<hbm>> -> memref<200xi32, #tpu.memory_space<hbm>>
          %dma_wait3A_120 = tpu.memref_slice %arg4[%add3A_104] : memref<320000xi32, #tpu.memory_space<hbm>> -> memref<200xi32, #tpu.memory_space<hbm>>
          tpu.wait_dma2 semaphore(%run_scoped3A : memref<!tpu.dma_semaphore, #tpu.memory_space<semaphore_mem>>) src(%dma_wait3A_120 : memref<200xi32, #tpu.memory_space<hbm>>) dst(%arg9 : memref<200xi32, #tpu.memory_space<vmem>>)
          tpu.yield
        }) : () -> ()
        "tpu.region"() ({
          %run_scoped3A = tpu.sem_alloc : memref<!tpu.dma_semaphore, #tpu.memory_space<semaphore_mem>>
          %dma_start3A_117 = tpu.memref_slice %arg5[%add3A_104] : memref<320000xi32, #tpu.memory_space<hbm>> -> memref<200xi32, #tpu.memory_space<hbm>>
          %dma_start3A_118 = tpu.memref_slice %arg5[%add3A_104] : memref<320000xi32, #tpu.memory_space<hbm>> -> memref<200xi32, #tpu.memory_space<hbm>>
          tpu.enqueue_dma source(%dma_start3A_118 : memref<200xi32, #tpu.memory_space<hbm>>) target(%arg10 : memref<200xi32, #tpu.memory_space<vmem>>) target_semaphore(%run_scoped3A : memref<!tpu.dma_semaphore, #tpu.memory_space<semaphore_mem>>)
          %dma_wait3A_119 = tpu.memref_slice %arg5[%add3A_104] : memref<320000xi32, #tpu.memory_space<hbm>> -> memref<200xi32, #tpu.memory_space<hbm>>
          %dma_wait3A_120 = tpu.memref_slice %arg5[%add3A_104] : memref<320000xi32, #tpu.memory_space<hbm>> -> memref<200xi32, #tpu.memory_space<hbm>>
          tpu.wait_dma2 semaphore(%run_scoped3A : memref<!tpu.dma_semaphore, #tpu.memory_space<semaphore_mem>>) src(%dma_wait3A_120 : memref<200xi32, #tpu.memory_space<hbm>>) dst(%arg10 : memref<200xi32, #tpu.memory_space<vmem>>)
          tpu.yield
        }) : () -> ()
        %dma_start3A_105 = arith.constant 0 : i32
        %dma_start3A_106 = arith.constant 0 : i32
        %dma_start3A_107 = tpu.memref_slice %arg2[%dma_start3A_105, %dma_start3A_106] : memref<10000x128xf32, #tpu.memory_space<hbm>> -> memref<10000x128xf32, #tpu.memory_space<hbm>>
        tpu.enqueue_indirect_dma source(%dma_start3A_107 : memref<10000x128xf32, #tpu.memory_space<hbm>>) target(%arg11 : memref<200x128xf32, #tpu.memory_space<vmem>>) offsets(%arg9 : memref<200xi32, #tpu.memory_space<vmem>>) semaphore(%arg23 : memref<!tpu.dma_semaphore, #tpu.memory_space<semaphore_mem>>)
        %dma_start3A_108 = arith.constant 0 : i32
        %dma_start3A_109 = arith.constant 0 : i32
        %dma_start3A_110 = tpu.memref_slice %arg2[%dma_start3A_108, %dma_start3A_109] : memref<10000x128xf32, #tpu.memory_space<hbm>> -> memref<10000x128xf32, #tpu.memory_space<hbm>>
        tpu.enqueue_indirect_dma source(%dma_start3A_110 : memref<10000x128xf32, #tpu.memory_space<hbm>>) target(%arg12 : memref<200x128xf32, #tpu.memory_space<vmem>>) offsets(%arg10 : memref<200xi32, #tpu.memory_space<vmem>>) semaphore(%arg23 : memref<!tpu.dma_semaphore, #tpu.memory_space<semaphore_mem>>)
        %dma_start3A_111 = arith.constant 0 : i32
        %dma_start3A_112 = arith.constant 0 : i32
        %dma_start3A_113 = tpu.memref_slice %arg3[%dma_start3A_111, %dma_start3A_112] : memref<10000x16xf32, #tpu.memory_space<hbm>> -> memref<10000x16xf32, #tpu.memory_space<hbm>>
        tpu.enqueue_indirect_dma source(%dma_start3A_113 : memref<10000x16xf32, #tpu.memory_space<hbm>>) target(%arg13 : memref<200x16xf32, #tpu.memory_space<vmem>>) offsets(%arg9 : memref<200xi32, #tpu.memory_space<vmem>>) semaphore(%arg23 : memref<!tpu.dma_semaphore, #tpu.memory_space<semaphore_mem>>)
        %dma_start3A_114 = arith.constant 0 : i32
        %dma_start3A_115 = arith.constant 0 : i32
        %dma_start3A_116 = tpu.memref_slice %arg3[%dma_start3A_114, %dma_start3A_115] : memref<10000x16xf32, #tpu.memory_space<hbm>> -> memref<10000x16xf32, #tpu.memory_space<hbm>>
        tpu.enqueue_indirect_dma source(%dma_start3A_116 : memref<10000x16xf32, #tpu.memory_space<hbm>>) target(%arg14 : memref<200x16xf32, #tpu.memory_space<vmem>>) offsets(%arg10 : memref<200xi32, #tpu.memory_space<vmem>>) semaphore(%arg23 : memref<!tpu.dma_semaphore, #tpu.memory_space<semaphore_mem>>)
      } else {
      }
      %lt3A_93 = arith.constant 25 : i32
      %lt3A_94 = arith.cmpi slt, %add3A_85, %lt3A_93 : i32
      %convert_element_type3A_95 = arith.extui %lt3A_94 : i1 to i32
      %cond3A_96 = arith.constant 0 : i32
      %cond3A_97 = arith.cmpi ne, %convert_element_type3A_95, %cond3A_96 : i32
      scf.if %cond3A_97 {
        %mul3A_98 = arith.constant 5000 : i32
        %mul3A_99 = arith.muli %add3A, %mul3A_98 : i32
        %mul3A_100 = arith.constant 200 : i32
        %mul3A_101 = arith.muli %add3A_85, %mul3A_100 : i32
        %add3A_102 = arith.addi %mul3A_99, %mul3A_101 : i32
        %dma_wait3A_103 = arith.constant 0 : i32
        %dma_wait3A_104 = arith.constant 0 : i32
        %dma_wait3A_105 = tpu.memref_slice %arg2[%dma_wait3A_103, %dma_wait3A_104] : memref<10000x128xf32, #tpu.memory_space<hbm>> -> memref<10000x128xf32, #tpu.memory_space<hbm>>
        tpu.wait_indirect_dma semaphore(%arg24 : memref<!tpu.dma_semaphore, #tpu.memory_space<semaphore_mem>>) src(%dma_wait3A_105 : memref<10000x128xf32, #tpu.memory_space<hbm>>) dst(%arg18 : memref<200x128xf32, #tpu.memory_space<vmem>>)
        %dma_wait3A_106 = arith.constant 0 : i32
        %dma_wait3A_107 = arith.constant 0 : i32
        %dma_wait3A_108 = tpu.memref_slice %arg2[%dma_wait3A_106, %dma_wait3A_107] : memref<10000x128xf32, #tpu.memory_space<hbm>> -> memref<10000x128xf32, #tpu.memory_space<hbm>>
        tpu.wait_indirect_dma semaphore(%arg24 : memref<!tpu.dma_semaphore, #tpu.memory_space<semaphore_mem>>) src(%dma_wait3A_108 : memref<10000x128xf32, #tpu.memory_space<hbm>>) dst(%arg19 : memref<200x128xf32, #tpu.memory_space<vmem>>)
        %dma_wait3A_109 = arith.constant 0 : i32
        %dma_wait3A_110 = arith.constant 0 : i32
        %dma_wait3A_111 = tpu.memref_slice %arg3[%dma_wait3A_109, %dma_wait3A_110] : memref<10000x16xf32, #tpu.memory_space<hbm>> -> memref<10000x16xf32, #tpu.memory_space<hbm>>
        tpu.wait_indirect_dma semaphore(%arg24 : memref<!tpu.dma_semaphore, #tpu.memory_space<semaphore_mem>>) src(%dma_wait3A_111 : memref<10000x16xf32, #tpu.memory_space<hbm>>) dst(%arg20 : memref<200x16xf32, #tpu.memory_space<vmem>>)
        %dma_wait3A_112 = arith.constant 0 : i32
        %dma_wait3A_113 = arith.constant 0 : i32
        %dma_wait3A_114 = tpu.memref_slice %arg3[%dma_wait3A_112, %dma_wait3A_113] : memref<10000x16xf32, #tpu.memory_space<hbm>> -> memref<10000x16xf32, #tpu.memory_space<hbm>>
        tpu.wait_indirect_dma semaphore(%arg24 : memref<!tpu.dma_semaphore, #tpu.memory_space<semaphore_mem>>) src(%dma_wait3A_114 : memref<10000x16xf32, #tpu.memory_space<hbm>>) dst(%arg21 : memref<200x16xf32, #tpu.memory_space<vmem>>)
        %scan3A_115 = arith.constant 0 : i32
        %scan3A_116 = arith.constant 13 : i32
        %scan3A_117 = arith.addi %scan3A_115, %scan3A_116 : i32
        %scan3A_118 = arith.constant 1 : i32
        scf.for %scan3A_132 = %scan3A_115 to %scan3A_117 step %scan3A_118  : i32 {
          %mul3A_133 = arith.constant 1 : i32
          %mul3A_134 = arith.muli %scan3A_132, %mul3A_133 : i32
          %add3A_135 = arith.constant 0 : i32
          %add3A_136 = arith.addi %add3A_135, %mul3A_134 : i32
          %mul3A_137 = arith.constant 16 : i32
          %mul3A_138 = arith.muli %add3A_136, %mul3A_137 : i32
          %min3A = arith.constant 184 : i32
          %min3A_139 = arith.minsi %mul3A_138, %min3A : i32
          %iota3A = tpu.iota {dimensions = array<i32: 0>} : vector<16xi32>
          %add3A_140 = vector.broadcast %min3A_139 : i32 to vector<16xi32>
          %add3A_141 = arith.addi %iota3A, %add3A_140 : vector<16xi32>
          %broadcast_in_dim3A_142 = arith.constant 0 : i32
          %broadcast_in_dim3A_143 = vector.broadcast %broadcast_in_dim3A_142 : i32 to vector<16xi32>
          %gather3A = tpu.vector_load_idx %arg20[%add3A_141, %broadcast_in_dim3A_143] : memref<200x16xf32, #tpu.memory_space<vmem>>[vector<16xi32>, vector<16xi32>], vector<16xf32>,
          %gather3A_144 = tpu.vector_load_idx %arg21[%add3A_141, %broadcast_in_dim3A_143] : memref<200x16xf32, #tpu.memory_space<vmem>>[vector<16xi32>, vector<16xi32>], vector<16xf32>,
          %sub3A = arith.subf %gather3A, %gather3A_144 : vector<16xf32>
          %broadcast_in_dim3A_145 = arith.constant 1 : i32
          %broadcast_in_dim3A_146 = vector.broadcast %broadcast_in_dim3A_145 : i32 to vector<16xi32>
          %gather3A_147 = tpu.vector_load_idx %arg20[%add3A_141, %broadcast_in_dim3A_146] : memref<200x16xf32, #tpu.memory_space<vmem>>[vector<16xi32>, vector<16xi32>], vector<16xf32>,
          %gather3A_148 = tpu.vector_load_idx %arg21[%add3A_141, %broadcast_in_dim3A_146] : memref<200x16xf32, #tpu.memory_space<vmem>>[vector<16xi32>, vector<16xi32>], vector<16xf32>,
          %sub3A_149 = arith.subf %gather3A_147, %gather3A_148 : vector<16xf32>
          %broadcast_in_dim3A_150 = arith.constant 2 : i32
          %broadcast_in_dim3A_151 = vector.broadcast %broadcast_in_dim3A_150 : i32 to vector<16xi32>
          %gather3A_152 = tpu.vector_load_idx %arg20[%add3A_141, %broadcast_in_dim3A_151] : memref<200x16xf32, #tpu.memory_space<vmem>>[vector<16xi32>, vector<16xi32>], vector<16xf32>,
          %gather3A_153 = tpu.vector_load_idx %arg21[%add3A_141, %broadcast_in_dim3A_151] : memref<200x16xf32, #tpu.memory_space<vmem>>[vector<16xi32>, vector<16xi32>], vector<16xf32>,
          %sub3A_154 = arith.subf %gather3A_152, %gather3A_153 : vector<16xf32>
          %mul3A_155 = arith.mulf %sub3A, %sub3A : vector<16xf32>
          %mul3A_156 = arith.mulf %sub3A_149, %sub3A_149 : vector<16xf32>
          %add3A_157 = arith.addf %mul3A_155, %mul3A_156 : vector<16xf32>
          %mul3A_158 = arith.mulf %sub3A_154, %sub3A_154 : vector<16xf32>
          %add3A_159 = arith.addf %add3A_157, %mul3A_158 : vector<16xf32>
          %swap3A = arith.constant 0 : i32
          %swap3A_160 = arith.index_cast %swap3A : i32 to index
          %swap3A_161 = arith.index_cast %min3A_139 : i32 to index
          %swap3A_162 = tpu.vector_load %arg22[%swap3A_160, %swap3A_161] {strides = array<i32>} : memref<8x200xf32, #tpu.memory_space<vmem>>, vector<16xf32>,
          tpu.vector_store %arg22[%swap3A_160, %swap3A_161], %sub3A {strides = array<i32>} : memref<8x200xf32, #tpu.memory_space<vmem>>, vector<16xf32>,
          %swap3A_163 = arith.constant 1 : i32
          %swap3A_164 = arith.index_cast %swap3A_163 : i32 to index
          %swap3A_165 = arith.index_cast %min3A_139 : i32 to index
          %swap3A_166 = tpu.vector_load %arg22[%swap3A_164, %swap3A_165] {strides = array<i32>} : memref<8x200xf32, #tpu.memory_space<vmem>>, vector<16xf32>,
          tpu.vector_store %arg22[%swap3A_164, %swap3A_165], %sub3A_149 {strides = array<i32>} : memref<8x200xf32, #tpu.memory_space<vmem>>, vector<16xf32>,
          %swap3A_167 = arith.constant 2 : i32
          %swap3A_168 = arith.index_cast %swap3A_167 : i32 to index
          %swap3A_169 = arith.index_cast %min3A_139 : i32 to index
          %swap3A_170 = tpu.vector_load %arg22[%swap3A_168, %swap3A_169] {strides = array<i32>} : memref<8x200xf32, #tpu.memory_space<vmem>>, vector<16xf32>,
          tpu.vector_store %arg22[%swap3A_168, %swap3A_169], %sub3A_154 {strides = array<i32>} : memref<8x200xf32, #tpu.memory_space<vmem>>, vector<16xf32>,
          %swap3A_171 = arith.constant 3 : i32
          %swap3A_172 = arith.index_cast %swap3A_171 : i32 to index
          %swap3A_173 = arith.index_cast %min3A_139 : i32 to index
          %swap3A_174 = tpu.vector_load %arg22[%swap3A_172, %swap3A_173] {strides = array<i32>} : memref<8x200xf32, #tpu.memory_space<vmem>>, vector<16xf32>,
          tpu.vector_store %arg22[%swap3A_172, %swap3A_173], %add3A_159 {strides = array<i32>} : memref<8x200xf32, #tpu.memory_space<vmem>>, vector<16xf32>,
        }
        %scan3A_119 = arith.constant 13 : i32
        %dma_start3A_120 = arith.constant 0 : i32
        %dma_start3A_121 = tpu.memref_slice %arg6[%add3A_102, %dma_start3A_120] : memref<160000x128xf32, #tpu.memory_space<hbm>> -> memref<200x128xf32, #tpu.memory_space<hbm>>
        %dma_start3A_122 = arith.constant 0 : i32
        %dma_start3A_123 = tpu.memref_slice %arg6[%add3A_102, %dma_start3A_122] : memref<160000x128xf32, #tpu.memory_space<hbm>> -> memref<200x128xf32, #tpu.memory_space<hbm>>
        tpu.enqueue_dma source(%arg18 : memref<200x128xf32, #tpu.memory_space<vmem>>) target(%dma_start3A_123 : memref<200x128xf32, #tpu.memory_space<hbm>>) target_semaphore(%arg26 : memref<!tpu.dma_semaphore, #tpu.memory_space<semaphore_mem>>)
        %dma_start3A_124 = arith.constant 0 : i32
        %dma_start3A_125 = tpu.memref_slice %arg7[%add3A_102, %dma_start3A_124] : memref<160000x128xf32, #tpu.memory_space<hbm>> -> memref<200x128xf32, #tpu.memory_space<hbm>>
        %dma_start3A_126 = arith.constant 0 : i32
        %dma_start3A_127 = tpu.memref_slice %arg7[%add3A_102, %dma_start3A_126] : memref<160000x128xf32, #tpu.memory_space<hbm>> -> memref<200x128xf32, #tpu.memory_space<hbm>>
        tpu.enqueue_dma source(%arg19 : memref<200x128xf32, #tpu.memory_space<vmem>>) target(%dma_start3A_127 : memref<200x128xf32, #tpu.memory_space<hbm>>) target_semaphore(%arg26 : memref<!tpu.dma_semaphore, #tpu.memory_space<semaphore_mem>>)
        %dma_start3A_128 = arith.constant 0 : i32
        %dma_start3A_129 = tpu.memref_slice %arg8[%dma_start3A_128, %add3A_102] : memref<8x160000xf32, #tpu.memory_space<hbm>> -> memref<8x200xf32, #tpu.memory_space<hbm>>
        %dma_start3A_130 = arith.constant 0 : i32
        %dma_start3A_131 = tpu.memref_slice %arg8[%dma_start3A_130, %add3A_102] : memref<8x160000xf32, #tpu.memory_space<hbm>> -> memref<8x200xf32, #tpu.memory_space<hbm>>
        tpu.enqueue_dma source(%arg22 : memref<8x200xf32, #tpu.memory_space<vmem>>) target(%dma_start3A_131 : memref<8x200xf32, #tpu.memory_space<hbm>>) target_semaphore(%arg26 : memref<!tpu.dma_semaphore, #tpu.memory_space<semaphore_mem>>)
      } else {
      }
    }
    %scan3A_32 = arith.constant 13 : i32
    %dma_wait3A = arith.constant 0 : i32
    %dma_wait3A_33 = arith.constant 0 : i32
    %dma_wait3A_34 = tpu.memref_slice %arg6[%dma_wait3A, %dma_wait3A_33] : memref<160000x128xf32, #tpu.memory_space<hbm>> -> memref<200x128xf32, #tpu.memory_space<hbm>>
    %dma_wait3A_35 = arith.constant 0 : i32
    %dma_wait3A_36 = arith.constant 0 : i32
    %dma_wait3A_37 = tpu.memref_slice %arg6[%dma_wait3A_35, %dma_wait3A_36] : memref<160000x128xf32, #tpu.memory_space<hbm>> -> memref<200x128xf32, #tpu.memory_space<hbm>>
    tpu.wait_dma2 semaphore(%arg25 : memref<!tpu.dma_semaphore, #tpu.memory_space<semaphore_mem>>) src(%arg11 : memref<200x128xf32, #tpu.memory_space<vmem>>) dst(%dma_wait3A_37 : memref<200x128xf32, #tpu.memory_space<hbm>>)
    %dma_wait3A_38 = arith.constant 0 : i32
    %dma_wait3A_39 = arith.constant 0 : i32
    %dma_wait3A_40 = tpu.memref_slice %arg7[%dma_wait3A_38, %dma_wait3A_39] : memref<160000x128xf32, #tpu.memory_space<hbm>> -> memref<200x128xf32, #tpu.memory_space<hbm>>
    %dma_wait3A_41 = arith.constant 0 : i32
    %dma_wait3A_42 = arith.constant 0 : i32
    %dma_wait3A_43 = tpu.memref_slice %arg7[%dma_wait3A_41, %dma_wait3A_42] : memref<160000x128xf32, #tpu.memory_space<hbm>> -> memref<200x128xf32, #tpu.memory_space<hbm>>
    tpu.wait_dma2 semaphore(%arg25 : memref<!tpu.dma_semaphore, #tpu.memory_space<semaphore_mem>>) src(%arg12 : memref<200x128xf32, #tpu.memory_space<vmem>>) dst(%dma_wait3A_43 : memref<200x128xf32, #tpu.memory_space<hbm>>)
    %dma_wait3A_44 = arith.constant 0 : i32
    %dma_wait3A_45 = arith.constant 0 : i32
    %dma_wait3A_46 = tpu.memref_slice %arg8[%dma_wait3A_44, %dma_wait3A_45] : memref<8x160000xf32, #tpu.memory_space<hbm>> -> memref<8x200xf32, #tpu.memory_space<hbm>>
    %dma_wait3A_47 = arith.constant 0 : i32
    %dma_wait3A_48 = arith.constant 0 : i32
    %dma_wait3A_49 = tpu.memref_slice %arg8[%dma_wait3A_47, %dma_wait3A_48] : memref<8x160000xf32, #tpu.memory_space<hbm>> -> memref<8x200xf32, #tpu.memory_space<hbm>>
    tpu.wait_dma2 semaphore(%arg25 : memref<!tpu.dma_semaphore, #tpu.memory_space<semaphore_mem>>) src(%arg15 : memref<8x200xf32, #tpu.memory_space<vmem>>) dst(%dma_wait3A_49 : memref<8x200xf32, #tpu.memory_space<hbm>>)
    %dma_wait3A_50 = arith.constant 0 : i32
    %dma_wait3A_51 = arith.constant 0 : i32
    %dma_wait3A_52 = tpu.memref_slice %arg6[%dma_wait3A_50, %dma_wait3A_51] : memref<160000x128xf32, #tpu.memory_space<hbm>> -> memref<200x128xf32, #tpu.memory_space<hbm>>
    %dma_wait3A_53 = arith.constant 0 : i32
    %dma_wait3A_54 = arith.constant 0 : i32
    %dma_wait3A_55 = tpu.memref_slice %arg6[%dma_wait3A_53, %dma_wait3A_54] : memref<160000x128xf32, #tpu.memory_space<hbm>> -> memref<200x128xf32, #tpu.memory_space<hbm>>
    tpu.wait_dma2 semaphore(%arg26 : memref<!tpu.dma_semaphore, #tpu.memory_space<semaphore_mem>>) src(%arg18 : memref<200x128xf32, #tpu.memory_space<vmem>>) dst(%dma_wait3A_55 : memref<200x128xf32, #tpu.memory_space<hbm>>)
    %dma_wait3A_56 = arith.constant 0 : i32
    %dma_wait3A_57 = arith.constant 0 : i32
    %dma_wait3A_58 = tpu.memref_slice %arg7[%dma_wait3A_56, %dma_wait3A_57] : memref<160000x128xf32, #tpu.memory_space<hbm>> -> memref<200x128xf32, #tpu.memory_space<hbm>>
    %dma_wait3A_59 = arith.constant 0 : i32
    %dma_wait3A_60 = arith.constant 0 : i32
    %dma_wait3A_61 = tpu.memref_slice %arg7[%dma_wait3A_59, %dma_wait3A_60] : memref<160000x128xf32, #tpu.memory_space<hbm>> -> memref<200x128xf32, #tpu.memory_space<hbm>>
    tpu.wait_dma2 semaphore(%arg26 : memref<!tpu.dma_semaphore, #tpu.memory_space<semaphore_mem>>) src(%arg19 : memref<200x128xf32, #tpu.memory_space<vmem>>) dst(%dma_wait3A_61 : memref<200x128xf32, #tpu.memory_space<hbm>>)
    %dma_wait3A_62 = arith.constant 0 : i32
    %dma_wait3A_63 = arith.constant 0 : i32
    %dma_wait3A_64 = tpu.memref_slice %arg8[%dma_wait3A_62, %dma_wait3A_63] : memref<8x160000xf32, #tpu.memory_space<hbm>> -> memref<8x200xf32, #tpu.memory_space<hbm>>
    %dma_wait3A_65 = arith.constant 0 : i32
    %dma_wait3A_66 = arith.constant 0 : i32
    %dma_wait3A_67 = tpu.memref_slice %arg8[%dma_wait3A_65, %dma_wait3A_66] : memref<8x160000xf32, #tpu.memory_space<hbm>> -> memref<8x200xf32, #tpu.memory_space<hbm>>
    tpu.wait_dma2 semaphore(%arg26 : memref<!tpu.dma_semaphore, #tpu.memory_space<semaphore_mem>>) src(%arg22 : memref<8x200xf32, #tpu.memory_space<vmem>>) dst(%dma_wait3A_67 : memref<8x200xf32, #tpu.memory_space<hbm>>)
    return
  }
}

#map = affine_map<(d0, d1) -> (0, 0)>
#map1 = affine_map<(d0, d1) -> (0)>
module attributes {stable_mosaic.version = 14 : i64} {
  func.func @k(%arg0: i32, %arg1: i32, %arg2: memref<10000x128xf32, #tpu.memory_space<hbm>>, %arg3: memref<10000x16xf32, #tpu.memory_space<hbm>>, %arg4: memref<320000xi32, #tpu.memory_space<hbm>>, %arg5: memref<320000xi32, #tpu.memory_space<hbm>>, %arg6: memref<160000x128xf32, #tpu.memory_space<hbm>>, %arg7: memref<160000x128xf32, #tpu.memory_space<hbm>>, %arg8: memref<8x160000xf32, #tpu.memory_space<hbm>>, %arg9: memref<200xi32, #tpu.memory_space<vmem>>, %arg10: memref<200xi32, #tpu.memory_space<vmem>>, %arg11: memref<200x128xf32, #tpu.memory_space<vmem>>, %arg12: memref<200x128xf32, #tpu.memory_space<vmem>>, %arg13: memref<200x16xf32, #tpu.memory_space<vmem>>, %arg14: memref<200x16xf32, #tpu.memory_space<vmem>>, %arg15: memref<8x200xf32, #tpu.memory_space<vmem>>, %arg16: memref<200xi32, #tpu.memory_space<vmem>>, %arg17: memref<200xi32, #tpu.memory_space<vmem>>, %arg18: memref<200x128xf32, #tpu.memory_space<vmem>>, %arg19: memref<200x128xf32, #tpu.memory_space<vmem>>, %arg20: memref<200x16xf32, #tpu.memory_space<vmem>>, %arg21: memref<200x16xf32, #tpu.memory_space<vmem>>, %arg22: memref<8x200xf32, #tpu.memory_space<vmem>>, %arg23: memref<!tpu.dma_semaphore, #tpu.memory_space<semaphore_mem>>, %arg24: memref<!tpu.dma_semaphore, #tpu.memory_space<semaphore_mem>>, %arg25: memref<!tpu.dma_semaphore, #tpu.memory_space<semaphore_mem>>, %arg26: memref<!tpu.dma_semaphore, #tpu.memory_space<semaphore_mem>>) attributes {dimension_semantics = [#tpu.dimension_semantics<core_parallel>, #tpu.dimension_semantics<subcore_parallel>], iteration_bounds = array<i64: 2, 16>, scalar_prefetch = 0 : i64, scratch_operands = 18 : i64, tpu.core_type = #tpu.core_type<sc_vector_subcore>, window_params = [{transform_indices = #map}, {transform_indices = #map}, {transform_indices = #map1}, {transform_indices = #map1}, {transform_indices = #map}, {transform_indices = #map}, {transform_indices = #map}]} {
    %mul3A = arith.constant 2 : i32
    %mul3A_0 = arith.muli %arg1, %mul3A : i32
    %add3A = arith.addi %mul3A_0, %arg0 : i32
    %mul3A_1 = arith.constant 5000 : i32
    %mul3A_2 = arith.muli %add3A, %mul3A_1 : i32
    %add3A_3 = arith.constant 160000 : i32
    %add3A_4 = arith.addi %add3A_3, %mul3A_2 : i32
    %broadcast_in_dim3A = arith.constant 0.000000e+00 : f32
    %broadcast_in_dim3A_5 = vector.broadcast %broadcast_in_dim3A : f32 to vector<16xf32>
    %scan3A = arith.constant 0 : i32
    %scan3A_6 = arith.constant 13 : i32
    %scan3A_7 = arith.addi %scan3A, %scan3A_6 : i32
    %scan3A_8 = arith.constant 1 : i32
    scf.for %scan3A_68 = %scan3A to %scan3A_7 step %scan3A_8  : i32 {
      %mul3A_69 = arith.constant 1 : i32
      %mul3A_70 = arith.muli %scan3A_68, %mul3A_69 : i32
      %add3A_71 = arith.constant 0 : i32
      %add3A_72 = arith.addi %add3A_71, %mul3A_70 : i32
      %mul3A_73 = arith.constant 16 : i32
      %mul3A_74 = arith.muli %add3A_72, %mul3A_73 : i32
      %min3A = arith.constant 184 : i32
      %min3A_75 = arith.minsi %mul3A_74, %min3A : i32
      %swap3A = arith.constant 4 : i32
      %swap3A_76 = arith.index_cast %swap3A : i32 to index
      %swap3A_77 = arith.index_cast %min3A_75 : i32 to index
      %swap3A_78 = tpu.vector_load %arg15[%swap3A_76, %swap3A_77] {strides = array<i32>} : memref<8x200xf32, #tpu.memory_space<vmem>>, vector<16xf32>,
      tpu.vector_store %arg15[%swap3A_76, %swap3A_77], %broadcast_in_dim3A_5 {strides = array<i32>} : memref<8x200xf32, #tpu.memory_space<vmem>>, vector<16xf32>,
      %swap3A_79 = arith.constant 5 : i32
      %swap3A_80 = arith.index_cast %swap3A_79 : i32 to index
      %swap3A_81 = arith.index_cast %min3A_75 : i32 to index
      %swap3A_82 = tpu.vector_load %arg15[%swap3A_80, %swap3A_81] {strides = array<i32>} : memref<8x200xf32, #tpu.memory_space<vmem>>, vector<16xf32>,
      tpu.vector_store %arg15[%swap3A_80, %swap3A_81], %broadcast_in_dim3A_5 {strides = array<i32>} : memref<8x200xf32, #tpu.memory_space<vmem>>, vector<16xf32>,
      %swap3A_83 = arith.constant 6 : i32
      %swap3A_84 = arith.index_cast %swap3A_83 : i32 to index
      %swap3A_85 = arith.index_cast %min3A_75 : i32 to index
      %swap3A_86 = tpu.vector_load %arg15[%swap3A_84, %swap3A_85] {strides = array<i32>} : memref<8x200xf32, #tpu.memory_space<vmem>>, vector<16xf32>,
      tpu.vector_store %arg15[%swap3A_84, %swap3A_85], %broadcast_in_dim3A_5 {strides = array<i32>} : memref<8x200xf32, #tpu.memory_space<vmem>>, vector<16xf32>,
      %swap3A_87 = arith.constant 7 : i32
      %swap3A_88 = arith.index_cast %swap3A_87 : i32 to index
      %swap3A_89 = arith.index_cast %min3A_75 : i32 to index
      %swap3A_90 = tpu.vector_load %arg15[%swap3A_88, %swap3A_89] {strides = array<i32>} : memref<8x200xf32, #tpu.memory_space<vmem>>, vector<16xf32>,
      tpu.vector_store %arg15[%swap3A_88, %swap3A_89], %broadcast_in_dim3A_5 {strides = array<i32>} : memref<8x200xf32, #tpu.memory_space<vmem>>, vector<16xf32>,
    }
    %scan3A_9 = arith.constant 13 : i32
    %scan3A_10 = arith.constant 0 : i32
    %scan3A_11 = arith.constant 13 : i32
    %scan3A_12 = arith.addi %scan3A_10, %scan3A_11 : i32
    %scan3A_13 = arith.constant 1 : i32
    scf.for %scan3A_68 = %scan3A_10 to %scan3A_12 step %scan3A_13  : i32 {
      %mul3A_69 = arith.constant 1 : i32
      %mul3A_70 = arith.muli %scan3A_68, %mul3A_69 : i32
      %add3A_71 = arith.constant 0 : i32
      %add3A_72 = arith.addi %add3A_71, %mul3A_70 : i32
      %mul3A_73 = arith.constant 16 : i32
      %mul3A_74 = arith.muli %add3A_72, %mul3A_73 : i32
      %min3A = arith.constant 184 : i32
      %min3A_75 = arith.minsi %mul3A_74, %min3A : i32
      %swap3A = arith.constant 4 : i32
      %swap3A_76 = arith.index_cast %swap3A : i32 to index
      %swap3A_77 = arith.index_cast %min3A_75 : i32 to index
      %swap3A_78 = tpu.vector_load %arg22[%swap3A_76, %swap3A_77] {strides = array<i32>} : memref<8x200xf32, #tpu.memory_space<vmem>>, vector<16xf32>,
      tpu.vector_store %arg22[%swap3A_76, %swap3A_77], %broadcast_in_dim3A_5 {strides = array<i32>} : memref<8x200xf32, #tpu.memory_space<vmem>>, vector<16xf32>,
      %swap3A_79 = arith.constant 5 : i32
      %swap3A_80 = arith.index_cast %swap3A_79 : i32 to index
      %swap3A_81 = arith.index_cast %min3A_75 : i32 to index
      %swap3A_82 = tpu.vector_load %arg22[%swap3A_80, %swap3A_81] {strides = array<i32>} : memref<8x200xf32, #tpu.memory_space<vmem>>, vector<16xf32>,
      tpu.vector_store %arg22[%swap3A_80, %swap3A_81], %broadcast_in_dim3A_5 {strides = array<i32>} : memref<8x200xf32, #tpu.memory_space<vmem>>, vector<16xf32>,
      %swap3A_83 = arith.constant 6 : i32
      %swap3A_84 = arith.index_cast %swap3A_83 : i32 to index
      %swap3A_85 = arith.index_cast %min3A_75 : i32 to index
      %swap3A_86 = tpu.vector_load %arg22[%swap3A_84, %swap3A_85] {strides = array<i32>} : memref<8x200xf32, #tpu.memory_space<vmem>>, vector<16xf32>,
      tpu.vector_store %arg22[%swap3A_84, %swap3A_85], %broadcast_in_dim3A_5 {strides = array<i32>} : memref<8x200xf32, #tpu.memory_space<vmem>>, vector<16xf32>,
      %swap3A_87 = arith.constant 7 : i32
      %swap3A_88 = arith.index_cast %swap3A_87 : i32 to index
      %swap3A_89 = arith.index_cast %min3A_75 : i32 to index
      %swap3A_90 = tpu.vector_load %arg22[%swap3A_88, %swap3A_89] {strides = array<i32>} : memref<8x200xf32, #tpu.memory_space<vmem>>, vector<16xf32>,
      tpu.vector_store %arg22[%swap3A_88, %swap3A_89], %broadcast_in_dim3A_5 {strides = array<i32>} : memref<8x200xf32, #tpu.memory_space<vmem>>, vector<16xf32>,
    }
    %scan3A_14 = arith.constant 13 : i32
    %add3A_15 = arith.constant 0 : i32
    %add3A_16 = arith.addi %add3A_4, %add3A_15 : i32
    "tpu.region"() ({
      %run_scoped3A = tpu.sem_alloc : memref<!tpu.dma_semaphore, #tpu.memory_space<semaphore_mem>>
      %dma_start3A_68 = tpu.memref_slice %arg4[%add3A_16] : memref<320000xi32, #tpu.memory_space<hbm>> -> memref<200xi32, #tpu.memory_space<hbm>>
      %dma_start3A_69 = tpu.memref_slice %arg4[%add3A_16] : memref<320000xi32, #tpu.memory_space<hbm>> -> memref<200xi32, #tpu.memory_space<hbm>>
      tpu.enqueue_dma source(%dma_start3A_69 : memref<200xi32, #tpu.memory_space<hbm>>) target(%arg9 : memref<200xi32, #tpu.memory_space<vmem>>) target_semaphore(%run_scoped3A : memref<!tpu.dma_semaphore, #tpu.memory_space<semaphore_mem>>)
      %dma_wait3A_70 = tpu.memref_slice %arg4[%add3A_16] : memref<320000xi32, #tpu.memory_space<hbm>> -> memref<200xi32, #tpu.memory_space<hbm>>
      %dma_wait3A_71 = tpu.memref_slice %arg4[%add3A_16] : memref<320000xi32, #tpu.memory_space<hbm>> -> memref<200xi32, #tpu.memory_space<hbm>>
      tpu.wait_dma2 semaphore(%run_scoped3A : memref<!tpu.dma_semaphore, #tpu.memory_space<semaphore_mem>>) src(%dma_wait3A_71 : memref<200xi32, #tpu.memory_space<hbm>>) dst(%arg9 : memref<200xi32, #tpu.memory_space<vmem>>)
      tpu.yield
    }) : () -> ()
    "tpu.region"() ({
      %run_scoped3A = tpu.sem_alloc : memref<!tpu.dma_semaphore, #tpu.memory_space<semaphore_mem>>
      %dma_start3A_68 = tpu.memref_slice %arg5[%add3A_16] : memref<320000xi32, #tpu.memory_space<hbm>> -> memref<200xi32, #tpu.memory_space<hbm>>
      %dma_start3A_69 = tpu.memref_slice %arg5[%add3A_16] : memref<320000xi32, #tpu.memory_space<hbm>> -> memref<200xi32, #tpu.memory_space<hbm>>
      tpu.enqueue_dma source(%dma_start3A_69 : memref<200xi32, #tpu.memory_space<hbm>>) target(%arg10 : memref<200xi32, #tpu.memory_space<vmem>>) target_semaphore(%run_scoped3A : memref<!tpu.dma_semaphore, #tpu.memory_space<semaphore_mem>>)
      %dma_wait3A_70 = tpu.memref_slice %arg5[%add3A_16] : memref<320000xi32, #tpu.memory_space<hbm>> -> memref<200xi32, #tpu.memory_space<hbm>>
      %dma_wait3A_71 = tpu.memref_slice %arg5[%add3A_16] : memref<320000xi32, #tpu.memory_space<hbm>> -> memref<200xi32, #tpu.memory_space<hbm>>
      tpu.wait_dma2 semaphore(%run_scoped3A : memref<!tpu.dma_semaphore, #tpu.memory_space<semaphore_mem>>) src(%dma_wait3A_71 : memref<200xi32, #tpu.memory_space<hbm>>) dst(%arg10 : memref<200xi32, #tpu.memory_space<vmem>>)
      tpu.yield
    }) : () -> ()
    %dma_start3A = arith.constant 0 : i32
    %dma_start3A_17 = arith.constant 0 : i32
    %dma_start3A_18 = tpu.memref_slice %arg2[%dma_start3A, %dma_start3A_17] : memref<10000x128xf32, #tpu.memory_space<hbm>> -> memref<10000x128xf32, #tpu.memory_space<hbm>>
    tpu.enqueue_indirect_dma source(%dma_start3A_18 : memref<10000x128xf32, #tpu.memory_space<hbm>>) target(%arg11 : memref<200x128xf32, #tpu.memory_space<vmem>>) offsets(%arg9 : memref<200xi32, #tpu.memory_space<vmem>>) semaphore(%arg23 : memref<!tpu.dma_semaphore, #tpu.memory_space<semaphore_mem>>)
    %dma_start3A_19 = arith.constant 0 : i32
    %dma_start3A_20 = arith.constant 0 : i32
    %dma_start3A_21 = tpu.memref_slice %arg2[%dma_start3A_19, %dma_start3A_20] : memref<10000x128xf32, #tpu.memory_space<hbm>> -> memref<10000x128xf32, #tpu.memory_space<hbm>>
    tpu.enqueue_indirect_dma source(%dma_start3A_21 : memref<10000x128xf32, #tpu.memory_space<hbm>>) target(%arg12 : memref<200x128xf32, #tpu.memory_space<vmem>>) offsets(%arg10 : memref<200xi32, #tpu.memory_space<vmem>>) semaphore(%arg23 : memref<!tpu.dma_semaphore, #tpu.memory_space<semaphore_mem>>)
    %dma_start3A_22 = arith.constant 0 : i32
    %dma_start3A_23 = arith.constant 0 : i32
    %dma_start3A_24 = tpu.memref_slice %arg3[%dma_start3A_22, %dma_start3A_23] : memref<10000x16xf32, #tpu.memory_space<hbm>> -> memref<10000x16xf32, #tpu.memory_space<hbm>>
    tpu.enqueue_indirect_dma source(%dma_start3A_24 : memref<10000x16xf32, #tpu.memory_space<hbm>>) target(%arg13 : memref<200x16xf32, #tpu.memory_space<vmem>>) offsets(%arg9 : memref<200xi32, #tpu.memory_space<vmem>>) semaphore(%arg23 : memref<!tpu.dma_semaphore, #tpu.memory_space<semaphore_mem>>)
    %dma_start3A_25 = arith.constant 0 : i32
    %dma_start3A_26 = arith.constant 0 : i32
    %dma_start3A_27 = tpu.memref_slice %arg3[%dma_start3A_25, %dma_start3A_26] : memref<10000x16xf32, #tpu.memory_space<hbm>> -> memref<10000x16xf32, #tpu.memory_space<hbm>>
    tpu.enqueue_indirect_dma source(%dma_start3A_27 : memref<10000x16xf32, #tpu.memory_space<hbm>>) target(%arg14 : memref<200x16xf32, #tpu.memory_space<vmem>>) offsets(%arg10 : memref<200xi32, #tpu.memory_space<vmem>>) semaphore(%arg23 : memref<!tpu.dma_semaphore, #tpu.memory_space<semaphore_mem>>)
    %scan3A_28 = arith.constant 0 : i32
    %scan3A_29 = arith.constant 13 : i32
    %scan3A_30 = arith.addi %scan3A_28, %scan3A_29 : i32
    %scan3A_31 = arith.constant 1 : i32
    scf.for %scan3A_68 = %scan3A_28 to %scan3A_30 step %scan3A_31  : i32 {
      %mul3A_69 = arith.constant 2 : i32
      %mul3A_70 = arith.muli %scan3A_68, %mul3A_69 : i32
      %add3A_71 = arith.constant 0 : i32
      %add3A_72 = arith.addi %add3A_71, %mul3A_70 : i32
      %add3A_73 = arith.constant 0 : i32
      %add3A_74 = arith.addi %add3A_72, %add3A_73 : i32
      %add3A_75 = arith.constant 1 : i32
      %add3A_76 = arith.addi %add3A_74, %add3A_75 : i32
      %lt3A = arith.constant 25 : i32
      %lt3A_77 = arith.cmpi slt, %add3A_76, %lt3A : i32
      %convert_element_type3A = arith.extui %lt3A_77 : i1 to i32
      %cond3A = arith.constant 0 : i32
      %cond3A_78 = arith.cmpi ne, %convert_element_type3A, %cond3A : i32
      scf.if %cond3A_78 {
        %ge3A = arith.constant 2 : i32
        %ge3A_98 = arith.cmpi sge, %add3A_76, %ge3A : i32
        %convert_element_type3A_99 = arith.extui %ge3A_98 : i1 to i32
        %cond3A_100 = arith.constant 0 : i32
        %cond3A_101 = arith.cmpi ne, %convert_element_type3A_99, %cond3A_100 : i32
        scf.if %cond3A_101 {
          %dma_wait3A_117 = arith.constant 0 : i32
          %dma_wait3A_118 = arith.constant 0 : i32
          %dma_wait3A_119 = tpu.memref_slice %arg6[%dma_wait3A_117, %dma_wait3A_118] : memref<160000x128xf32, #tpu.memory_space<hbm>> -> memref<200x128xf32, #tpu.memory_space<hbm>>
          %dma_wait3A_120 = arith.constant 0 : i32
          %dma_wait3A_121 = arith.constant 0 : i32
          %dma_wait3A_122 = tpu.memref_slice %arg6[%dma_wait3A_120, %dma_wait3A_121] : memref<160000x128xf32, #tpu.memory_space<hbm>> -> memref<200x128xf32, #tpu.memory_space<hbm>>
          tpu.wait_dma2 semaphore(%arg26 : memref<!tpu.dma_semaphore, #tpu.memory_space<semaphore_mem>>) src(%arg18 : memref<200x128xf32, #tpu.memory_space<vmem>>) dst(%dma_wait3A_122 : memref<200x128xf32, #tpu.memory_space<hbm>>)
          %dma_wait3A_123 = arith.constant 0 : i32
          %dma_wait3A_124 = arith.constant 0 : i32
          %dma_wait3A_125 = tpu.memref_slice %arg7[%dma_wait3A_123, %dma_wait3A_124] : memref<160000x128xf32, #tpu.memory_space<hbm>> -> memref<200x128xf32, #tpu.memory_space<hbm>>
          %dma_wait3A_126 = arith.constant 0 : i32
          %dma_wait3A_127 = arith.constant 0 : i32
          %dma_wait3A_128 = tpu.memref_slice %arg7[%dma_wait3A_126, %dma_wait3A_127] : memref<160000x128xf32, #tpu.memory_space<hbm>> -> memref<200x128xf32, #tpu.memory_space<hbm>>
          tpu.wait_dma2 semaphore(%arg26 : memref<!tpu.dma_semaphore, #tpu.memory_space<semaphore_mem>>) src(%arg19 : memref<200x128xf32, #tpu.memory_space<vmem>>) dst(%dma_wait3A_128 : memref<200x128xf32, #tpu.memory_space<hbm>>)
          %dma_wait3A_129 = arith.constant 0 : i32
          %dma_wait3A_130 = arith.constant 0 : i32
          %dma_wait3A_131 = tpu.memref_slice %arg8[%dma_wait3A_129, %dma_wait3A_130] : memref<8x160000xf32, #tpu.memory_space<hbm>> -> memref<8x200xf32, #tpu.memory_space<hbm>>
          %dma_wait3A_132 = arith.constant 0 : i32
          %dma_wait3A_133 = arith.constant 0 : i32
          %dma_wait3A_134 = tpu.memref_slice %arg8[%dma_wait3A_132, %dma_wait3A_133] : memref<8x160000xf32, #tpu.memory_space<hbm>> -> memref<8x200xf32, #tpu.memory_space<hbm>>
          tpu.wait_dma2 semaphore(%arg26 : memref<!tpu.dma_semaphore, #tpu.memory_space<semaphore_mem>>) src(%arg22 : memref<8x200xf32, #tpu.memory_space<vmem>>) dst(%dma_wait3A_134 : memref<8x200xf32, #tpu.memory_space<hbm>>)
        } else {
        }
        %mul3A_102 = arith.constant 200 : i32
        %mul3A_103 = arith.muli %add3A_76, %mul3A_102 : i32
        %add3A_104 = arith.addi %add3A_4, %mul3A_103 : i32
        "tpu.region"() ({
          %run_scoped3A = tpu.sem_alloc : memref<!tpu.dma_semaphore, #tpu.memory_space<semaphore_mem>>
          %dma_start3A_117 = tpu.memref_slice %arg4[%add3A_104] : memref<320000xi32, #tpu.memory_space<hbm>> -> memref<200xi32, #tpu.memory_space<hbm>>
          %dma_start3A_118 = tpu.memref_slice %arg4[%add3A_104] : memref<320000xi32, #tpu.memory_space<hbm>> -> memref<200xi32, #tpu.memory_space<hbm>>
          tpu.enqueue_dma source(%dma_start3A_118 : memref<200xi32, #tpu.memory_space<hbm>>) target(%arg16 : memref<200xi32, #tpu.memory_space<vmem>>) target_semaphore(%run_scoped3A : memref<!tpu.dma_semaphore, #tpu.memory_space<semaphore_mem>>)
          %dma_wait3A_119 = tpu.memref_slice %arg4[%add3A_104] : memref<320000xi32, #tpu.memory_space<hbm>> -> memref<200xi32, #tpu.memory_space<hbm>>
          %dma_wait3A_120 = tpu.memref_slice %arg4[%add3A_104] : memref<320000xi32, #tpu.memory_space<hbm>> -> memref<200xi32, #tpu.memory_space<hbm>>
          tpu.wait_dma2 semaphore(%run_scoped3A : memref<!tpu.dma_semaphore, #tpu.memory_space<semaphore_mem>>) src(%dma_wait3A_120 : memref<200xi32, #tpu.memory_space<hbm>>) dst(%arg16 : memref<200xi32, #tpu.memory_space<vmem>>)
          tpu.yield
        }) : () -> ()
        "tpu.region"() ({
          %run_scoped3A = tpu.sem_alloc : memref<!tpu.dma_semaphore, #tpu.memory_space<semaphore_mem>>
          %dma_start3A_117 = tpu.memref_slice %arg5[%add3A_104] : memref<320000xi32, #tpu.memory_space<hbm>> -> memref<200xi32, #tpu.memory_space<hbm>>
          %dma_start3A_118 = tpu.memref_slice %arg5[%add3A_104] : memref<320000xi32, #tpu.memory_space<hbm>> -> memref<200xi32, #tpu.memory_space<hbm>>
          tpu.enqueue_dma source(%dma_start3A_118 : memref<200xi32, #tpu.memory_space<hbm>>) target(%arg17 : memref<200xi32, #tpu.memory_space<vmem>>) target_semaphore(%run_scoped3A : memref<!tpu.dma_semaphore, #tpu.memory_space<semaphore_mem>>)
          %dma_wait3A_119 = tpu.memref_slice %arg5[%add3A_104] : memref<320000xi32, #tpu.memory_space<hbm>> -> memref<200xi32, #tpu.memory_space<hbm>>
          %dma_wait3A_120 = tpu.memref_slice %arg5[%add3A_104] : memref<320000xi32, #tpu.memory_space<hbm>> -> memref<200xi32, #tpu.memory_space<hbm>>
          tpu.wait_dma2 semaphore(%run_scoped3A : memref<!tpu.dma_semaphore, #tpu.memory_space<semaphore_mem>>) src(%dma_wait3A_120 : memref<200xi32, #tpu.memory_space<hbm>>) dst(%arg17 : memref<200xi32, #tpu.memory_space<vmem>>)
          tpu.yield
        }) : () -> ()
        %dma_start3A_105 = arith.constant 0 : i32
        %dma_start3A_106 = arith.constant 0 : i32
        %dma_start3A_107 = tpu.memref_slice %arg2[%dma_start3A_105, %dma_start3A_106] : memref<10000x128xf32, #tpu.memory_space<hbm>> -> memref<10000x128xf32, #tpu.memory_space<hbm>>
        tpu.enqueue_indirect_dma source(%dma_start3A_107 : memref<10000x128xf32, #tpu.memory_space<hbm>>) target(%arg18 : memref<200x128xf32, #tpu.memory_space<vmem>>) offsets(%arg16 : memref<200xi32, #tpu.memory_space<vmem>>) semaphore(%arg24 : memref<!tpu.dma_semaphore, #tpu.memory_space<semaphore_mem>>)
        %dma_start3A_108 = arith.constant 0 : i32
        %dma_start3A_109 = arith.constant 0 : i32
        %dma_start3A_110 = tpu.memref_slice %arg2[%dma_start3A_108, %dma_start3A_109] : memref<10000x128xf32, #tpu.memory_space<hbm>> -> memref<10000x128xf32, #tpu.memory_space<hbm>>
        tpu.enqueue_indirect_dma source(%dma_start3A_110 : memref<10000x128xf32, #tpu.memory_space<hbm>>) target(%arg19 : memref<200x128xf32, #tpu.memory_space<vmem>>) offsets(%arg17 : memref<200xi32, #tpu.memory_space<vmem>>) semaphore(%arg24 : memref<!tpu.dma_semaphore, #tpu.memory_space<semaphore_mem>>)
        %dma_start3A_111 = arith.constant 0 : i32
        %dma_start3A_112 = arith.constant 0 : i32
        %dma_start3A_113 = tpu.memref_slice %arg3[%dma_start3A_111, %dma_start3A_112] : memref<10000x16xf32, #tpu.memory_space<hbm>> -> memref<10000x16xf32, #tpu.memory_space<hbm>>
        tpu.enqueue_indirect_dma source(%dma_start3A_113 : memref<10000x16xf32, #tpu.memory_space<hbm>>) target(%arg20 : memref<200x16xf32, #tpu.memory_space<vmem>>) offsets(%arg16 : memref<200xi32, #tpu.memory_space<vmem>>) semaphore(%arg24 : memref<!tpu.dma_semaphore, #tpu.memory_space<semaphore_mem>>)
        %dma_start3A_114 = arith.constant 0 : i32
        %dma_start3A_115 = arith.constant 0 : i32
        %dma_start3A_116 = tpu.memref_slice %arg3[%dma_start3A_114, %dma_start3A_115] : memref<10000x16xf32, #tpu.memory_space<hbm>> -> memref<10000x16xf32, #tpu.memory_space<hbm>>
        tpu.enqueue_indirect_dma source(%dma_start3A_116 : memref<10000x16xf32, #tpu.memory_space<hbm>>) target(%arg21 : memref<200x16xf32, #tpu.memory_space<vmem>>) offsets(%arg17 : memref<200xi32, #tpu.memory_space<vmem>>) semaphore(%arg24 : memref<!tpu.dma_semaphore, #tpu.memory_space<semaphore_mem>>)
      } else {
      }
      %lt3A_79 = arith.constant 25 : i32
      %lt3A_80 = arith.cmpi slt, %add3A_74, %lt3A_79 : i32
      %convert_element_type3A_81 = arith.extui %lt3A_80 : i1 to i32
      %cond3A_82 = arith.constant 0 : i32
      %cond3A_83 = arith.cmpi ne, %convert_element_type3A_81, %cond3A_82 : i32
      scf.if %cond3A_83 {
        %mul3A_98 = arith.constant 5000 : i32
        %mul3A_99 = arith.muli %add3A, %mul3A_98 : i32
        %mul3A_100 = arith.constant 200 : i32
        %mul3A_101 = arith.muli %add3A_74, %mul3A_100 : i32
        %add3A_102 = arith.addi %mul3A_99, %mul3A_101 : i32
        %dma_wait3A_103 = arith.constant 0 : i32
        %dma_wait3A_104 = arith.constant 0 : i32
        %dma_wait3A_105 = tpu.memref_slice %arg2[%dma_wait3A_103, %dma_wait3A_104] : memref<10000x128xf32, #tpu.memory_space<hbm>> -> memref<10000x128xf32, #tpu.memory_space<hbm>>
        tpu.wait_indirect_dma semaphore(%arg23 : memref<!tpu.dma_semaphore, #tpu.memory_space<semaphore_mem>>) src(%dma_wait3A_105 : memref<10000x128xf32, #tpu.memory_space<hbm>>) dst(%arg11 : memref<200x128xf32, #tpu.memory_space<vmem>>)
        %dma_wait3A_106 = arith.constant 0 : i32
        %dma_wait3A_107 = arith.constant 0 : i32
        %dma_wait3A_108 = tpu.memref_slice %arg2[%dma_wait3A_106, %dma_wait3A_107] : memref<10000x128xf32, #tpu.memory_space<hbm>> -> memref<10000x128xf32, #tpu.memory_space<hbm>>
        tpu.wait_indirect_dma semaphore(%arg23 : memref<!tpu.dma_semaphore, #tpu.memory_space<semaphore_mem>>) src(%dma_wait3A_108 : memref<10000x128xf32, #tpu.memory_space<hbm>>) dst(%arg12 : memref<200x128xf32, #tpu.memory_space<vmem>>)
        %dma_wait3A_109 = arith.constant 0 : i32
        %dma_wait3A_110 = arith.constant 0 : i32
        %dma_wait3A_111 = tpu.memref_slice %arg3[%dma_wait3A_109, %dma_wait3A_110] : memref<10000x16xf32, #tpu.memory_space<hbm>> -> memref<10000x16xf32, #tpu.memory_space<hbm>>
        tpu.wait_indirect_dma semaphore(%arg23 : memref<!tpu.dma_semaphore, #tpu.memory_space<semaphore_mem>>) src(%dma_wait3A_111 : memref<10000x16xf32, #tpu.memory_space<hbm>>) dst(%arg13 : memref<200x16xf32, #tpu.memory_space<vmem>>)
        %dma_wait3A_112 = arith.constant 0 : i32
        %dma_wait3A_113 = arith.constant 0 : i32
        %dma_wait3A_114 = tpu.memref_slice %arg3[%dma_wait3A_112, %dma_wait3A_113] : memref<10000x16xf32, #tpu.memory_space<hbm>> -> memref<10000x16xf32, #tpu.memory_space<hbm>>
        tpu.wait_indirect_dma semaphore(%arg23 : memref<!tpu.dma_semaphore, #tpu.memory_space<semaphore_mem>>) src(%dma_wait3A_114 : memref<10000x16xf32, #tpu.memory_space<hbm>>) dst(%arg14 : memref<200x16xf32, #tpu.memory_space<vmem>>)
        %scan3A_115 = arith.constant 0 : i32
        %scan3A_116 = arith.constant 13 : i32
        %scan3A_117 = arith.addi %scan3A_115, %scan3A_116 : i32
        %scan3A_118 = arith.constant 1 : i32
        scf.for %scan3A_132 = %scan3A_115 to %scan3A_117 step %scan3A_118  : i32 {
          %mul3A_133 = arith.constant 1 : i32
          %mul3A_134 = arith.muli %scan3A_132, %mul3A_133 : i32
          %add3A_135 = arith.constant 0 : i32
          %add3A_136 = arith.addi %add3A_135, %mul3A_134 : i32
          %mul3A_137 = arith.constant 16 : i32
          %mul3A_138 = arith.muli %add3A_136, %mul3A_137 : i32
          %min3A = arith.constant 184 : i32
          %min3A_139 = arith.minsi %mul3A_138, %min3A : i32
          %iota3A = tpu.iota {dimensions = array<i32: 0>} : vector<16xi32>
          %add3A_140 = vector.broadcast %min3A_139 : i32 to vector<16xi32>
          %add3A_141 = arith.addi %iota3A, %add3A_140 : vector<16xi32>
          %broadcast_in_dim3A_142 = arith.constant 0 : i32
          %broadcast_in_dim3A_143 = vector.broadcast %broadcast_in_dim3A_142 : i32 to vector<16xi32>
          %gather3A = tpu.vector_load_idx %arg13[%add3A_141, %broadcast_in_dim3A_143] : memref<200x16xf32, #tpu.memory_space<vmem>>[vector<16xi32>, vector<16xi32>], vector<16xf32>,
          %gather3A_144 = tpu.vector_load_idx %arg14[%add3A_141, %broadcast_in_dim3A_143] : memref<200x16xf32, #tpu.memory_space<vmem>>[vector<16xi32>, vector<16xi32>], vector<16xf32>,
          %sub3A = arith.subf %gather3A, %gather3A_144 : vector<16xf32>
          %broadcast_in_dim3A_145 = arith.constant 1 : i32
          %broadcast_in_dim3A_146 = vector.broadcast %broadcast_in_dim3A_145 : i32 to vector<16xi32>
          %gather3A_147 = tpu.vector_load_idx %arg13[%add3A_141, %broadcast_in_dim3A_146] : memref<200x16xf32, #tpu.memory_space<vmem>>[vector<16xi32>, vector<16xi32>], vector<16xf32>,
          %gather3A_148 = tpu.vector_load_idx %arg14[%add3A_141, %broadcast_in_dim3A_146] : memref<200x16xf32, #tpu.memory_space<vmem>>[vector<16xi32>, vector<16xi32>], vector<16xf32>,
          %sub3A_149 = arith.subf %gather3A_147, %gather3A_148 : vector<16xf32>
          %broadcast_in_dim3A_150 = arith.constant 2 : i32
          %broadcast_in_dim3A_151 = vector.broadcast %broadcast_in_dim3A_150 : i32 to vector<16xi32>
          %gather3A_152 = tpu.vector_load_idx %arg13[%add3A_141, %broadcast_in_dim3A_151] : memref<200x16xf32, #tpu.memory_space<vmem>>[vector<16xi32>, vector<16xi32>], vector<16xf32>,
          %gather3A_153 = tpu.vector_load_idx %arg14[%add3A_141, %broadcast_in_dim3A_151] : memref<200x16xf32, #tpu.memory_space<vmem>>[vector<16xi32>, vector<16xi32>], vector<16xf32>,
          %sub3A_154 = arith.subf %gather3A_152, %gather3A_153 : vector<16xf32>
          %mul3A_155 = arith.mulf %sub3A, %sub3A : vector<16xf32>
          %mul3A_156 = arith.mulf %sub3A_149, %sub3A_149 : vector<16xf32>
          %add3A_157 = arith.addf %mul3A_155, %mul3A_156 : vector<16xf32>
          %mul3A_158 = arith.mulf %sub3A_154, %sub3A_154 : vector<16xf32>
          %add3A_159 = arith.addf %add3A_157, %mul3A_158 : vector<16xf32>
          %swap3A = arith.constant 0 : i32
          %swap3A_160 = arith.index_cast %swap3A : i32 to index
          %swap3A_161 = arith.index_cast %min3A_139 : i32 to index
          %swap3A_162 = tpu.vector_load %arg15[%swap3A_160, %swap3A_161] {strides = array<i32>} : memref<8x200xf32, #tpu.memory_space<vmem>>, vector<16xf32>,
          tpu.vector_store %arg15[%swap3A_160, %swap3A_161], %sub3A {strides = array<i32>} : memref<8x200xf32, #tpu.memory_space<vmem>>, vector<16xf32>,
          %swap3A_163 = arith.constant 1 : i32
          %swap3A_164 = arith.index_cast %swap3A_163 : i32 to index
          %swap3A_165 = arith.index_cast %min3A_139 : i32 to index
          %swap3A_166 = tpu.vector_load %arg15[%swap3A_164, %swap3A_165] {strides = array<i32>} : memref<8x200xf32, #tpu.memory_space<vmem>>, vector<16xf32>,
          tpu.vector_store %arg15[%swap3A_164, %swap3A_165], %sub3A_149 {strides = array<i32>} : memref<8x200xf32, #tpu.memory_space<vmem>>, vector<16xf32>,
          %swap3A_167 = arith.constant 2 : i32
          %swap3A_168 = arith.index_cast %swap3A_167 : i32 to index
          %swap3A_169 = arith.index_cast %min3A_139 : i32 to index
          %swap3A_170 = tpu.vector_load %arg15[%swap3A_168, %swap3A_169] {strides = array<i32>} : memref<8x200xf32, #tpu.memory_space<vmem>>, vector<16xf32>,
          tpu.vector_store %arg15[%swap3A_168, %swap3A_169], %sub3A_154 {strides = array<i32>} : memref<8x200xf32, #tpu.memory_space<vmem>>, vector<16xf32>,
          %swap3A_171 = arith.constant 3 : i32
          %swap3A_172 = arith.index_cast %swap3A_171 : i32 to index
          %swap3A_173 = arith.index_cast %min3A_139 : i32 to index
          %swap3A_174 = tpu.vector_load %arg15[%swap3A_172, %swap3A_173] {strides = array<i32>} : memref<8x200xf32, #tpu.memory_space<vmem>>, vector<16xf32>,
          tpu.vector_store %arg15[%swap3A_172, %swap3A_173], %add3A_159 {strides = array<i32>} : memref<8x200xf32, #tpu.memory_space<vmem>>, vector<16xf32>,
        }
        %scan3A_119 = arith.constant 13 : i32
        %dma_start3A_120 = arith.constant 0 : i32
        %dma_start3A_121 = tpu.memref_slice %arg6[%add3A_102, %dma_start3A_120] : memref<160000x128xf32, #tpu.memory_space<hbm>> -> memref<200x128xf32, #tpu.memory_space<hbm>>
        %dma_start3A_122 = arith.constant 0 : i32
        %dma_start3A_123 = tpu.memref_slice %arg6[%add3A_102, %dma_start3A_122] : memref<160000x128xf32, #tpu.memory_space<hbm>> -> memref<200x128xf32, #tpu.memory_space<hbm>>
        tpu.enqueue_dma source(%arg11 : memref<200x128xf32, #tpu.memory_space<vmem>>) target(%dma_start3A_123 : memref<200x128xf32, #tpu.memory_space<hbm>>) target_semaphore(%arg25 : memref<!tpu.dma_semaphore, #tpu.memory_space<semaphore_mem>>)
        %dma_start3A_124 = arith.constant 0 : i32
        %dma_start3A_125 = tpu.memref_slice %arg7[%add3A_102, %dma_start3A_124] : memref<160000x128xf32, #tpu.memory_space<hbm>> -> memref<200x128xf32, #tpu.memory_space<hbm>>
        %dma_start3A_126 = arith.constant 0 : i32
        %dma_start3A_127 = tpu.memref_slice %arg7[%add3A_102, %dma_start3A_126] : memref<160000x128xf32, #tpu.memory_space<hbm>> -> memref<200x128xf32, #tpu.memory_space<hbm>>
        tpu.enqueue_dma source(%arg12 : memref<200x128xf32, #tpu.memory_space<vmem>>) target(%dma_start3A_127 : memref<200x128xf32, #tpu.memory_space<hbm>>) target_semaphore(%arg25 : memref<!tpu.dma_semaphore, #tpu.memory_space<semaphore_mem>>)
        %dma_start3A_128 = arith.constant 0 : i32
        %dma_start3A_129 = tpu.memref_slice %arg8[%dma_start3A_128, %add3A_102] : memref<8x160000xf32, #tpu.memory_space<hbm>> -> memref<8x200xf32, #tpu.memory_space<hbm>>
        %dma_start3A_130 = arith.constant 0 : i32
        %dma_start3A_131 = tpu.memref_slice %arg8[%dma_start3A_130, %add3A_102] : memref<8x160000xf32, #tpu.memory_space<hbm>> -> memref<8x200xf32, #tpu.memory_space<hbm>>
        tpu.enqueue_dma source(%arg15 : memref<8x200xf32, #tpu.memory_space<vmem>>) target(%dma_start3A_131 : memref<8x200xf32, #tpu.memory_space<hbm>>) target_semaphore(%arg25 : memref<!tpu.dma_semaphore, #tpu.memory_space<semaphore_mem>>)
      } else {
      }
      %add3A_84 = arith.constant 1 : i32
      %add3A_85 = arith.addi %add3A_72, %add3A_84 : i32
      %add3A_86 = arith.constant 1 : i32
      %add3A_87 = arith.addi %add3A_85, %add3A_86 : i32
      %lt3A_88 = arith.constant 25 : i32
      %lt3A_89 = arith.cmpi slt, %add3A_87, %lt3A_88 : i32
      %convert_element_type3A_90 = arith.extui %lt3A_89 : i1 to i32
      %cond3A_91 = arith.constant 0 : i32
      %cond3A_92 = arith.cmpi ne, %convert_element_type3A_90, %cond3A_91 : i32
      scf.if %cond3A_92 {
        %ge3A = arith.constant 2 : i32
        %ge3A_98 = arith.cmpi sge, %add3A_87, %ge3A : i32
        %convert_element_type3A_99 = arith.extui %ge3A_98 : i1 to i32
        %cond3A_100 = arith.constant 0 : i32
        %cond3A_101 = arith.cmpi ne, %convert_element_type3A_99, %cond3A_100 : i32
        scf.if %cond3A_101 {
          %dma_wait3A_117 = arith.constant 0 : i32
          %dma_wait3A_118 = arith.constant 0 : i32
          %dma_wait3A_119 = tpu.memref_slice %arg6[%dma_wait3A_117, %dma_wait3A_118] : memref<160000x128xf32, #tpu.memory_space<hbm>> -> memref<200x128xf32, #tpu.memory_space<hbm>>
          %dma_wait3A_120 = arith.constant 0 : i32
          %dma_wait3A_121 = arith.constant 0 : i32
          %dma_wait3A_122 = tpu.memref_slice %arg6[%dma_wait3A_120, %dma_wait3A_121] : memref<160000x128xf32, #tpu.memory_space<hbm>> -> memref<200x128xf32, #tpu.memory_space<hbm>>
          tpu.wait_dma2 semaphore(%arg25 : memref<!tpu.dma_semaphore, #tpu.memory_space<semaphore_mem>>) src(%arg11 : memref<200x128xf32, #tpu.memory_space<vmem>>) dst(%dma_wait3A_122 : memref<200x128xf32, #tpu.memory_space<hbm>>)
          %dma_wait3A_123 = arith.constant 0 : i32
          %dma_wait3A_124 = arith.constant 0 : i32
          %dma_wait3A_125 = tpu.memref_slice %arg7[%dma_wait3A_123, %dma_wait3A_124] : memref<160000x128xf32, #tpu.memory_space<hbm>> -> memref<200x128xf32, #tpu.memory_space<hbm>>
          %dma_wait3A_126 = arith.constant 0 : i32
          %dma_wait3A_127 = arith.constant 0 : i32
          %dma_wait3A_128 = tpu.memref_slice %arg7[%dma_wait3A_126, %dma_wait3A_127] : memref<160000x128xf32, #tpu.memory_space<hbm>> -> memref<200x128xf32, #tpu.memory_space<hbm>>
          tpu.wait_dma2 semaphore(%arg25 : memref<!tpu.dma_semaphore, #tpu.memory_space<semaphore_mem>>) src(%arg12 : memref<200x128xf32, #tpu.memory_space<vmem>>) dst(%dma_wait3A_128 : memref<200x128xf32, #tpu.memory_space<hbm>>)
          %dma_wait3A_129 = arith.constant 0 : i32
          %dma_wait3A_130 = arith.constant 0 : i32
          %dma_wait3A_131 = tpu.memref_slice %arg8[%dma_wait3A_129, %dma_wait3A_130] : memref<8x160000xf32, #tpu.memory_space<hbm>> -> memref<8x200xf32, #tpu.memory_space<hbm>>
          %dma_wait3A_132 = arith.constant 0 : i32
          %dma_wait3A_133 = arith.constant 0 : i32
          %dma_wait3A_134 = tpu.memref_slice %arg8[%dma_wait3A_132, %dma_wait3A_133] : memref<8x160000xf32, #tpu.memory_space<hbm>> -> memref<8x200xf32, #tpu.memory_space<hbm>>
          tpu.wait_dma2 semaphore(%arg25 : memref<!tpu.dma_semaphore, #tpu.memory_space<semaphore_mem>>) src(%arg15 : memref<8x200xf32, #tpu.memory_space<vmem>>) dst(%dma_wait3A_134 : memref<8x200xf32, #tpu.memory_space<hbm>>)
        } else {
        }
        %mul3A_102 = arith.constant 200 : i32
        %mul3A_103 = arith.muli %add3A_87, %mul3A_102 : i32
        %add3A_104 = arith.addi %add3A_4, %mul3A_103 : i32
        "tpu.region"() ({
          %run_scoped3A = tpu.sem_alloc : memref<!tpu.dma_semaphore, #tpu.memory_space<semaphore_mem>>
          %dma_start3A_117 = tpu.memref_slice %arg4[%add3A_104] : memref<320000xi32, #tpu.memory_space<hbm>> -> memref<200xi32, #tpu.memory_space<hbm>>
          %dma_start3A_118 = tpu.memref_slice %arg4[%add3A_104] : memref<320000xi32, #tpu.memory_space<hbm>> -> memref<200xi32, #tpu.memory_space<hbm>>
          tpu.enqueue_dma source(%dma_start3A_118 : memref<200xi32, #tpu.memory_space<hbm>>) target(%arg9 : memref<200xi32, #tpu.memory_space<vmem>>) target_semaphore(%run_scoped3A : memref<!tpu.dma_semaphore, #tpu.memory_space<semaphore_mem>>)
          %dma_wait3A_119 = tpu.memref_slice %arg4[%add3A_104] : memref<320000xi32, #tpu.memory_space<hbm>> -> memref<200xi32, #tpu.memory_space<hbm>>
          %dma_wait3A_120 = tpu.memref_slice %arg4[%add3A_104] : memref<320000xi32, #tpu.memory_space<hbm>> -> memref<200xi32, #tpu.memory_space<hbm>>
          tpu.wait_dma2 semaphore(%run_scoped3A : memref<!tpu.dma_semaphore, #tpu.memory_space<semaphore_mem>>) src(%dma_wait3A_120 : memref<200xi32, #tpu.memory_space<hbm>>) dst(%arg9 : memref<200xi32, #tpu.memory_space<vmem>>)
          tpu.yield
        }) : () -> ()
        "tpu.region"() ({
          %run_scoped3A = tpu.sem_alloc : memref<!tpu.dma_semaphore, #tpu.memory_space<semaphore_mem>>
          %dma_start3A_117 = tpu.memref_slice %arg5[%add3A_104] : memref<320000xi32, #tpu.memory_space<hbm>> -> memref<200xi32, #tpu.memory_space<hbm>>
          %dma_start3A_118 = tpu.memref_slice %arg5[%add3A_104] : memref<320000xi32, #tpu.memory_space<hbm>> -> memref<200xi32, #tpu.memory_space<hbm>>
          tpu.enqueue_dma source(%dma_start3A_118 : memref<200xi32, #tpu.memory_space<hbm>>) target(%arg10 : memref<200xi32, #tpu.memory_space<vmem>>) target_semaphore(%run_scoped3A : memref<!tpu.dma_semaphore, #tpu.memory_space<semaphore_mem>>)
          %dma_wait3A_119 = tpu.memref_slice %arg5[%add3A_104] : memref<320000xi32, #tpu.memory_space<hbm>> -> memref<200xi32, #tpu.memory_space<hbm>>
          %dma_wait3A_120 = tpu.memref_slice %arg5[%add3A_104] : memref<320000xi32, #tpu.memory_space<hbm>> -> memref<200xi32, #tpu.memory_space<hbm>>
          tpu.wait_dma2 semaphore(%run_scoped3A : memref<!tpu.dma_semaphore, #tpu.memory_space<semaphore_mem>>) src(%dma_wait3A_120 : memref<200xi32, #tpu.memory_space<hbm>>) dst(%arg10 : memref<200xi32, #tpu.memory_space<vmem>>)
          tpu.yield
        }) : () -> ()
        %dma_start3A_105 = arith.constant 0 : i32
        %dma_start3A_106 = arith.constant 0 : i32
        %dma_start3A_107 = tpu.memref_slice %arg2[%dma_start3A_105, %dma_start3A_106] : memref<10000x128xf32, #tpu.memory_space<hbm>> -> memref<10000x128xf32, #tpu.memory_space<hbm>>
        tpu.enqueue_indirect_dma source(%dma_start3A_107 : memref<10000x128xf32, #tpu.memory_space<hbm>>) target(%arg11 : memref<200x128xf32, #tpu.memory_space<vmem>>) offsets(%arg9 : memref<200xi32, #tpu.memory_space<vmem>>) semaphore(%arg23 : memref<!tpu.dma_semaphore, #tpu.memory_space<semaphore_mem>>)
        %dma_start3A_108 = arith.constant 0 : i32
        %dma_start3A_109 = arith.constant 0 : i32
        %dma_start3A_110 = tpu.memref_slice %arg2[%dma_start3A_108, %dma_start3A_109] : memref<10000x128xf32, #tpu.memory_space<hbm>> -> memref<10000x128xf32, #tpu.memory_space<hbm>>
        tpu.enqueue_indirect_dma source(%dma_start3A_110 : memref<10000x128xf32, #tpu.memory_space<hbm>>) target(%arg12 : memref<200x128xf32, #tpu.memory_space<vmem>>) offsets(%arg10 : memref<200xi32, #tpu.memory_space<vmem>>) semaphore(%arg23 : memref<!tpu.dma_semaphore, #tpu.memory_space<semaphore_mem>>)
        %dma_start3A_111 = arith.constant 0 : i32
        %dma_start3A_112 = arith.constant 0 : i32
        %dma_start3A_113 = tpu.memref_slice %arg3[%dma_start3A_111, %dma_start3A_112] : memref<10000x16xf32, #tpu.memory_space<hbm>> -> memref<10000x16xf32, #tpu.memory_space<hbm>>
        tpu.enqueue_indirect_dma source(%dma_start3A_113 : memref<10000x16xf32, #tpu.memory_space<hbm>>) target(%arg13 : memref<200x16xf32, #tpu.memory_space<vmem>>) offsets(%arg9 : memref<200xi32, #tpu.memory_space<vmem>>) semaphore(%arg23 : memref<!tpu.dma_semaphore, #tpu.memory_space<semaphore_mem>>)
        %dma_start3A_114 = arith.constant 0 : i32
        %dma_start3A_115 = arith.constant 0 : i32
        %dma_start3A_116 = tpu.memref_slice %arg3[%dma_start3A_114, %dma_start3A_115] : memref<10000x16xf32, #tpu.memory_space<hbm>> -> memref<10000x16xf32, #tpu.memory_space<hbm>>
        tpu.enqueue_indirect_dma source(%dma_start3A_116 : memref<10000x16xf32, #tpu.memory_space<hbm>>) target(%arg14 : memref<200x16xf32, #tpu.memory_space<vmem>>) offsets(%arg10 : memref<200xi32, #tpu.memory_space<vmem>>) semaphore(%arg23 : memref<!tpu.dma_semaphore, #tpu.memory_space<semaphore_mem>>)
      } else {
      }
      %lt3A_93 = arith.constant 25 : i32
      %lt3A_94 = arith.cmpi slt, %add3A_85, %lt3A_93 : i32
      %convert_element_type3A_95 = arith.extui %lt3A_94 : i1 to i32
      %cond3A_96 = arith.constant 0 : i32
      %cond3A_97 = arith.cmpi ne, %convert_element_type3A_95, %cond3A_96 : i32
      scf.if %cond3A_97 {
        %mul3A_98 = arith.constant 5000 : i32
        %mul3A_99 = arith.muli %add3A, %mul3A_98 : i32
        %mul3A_100 = arith.constant 200 : i32
        %mul3A_101 = arith.muli %add3A_85, %mul3A_100 : i32
        %add3A_102 = arith.addi %mul3A_99, %mul3A_101 : i32
        %dma_wait3A_103 = arith.constant 0 : i32
        %dma_wait3A_104 = arith.constant 0 : i32
        %dma_wait3A_105 = tpu.memref_slice %arg2[%dma_wait3A_103, %dma_wait3A_104] : memref<10000x128xf32, #tpu.memory_space<hbm>> -> memref<10000x128xf32, #tpu.memory_space<hbm>>
        tpu.wait_indirect_dma semaphore(%arg24 : memref<!tpu.dma_semaphore, #tpu.memory_space<semaphore_mem>>) src(%dma_wait3A_105 : memref<10000x128xf32, #tpu.memory_space<hbm>>) dst(%arg18 : memref<200x128xf32, #tpu.memory_space<vmem>>)
        %dma_wait3A_106 = arith.constant 0 : i32
        %dma_wait3A_107 = arith.constant 0 : i32
        %dma_wait3A_108 = tpu.memref_slice %arg2[%dma_wait3A_106, %dma_wait3A_107] : memref<10000x128xf32, #tpu.memory_space<hbm>> -> memref<10000x128xf32, #tpu.memory_space<hbm>>
        tpu.wait_indirect_dma semaphore(%arg24 : memref<!tpu.dma_semaphore, #tpu.memory_space<semaphore_mem>>) src(%dma_wait3A_108 : memref<10000x128xf32, #tpu.memory_space<hbm>>) dst(%arg19 : memref<200x128xf32, #tpu.memory_space<vmem>>)
        %dma_wait3A_109 = arith.constant 0 : i32
        %dma_wait3A_110 = arith.constant 0 : i32
        %dma_wait3A_111 = tpu.memref_slice %arg3[%dma_wait3A_109, %dma_wait3A_110] : memref<10000x16xf32, #tpu.memory_space<hbm>> -> memref<10000x16xf32, #tpu.memory_space<hbm>>
        tpu.wait_indirect_dma semaphore(%arg24 : memref<!tpu.dma_semaphore, #tpu.memory_space<semaphore_mem>>) src(%dma_wait3A_111 : memref<10000x16xf32, #tpu.memory_space<hbm>>) dst(%arg20 : memref<200x16xf32, #tpu.memory_space<vmem>>)
        %dma_wait3A_112 = arith.constant 0 : i32
        %dma_wait3A_113 = arith.constant 0 : i32
        %dma_wait3A_114 = tpu.memref_slice %arg3[%dma_wait3A_112, %dma_wait3A_113] : memref<10000x16xf32, #tpu.memory_space<hbm>> -> memref<10000x16xf32, #tpu.memory_space<hbm>>
        tpu.wait_indirect_dma semaphore(%arg24 : memref<!tpu.dma_semaphore, #tpu.memory_space<semaphore_mem>>) src(%dma_wait3A_114 : memref<10000x16xf32, #tpu.memory_space<hbm>>) dst(%arg21 : memref<200x16xf32, #tpu.memory_space<vmem>>)
        %scan3A_115 = arith.constant 0 : i32
        %scan3A_116 = arith.constant 13 : i32
        %scan3A_117 = arith.addi %scan3A_115, %scan3A_116 : i32
        %scan3A_118 = arith.constant 1 : i32
        scf.for %scan3A_132 = %scan3A_115 to %scan3A_117 step %scan3A_118  : i32 {
          %mul3A_133 = arith.constant 1 : i32
          %mul3A_134 = arith.muli %scan3A_132, %mul3A_133 : i32
          %add3A_135 = arith.constant 0 : i32
          %add3A_136 = arith.addi %add3A_135, %mul3A_134 : i32
          %mul3A_137 = arith.constant 16 : i32
          %mul3A_138 = arith.muli %add3A_136, %mul3A_137 : i32
          %min3A = arith.constant 184 : i32
          %min3A_139 = arith.minsi %mul3A_138, %min3A : i32
          %iota3A = tpu.iota {dimensions = array<i32: 0>} : vector<16xi32>
          %add3A_140 = vector.broadcast %min3A_139 : i32 to vector<16xi32>
          %add3A_141 = arith.addi %iota3A, %add3A_140 : vector<16xi32>
          %broadcast_in_dim3A_142 = arith.constant 0 : i32
          %broadcast_in_dim3A_143 = vector.broadcast %broadcast_in_dim3A_142 : i32 to vector<16xi32>
          %gather3A = tpu.vector_load_idx %arg20[%add3A_141, %broadcast_in_dim3A_143] : memref<200x16xf32, #tpu.memory_space<vmem>>[vector<16xi32>, vector<16xi32>], vector<16xf32>,
          %gather3A_144 = tpu.vector_load_idx %arg21[%add3A_141, %broadcast_in_dim3A_143] : memref<200x16xf32, #tpu.memory_space<vmem>>[vector<16xi32>, vector<16xi32>], vector<16xf32>,
          %sub3A = arith.subf %gather3A, %gather3A_144 : vector<16xf32>
          %broadcast_in_dim3A_145 = arith.constant 1 : i32
          %broadcast_in_dim3A_146 = vector.broadcast %broadcast_in_dim3A_145 : i32 to vector<16xi32>
          %gather3A_147 = tpu.vector_load_idx %arg20[%add3A_141, %broadcast_in_dim3A_146] : memref<200x16xf32, #tpu.memory_space<vmem>>[vector<16xi32>, vector<16xi32>], vector<16xf32>,
          %gather3A_148 = tpu.vector_load_idx %arg21[%add3A_141, %broadcast_in_dim3A_146] : memref<200x16xf32, #tpu.memory_space<vmem>>[vector<16xi32>, vector<16xi32>], vector<16xf32>,
          %sub3A_149 = arith.subf %gather3A_147, %gather3A_148 : vector<16xf32>
          %broadcast_in_dim3A_150 = arith.constant 2 : i32
          %broadcast_in_dim3A_151 = vector.broadcast %broadcast_in_dim3A_150 : i32 to vector<16xi32>
          %gather3A_152 = tpu.vector_load_idx %arg20[%add3A_141, %broadcast_in_dim3A_151] : memref<200x16xf32, #tpu.memory_space<vmem>>[vector<16xi32>, vector<16xi32>], vector<16xf32>,
          %gather3A_153 = tpu.vector_load_idx %arg21[%add3A_141, %broadcast_in_dim3A_151] : memref<200x16xf32, #tpu.memory_space<vmem>>[vector<16xi32>, vector<16xi32>], vector<16xf32>,
          %sub3A_154 = arith.subf %gather3A_152, %gather3A_153 : vector<16xf32>
          %mul3A_155 = arith.mulf %sub3A, %sub3A : vector<16xf32>
          %mul3A_156 = arith.mulf %sub3A_149, %sub3A_149 : vector<16xf32>
          %add3A_157 = arith.addf %mul3A_155, %mul3A_156 : vector<16xf32>
          %mul3A_158 = arith.mulf %sub3A_154, %sub3A_154 : vector<16xf32>
          %add3A_159 = arith.addf %add3A_157, %mul3A_158 : vector<16xf32>
          %swap3A = arith.constant 0 : i32
          %swap3A_160 = arith.index_cast %swap3A : i32 to index
          %swap3A_161 = arith.index_cast %min3A_139 : i32 to index
          %swap3A_162 = tpu.vector_load %arg22[%swap3A_160, %swap3A_161] {strides = array<i32>} : memref<8x200xf32, #tpu.memory_space<vmem>>, vector<16xf32>,
          tpu.vector_store %arg22[%swap3A_160, %swap3A_161], %sub3A {strides = array<i32>} : memref<8x200xf32, #tpu.memory_space<vmem>>, vector<16xf32>,
          %swap3A_163 = arith.constant 1 : i32
          %swap3A_164 = arith.index_cast %swap3A_163 : i32 to index
          %swap3A_165 = arith.index_cast %min3A_139 : i32 to index
          %swap3A_166 = tpu.vector_load %arg22[%swap3A_164, %swap3A_165] {strides = array<i32>} : memref<8x200xf32, #tpu.memory_space<vmem>>, vector<16xf32>,
          tpu.vector_store %arg22[%swap3A_164, %swap3A_165], %sub3A_149 {strides = array<i32>} : memref<8x200xf32, #tpu.memory_space<vmem>>, vector<16xf32>,
          %swap3A_167 = arith.constant 2 : i32
          %swap3A_168 = arith.index_cast %swap3A_167 : i32 to index
          %swap3A_169 = arith.index_cast %min3A_139 : i32 to index
          %swap3A_170 = tpu.vector_load %arg22[%swap3A_168, %swap3A_169] {strides = array<i32>} : memref<8x200xf32, #tpu.memory_space<vmem>>, vector<16xf32>,
          tpu.vector_store %arg22[%swap3A_168, %swap3A_169], %sub3A_154 {strides = array<i32>} : memref<8x200xf32, #tpu.memory_space<vmem>>, vector<16xf32>,
          %swap3A_171 = arith.constant 3 : i32
          %swap3A_172 = arith.index_cast %swap3A_171 : i32 to index
          %swap3A_173 = arith.index_cast %min3A_139 : i32 to index
          %swap3A_174 = tpu.vector_load %arg22[%swap3A_172, %swap3A_173] {strides = array<i32>} : memref<8x200xf32, #tpu.memory_space<vmem>>, vector<16xf32>,
          tpu.vector_store %arg22[%swap3A_172, %swap3A_173], %add3A_159 {strides = array<i32>} : memref<8x200xf32, #tpu.memory_space<vmem>>, vector<16xf32>,
        }
        %scan3A_119 = arith.constant 13 : i32
        %dma_start3A_120 = arith.constant 0 : i32
        %dma_start3A_121 = tpu.memref_slice %arg6[%add3A_102, %dma_start3A_120] : memref<160000x128xf32, #tpu.memory_space<hbm>> -> memref<200x128xf32, #tpu.memory_space<hbm>>
        %dma_start3A_122 = arith.constant 0 : i32
        %dma_start3A_123 = tpu.memref_slice %arg6[%add3A_102, %dma_start3A_122] : memref<160000x128xf32, #tpu.memory_space<hbm>> -> memref<200x128xf32, #tpu.memory_space<hbm>>
        tpu.enqueue_dma source(%arg18 : memref<200x128xf32, #tpu.memory_space<vmem>>) target(%dma_start3A_123 : memref<200x128xf32, #tpu.memory_space<hbm>>) target_semaphore(%arg26 : memref<!tpu.dma_semaphore, #tpu.memory_space<semaphore_mem>>)
        %dma_start3A_124 = arith.constant 0 : i32
        %dma_start3A_125 = tpu.memref_slice %arg7[%add3A_102, %dma_start3A_124] : memref<160000x128xf32, #tpu.memory_space<hbm>> -> memref<200x128xf32, #tpu.memory_space<hbm>>
        %dma_start3A_126 = arith.constant 0 : i32
        %dma_start3A_127 = tpu.memref_slice %arg7[%add3A_102, %dma_start3A_126] : memref<160000x128xf32, #tpu.memory_space<hbm>> -> memref<200x128xf32, #tpu.memory_space<hbm>>
        tpu.enqueue_dma source(%arg19 : memref<200x128xf32, #tpu.memory_space<vmem>>) target(%dma_start3A_127 : memref<200x128xf32, #tpu.memory_space<hbm>>) target_semaphore(%arg26 : memref<!tpu.dma_semaphore, #tpu.memory_space<semaphore_mem>>)
        %dma_start3A_128 = arith.constant 0 : i32
        %dma_start3A_129 = tpu.memref_slice %arg8[%dma_start3A_128, %add3A_102] : memref<8x160000xf32, #tpu.memory_space<hbm>> -> memref<8x200xf32, #tpu.memory_space<hbm>>
        %dma_start3A_130 = arith.constant 0 : i32
        %dma_start3A_131 = tpu.memref_slice %arg8[%dma_start3A_130, %add3A_102] : memref<8x160000xf32, #tpu.memory_space<hbm>> -> memref<8x200xf32, #tpu.memory_space<hbm>>
        tpu.enqueue_dma source(%arg22 : memref<8x200xf32, #tpu.memory_space<vmem>>) target(%dma_start3A_131 : memref<8x200xf32, #tpu.memory_space<hbm>>) target_semaphore(%arg26 : memref<!tpu.dma_semaphore, #tpu.memory_space<semaphore_mem>>)
      } else {
      }
    }
    %scan3A_32 = arith.constant 13 : i32
    %dma_wait3A = arith.constant 0 : i32
    %dma_wait3A_33 = arith.constant 0 : i32
    %dma_wait3A_34 = tpu.memref_slice %arg6[%dma_wait3A, %dma_wait3A_33] : memref<160000x128xf32, #tpu.memory_space<hbm>> -> memref<200x128xf32, #tpu.memory_space<hbm>>
    %dma_wait3A_35 = arith.constant 0 : i32
    %dma_wait3A_36 = arith.constant 0 : i32
    %dma_wait3A_37 = tpu.memref_slice %arg6[%dma_wait3A_35, %dma_wait3A_36] : memref<160000x128xf32, #tpu.memory_space<hbm>> -> memref<200x128xf32, #tpu.memory_space<hbm>>
    tpu.wait_dma2 semaphore(%arg25 : memref<!tpu.dma_semaphore, #tpu.memory_space<semaphore_mem>>) src(%arg11 : memref<200x128xf32, #tpu.memory_space<vmem>>) dst(%dma_wait3A_37 : memref<200x128xf32, #tpu.memory_space<hbm>>)
    %dma_wait3A_38 = arith.constant 0 : i32
    %dma_wait3A_39 = arith.constant 0 : i32
    %dma_wait3A_40 = tpu.memref_slice %arg7[%dma_wait3A_38, %dma_wait3A_39] : memref<160000x128xf32, #tpu.memory_space<hbm>> -> memref<200x128xf32, #tpu.memory_space<hbm>>
    %dma_wait3A_41 = arith.constant 0 : i32
    %dma_wait3A_42 = arith.constant 0 : i32
    %dma_wait3A_43 = tpu.memref_slice %arg7[%dma_wait3A_41, %dma_wait3A_42] : memref<160000x128xf32, #tpu.memory_space<hbm>> -> memref<200x128xf32, #tpu.memory_space<hbm>>
    tpu.wait_dma2 semaphore(%arg25 : memref<!tpu.dma_semaphore, #tpu.memory_space<semaphore_mem>>) src(%arg12 : memref<200x128xf32, #tpu.memory_space<vmem>>) dst(%dma_wait3A_43 : memref<200x128xf32, #tpu.memory_space<hbm>>)
    %dma_wait3A_44 = arith.constant 0 : i32
    %dma_wait3A_45 = arith.constant 0 : i32
    %dma_wait3A_46 = tpu.memref_slice %arg8[%dma_wait3A_44, %dma_wait3A_45] : memref<8x160000xf32, #tpu.memory_space<hbm>> -> memref<8x200xf32, #tpu.memory_space<hbm>>
    %dma_wait3A_47 = arith.constant 0 : i32
    %dma_wait3A_48 = arith.constant 0 : i32
    %dma_wait3A_49 = tpu.memref_slice %arg8[%dma_wait3A_47, %dma_wait3A_48] : memref<8x160000xf32, #tpu.memory_space<hbm>> -> memref<8x200xf32, #tpu.memory_space<hbm>>
    tpu.wait_dma2 semaphore(%arg25 : memref<!tpu.dma_semaphore, #tpu.memory_space<semaphore_mem>>) src(%arg15 : memref<8x200xf32, #tpu.memory_space<vmem>>) dst(%dma_wait3A_49 : memref<8x200xf32, #tpu.memory_space<hbm>>)
    %dma_wait3A_50 = arith.constant 0 : i32
    %dma_wait3A_51 = arith.constant 0 : i32
    %dma_wait3A_52 = tpu.memref_slice %arg6[%dma_wait3A_50, %dma_wait3A_51] : memref<160000x128xf32, #tpu.memory_space<hbm>> -> memref<200x128xf32, #tpu.memory_space<hbm>>
    %dma_wait3A_53 = arith.constant 0 : i32
    %dma_wait3A_54 = arith.constant 0 : i32
    %dma_wait3A_55 = tpu.memref_slice %arg6[%dma_wait3A_53, %dma_wait3A_54] : memref<160000x128xf32, #tpu.memory_space<hbm>> -> memref<200x128xf32, #tpu.memory_space<hbm>>
    tpu.wait_dma2 semaphore(%arg26 : memref<!tpu.dma_semaphore, #tpu.memory_space<semaphore_mem>>) src(%arg18 : memref<200x128xf32, #tpu.memory_space<vmem>>) dst(%dma_wait3A_55 : memref<200x128xf32, #tpu.memory_space<hbm>>)
    %dma_wait3A_56 = arith.constant 0 : i32
    %dma_wait3A_57 = arith.constant 0 : i32
    %dma_wait3A_58 = tpu.memref_slice %arg7[%dma_wait3A_56, %dma_wait3A_57] : memref<160000x128xf32, #tpu.memory_space<hbm>> -> memref<200x128xf32, #tpu.memory_space<hbm>>
    %dma_wait3A_59 = arith.constant 0 : i32
    %dma_wait3A_60 = arith.constant 0 : i32
    %dma_wait3A_61 = tpu.memref_slice %arg7[%dma_wait3A_59, %dma_wait3A_60] : memref<160000x128xf32, #tpu.memory_space<hbm>> -> memref<200x128xf32, #tpu.memory_space<hbm>>
    tpu.wait_dma2 semaphore(%arg26 : memref<!tpu.dma_semaphore, #tpu.memory_space<semaphore_mem>>) src(%arg19 : memref<200x128xf32, #tpu.memory_space<vmem>>) dst(%dma_wait3A_61 : memref<200x128xf32, #tpu.memory_space<hbm>>)
    %dma_wait3A_62 = arith.constant 0 : i32
    %dma_wait3A_63 = arith.constant 0 : i32
    %dma_wait3A_64 = tpu.memref_slice %arg8[%dma_wait3A_62, %dma_wait3A_63] : memref<8x160000xf32, #tpu.memory_space<hbm>> -> memref<8x200xf32, #tpu.memory_space<hbm>>
    %dma_wait3A_65 = arith.constant 0 : i32
    %dma_wait3A_66 = arith.constant 0 : i32
    %dma_wait3A_67 = tpu.memref_slice %arg8[%dma_wait3A_65, %dma_wait3A_66] : memref<8x160000xf32, #tpu.memory_space<hbm>> -> memref<8x200xf32, #tpu.memory_space<hbm>>
    tpu.wait_dma2 semaphore(%arg26 : memref<!tpu.dma_semaphore, #tpu.memory_space<semaphore_mem>>) src(%arg22 : memref<8x200xf32, #tpu.memory_space<vmem>>) dst(%dma_wait3A_67 : memref<8x200xf32, #tpu.memory_space<hbm>>)
    return
  }
}

#map = affine_map<(d0, d1) -> (0, 0)>
#map1 = affine_map<(d0, d1) -> (0)>
#map2 = affine_map<(d0, d1) -> (0, 0, 0)>
module attributes {stable_mosaic.version = 14 : i64} {
  func.func @k(%arg0: i32, %arg1: i32, %arg2: memref<160000x128xf32, #tpu.memory_space<hbm>>, %arg3: memref<8x160000xf32, #tpu.memory_space<hbm>>, %arg4: memref<320000xi32, #tpu.memory_space<hbm>>, %arg5: memref<10000x128xf32, #tpu.memory_space<hbm>>, %arg6: memref<10000x16xf32, #tpu.memory_space<hbm>>, %arg7: memref<2x10000x128xf32, #tpu.memory_space<hbm>>, %arg8: memref<2x10000x16xf32, #tpu.memory_space<hbm>>, %arg9: memref<10000x128xf32, #tpu.memory_space<vmem_shared>>, %arg10: memref<10000x16xf32, #tpu.memory_space<vmem_shared>>, %arg11: memref<200xi32, #tpu.memory_space<vmem>>, %arg12: memref<200x128xf32, #tpu.memory_space<vmem>>, %arg13: memref<8x200xf32, #tpu.memory_space<vmem>>, %arg14: memref<200x16xf32, #tpu.memory_space<vmem>>, %arg15: memref<!tpu.dma_semaphore, #tpu.memory_space<semaphore_mem>>) attributes {dimension_semantics = [#tpu.dimension_semantics<core_parallel>, #tpu.dimension_semantics<subcore_parallel>], iteration_bounds = array<i64: 2, 16>, scalar_prefetch = 0 : i64, scratch_operands = 7 : i64, tpu.core_type = #tpu.core_type<sc_vector_subcore>, window_params = [{transform_indices = #map}, {transform_indices = #map}, {transform_indices = #map1}, {transform_indices = #map}, {transform_indices = #map}, {transform_indices = #map2}, {transform_indices = #map2}]} {
    %mul3A = arith.constant 2 : i32
    %mul3A_0 = arith.muli %arg1, %mul3A : i32
    %add3A = arith.addi %mul3A_0, %arg0 : i32
    %mul3A_1 = arith.constant 5000 : i32
    %mul3A_2 = arith.muli %add3A, %mul3A_1 : i32
    %mul3A_3 = arith.constant 625 : i32
    %mul3A_4 = arith.muli %arg1, %mul3A_3 : i32
    %add3A_5 = arith.constant 0 : i32
    %add3A_6 = arith.addi %add3A_5, %mul3A_2 : i32
    %broadcast_in_dim3A = arith.constant 0.000000e+00 : f32
    %broadcast_in_dim3A_7 = vector.broadcast %broadcast_in_dim3A : f32 to vector<16xf32>
    %scan3A = arith.constant 0 : i32
    %scan3A_8 = arith.constant 200 : i32
    %scan3A_9 = arith.addi %scan3A, %scan3A_8 : i32
    %scan3A_10 = arith.constant 1 : i32
    scf.for %scan3A_18 = %scan3A to %scan3A_9 step %scan3A_10  : i32 {
      %mul3A_19 = arith.constant 1 : i32
      %mul3A_20 = arith.muli %scan3A_18, %mul3A_19 : i32
      %add3A_21 = arith.constant 0 : i32
      %add3A_22 = arith.addi %add3A_21, %mul3A_20 : i32
      %swap3A = arith.index_cast %add3A_22 : i32 to index
      %swap3A_23 = arith.constant 0 : index
      %swap3A_24 = tpu.vector_load %arg14[%swap3A, %swap3A_23] {strides = array<i32>} : memref<200x16xf32, #tpu.memory_space<vmem>>, vector<16xf32>,
      tpu.vector_store %arg14[%swap3A, %swap3A_23], %broadcast_in_dim3A_7 {strides = array<i32>} : memref<200x16xf32, #tpu.memory_space<vmem>>, vector<16xf32>,
    }
    %scan3A_11 = arith.constant 200 : i32
    "tpu.region"() ({
      %run_scoped3A = tpu.sem_alloc : memref<!tpu.dma_semaphore, #tpu.memory_space<semaphore_mem>>
      %dma_start3A = arith.constant 0 : i32
      %dma_start3A_18 = tpu.memref_slice %arg9[%mul3A_4, %dma_start3A] : memref<10000x128xf32, #tpu.memory_space<vmem_shared>> -> memref<625x128xf32, #tpu.memory_space<vmem_shared>>
      %dma_start3A_19 = arith.constant 0 : i32
      %dma_start3A_20 = tpu.memref_slice %arg5[%mul3A_4, %dma_start3A_19] : memref<10000x128xf32, #tpu.memory_space<hbm>> -> memref<625x128xf32, #tpu.memory_space<hbm>>
      tpu.enqueue_dma source(%dma_start3A_20 : memref<625x128xf32, #tpu.memory_space<hbm>>) target(%dma_start3A_18 : memref<625x128xf32, #tpu.memory_space<vmem_shared>>) target_semaphore(%run_scoped3A : memref<!tpu.dma_semaphore, #tpu.memory_space<semaphore_mem>>)
      %dma_wait3A = arith.constant 0 : i32
      %dma_wait3A_21 = tpu.memref_slice %arg9[%mul3A_4, %dma_wait3A] : memref<10000x128xf32, #tpu.memory_space<vmem_shared>> -> memref<625x128xf32, #tpu.memory_space<vmem_shared>>
      %dma_wait3A_22 = arith.constant 0 : i32
      %dma_wait3A_23 = tpu.memref_slice %arg5[%mul3A_4, %dma_wait3A_22] : memref<10000x128xf32, #tpu.memory_space<hbm>> -> memref<625x128xf32, #tpu.memory_space<hbm>>
      tpu.wait_dma2 semaphore(%run_scoped3A : memref<!tpu.dma_semaphore, #tpu.memory_space<semaphore_mem>>) src(%dma_wait3A_23 : memref<625x128xf32, #tpu.memory_space<hbm>>) dst(%dma_wait3A_21 : memref<625x128xf32, #tpu.memory_space<vmem_shared>>)
      tpu.yield
    }) : () -> ()
    "tpu.region"() ({
      %run_scoped3A = tpu.sem_alloc : memref<!tpu.dma_semaphore, #tpu.memory_space<semaphore_mem>>
      %dma_start3A = arith.constant 0 : i32
      %dma_start3A_18 = tpu.memref_slice %arg10[%mul3A_4, %dma_start3A] : memref<10000x16xf32, #tpu.memory_space<vmem_shared>> -> memref<625x16xf32, #tpu.memory_space<vmem_shared>>
      %dma_start3A_19 = arith.constant 0 : i32
      %dma_start3A_20 = tpu.memref_slice %arg6[%mul3A_4, %dma_start3A_19] : memref<10000x16xf32, #tpu.memory_space<hbm>> -> memref<625x16xf32, #tpu.memory_space<hbm>>
      tpu.enqueue_dma source(%dma_start3A_20 : memref<625x16xf32, #tpu.memory_space<hbm>>) target(%dma_start3A_18 : memref<625x16xf32, #tpu.memory_space<vmem_shared>>) target_semaphore(%run_scoped3A : memref<!tpu.dma_semaphore, #tpu.memory_space<semaphore_mem>>)
      %dma_wait3A = arith.constant 0 : i32
      %dma_wait3A_21 = tpu.memref_slice %arg10[%mul3A_4, %dma_wait3A] : memref<10000x16xf32, #tpu.memory_space<vmem_shared>> -> memref<625x16xf32, #tpu.memory_space<vmem_shared>>
      %dma_wait3A_22 = arith.constant 0 : i32
      %dma_wait3A_23 = tpu.memref_slice %arg6[%mul3A_4, %dma_wait3A_22] : memref<10000x16xf32, #tpu.memory_space<hbm>> -> memref<625x16xf32, #tpu.memory_space<hbm>>
      tpu.wait_dma2 semaphore(%run_scoped3A : memref<!tpu.dma_semaphore, #tpu.memory_space<semaphore_mem>>) src(%dma_wait3A_23 : memref<625x16xf32, #tpu.memory_space<hbm>>) dst(%dma_wait3A_21 : memref<625x16xf32, #tpu.memory_space<vmem_shared>>)
      tpu.yield
    }) : () -> ()
    %barrier3A = arith.constant 0 : index
    tpu.barrier barrier_id(%barrier3A)
    %scan3A_12 = arith.constant 0 : i32
    %scan3A_13 = arith.constant 25 : i32
    %scan3A_14 = arith.addi %scan3A_12, %scan3A_13 : i32
    %scan3A_15 = arith.constant 1 : i32
    scf.for %scan3A_18 = %scan3A_12 to %scan3A_14 step %scan3A_15  : i32 {
      %mul3A_19 = arith.constant 1 : i32
      %mul3A_20 = arith.muli %scan3A_18, %mul3A_19 : i32
      %add3A_21 = arith.constant 0 : i32
      %add3A_22 = arith.addi %add3A_21, %mul3A_20 : i32
      %mul3A_23 = arith.constant 200 : i32
      %mul3A_24 = arith.muli %add3A_22, %mul3A_23 : i32
      %add3A_25 = arith.addi %add3A_6, %mul3A_24 : i32
      %mul3A_26 = arith.constant 200 : i32
      %mul3A_27 = arith.muli %add3A_22, %mul3A_26 : i32
      %add3A_28 = arith.addi %mul3A_2, %mul3A_27 : i32
      %dma_start3A = tpu.memref_slice %arg4[%add3A_25] : memref<320000xi32, #tpu.memory_space<hbm>> -> memref<200xi32, #tpu.memory_space<hbm>>
      %dma_start3A_29 = tpu.memref_slice %arg4[%add3A_25] : memref<320000xi32, #tpu.memory_space<hbm>> -> memref<200xi32, #tpu.memory_space<hbm>>
      tpu.enqueue_dma source(%dma_start3A_29 : memref<200xi32, #tpu.memory_space<hbm>>) target(%arg11 : memref<200xi32, #tpu.memory_space<vmem>>) target_semaphore(%arg15 : memref<!tpu.dma_semaphore, #tpu.memory_space<semaphore_mem>>)
      %dma_start3A_30 = arith.constant 0 : i32
      %dma_start3A_31 = tpu.memref_slice %arg2[%add3A_28, %dma_start3A_30] : memref<160000x128xf32, #tpu.memory_space<hbm>> -> memref<200x128xf32, #tpu.memory_space<hbm>>
      %dma_start3A_32 = arith.constant 0 : i32
      %dma_start3A_33 = tpu.memref_slice %arg2[%add3A_28, %dma_start3A_32] : memref<160000x128xf32, #tpu.memory_space<hbm>> -> memref<200x128xf32, #tpu.memory_space<hbm>>
      tpu.enqueue_dma source(%dma_start3A_33 : memref<200x128xf32, #tpu.memory_space<hbm>>) target(%arg12 : memref<200x128xf32, #tpu.memory_space<vmem>>) target_semaphore(%arg15 : memref<!tpu.dma_semaphore, #tpu.memory_space<semaphore_mem>>)
      %dma_start3A_34 = arith.constant 0 : i32
      %dma_start3A_35 = tpu.memref_slice %arg3[%dma_start3A_34, %add3A_28] : memref<8x160000xf32, #tpu.memory_space<hbm>> -> memref<8x200xf32, #tpu.memory_space<hbm>>
      %dma_start3A_36 = arith.constant 0 : i32
      %dma_start3A_37 = tpu.memref_slice %arg3[%dma_start3A_36, %add3A_28] : memref<8x160000xf32, #tpu.memory_space<hbm>> -> memref<8x200xf32, #tpu.memory_space<hbm>>
      tpu.enqueue_dma source(%dma_start3A_37 : memref<8x200xf32, #tpu.memory_space<hbm>>) target(%arg13 : memref<8x200xf32, #tpu.memory_space<vmem>>) target_semaphore(%arg15 : memref<!tpu.dma_semaphore, #tpu.memory_space<semaphore_mem>>)
      %dma_wait3A = tpu.memref_slice %arg4[%add3A_25] : memref<320000xi32, #tpu.memory_space<hbm>> -> memref<200xi32, #tpu.memory_space<hbm>>
      %dma_wait3A_38 = tpu.memref_slice %arg4[%add3A_25] : memref<320000xi32, #tpu.memory_space<hbm>> -> memref<200xi32, #tpu.memory_space<hbm>>
      tpu.wait_dma2 semaphore(%arg15 : memref<!tpu.dma_semaphore, #tpu.memory_space<semaphore_mem>>) src(%dma_wait3A_38 : memref<200xi32, #tpu.memory_space<hbm>>) dst(%arg11 : memref<200xi32, #tpu.memory_space<vmem>>)
      %dma_wait3A_39 = arith.constant 0 : i32
      %dma_wait3A_40 = tpu.memref_slice %arg2[%add3A_28, %dma_wait3A_39] : memref<160000x128xf32, #tpu.memory_space<hbm>> -> memref<200x128xf32, #tpu.memory_space<hbm>>
      %dma_wait3A_41 = arith.constant 0 : i32
      %dma_wait3A_42 = tpu.memref_slice %arg2[%add3A_28, %dma_wait3A_41] : memref<160000x128xf32, #tpu.memory_space<hbm>> -> memref<200x128xf32, #tpu.memory_space<hbm>>
      tpu.wait_dma2 semaphore(%arg15 : memref<!tpu.dma_semaphore, #tpu.memory_space<semaphore_mem>>) src(%dma_wait3A_42 : memref<200x128xf32, #tpu.memory_space<hbm>>) dst(%arg12 : memref<200x128xf32, #tpu.memory_space<vmem>>)
      %dma_wait3A_43 = arith.constant 0 : i32
      %dma_wait3A_44 = tpu.memref_slice %arg3[%dma_wait3A_43, %add3A_28] : memref<8x160000xf32, #tpu.memory_space<hbm>> -> memref<8x200xf32, #tpu.memory_space<hbm>>
      %dma_wait3A_45 = arith.constant 0 : i32
      %dma_wait3A_46 = tpu.memref_slice %arg3[%dma_wait3A_45, %add3A_28] : memref<8x160000xf32, #tpu.memory_space<hbm>> -> memref<8x200xf32, #tpu.memory_space<hbm>>
      tpu.wait_dma2 semaphore(%arg15 : memref<!tpu.dma_semaphore, #tpu.memory_space<semaphore_mem>>) src(%dma_wait3A_46 : memref<8x200xf32, #tpu.memory_space<hbm>>) dst(%arg13 : memref<8x200xf32, #tpu.memory_space<vmem>>)
      %scan3A_47 = arith.constant 0 : i32
      %scan3A_48 = arith.constant 13 : i32
      %scan3A_49 = arith.addi %scan3A_47, %scan3A_48 : i32
      %scan3A_50 = arith.constant 1 : i32
      scf.for %scan3A_52 = %scan3A_47 to %scan3A_49 step %scan3A_50  : i32 {
        %mul3A_53 = arith.constant 1 : i32
        %mul3A_54 = arith.muli %scan3A_52, %mul3A_53 : i32
        %add3A_55 = arith.constant 0 : i32
        %add3A_56 = arith.addi %add3A_55, %mul3A_54 : i32
        %mul3A_57 = arith.constant 16 : i32
        %mul3A_58 = arith.muli %add3A_56, %mul3A_57 : i32
        %min3A = arith.constant 184 : i32
        %min3A_59 = arith.minsi %mul3A_58, %min3A : i32
        %iota3A = tpu.iota {dimensions = array<i32: 0>} : vector<16xi32>
        %add3A_60 = vector.broadcast %min3A_59 : i32 to vector<16xi32>
        %add3A_61 = arith.addi %iota3A, %add3A_60 : vector<16xi32>
        %broadcast_in_dim3A_62 = arith.constant 0 : i32
        %broadcast_in_dim3A_63 = vector.broadcast %broadcast_in_dim3A_62 : i32 to vector<16xi32>
        %get3A = arith.constant 0 : i32
        %get3A_64 = arith.index_cast %get3A : i32 to index
        %get3A_65 = arith.index_cast %min3A_59 : i32 to index
        %get3A_66 = tpu.vector_load %arg13[%get3A_64, %get3A_65] {strides = array<i32>} : memref<8x200xf32, #tpu.memory_space<vmem>>, vector<16xf32>,
        tpu.vector_store_idx %arg14[%add3A_61, %broadcast_in_dim3A_63], %get3A_66 : memref<200x16xf32, #tpu.memory_space<vmem>>[vector<16xi32>, vector<16xi32>], vector<16xf32>,
        %broadcast_in_dim3A_67 = arith.constant 1 : i32
        %broadcast_in_dim3A_68 = vector.broadcast %broadcast_in_dim3A_67 : i32 to vector<16xi32>
        %get3A_69 = arith.constant 1 : i32
        %get3A_70 = arith.index_cast %get3A_69 : i32 to index
        %get3A_71 = arith.index_cast %min3A_59 : i32 to index
        %get3A_72 = tpu.vector_load %arg13[%get3A_70, %get3A_71] {strides = array<i32>} : memref<8x200xf32, #tpu.memory_space<vmem>>, vector<16xf32>,
        tpu.vector_store_idx %arg14[%add3A_61, %broadcast_in_dim3A_68], %get3A_72 : memref<200x16xf32, #tpu.memory_space<vmem>>[vector<16xi32>, vector<16xi32>], vector<16xf32>,
        %broadcast_in_dim3A_73 = arith.constant 2 : i32
        %broadcast_in_dim3A_74 = vector.broadcast %broadcast_in_dim3A_73 : i32 to vector<16xi32>
        %get3A_75 = arith.constant 2 : i32
        %get3A_76 = arith.index_cast %get3A_75 : i32 to index
        %get3A_77 = arith.index_cast %min3A_59 : i32 to index
        %get3A_78 = tpu.vector_load %arg13[%get3A_76, %get3A_77] {strides = array<i32>} : memref<8x200xf32, #tpu.memory_space<vmem>>, vector<16xf32>,
        tpu.vector_store_idx %arg14[%add3A_61, %broadcast_in_dim3A_74], %get3A_78 : memref<200x16xf32, #tpu.memory_space<vmem>>[vector<16xi32>, vector<16xi32>], vector<16xf32>,
      }
      %scan3A_51 = arith.constant 13 : i32
      "tpu.region"() ({
        %run_scoped3A = tpu.sem_alloc : memref<!tpu.dma_semaphore, #tpu.memory_space<semaphore_mem>>
        %dma_start3A_52 = arith.constant 0 : i32
        %dma_start3A_53 = arith.constant 0 : i32
        %dma_start3A_54 = tpu.memref_slice %arg9[%dma_start3A_52, %dma_start3A_53] : memref<10000x128xf32, #tpu.memory_space<vmem_shared>> -> memref<10000x128xf32, #tpu.memory_space<vmem_shared>>
        tpu.enqueue_indirect_dma source(%arg12 : memref<200x128xf32, #tpu.memory_space<vmem>>) target(%dma_start3A_54 : memref<10000x128xf32, #tpu.memory_space<vmem_shared>>) offsets(%arg11 : memref<200xi32, #tpu.memory_space<vmem>>) semaphore(%run_scoped3A : memref<!tpu.dma_semaphore, #tpu.memory_space<semaphore_mem>>) {add = true}
        %dma_wait3A_55 = arith.constant 0 : i32
        %dma_wait3A_56 = arith.constant 0 : i32
        %dma_wait3A_57 = tpu.memref_slice %arg9[%dma_wait3A_55, %dma_wait3A_56] : memref<10000x128xf32, #tpu.memory_space<vmem_shared>> -> memref<10000x128xf32, #tpu.memory_space<vmem_shared>>
        tpu.wait_indirect_dma semaphore(%run_scoped3A : memref<!tpu.dma_semaphore, #tpu.memory_space<semaphore_mem>>) src(%arg12 : memref<200x128xf32, #tpu.memory_space<vmem>>) dst(%dma_wait3A_57 : memref<10000x128xf32, #tpu.memory_space<vmem_shared>>)
        tpu.yield
      }) : () -> ()
      "tpu.region"() ({
        %run_scoped3A = tpu.sem_alloc : memref<!tpu.dma_semaphore, #tpu.memory_space<semaphore_mem>>
        %dma_start3A_52 = arith.constant 0 : i32
        %dma_start3A_53 = arith.constant 0 : i32
        %dma_start3A_54 = tpu.memref_slice %arg10[%dma_start3A_52, %dma_start3A_53] : memref<10000x16xf32, #tpu.memory_space<vmem_shared>> -> memref<10000x16xf32, #tpu.memory_space<vmem_shared>>
        tpu.enqueue_indirect_dma source(%arg14 : memref<200x16xf32, #tpu.memory_space<vmem>>) target(%dma_start3A_54 : memref<10000x16xf32, #tpu.memory_space<vmem_shared>>) offsets(%arg11 : memref<200xi32, #tpu.memory_space<vmem>>) semaphore(%run_scoped3A : memref<!tpu.dma_semaphore, #tpu.memory_space<semaphore_mem>>) {add = true}
        %dma_wait3A_55 = arith.constant 0 : i32
        %dma_wait3A_56 = arith.constant 0 : i32
        %dma_wait3A_57 = tpu.memref_slice %arg10[%dma_wait3A_55, %dma_wait3A_56] : memref<10000x16xf32, #tpu.memory_space<vmem_shared>> -> memref<10000x16xf32, #tpu.memory_space<vmem_shared>>
        tpu.wait_indirect_dma semaphore(%run_scoped3A : memref<!tpu.dma_semaphore, #tpu.memory_space<semaphore_mem>>) src(%arg14 : memref<200x16xf32, #tpu.memory_space<vmem>>) dst(%dma_wait3A_57 : memref<10000x16xf32, #tpu.memory_space<vmem_shared>>)
        tpu.yield
      }) : () -> ()
    }
    %scan3A_16 = arith.constant 25 : i32
    %barrier3A_17 = arith.constant 0 : index
    tpu.barrier barrier_id(%barrier3A_17)
    "tpu.region"() ({
      %run_scoped3A = tpu.sem_alloc : memref<!tpu.dma_semaphore, #tpu.memory_space<semaphore_mem>>
      %dma_start3A = arith.constant 0 : i32
      %dma_start3A_18 = arith.constant 0 : i32
      %dma_start3A_19 = tpu.memref_slice %arg7[%arg0, %dma_start3A, %dma_start3A_18] : memref<2x10000x128xf32, #tpu.memory_space<hbm>> -> memref<1x10000x128xf32, #tpu.memory_space<hbm>>
      %dma_start3A_20 = tpu.memref_squeeze %dma_start3A_19 : memref<1x10000x128xf32, #tpu.memory_space<hbm>> -> memref<10000x128xf32, #tpu.memory_space<hbm>>
      %dma_start3A_21 = arith.constant 0 : i32
      %dma_start3A_22 = tpu.memref_slice %dma_start3A_20[%mul3A_4, %dma_start3A_21] : memref<10000x128xf32, #tpu.memory_space<hbm>> -> memref<625x128xf32, #tpu.memory_space<hbm>>
      %dma_start3A_23 = arith.constant 0 : i32
      %dma_start3A_24 = tpu.memref_slice %arg9[%mul3A_4, %dma_start3A_23] : memref<10000x128xf32, #tpu.memory_space<vmem_shared>> -> memref<625x128xf32, #tpu.memory_space<vmem_shared>>
      tpu.enqueue_dma source(%dma_start3A_24 : memref<625x128xf32, #tpu.memory_space<vmem_shared>>) target(%dma_start3A_22 : memref<625x128xf32, #tpu.memory_space<hbm>>) target_semaphore(%run_scoped3A : memref<!tpu.dma_semaphore, #tpu.memory_space<semaphore_mem>>)
      %dma_wait3A = arith.constant 0 : i32
      %dma_wait3A_25 = arith.constant 0 : i32
      %dma_wait3A_26 = tpu.memref_slice %arg7[%arg0, %dma_wait3A, %dma_wait3A_25] : memref<2x10000x128xf32, #tpu.memory_space<hbm>> -> memref<1x10000x128xf32, #tpu.memory_space<hbm>>
      %dma_wait3A_27 = tpu.memref_squeeze %dma_wait3A_26 : memref<1x10000x128xf32, #tpu.memory_space<hbm>> -> memref<10000x128xf32, #tpu.memory_space<hbm>>
      %dma_wait3A_28 = arith.constant 0 : i32
      %dma_wait3A_29 = tpu.memref_slice %dma_wait3A_27[%mul3A_4, %dma_wait3A_28] : memref<10000x128xf32, #tpu.memory_space<hbm>> -> memref<625x128xf32, #tpu.memory_space<hbm>>
      %dma_wait3A_30 = arith.constant 0 : i32
      %dma_wait3A_31 = tpu.memref_slice %arg9[%mul3A_4, %dma_wait3A_30] : memref<10000x128xf32, #tpu.memory_space<vmem_shared>> -> memref<625x128xf32, #tpu.memory_space<vmem_shared>>
      tpu.wait_dma2 semaphore(%run_scoped3A : memref<!tpu.dma_semaphore, #tpu.memory_space<semaphore_mem>>) src(%dma_wait3A_31 : memref<625x128xf32, #tpu.memory_space<vmem_shared>>) dst(%dma_wait3A_29 : memref<625x128xf32, #tpu.memory_space<hbm>>)
      tpu.yield
    }) : () -> ()
    "tpu.region"() ({
      %run_scoped3A = tpu.sem_alloc : memref<!tpu.dma_semaphore, #tpu.memory_space<semaphore_mem>>
      %dma_start3A = arith.constant 0 : i32
      %dma_start3A_18 = arith.constant 0 : i32
      %dma_start3A_19 = tpu.memref_slice %arg8[%arg0, %dma_start3A, %dma_start3A_18] : memref<2x10000x16xf32, #tpu.memory_space<hbm>> -> memref<1x10000x16xf32, #tpu.memory_space<hbm>>
      %dma_start3A_20 = tpu.memref_squeeze %dma_start3A_19 : memref<1x10000x16xf32, #tpu.memory_space<hbm>> -> memref<10000x16xf32, #tpu.memory_space<hbm>>
      %dma_start3A_21 = arith.constant 0 : i32
      %dma_start3A_22 = tpu.memref_slice %dma_start3A_20[%mul3A_4, %dma_start3A_21] : memref<10000x16xf32, #tpu.memory_space<hbm>> -> memref<625x16xf32, #tpu.memory_space<hbm>>
      %dma_start3A_23 = arith.constant 0 : i32
      %dma_start3A_24 = tpu.memref_slice %arg10[%mul3A_4, %dma_start3A_23] : memref<10000x16xf32, #tpu.memory_space<vmem_shared>> -> memref<625x16xf32, #tpu.memory_space<vmem_shared>>
      tpu.enqueue_dma source(%dma_start3A_24 : memref<625x16xf32, #tpu.memory_space<vmem_shared>>) target(%dma_start3A_22 : memref<625x16xf32, #tpu.memory_space<hbm>>) target_semaphore(%run_scoped3A : memref<!tpu.dma_semaphore, #tpu.memory_space<semaphore_mem>>)
      %dma_wait3A = arith.constant 0 : i32
      %dma_wait3A_25 = arith.constant 0 : i32
      %dma_wait3A_26 = tpu.memref_slice %arg8[%arg0, %dma_wait3A, %dma_wait3A_25] : memref<2x10000x16xf32, #tpu.memory_space<hbm>> -> memref<1x10000x16xf32, #tpu.memory_space<hbm>>
      %dma_wait3A_27 = tpu.memref_squeeze %dma_wait3A_26 : memref<1x10000x16xf32, #tpu.memory_space<hbm>> -> memref<10000x16xf32, #tpu.memory_space<hbm>>
      %dma_wait3A_28 = arith.constant 0 : i32
      %dma_wait3A_29 = tpu.memref_slice %dma_wait3A_27[%mul3A_4, %dma_wait3A_28] : memref<10000x16xf32, #tpu.memory_space<hbm>> -> memref<625x16xf32, #tpu.memory_space<hbm>>
      %dma_wait3A_30 = arith.constant 0 : i32
      %dma_wait3A_31 = tpu.memref_slice %arg10[%mul3A_4, %dma_wait3A_30] : memref<10000x16xf32, #tpu.memory_space<vmem_shared>> -> memref<625x16xf32, #tpu.memory_space<vmem_shared>>
      tpu.wait_dma2 semaphore(%run_scoped3A : memref<!tpu.dma_semaphore, #tpu.memory_space<semaphore_mem>>) src(%dma_wait3A_31 : memref<625x16xf32, #tpu.memory_space<vmem_shared>>) dst(%dma_wait3A_29 : memref<625x16xf32, #tpu.memory_space<hbm>>)
      tpu.yield
    }) : () -> ()
    return
  }
}

#map = affine_map<(d0, d1) -> (0, 0)>
#map1 = affine_map<(d0, d1) -> (0)>
#map2 = affine_map<(d0, d1) -> (0, 0, 0)>
module attributes {stable_mosaic.version = 14 : i64} {
  func.func @k(%arg0: i32, %arg1: i32, %arg2: memref<160000x128xf32, #tpu.memory_space<hbm>>, %arg3: memref<8x160000xf32, #tpu.memory_space<hbm>>, %arg4: memref<320000xi32, #tpu.memory_space<hbm>>, %arg5: memref<10000x128xf32, #tpu.memory_space<hbm>>, %arg6: memref<10000x16xf32, #tpu.memory_space<hbm>>, %arg7: memref<2x10000x128xf32, #tpu.memory_space<hbm>>, %arg8: memref<2x10000x16xf32, #tpu.memory_space<hbm>>, %arg9: memref<10000x128xf32, #tpu.memory_space<vmem_shared>>, %arg10: memref<10000x16xf32, #tpu.memory_space<vmem_shared>>, %arg11: memref<200xi32, #tpu.memory_space<vmem>>, %arg12: memref<200x128xf32, #tpu.memory_space<vmem>>, %arg13: memref<8x200xf32, #tpu.memory_space<vmem>>, %arg14: memref<200x16xf32, #tpu.memory_space<vmem>>, %arg15: memref<!tpu.dma_semaphore, #tpu.memory_space<semaphore_mem>>) attributes {dimension_semantics = [#tpu.dimension_semantics<core_parallel>, #tpu.dimension_semantics<subcore_parallel>], iteration_bounds = array<i64: 2, 16>, scalar_prefetch = 0 : i64, scratch_operands = 7 : i64, tpu.core_type = #tpu.core_type<sc_vector_subcore>, window_params = [{transform_indices = #map}, {transform_indices = #map}, {transform_indices = #map1}, {transform_indices = #map}, {transform_indices = #map}, {transform_indices = #map2}, {transform_indices = #map2}]} {
    %mul3A = arith.constant 2 : i32
    %mul3A_0 = arith.muli %arg1, %mul3A : i32
    %add3A = arith.addi %mul3A_0, %arg0 : i32
    %mul3A_1 = arith.constant 5000 : i32
    %mul3A_2 = arith.muli %add3A, %mul3A_1 : i32
    %mul3A_3 = arith.constant 625 : i32
    %mul3A_4 = arith.muli %arg1, %mul3A_3 : i32
    %add3A_5 = arith.constant 160000 : i32
    %add3A_6 = arith.addi %add3A_5, %mul3A_2 : i32
    %broadcast_in_dim3A = arith.constant 0.000000e+00 : f32
    %broadcast_in_dim3A_7 = vector.broadcast %broadcast_in_dim3A : f32 to vector<16xf32>
    %scan3A = arith.constant 0 : i32
    %scan3A_8 = arith.constant 200 : i32
    %scan3A_9 = arith.addi %scan3A, %scan3A_8 : i32
    %scan3A_10 = arith.constant 1 : i32
    scf.for %scan3A_18 = %scan3A to %scan3A_9 step %scan3A_10  : i32 {
      %mul3A_19 = arith.constant 1 : i32
      %mul3A_20 = arith.muli %scan3A_18, %mul3A_19 : i32
      %add3A_21 = arith.constant 0 : i32
      %add3A_22 = arith.addi %add3A_21, %mul3A_20 : i32
      %swap3A = arith.index_cast %add3A_22 : i32 to index
      %swap3A_23 = arith.constant 0 : index
      %swap3A_24 = tpu.vector_load %arg14[%swap3A, %swap3A_23] {strides = array<i32>} : memref<200x16xf32, #tpu.memory_space<vmem>>, vector<16xf32>,
      tpu.vector_store %arg14[%swap3A, %swap3A_23], %broadcast_in_dim3A_7 {strides = array<i32>} : memref<200x16xf32, #tpu.memory_space<vmem>>, vector<16xf32>,
    }
    %scan3A_11 = arith.constant 200 : i32
    "tpu.region"() ({
      %run_scoped3A = tpu.sem_alloc : memref<!tpu.dma_semaphore, #tpu.memory_space<semaphore_mem>>
      %dma_start3A = arith.constant 0 : i32
      %dma_start3A_18 = tpu.memref_slice %arg9[%mul3A_4, %dma_start3A] : memref<10000x128xf32, #tpu.memory_space<vmem_shared>> -> memref<625x128xf32, #tpu.memory_space<vmem_shared>>
      %dma_start3A_19 = arith.constant 0 : i32
      %dma_start3A_20 = tpu.memref_slice %arg5[%mul3A_4, %dma_start3A_19] : memref<10000x128xf32, #tpu.memory_space<hbm>> -> memref<625x128xf32, #tpu.memory_space<hbm>>
      tpu.enqueue_dma source(%dma_start3A_20 : memref<625x128xf32, #tpu.memory_space<hbm>>) target(%dma_start3A_18 : memref<625x128xf32, #tpu.memory_space<vmem_shared>>) target_semaphore(%run_scoped3A : memref<!tpu.dma_semaphore, #tpu.memory_space<semaphore_mem>>)
      %dma_wait3A = arith.constant 0 : i32
      %dma_wait3A_21 = tpu.memref_slice %arg9[%mul3A_4, %dma_wait3A] : memref<10000x128xf32, #tpu.memory_space<vmem_shared>> -> memref<625x128xf32, #tpu.memory_space<vmem_shared>>
      %dma_wait3A_22 = arith.constant 0 : i32
      %dma_wait3A_23 = tpu.memref_slice %arg5[%mul3A_4, %dma_wait3A_22] : memref<10000x128xf32, #tpu.memory_space<hbm>> -> memref<625x128xf32, #tpu.memory_space<hbm>>
      tpu.wait_dma2 semaphore(%run_scoped3A : memref<!tpu.dma_semaphore, #tpu.memory_space<semaphore_mem>>) src(%dma_wait3A_23 : memref<625x128xf32, #tpu.memory_space<hbm>>) dst(%dma_wait3A_21 : memref<625x128xf32, #tpu.memory_space<vmem_shared>>)
      tpu.yield
    }) : () -> ()
    "tpu.region"() ({
      %run_scoped3A = tpu.sem_alloc : memref<!tpu.dma_semaphore, #tpu.memory_space<semaphore_mem>>
      %dma_start3A = arith.constant 0 : i32
      %dma_start3A_18 = tpu.memref_slice %arg10[%mul3A_4, %dma_start3A] : memref<10000x16xf32, #tpu.memory_space<vmem_shared>> -> memref<625x16xf32, #tpu.memory_space<vmem_shared>>
      %dma_start3A_19 = arith.constant 0 : i32
      %dma_start3A_20 = tpu.memref_slice %arg6[%mul3A_4, %dma_start3A_19] : memref<10000x16xf32, #tpu.memory_space<hbm>> -> memref<625x16xf32, #tpu.memory_space<hbm>>
      tpu.enqueue_dma source(%dma_start3A_20 : memref<625x16xf32, #tpu.memory_space<hbm>>) target(%dma_start3A_18 : memref<625x16xf32, #tpu.memory_space<vmem_shared>>) target_semaphore(%run_scoped3A : memref<!tpu.dma_semaphore, #tpu.memory_space<semaphore_mem>>)
      %dma_wait3A = arith.constant 0 : i32
      %dma_wait3A_21 = tpu.memref_slice %arg10[%mul3A_4, %dma_wait3A] : memref<10000x16xf32, #tpu.memory_space<vmem_shared>> -> memref<625x16xf32, #tpu.memory_space<vmem_shared>>
      %dma_wait3A_22 = arith.constant 0 : i32
      %dma_wait3A_23 = tpu.memref_slice %arg6[%mul3A_4, %dma_wait3A_22] : memref<10000x16xf32, #tpu.memory_space<hbm>> -> memref<625x16xf32, #tpu.memory_space<hbm>>
      tpu.wait_dma2 semaphore(%run_scoped3A : memref<!tpu.dma_semaphore, #tpu.memory_space<semaphore_mem>>) src(%dma_wait3A_23 : memref<625x16xf32, #tpu.memory_space<hbm>>) dst(%dma_wait3A_21 : memref<625x16xf32, #tpu.memory_space<vmem_shared>>)
      tpu.yield
    }) : () -> ()
    %barrier3A = arith.constant 0 : index
    tpu.barrier barrier_id(%barrier3A)
    %scan3A_12 = arith.constant 0 : i32
    %scan3A_13 = arith.constant 25 : i32
    %scan3A_14 = arith.addi %scan3A_12, %scan3A_13 : i32
    %scan3A_15 = arith.constant 1 : i32
    scf.for %scan3A_18 = %scan3A_12 to %scan3A_14 step %scan3A_15  : i32 {
      %mul3A_19 = arith.constant 1 : i32
      %mul3A_20 = arith.muli %scan3A_18, %mul3A_19 : i32
      %add3A_21 = arith.constant 0 : i32
      %add3A_22 = arith.addi %add3A_21, %mul3A_20 : i32
      %mul3A_23 = arith.constant 200 : i32
      %mul3A_24 = arith.muli %add3A_22, %mul3A_23 : i32
      %add3A_25 = arith.addi %add3A_6, %mul3A_24 : i32
      %mul3A_26 = arith.constant 200 : i32
      %mul3A_27 = arith.muli %add3A_22, %mul3A_26 : i32
      %add3A_28 = arith.addi %mul3A_2, %mul3A_27 : i32
      %dma_start3A = tpu.memref_slice %arg4[%add3A_25] : memref<320000xi32, #tpu.memory_space<hbm>> -> memref<200xi32, #tpu.memory_space<hbm>>
      %dma_start3A_29 = tpu.memref_slice %arg4[%add3A_25] : memref<320000xi32, #tpu.memory_space<hbm>> -> memref<200xi32, #tpu.memory_space<hbm>>
      tpu.enqueue_dma source(%dma_start3A_29 : memref<200xi32, #tpu.memory_space<hbm>>) target(%arg11 : memref<200xi32, #tpu.memory_space<vmem>>) target_semaphore(%arg15 : memref<!tpu.dma_semaphore, #tpu.memory_space<semaphore_mem>>)
      %dma_start3A_30 = arith.constant 0 : i32
      %dma_start3A_31 = tpu.memref_slice %arg2[%add3A_28, %dma_start3A_30] : memref<160000x128xf32, #tpu.memory_space<hbm>> -> memref<200x128xf32, #tpu.memory_space<hbm>>
      %dma_start3A_32 = arith.constant 0 : i32
      %dma_start3A_33 = tpu.memref_slice %arg2[%add3A_28, %dma_start3A_32] : memref<160000x128xf32, #tpu.memory_space<hbm>> -> memref<200x128xf32, #tpu.memory_space<hbm>>
      tpu.enqueue_dma source(%dma_start3A_33 : memref<200x128xf32, #tpu.memory_space<hbm>>) target(%arg12 : memref<200x128xf32, #tpu.memory_space<vmem>>) target_semaphore(%arg15 : memref<!tpu.dma_semaphore, #tpu.memory_space<semaphore_mem>>)
      %dma_start3A_34 = arith.constant 0 : i32
      %dma_start3A_35 = tpu.memref_slice %arg3[%dma_start3A_34, %add3A_28] : memref<8x160000xf32, #tpu.memory_space<hbm>> -> memref<8x200xf32, #tpu.memory_space<hbm>>
      %dma_start3A_36 = arith.constant 0 : i32
      %dma_start3A_37 = tpu.memref_slice %arg3[%dma_start3A_36, %add3A_28] : memref<8x160000xf32, #tpu.memory_space<hbm>> -> memref<8x200xf32, #tpu.memory_space<hbm>>
      tpu.enqueue_dma source(%dma_start3A_37 : memref<8x200xf32, #tpu.memory_space<hbm>>) target(%arg13 : memref<8x200xf32, #tpu.memory_space<vmem>>) target_semaphore(%arg15 : memref<!tpu.dma_semaphore, #tpu.memory_space<semaphore_mem>>)
      %dma_wait3A = tpu.memref_slice %arg4[%add3A_25] : memref<320000xi32, #tpu.memory_space<hbm>> -> memref<200xi32, #tpu.memory_space<hbm>>
      %dma_wait3A_38 = tpu.memref_slice %arg4[%add3A_25] : memref<320000xi32, #tpu.memory_space<hbm>> -> memref<200xi32, #tpu.memory_space<hbm>>
      tpu.wait_dma2 semaphore(%arg15 : memref<!tpu.dma_semaphore, #tpu.memory_space<semaphore_mem>>) src(%dma_wait3A_38 : memref<200xi32, #tpu.memory_space<hbm>>) dst(%arg11 : memref<200xi32, #tpu.memory_space<vmem>>)
      %dma_wait3A_39 = arith.constant 0 : i32
      %dma_wait3A_40 = tpu.memref_slice %arg2[%add3A_28, %dma_wait3A_39] : memref<160000x128xf32, #tpu.memory_space<hbm>> -> memref<200x128xf32, #tpu.memory_space<hbm>>
      %dma_wait3A_41 = arith.constant 0 : i32
      %dma_wait3A_42 = tpu.memref_slice %arg2[%add3A_28, %dma_wait3A_41] : memref<160000x128xf32, #tpu.memory_space<hbm>> -> memref<200x128xf32, #tpu.memory_space<hbm>>
      tpu.wait_dma2 semaphore(%arg15 : memref<!tpu.dma_semaphore, #tpu.memory_space<semaphore_mem>>) src(%dma_wait3A_42 : memref<200x128xf32, #tpu.memory_space<hbm>>) dst(%arg12 : memref<200x128xf32, #tpu.memory_space<vmem>>)
      %dma_wait3A_43 = arith.constant 0 : i32
      %dma_wait3A_44 = tpu.memref_slice %arg3[%dma_wait3A_43, %add3A_28] : memref<8x160000xf32, #tpu.memory_space<hbm>> -> memref<8x200xf32, #tpu.memory_space<hbm>>
      %dma_wait3A_45 = arith.constant 0 : i32
      %dma_wait3A_46 = tpu.memref_slice %arg3[%dma_wait3A_45, %add3A_28] : memref<8x160000xf32, #tpu.memory_space<hbm>> -> memref<8x200xf32, #tpu.memory_space<hbm>>
      tpu.wait_dma2 semaphore(%arg15 : memref<!tpu.dma_semaphore, #tpu.memory_space<semaphore_mem>>) src(%dma_wait3A_46 : memref<8x200xf32, #tpu.memory_space<hbm>>) dst(%arg13 : memref<8x200xf32, #tpu.memory_space<vmem>>)
      %scan3A_47 = arith.constant 0 : i32
      %scan3A_48 = arith.constant 13 : i32
      %scan3A_49 = arith.addi %scan3A_47, %scan3A_48 : i32
      %scan3A_50 = arith.constant 1 : i32
      scf.for %scan3A_52 = %scan3A_47 to %scan3A_49 step %scan3A_50  : i32 {
        %mul3A_53 = arith.constant 1 : i32
        %mul3A_54 = arith.muli %scan3A_52, %mul3A_53 : i32
        %add3A_55 = arith.constant 0 : i32
        %add3A_56 = arith.addi %add3A_55, %mul3A_54 : i32
        %mul3A_57 = arith.constant 16 : i32
        %mul3A_58 = arith.muli %add3A_56, %mul3A_57 : i32
        %min3A = arith.constant 184 : i32
        %min3A_59 = arith.minsi %mul3A_58, %min3A : i32
        %iota3A = tpu.iota {dimensions = array<i32: 0>} : vector<16xi32>
        %add3A_60 = vector.broadcast %min3A_59 : i32 to vector<16xi32>
        %add3A_61 = arith.addi %iota3A, %add3A_60 : vector<16xi32>
        %broadcast_in_dim3A_62 = arith.constant 0 : i32
        %broadcast_in_dim3A_63 = vector.broadcast %broadcast_in_dim3A_62 : i32 to vector<16xi32>
        %get3A = arith.constant 0 : i32
        %get3A_64 = arith.index_cast %get3A : i32 to index
        %get3A_65 = arith.index_cast %min3A_59 : i32 to index
        %get3A_66 = tpu.vector_load %arg13[%get3A_64, %get3A_65] {strides = array<i32>} : memref<8x200xf32, #tpu.memory_space<vmem>>, vector<16xf32>,
        tpu.vector_store_idx %arg14[%add3A_61, %broadcast_in_dim3A_63], %get3A_66 : memref<200x16xf32, #tpu.memory_space<vmem>>[vector<16xi32>, vector<16xi32>], vector<16xf32>,
        %broadcast_in_dim3A_67 = arith.constant 1 : i32
        %broadcast_in_dim3A_68 = vector.broadcast %broadcast_in_dim3A_67 : i32 to vector<16xi32>
        %get3A_69 = arith.constant 1 : i32
        %get3A_70 = arith.index_cast %get3A_69 : i32 to index
        %get3A_71 = arith.index_cast %min3A_59 : i32 to index
        %get3A_72 = tpu.vector_load %arg13[%get3A_70, %get3A_71] {strides = array<i32>} : memref<8x200xf32, #tpu.memory_space<vmem>>, vector<16xf32>,
        tpu.vector_store_idx %arg14[%add3A_61, %broadcast_in_dim3A_68], %get3A_72 : memref<200x16xf32, #tpu.memory_space<vmem>>[vector<16xi32>, vector<16xi32>], vector<16xf32>,
        %broadcast_in_dim3A_73 = arith.constant 2 : i32
        %broadcast_in_dim3A_74 = vector.broadcast %broadcast_in_dim3A_73 : i32 to vector<16xi32>
        %get3A_75 = arith.constant 2 : i32
        %get3A_76 = arith.index_cast %get3A_75 : i32 to index
        %get3A_77 = arith.index_cast %min3A_59 : i32 to index
        %get3A_78 = tpu.vector_load %arg13[%get3A_76, %get3A_77] {strides = array<i32>} : memref<8x200xf32, #tpu.memory_space<vmem>>, vector<16xf32>,
        tpu.vector_store_idx %arg14[%add3A_61, %broadcast_in_dim3A_74], %get3A_78 : memref<200x16xf32, #tpu.memory_space<vmem>>[vector<16xi32>, vector<16xi32>], vector<16xf32>,
      }
      %scan3A_51 = arith.constant 13 : i32
      "tpu.region"() ({
        %run_scoped3A = tpu.sem_alloc : memref<!tpu.dma_semaphore, #tpu.memory_space<semaphore_mem>>
        %dma_start3A_52 = arith.constant 0 : i32
        %dma_start3A_53 = arith.constant 0 : i32
        %dma_start3A_54 = tpu.memref_slice %arg9[%dma_start3A_52, %dma_start3A_53] : memref<10000x128xf32, #tpu.memory_space<vmem_shared>> -> memref<10000x128xf32, #tpu.memory_space<vmem_shared>>
        tpu.enqueue_indirect_dma source(%arg12 : memref<200x128xf32, #tpu.memory_space<vmem>>) target(%dma_start3A_54 : memref<10000x128xf32, #tpu.memory_space<vmem_shared>>) offsets(%arg11 : memref<200xi32, #tpu.memory_space<vmem>>) semaphore(%run_scoped3A : memref<!tpu.dma_semaphore, #tpu.memory_space<semaphore_mem>>) {add = true}
        %dma_wait3A_55 = arith.constant 0 : i32
        %dma_wait3A_56 = arith.constant 0 : i32
        %dma_wait3A_57 = tpu.memref_slice %arg9[%dma_wait3A_55, %dma_wait3A_56] : memref<10000x128xf32, #tpu.memory_space<vmem_shared>> -> memref<10000x128xf32, #tpu.memory_space<vmem_shared>>
        tpu.wait_indirect_dma semaphore(%run_scoped3A : memref<!tpu.dma_semaphore, #tpu.memory_space<semaphore_mem>>) src(%arg12 : memref<200x128xf32, #tpu.memory_space<vmem>>) dst(%dma_wait3A_57 : memref<10000x128xf32, #tpu.memory_space<vmem_shared>>)
        tpu.yield
      }) : () -> ()
      "tpu.region"() ({
        %run_scoped3A = tpu.sem_alloc : memref<!tpu.dma_semaphore, #tpu.memory_space<semaphore_mem>>
        %dma_start3A_52 = arith.constant 0 : i32
        %dma_start3A_53 = arith.constant 0 : i32
        %dma_start3A_54 = tpu.memref_slice %arg10[%dma_start3A_52, %dma_start3A_53] : memref<10000x16xf32, #tpu.memory_space<vmem_shared>> -> memref<10000x16xf32, #tpu.memory_space<vmem_shared>>
        tpu.enqueue_indirect_dma source(%arg14 : memref<200x16xf32, #tpu.memory_space<vmem>>) target(%dma_start3A_54 : memref<10000x16xf32, #tpu.memory_space<vmem_shared>>) offsets(%arg11 : memref<200xi32, #tpu.memory_space<vmem>>) semaphore(%run_scoped3A : memref<!tpu.dma_semaphore, #tpu.memory_space<semaphore_mem>>) {add = true}
        %dma_wait3A_55 = arith.constant 0 : i32
        %dma_wait3A_56 = arith.constant 0 : i32
        %dma_wait3A_57 = tpu.memref_slice %arg10[%dma_wait3A_55, %dma_wait3A_56] : memref<10000x16xf32, #tpu.memory_space<vmem_shared>> -> memref<10000x16xf32, #tpu.memory_space<vmem_shared>>
        tpu.wait_indirect_dma semaphore(%run_scoped3A : memref<!tpu.dma_semaphore, #tpu.memory_space<semaphore_mem>>) src(%arg14 : memref<200x16xf32, #tpu.memory_space<vmem>>) dst(%dma_wait3A_57 : memref<10000x16xf32, #tpu.memory_space<vmem_shared>>)
        tpu.yield
      }) : () -> ()
    }
    %scan3A_16 = arith.constant 25 : i32
    %barrier3A_17 = arith.constant 0 : index
    tpu.barrier barrier_id(%barrier3A_17)
    "tpu.region"() ({
      %run_scoped3A = tpu.sem_alloc : memref<!tpu.dma_semaphore, #tpu.memory_space<semaphore_mem>>
      %dma_start3A = arith.constant 0 : i32
      %dma_start3A_18 = arith.constant 0 : i32
      %dma_start3A_19 = tpu.memref_slice %arg7[%arg0, %dma_start3A, %dma_start3A_18] : memref<2x10000x128xf32, #tpu.memory_space<hbm>> -> memref<1x10000x128xf32, #tpu.memory_space<hbm>>
      %dma_start3A_20 = tpu.memref_squeeze %dma_start3A_19 : memref<1x10000x128xf32, #tpu.memory_space<hbm>> -> memref<10000x128xf32, #tpu.memory_space<hbm>>
      %dma_start3A_21 = arith.constant 0 : i32
      %dma_start3A_22 = tpu.memref_slice %dma_start3A_20[%mul3A_4, %dma_start3A_21] : memref<10000x128xf32, #tpu.memory_space<hbm>> -> memref<625x128xf32, #tpu.memory_space<hbm>>
      %dma_start3A_23 = arith.constant 0 : i32
      %dma_start3A_24 = tpu.memref_slice %arg9[%mul3A_4, %dma_start3A_23] : memref<10000x128xf32, #tpu.memory_space<vmem_shared>> -> memref<625x128xf32, #tpu.memory_space<vmem_shared>>
      tpu.enqueue_dma source(%dma_start3A_24 : memref<625x128xf32, #tpu.memory_space<vmem_shared>>) target(%dma_start3A_22 : memref<625x128xf32, #tpu.memory_space<hbm>>) target_semaphore(%run_scoped3A : memref<!tpu.dma_semaphore, #tpu.memory_space<semaphore_mem>>)
      %dma_wait3A = arith.constant 0 : i32
      %dma_wait3A_25 = arith.constant 0 : i32
      %dma_wait3A_26 = tpu.memref_slice %arg7[%arg0, %dma_wait3A, %dma_wait3A_25] : memref<2x10000x128xf32, #tpu.memory_space<hbm>> -> memref<1x10000x128xf32, #tpu.memory_space<hbm>>
      %dma_wait3A_27 = tpu.memref_squeeze %dma_wait3A_26 : memref<1x10000x128xf32, #tpu.memory_space<hbm>> -> memref<10000x128xf32, #tpu.memory_space<hbm>>
      %dma_wait3A_28 = arith.constant 0 : i32
      %dma_wait3A_29 = tpu.memref_slice %dma_wait3A_27[%mul3A_4, %dma_wait3A_28] : memref<10000x128xf32, #tpu.memory_space<hbm>> -> memref<625x128xf32, #tpu.memory_space<hbm>>
      %dma_wait3A_30 = arith.constant 0 : i32
      %dma_wait3A_31 = tpu.memref_slice %arg9[%mul3A_4, %dma_wait3A_30] : memref<10000x128xf32, #tpu.memory_space<vmem_shared>> -> memref<625x128xf32, #tpu.memory_space<vmem_shared>>
      tpu.wait_dma2 semaphore(%run_scoped3A : memref<!tpu.dma_semaphore, #tpu.memory_space<semaphore_mem>>) src(%dma_wait3A_31 : memref<625x128xf32, #tpu.memory_space<vmem_shared>>) dst(%dma_wait3A_29 : memref<625x128xf32, #tpu.memory_space<hbm>>)
      tpu.yield
    }) : () -> ()
    "tpu.region"() ({
      %run_scoped3A = tpu.sem_alloc : memref<!tpu.dma_semaphore, #tpu.memory_space<semaphore_mem>>
      %dma_start3A = arith.constant 0 : i32
      %dma_start3A_18 = arith.constant 0 : i32
      %dma_start3A_19 = tpu.memref_slice %arg8[%arg0, %dma_start3A, %dma_start3A_18] : memref<2x10000x16xf32, #tpu.memory_space<hbm>> -> memref<1x10000x16xf32, #tpu.memory_space<hbm>>
      %dma_start3A_20 = tpu.memref_squeeze %dma_start3A_19 : memref<1x10000x16xf32, #tpu.memory_space<hbm>> -> memref<10000x16xf32, #tpu.memory_space<hbm>>
      %dma_start3A_21 = arith.constant 0 : i32
      %dma_start3A_22 = tpu.memref_slice %dma_start3A_20[%mul3A_4, %dma_start3A_21] : memref<10000x16xf32, #tpu.memory_space<hbm>> -> memref<625x16xf32, #tpu.memory_space<hbm>>
      %dma_start3A_23 = arith.constant 0 : i32
      %dma_start3A_24 = tpu.memref_slice %arg10[%mul3A_4, %dma_start3A_23] : memref<10000x16xf32, #tpu.memory_space<vmem_shared>> -> memref<625x16xf32, #tpu.memory_space<vmem_shared>>
      tpu.enqueue_dma source(%dma_start3A_24 : memref<625x16xf32, #tpu.memory_space<vmem_shared>>) target(%dma_start3A_22 : memref<625x16xf32, #tpu.memory_space<hbm>>) target_semaphore(%run_scoped3A : memref<!tpu.dma_semaphore, #tpu.memory_space<semaphore_mem>>)
      %dma_wait3A = arith.constant 0 : i32
      %dma_wait3A_25 = arith.constant 0 : i32
      %dma_wait3A_26 = tpu.memref_slice %arg8[%arg0, %dma_wait3A, %dma_wait3A_25] : memref<2x10000x16xf32, #tpu.memory_space<hbm>> -> memref<1x10000x16xf32, #tpu.memory_space<hbm>>
      %dma_wait3A_27 = tpu.memref_squeeze %dma_wait3A_26 : memref<1x10000x16xf32, #tpu.memory_space<hbm>> -> memref<10000x16xf32, #tpu.memory_space<hbm>>
      %dma_wait3A_28 = arith.constant 0 : i32
      %dma_wait3A_29 = tpu.memref_slice %dma_wait3A_27[%mul3A_4, %dma_wait3A_28] : memref<10000x16xf32, #tpu.memory_space<hbm>> -> memref<625x16xf32, #tpu.memory_space<hbm>>
      %dma_wait3A_30 = arith.constant 0 : i32
      %dma_wait3A_31 = tpu.memref_slice %arg10[%mul3A_4, %dma_wait3A_30] : memref<10000x16xf32, #tpu.memory_space<vmem_shared>> -> memref<625x16xf32, #tpu.memory_space<vmem_shared>>
      tpu.wait_dma2 semaphore(%run_scoped3A : memref<!tpu.dma_semaphore, #tpu.memory_space<semaphore_mem>>) src(%dma_wait3A_31 : memref<625x16xf32, #tpu.memory_space<vmem_shared>>) dst(%dma_wait3A_29 : memref<625x16xf32, #tpu.memory_space<hbm>>)
      tpu.yield
    }) : () -> ()
    return
  }
}

module attributes {stable_mosaic.version = 14 : i64} {
  func.func @_edge_body(%arg0: i32, %arg1: memref<640x128xf32, #tpu.memory_space<vmem>>, %arg2: memref<640x128xf32, #tpu.memory_space<vmem>>, %arg3: memref<8x640xf32, #tpu.memory_space<vmem>>, %arg4: memref<640x16xf32, #tpu.memory_space<vmem>>, %arg5: memref<128x256xbf16, #tpu.memory_space<vmem>>, %arg6: memref<128x256xbf16, #tpu.memory_space<vmem>>, %arg7: memref<16x256xbf16, #tpu.memory_space<vmem>>, %arg8: memref<1x256xf32, #tpu.memory_space<vmem>>, %arg9: memref<1x256xf32, #tpu.memory_space<vmem>>, %arg10: memref<128x128xbf16, #tpu.memory_space<vmem>>, %arg11: memref<1x128xf32, #tpu.memory_space<vmem>>, %arg12: memref<128x8xbf16, #tpu.memory_space<vmem>>, %arg13: memref<1x1xf32, #tpu.memory_space<vmem>>, %arg14: memref<128x8xbf16, #tpu.memory_space<vmem>>, %arg15: memref<640x128xf32, #tpu.memory_space<vmem>>, %arg16: memref<8x640xf32, #tpu.memory_space<vmem>>) attributes {dimension_semantics = [#tpu.dimension_semantics<arbitrary>], iteration_bounds = array<i64: 250>, scalar_prefetch = 0 : i64, scratch_operands = 0 : i64, tpu.core_type = #tpu.core_type<tc>, window_params = [{transform_indices = @transform_0, window_bounds = array<i64: 640, 128>}, {transform_indices = @transform_1, window_bounds = array<i64: 640, 128>}, {transform_indices = @transform_2, window_bounds = array<i64: 8, 640>}, {transform_indices = @transform_3, window_bounds = array<i64: 640, 16>}, {pipeline_mode = #tpu.pipeline_mode<synchronous>, transform_indices = @transform_4, window_bounds = array<i64: 128, 256>}, {pipeline_mode = #tpu.pipeline_mode<synchronous>, transform_indices = @transform_5, window_bounds = array<i64: 128, 256>}, {pipeline_mode = #tpu.pipeline_mode<synchronous>, transform_indices = @transform_6, window_bounds = array<i64: 16, 256>}, {pipeline_mode = #tpu.pipeline_mode<synchronous>, transform_indices = @transform_7, window_bounds = array<i64: 1, 256>}, {pipeline_mode = #tpu.pipeline_mode<synchronous>, transform_indices = @transform_8, window_bounds = array<i64: 1, 256>}, {pipeline_mode = #tpu.pipeline_mode<synchronous>, transform_indices = @transform_9, window_bounds = array<i64: 128, 128>}, {pipeline_mode = #tpu.pipeline_mode<synchronous>, transform_indices = @transform_10, window_bounds = array<i64: 1, 128>}, {pipeline_mode = #tpu.pipeline_mode<synchronous>, transform_indices = @transform_11, window_bounds = array<i64: 128, 8>}, {pipeline_mode = #tpu.pipeline_mode<synchronous>, transform_indices = @transform_12, window_bounds = array<i64: 1, 1>}, {pipeline_mode = #tpu.pipeline_mode<synchronous>, transform_indices = @transform_13, window_bounds = array<i64: 128, 8>}, {transform_indices = @transform_14, window_bounds = array<i64: 640, 128>}, {transform_indices = @transform_15, window_bounds = array<i64: 8, 640>}]} {
    %get3A = arith.constant 0 : index
    %get3A_0 = arith.constant 0 : index
    %get3A_1 = vector.load %arg3[%get3A, %get3A_0] : memref<8x640xf32, #tpu.memory_space<vmem>>, vector<8x640xf32>
    %transpose3A = tpu.transpose %get3A_1, [1, 0] : vector<8x640xf32> -> vector<640x8xf32>
    %slice3A = vector.extract_strided_slice %transpose3A {offsets = [0, 3], sizes = [640, 1], strides = [1, 1]} : vector<640x8xf32> to vector<640x1xf32>
    %add3A = arith.constant 9.99999996E-13 : f32
    %add3A_2 = vector.broadcast %add3A : f32 to vector<640x1xf32>
    %add3A_3 = arith.addf %slice3A, %add3A_2 : vector<640x1xf32>
    %sqrt3A = math.sqrt %add3A_3 : vector<640x1xf32>
    %get3A_4 = arith.constant 0 : index
    %get3A_5 = arith.constant 0 : index
    %get3A_6 = vector.load %arg1[%get3A_4, %get3A_5] : memref<640x128xf32, #tpu.memory_space<vmem>>, vector<640x128xf32>
    %convert_element_type3A = arith.truncf %get3A_6 : vector<640x128xf32> to vector<640x128xbf16>
    %get3A_7 = arith.constant 0 : index
    %get3A_8 = arith.constant 0 : index
    %get3A_9 = vector.load %arg5[%get3A_7, %get3A_8] : memref<128x256xbf16, #tpu.memory_space<vmem>>, vector<128x256xbf16>
    %dot_general3A = arith.constant dense<0.000000e+00> : vector<640x256xf32>
    %dot_general3A_10 = tpu.matmul %convert_element_type3A, %get3A_9, %dot_general3A {dimension_numbers = #tpu.dot_dimension_numbers<[1], [0], [0], [1], [0, 0, 1, 1], [], []>, transpose_lhs_hint = false} : vector<640x128xbf16>, vector<128x256xbf16>, vector<640x256xf32> -> vector<640x256xf32>
    %get3A_11 = arith.constant 0 : index
    %get3A_12 = arith.constant 0 : index
    %get3A_13 = vector.load %arg2[%get3A_11, %get3A_12] : memref<640x128xf32, #tpu.memory_space<vmem>>, vector<640x128xf32>
    %convert_element_type3A_14 = arith.truncf %get3A_13 : vector<640x128xf32> to vector<640x128xbf16>
    %get3A_15 = arith.constant 0 : index
    %get3A_16 = arith.constant 0 : index
    %get3A_17 = vector.load %arg6[%get3A_15, %get3A_16] : memref<128x256xbf16, #tpu.memory_space<vmem>>, vector<128x256xbf16>
    %dot_general3A_18 = arith.constant dense<0.000000e+00> : vector<640x256xf32>
    %dot_general3A_19 = tpu.matmul %convert_element_type3A_14, %get3A_17, %dot_general3A_18 {dimension_numbers = #tpu.dot_dimension_numbers<[1], [0], [0], [1], [0, 0, 1, 1], [], []>, transpose_lhs_hint = false} : vector<640x128xbf16>, vector<128x256xbf16>, vector<640x256xf32> -> vector<640x256xf32>
    %add3A_20 = arith.addf %dot_general3A_10, %dot_general3A_19 : vector<640x256xf32>
    %get3A_21 = arith.constant 0 : index
    %get3A_22 = arith.constant 0 : index
    %get3A_23 = vector.load %arg4[%get3A_21, %get3A_22] : memref<640x16xf32, #tpu.memory_space<vmem>>, vector<640x16xf32>
    %convert_element_type3A_24 = arith.truncf %get3A_23 : vector<640x16xf32> to vector<640x16xbf16>
    %get3A_25 = arith.constant 0 : index
    %get3A_26 = arith.constant 0 : index
    %get3A_27 = vector.load %arg7[%get3A_25, %get3A_26] : memref<16x256xbf16, #tpu.memory_space<vmem>>, vector<16x256xbf16>
    %dot_general3A_28 = arith.constant dense<0.000000e+00> : vector<640x256xf32>
    %dot_general3A_29 = tpu.matmul %convert_element_type3A_24, %get3A_27, %dot_general3A_28 {dimension_numbers = #tpu.dot_dimension_numbers<[1], [0], [0], [1], [0, 0, 1, 1], [], []>, transpose_lhs_hint = false} : vector<640x16xbf16>, vector<16x256xbf16>, vector<640x256xf32> -> vector<640x256xf32>
    %add3A_30 = arith.addf %add3A_20, %dot_general3A_29 : vector<640x256xf32>
    %get3A_31 = arith.constant 0 : index
    %get3A_32 = arith.constant 0 : index
    %get3A_33 = vector.load %arg8[%get3A_31, %get3A_32] : memref<1x256xf32, #tpu.memory_space<vmem>>, vector<1x256xf32>
    %mul3A = vector.broadcast %sqrt3A : vector<640x1xf32> to vector<640x256xf32>
    %mul3A_34 = vector.broadcast %get3A_33 : vector<1x256xf32> to vector<640x256xf32>
    %mul3A_35 = arith.mulf %mul3A, %mul3A_34 : vector<640x256xf32>
    %add3A_36 = arith.addf %add3A_30, %mul3A_35 : vector<640x256xf32>
    %get3A_37 = arith.constant 0 : index
    %get3A_38 = arith.constant 0 : index
    %get3A_39 = vector.load %arg9[%get3A_37, %get3A_38] : memref<1x256xf32, #tpu.memory_space<vmem>>, vector<1x256xf32>
    %add3A_40 = vector.broadcast %get3A_39 : vector<1x256xf32> to vector<640x256xf32>
    %add3A_41 = arith.addf %add3A_36, %add3A_40 : vector<640x256xf32>
    %slice3A_42 = vector.extract_strided_slice %add3A_41 {offsets = [0, 0], sizes = [640, 128], strides = [1, 1]} : vector<640x256xf32> to vector<640x128xf32>
    %logistic3A = arith.negf %slice3A_42 : vector<640x128xf32>
    %logistic3A_43 = math.exp %logistic3A : vector<640x128xf32>
    %logistic3A_44 = arith.constant 1.000000e+00 : f32
    %logistic3A_45 = vector.broadcast %logistic3A_44 : f32 to vector<640x128xf32>
    %logistic3A_46 = arith.addf %logistic3A_45, %logistic3A_43 : vector<640x128xf32>
    %logistic3A_47 = arith.divf %logistic3A_45, %logistic3A_46 : vector<640x128xf32>
    %mul3A_48 = arith.mulf %slice3A_42, %logistic3A_47 : vector<640x128xf32>
    %slice3A_49 = vector.extract_strided_slice %add3A_41 {offsets = [0, 128], sizes = [640, 128], strides = [1, 1]} : vector<640x256xf32> to vector<640x128xf32>
    %logistic3A_50 = arith.negf %slice3A_49 : vector<640x128xf32>
    %logistic3A_51 = math.exp %logistic3A_50 : vector<640x128xf32>
    %logistic3A_52 = arith.constant 1.000000e+00 : f32
    %logistic3A_53 = vector.broadcast %logistic3A_52 : f32 to vector<640x128xf32>
    %logistic3A_54 = arith.addf %logistic3A_53, %logistic3A_51 : vector<640x128xf32>
    %logistic3A_55 = arith.divf %logistic3A_53, %logistic3A_54 : vector<640x128xf32>
    %mul3A_56 = arith.mulf %slice3A_49, %logistic3A_55 : vector<640x128xf32>
    %convert_element_type3A_57 = arith.truncf %mul3A_48 : vector<640x128xf32> to vector<640x128xbf16>
    %get3A_58 = arith.constant 0 : index
    %get3A_59 = arith.constant 0 : index
    %get3A_60 = vector.load %arg10[%get3A_58, %get3A_59] : memref<128x128xbf16, #tpu.memory_space<vmem>>, vector<128x128xbf16>
    %dot_general3A_61 = arith.constant dense<0.000000e+00> : vector<640x128xf32>
    %dot_general3A_62 = tpu.matmul %convert_element_type3A_57, %get3A_60, %dot_general3A_61 {dimension_numbers = #tpu.dot_dimension_numbers<[1], [0], [0], [1], [0, 0, 1, 1], [], []>, transpose_lhs_hint = false} : vector<640x128xbf16>, vector<128x128xbf16>, vector<640x128xf32> -> vector<640x128xf32>
    %get3A_63 = arith.constant 0 : index
    %get3A_64 = arith.constant 0 : index
    %get3A_65 = vector.load %arg11[%get3A_63, %get3A_64] : memref<1x128xf32, #tpu.memory_space<vmem>>, vector<1x128xf32>
    %add3A_66 = vector.broadcast %get3A_65 : vector<1x128xf32> to vector<640x128xf32>
    %add3A_67 = arith.addf %dot_general3A_62, %add3A_66 : vector<640x128xf32>
    %logistic3A_68 = arith.negf %add3A_67 : vector<640x128xf32>
    %logistic3A_69 = math.exp %logistic3A_68 : vector<640x128xf32>
    %logistic3A_70 = arith.constant 1.000000e+00 : f32
    %logistic3A_71 = vector.broadcast %logistic3A_70 : f32 to vector<640x128xf32>
    %logistic3A_72 = arith.addf %logistic3A_71, %logistic3A_69 : vector<640x128xf32>
    %logistic3A_73 = arith.divf %logistic3A_71, %logistic3A_72 : vector<640x128xf32>
    %mul3A_74 = arith.mulf %add3A_67, %logistic3A_73 : vector<640x128xf32>
    %convert_element_type3A_75 = arith.truncf %mul3A_74 : vector<640x128xf32> to vector<640x128xbf16>
    %get3A_76 = arith.constant 0 : index
    %get3A_77 = arith.constant 0 : index
    %get3A_78 = vector.load %arg12[%get3A_76, %get3A_77] : memref<128x8xbf16, #tpu.memory_space<vmem>>, vector<128x8xbf16>
    %dot_general3A_79 = arith.constant dense<0.000000e+00> : vector<640x8xf32>
    %dot_general3A_80 = tpu.matmul %convert_element_type3A_75, %get3A_78, %dot_general3A_79 {dimension_numbers = #tpu.dot_dimension_numbers<[1], [0], [0], [1], [0, 0, 1, 1], [], []>, transpose_lhs_hint = false} : vector<640x128xbf16>, vector<128x8xbf16>, vector<640x8xf32> -> vector<640x8xf32>
    %slice3A_81 = vector.extract_strided_slice %dot_general3A_80 {offsets = [0, 0], sizes = [640, 1], strides = [1, 1]} : vector<640x8xf32> to vector<640x1xf32>
    %get3A_82 = arith.constant 0 : index
    %get3A_83 = arith.constant 0 : index
    %get3A_84 = vector.load %arg13[%get3A_82, %get3A_83] : memref<1x1xf32, #tpu.memory_space<vmem>>, vector<1x1xf32>
    %add3A_85 = vector.broadcast %get3A_84 : vector<1x1xf32> to vector<640x1xf32>
    %add3A_86 = arith.addf %slice3A_81, %add3A_85 : vector<640x1xf32>
    %logistic3A_87 = arith.negf %add3A_86 : vector<640x1xf32>
    %logistic3A_88 = math.exp %logistic3A_87 : vector<640x1xf32>
    %logistic3A_89 = arith.constant 1.000000e+00 : f32
    %logistic3A_90 = vector.broadcast %logistic3A_89 : f32 to vector<640x1xf32>
    %logistic3A_91 = arith.addf %logistic3A_90, %logistic3A_88 : vector<640x1xf32>
    %logistic3A_92 = arith.divf %logistic3A_90, %logistic3A_91 : vector<640x1xf32>
    %mul3A_93 = vector.broadcast %logistic3A_92 : vector<640x1xf32> to vector<640x128xf32>
    %mul3A_94 = arith.mulf %mul3A_74, %mul3A_93 : vector<640x128xf32>
    %swap3A = arith.constant 0 : index
    %swap3A_95 = arith.constant 0 : index
    %swap3A_96 = vector.load %arg15[%swap3A, %swap3A_95] : memref<640x128xf32, #tpu.memory_space<vmem>>, vector<640x128xf32>
    tpu.vector_store %arg15[%swap3A, %swap3A_95], %mul3A_94 {strides = array<i32>} : memref<640x128xf32, #tpu.memory_space<vmem>>, vector<640x128xf32>,
    %convert_element_type3A_97 = arith.truncf %mul3A_56 : vector<640x128xf32> to vector<640x128xbf16>
    %get3A_98 = arith.constant 0 : index
    %get3A_99 = arith.constant 0 : index
    %get3A_100 = vector.load %arg14[%get3A_98, %get3A_99] : memref<128x8xbf16, #tpu.memory_space<vmem>>, vector<128x8xbf16>
    %dot_general3A_101 = arith.constant dense<0.000000e+00> : vector<640x8xf32>
    %dot_general3A_102 = tpu.matmul %convert_element_type3A_97, %get3A_100, %dot_general3A_101 {dimension_numbers = #tpu.dot_dimension_numbers<[1], [0], [0], [1], [0, 0, 1, 1], [], []>, transpose_lhs_hint = false} : vector<640x128xbf16>, vector<128x8xbf16>, vector<640x8xf32> -> vector<640x8xf32>
    %slice3A_103 = vector.extract_strided_slice %dot_general3A_102 {offsets = [0, 0], sizes = [640, 1], strides = [1, 1]} : vector<640x8xf32> to vector<640x1xf32>
    %tanh3A = math.tanh %slice3A_103 : vector<640x1xf32>
    %add3A_104 = arith.constant 1.000000e+00 : f32
    %add3A_105 = vector.broadcast %add3A_104 : f32 to vector<640x1xf32>
    %add3A_106 = arith.addf %sqrt3A, %add3A_105 : vector<640x1xf32>
    %div3A = arith.constant 1.000000e+01 : f32
    %div3A_107 = vector.broadcast %div3A : f32 to vector<640x1xf32>
    %div3A_108 = arith.divf %div3A_107, %add3A_106 : vector<640x1xf32>
    %mul3A_109 = arith.mulf %tanh3A, %div3A_108 : vector<640x1xf32>
    %iota3A = tpu.iota {dimensions = array<i32: 1>} : vector<1x8xi32>
    %mul3A_110 = vector.broadcast %mul3A_109 : vector<640x1xf32> to vector<640x8xf32>
    %mul3A_111 = arith.mulf %transpose3A, %mul3A_110 : vector<640x8xf32>
    %lt3A = arith.constant 3 : i32
    %lt3A_112 = vector.broadcast %lt3A : i32 to vector<1x8xi32>
    %lt3A_113 = arith.cmpi slt, %iota3A, %lt3A_112 : vector<1x8xi32>
    %convert_element_type3A_114 = arith.extui %lt3A_113 : vector<1x8xi1> to vector<1x8xi32>
    %convert_element_type3A_115 = arith.sitofp %convert_element_type3A_114 : vector<1x8xi32> to vector<1x8xf32>
    %mul3A_116 = vector.broadcast %convert_element_type3A_115 : vector<1x8xf32> to vector<640x8xf32>
    %mul3A_117 = arith.mulf %mul3A_111, %mul3A_116 : vector<640x8xf32>
    %transpose3A_118 = tpu.transpose %mul3A_117, [1, 0] : vector<640x8xf32> -> vector<8x640xf32>
    %swap3A_119 = arith.constant 0 : index
    %swap3A_120 = arith.constant 0 : index
    %swap3A_121 = vector.load %arg16[%swap3A_119, %swap3A_120] : memref<8x640xf32, #tpu.memory_space<vmem>>, vector<8x640xf32>
    tpu.vector_store %arg16[%swap3A_119, %swap3A_120], %transpose3A_118 {strides = array<i32>} : memref<8x640xf32, #tpu.memory_space<vmem>>, vector<8x640xf32>,
    return
  }
  func.func @transform_0(%arg0: i32) -> (i32, i32) {
    %c0_i32 = arith.constant 0 : i32
    %c0_i32_0 = arith.constant 0 : i32
    return %arg0, %c0_i32 : i32, i32
  }
  func.func @transform_1(%arg0: i32) -> (i32, i32) {
    %c0_i32 = arith.constant 0 : i32
    %c0_i32_0 = arith.constant 0 : i32
    return %arg0, %c0_i32 : i32, i32
  }
  func.func @transform_2(%arg0: i32) -> (i32, i32) {
    %c0_i32 = arith.constant 0 : i32
    %c0_i32_0 = arith.constant 0 : i32
    return %c0_i32, %arg0 : i32, i32
  }
  func.func @transform_3(%arg0: i32) -> (i32, i32) {
    %add3A = arith.constant 0 : i32
    %add3A_0 = arith.addi %arg0, %add3A : i32
    %c0_i32 = arith.constant 0 : i32
    %c0_i32_1 = arith.constant 0 : i32
    return %add3A_0, %c0_i32 : i32, i32
  }
  func.func @transform_4(%arg0: i32) -> (i32, i32) {
    %c0_i32 = arith.constant 0 : i32
    %c0_i32_0 = arith.constant 0 : i32
    %c0_i32_1 = arith.constant 0 : i32
    return %c0_i32, %c0_i32_0 : i32, i32
  }
  func.func @transform_5(%arg0: i32) -> (i32, i32) {
    %c0_i32 = arith.constant 0 : i32
    %c0_i32_0 = arith.constant 0 : i32
    %c0_i32_1 = arith.constant 0 : i32
    return %c0_i32, %c0_i32_0 : i32, i32
  }
  func.func @transform_6(%arg0: i32) -> (i32, i32) {
    %c0_i32 = arith.constant 0 : i32
    %c0_i32_0 = arith.constant 0 : i32
    %c0_i32_1 = arith.constant 0 : i32
    return %c0_i32, %c0_i32_0 : i32, i32
  }
  func.func @transform_7(%arg0: i32) -> (i32, i32) {
    %c0_i32 = arith.constant 0 : i32
    %c0_i32_0 = arith.constant 0 : i32
    %c0_i32_1 = arith.constant 0 : i32
    return %c0_i32, %c0_i32_0 : i32, i32
  }
  func.func @transform_8(%arg0: i32) -> (i32, i32) {
    %c0_i32 = arith.constant 0 : i32
    %c0_i32_0 = arith.constant 0 : i32
    %c0_i32_1 = arith.constant 0 : i32
    return %c0_i32, %c0_i32_0 : i32, i32
  }
  func.func @transform_9(%arg0: i32) -> (i32, i32) {
    %c0_i32 = arith.constant 0 : i32
    %c0_i32_0 = arith.constant 0 : i32
    %c0_i32_1 = arith.constant 0 : i32
    return %c0_i32, %c0_i32_0 : i32, i32
  }
  func.func @transform_10(%arg0: i32) -> (i32, i32) {
    %c0_i32 = arith.constant 0 : i32
    %c0_i32_0 = arith.constant 0 : i32
    %c0_i32_1 = arith.constant 0 : i32
    return %c0_i32, %c0_i32_0 : i32, i32
  }
  func.func @transform_11(%arg0: i32) -> (i32, i32) {
    %c0_i32 = arith.constant 0 : i32
    %c0_i32_0 = arith.constant 0 : i32
    %c0_i32_1 = arith.constant 0 : i32
    return %c0_i32, %c0_i32_0 : i32, i32
  }
  func.func @transform_12(%arg0: i32) -> (i32, i32) {
    %c0_i32 = arith.constant 0 : i32
    %c0_i32_0 = arith.constant 0 : i32
    %c0_i32_1 = arith.constant 0 : i32
    return %c0_i32, %c0_i32_0 : i32, i32
  }
  func.func @transform_13(%arg0: i32) -> (i32, i32) {
    %c0_i32 = arith.constant 0 : i32
    %c0_i32_0 = arith.constant 0 : i32
    %c0_i32_1 = arith.constant 0 : i32
    return %c0_i32, %c0_i32_0 : i32, i32
  }
  func.func @transform_14(%arg0: i32) -> (i32, i32) {
    %c0_i32 = arith.constant 0 : i32
    %c0_i32_0 = arith.constant 0 : i32
    return %arg0, %c0_i32 : i32, i32
  }
  func.func @transform_15(%arg0: i32) -> (i32, i32) {
    %c0_i32 = arith.constant 0 : i32
    %c0_i32_0 = arith.constant 0 : i32
    return %c0_i32, %arg0 : i32, i32
  }
}

module attributes {stable_mosaic.version = 14 : i64} {
  func.func @_edge_body(%arg0: i32, %arg1: memref<640x128xf32, #tpu.memory_space<vmem>>, %arg2: memref<640x128xf32, #tpu.memory_space<vmem>>, %arg3: memref<8x640xf32, #tpu.memory_space<vmem>>, %arg4: memref<640x16xf32, #tpu.memory_space<vmem>>, %arg5: memref<128x256xbf16, #tpu.memory_space<vmem>>, %arg6: memref<128x256xbf16, #tpu.memory_space<vmem>>, %arg7: memref<16x256xbf16, #tpu.memory_space<vmem>>, %arg8: memref<1x256xf32, #tpu.memory_space<vmem>>, %arg9: memref<1x256xf32, #tpu.memory_space<vmem>>, %arg10: memref<128x128xbf16, #tpu.memory_space<vmem>>, %arg11: memref<1x128xf32, #tpu.memory_space<vmem>>, %arg12: memref<128x8xbf16, #tpu.memory_space<vmem>>, %arg13: memref<1x1xf32, #tpu.memory_space<vmem>>, %arg14: memref<128x8xbf16, #tpu.memory_space<vmem>>, %arg15: memref<640x128xf32, #tpu.memory_space<vmem>>, %arg16: memref<8x640xf32, #tpu.memory_space<vmem>>) attributes {dimension_semantics = [#tpu.dimension_semantics<arbitrary>], iteration_bounds = array<i64: 250>, scalar_prefetch = 0 : i64, scratch_operands = 0 : i64, tpu.core_type = #tpu.core_type<tc>, window_params = [{transform_indices = @transform_0, window_bounds = array<i64: 640, 128>}, {transform_indices = @transform_1, window_bounds = array<i64: 640, 128>}, {transform_indices = @transform_2, window_bounds = array<i64: 8, 640>}, {transform_indices = @transform_3, window_bounds = array<i64: 640, 16>}, {pipeline_mode = #tpu.pipeline_mode<synchronous>, transform_indices = @transform_4, window_bounds = array<i64: 128, 256>}, {pipeline_mode = #tpu.pipeline_mode<synchronous>, transform_indices = @transform_5, window_bounds = array<i64: 128, 256>}, {pipeline_mode = #tpu.pipeline_mode<synchronous>, transform_indices = @transform_6, window_bounds = array<i64: 16, 256>}, {pipeline_mode = #tpu.pipeline_mode<synchronous>, transform_indices = @transform_7, window_bounds = array<i64: 1, 256>}, {pipeline_mode = #tpu.pipeline_mode<synchronous>, transform_indices = @transform_8, window_bounds = array<i64: 1, 256>}, {pipeline_mode = #tpu.pipeline_mode<synchronous>, transform_indices = @transform_9, window_bounds = array<i64: 128, 128>}, {pipeline_mode = #tpu.pipeline_mode<synchronous>, transform_indices = @transform_10, window_bounds = array<i64: 1, 128>}, {pipeline_mode = #tpu.pipeline_mode<synchronous>, transform_indices = @transform_11, window_bounds = array<i64: 128, 8>}, {pipeline_mode = #tpu.pipeline_mode<synchronous>, transform_indices = @transform_12, window_bounds = array<i64: 1, 1>}, {pipeline_mode = #tpu.pipeline_mode<synchronous>, transform_indices = @transform_13, window_bounds = array<i64: 128, 8>}, {transform_indices = @transform_14, window_bounds = array<i64: 640, 128>}, {transform_indices = @transform_15, window_bounds = array<i64: 8, 640>}]} {
    %get3A = arith.constant 0 : index
    %get3A_0 = arith.constant 0 : index
    %get3A_1 = vector.load %arg3[%get3A, %get3A_0] : memref<8x640xf32, #tpu.memory_space<vmem>>, vector<8x640xf32>
    %transpose3A = tpu.transpose %get3A_1, [1, 0] : vector<8x640xf32> -> vector<640x8xf32>
    %slice3A = vector.extract_strided_slice %transpose3A {offsets = [0, 3], sizes = [640, 1], strides = [1, 1]} : vector<640x8xf32> to vector<640x1xf32>
    %add3A = arith.constant 9.99999996E-13 : f32
    %add3A_2 = vector.broadcast %add3A : f32 to vector<640x1xf32>
    %add3A_3 = arith.addf %slice3A, %add3A_2 : vector<640x1xf32>
    %sqrt3A = math.sqrt %add3A_3 : vector<640x1xf32>
    %get3A_4 = arith.constant 0 : index
    %get3A_5 = arith.constant 0 : index
    %get3A_6 = vector.load %arg1[%get3A_4, %get3A_5] : memref<640x128xf32, #tpu.memory_space<vmem>>, vector<640x128xf32>
    %convert_element_type3A = arith.truncf %get3A_6 : vector<640x128xf32> to vector<640x128xbf16>
    %get3A_7 = arith.constant 0 : index
    %get3A_8 = arith.constant 0 : index
    %get3A_9 = vector.load %arg5[%get3A_7, %get3A_8] : memref<128x256xbf16, #tpu.memory_space<vmem>>, vector<128x256xbf16>
    %dot_general3A = arith.constant dense<0.000000e+00> : vector<640x256xf32>
    %dot_general3A_10 = tpu.matmul %convert_element_type3A, %get3A_9, %dot_general3A {dimension_numbers = #tpu.dot_dimension_numbers<[1], [0], [0], [1], [0, 0, 1, 1], [], []>, transpose_lhs_hint = false} : vector<640x128xbf16>, vector<128x256xbf16>, vector<640x256xf32> -> vector<640x256xf32>
    %get3A_11 = arith.constant 0 : index
    %get3A_12 = arith.constant 0 : index
    %get3A_13 = vector.load %arg2[%get3A_11, %get3A_12] : memref<640x128xf32, #tpu.memory_space<vmem>>, vector<640x128xf32>
    %convert_element_type3A_14 = arith.truncf %get3A_13 : vector<640x128xf32> to vector<640x128xbf16>
    %get3A_15 = arith.constant 0 : index
    %get3A_16 = arith.constant 0 : index
    %get3A_17 = vector.load %arg6[%get3A_15, %get3A_16] : memref<128x256xbf16, #tpu.memory_space<vmem>>, vector<128x256xbf16>
    %dot_general3A_18 = arith.constant dense<0.000000e+00> : vector<640x256xf32>
    %dot_general3A_19 = tpu.matmul %convert_element_type3A_14, %get3A_17, %dot_general3A_18 {dimension_numbers = #tpu.dot_dimension_numbers<[1], [0], [0], [1], [0, 0, 1, 1], [], []>, transpose_lhs_hint = false} : vector<640x128xbf16>, vector<128x256xbf16>, vector<640x256xf32> -> vector<640x256xf32>
    %add3A_20 = arith.addf %dot_general3A_10, %dot_general3A_19 : vector<640x256xf32>
    %get3A_21 = arith.constant 0 : index
    %get3A_22 = arith.constant 0 : index
    %get3A_23 = vector.load %arg4[%get3A_21, %get3A_22] : memref<640x16xf32, #tpu.memory_space<vmem>>, vector<640x16xf32>
    %convert_element_type3A_24 = arith.truncf %get3A_23 : vector<640x16xf32> to vector<640x16xbf16>
    %get3A_25 = arith.constant 0 : index
    %get3A_26 = arith.constant 0 : index
    %get3A_27 = vector.load %arg7[%get3A_25, %get3A_26] : memref<16x256xbf16, #tpu.memory_space<vmem>>, vector<16x256xbf16>
    %dot_general3A_28 = arith.constant dense<0.000000e+00> : vector<640x256xf32>
    %dot_general3A_29 = tpu.matmul %convert_element_type3A_24, %get3A_27, %dot_general3A_28 {dimension_numbers = #tpu.dot_dimension_numbers<[1], [0], [0], [1], [0, 0, 1, 1], [], []>, transpose_lhs_hint = false} : vector<640x16xbf16>, vector<16x256xbf16>, vector<640x256xf32> -> vector<640x256xf32>
    %add3A_30 = arith.addf %add3A_20, %dot_general3A_29 : vector<640x256xf32>
    %get3A_31 = arith.constant 0 : index
    %get3A_32 = arith.constant 0 : index
    %get3A_33 = vector.load %arg8[%get3A_31, %get3A_32] : memref<1x256xf32, #tpu.memory_space<vmem>>, vector<1x256xf32>
    %mul3A = vector.broadcast %sqrt3A : vector<640x1xf32> to vector<640x256xf32>
    %mul3A_34 = vector.broadcast %get3A_33 : vector<1x256xf32> to vector<640x256xf32>
    %mul3A_35 = arith.mulf %mul3A, %mul3A_34 : vector<640x256xf32>
    %add3A_36 = arith.addf %add3A_30, %mul3A_35 : vector<640x256xf32>
    %get3A_37 = arith.constant 0 : index
    %get3A_38 = arith.constant 0 : index
    %get3A_39 = vector.load %arg9[%get3A_37, %get3A_38] : memref<1x256xf32, #tpu.memory_space<vmem>>, vector<1x256xf32>
    %add3A_40 = vector.broadcast %get3A_39 : vector<1x256xf32> to vector<640x256xf32>
    %add3A_41 = arith.addf %add3A_36, %add3A_40 : vector<640x256xf32>
    %slice3A_42 = vector.extract_strided_slice %add3A_41 {offsets = [0, 0], sizes = [640, 128], strides = [1, 1]} : vector<640x256xf32> to vector<640x128xf32>
    %logistic3A = arith.negf %slice3A_42 : vector<640x128xf32>
    %logistic3A_43 = math.exp %logistic3A : vector<640x128xf32>
    %logistic3A_44 = arith.constant 1.000000e+00 : f32
    %logistic3A_45 = vector.broadcast %logistic3A_44 : f32 to vector<640x128xf32>
    %logistic3A_46 = arith.addf %logistic3A_45, %logistic3A_43 : vector<640x128xf32>
    %logistic3A_47 = arith.divf %logistic3A_45, %logistic3A_46 : vector<640x128xf32>
    %mul3A_48 = arith.mulf %slice3A_42, %logistic3A_47 : vector<640x128xf32>
    %slice3A_49 = vector.extract_strided_slice %add3A_41 {offsets = [0, 128], sizes = [640, 128], strides = [1, 1]} : vector<640x256xf32> to vector<640x128xf32>
    %logistic3A_50 = arith.negf %slice3A_49 : vector<640x128xf32>
    %logistic3A_51 = math.exp %logistic3A_50 : vector<640x128xf32>
    %logistic3A_52 = arith.constant 1.000000e+00 : f32
    %logistic3A_53 = vector.broadcast %logistic3A_52 : f32 to vector<640x128xf32>
    %logistic3A_54 = arith.addf %logistic3A_53, %logistic3A_51 : vector<640x128xf32>
    %logistic3A_55 = arith.divf %logistic3A_53, %logistic3A_54 : vector<640x128xf32>
    %mul3A_56 = arith.mulf %slice3A_49, %logistic3A_55 : vector<640x128xf32>
    %convert_element_type3A_57 = arith.truncf %mul3A_48 : vector<640x128xf32> to vector<640x128xbf16>
    %get3A_58 = arith.constant 0 : index
    %get3A_59 = arith.constant 0 : index
    %get3A_60 = vector.load %arg10[%get3A_58, %get3A_59] : memref<128x128xbf16, #tpu.memory_space<vmem>>, vector<128x128xbf16>
    %dot_general3A_61 = arith.constant dense<0.000000e+00> : vector<640x128xf32>
    %dot_general3A_62 = tpu.matmul %convert_element_type3A_57, %get3A_60, %dot_general3A_61 {dimension_numbers = #tpu.dot_dimension_numbers<[1], [0], [0], [1], [0, 0, 1, 1], [], []>, transpose_lhs_hint = false} : vector<640x128xbf16>, vector<128x128xbf16>, vector<640x128xf32> -> vector<640x128xf32>
    %get3A_63 = arith.constant 0 : index
    %get3A_64 = arith.constant 0 : index
    %get3A_65 = vector.load %arg11[%get3A_63, %get3A_64] : memref<1x128xf32, #tpu.memory_space<vmem>>, vector<1x128xf32>
    %add3A_66 = vector.broadcast %get3A_65 : vector<1x128xf32> to vector<640x128xf32>
    %add3A_67 = arith.addf %dot_general3A_62, %add3A_66 : vector<640x128xf32>
    %logistic3A_68 = arith.negf %add3A_67 : vector<640x128xf32>
    %logistic3A_69 = math.exp %logistic3A_68 : vector<640x128xf32>
    %logistic3A_70 = arith.constant 1.000000e+00 : f32
    %logistic3A_71 = vector.broadcast %logistic3A_70 : f32 to vector<640x128xf32>
    %logistic3A_72 = arith.addf %logistic3A_71, %logistic3A_69 : vector<640x128xf32>
    %logistic3A_73 = arith.divf %logistic3A_71, %logistic3A_72 : vector<640x128xf32>
    %mul3A_74 = arith.mulf %add3A_67, %logistic3A_73 : vector<640x128xf32>
    %convert_element_type3A_75 = arith.truncf %mul3A_74 : vector<640x128xf32> to vector<640x128xbf16>
    %get3A_76 = arith.constant 0 : index
    %get3A_77 = arith.constant 0 : index
    %get3A_78 = vector.load %arg12[%get3A_76, %get3A_77] : memref<128x8xbf16, #tpu.memory_space<vmem>>, vector<128x8xbf16>
    %dot_general3A_79 = arith.constant dense<0.000000e+00> : vector<640x8xf32>
    %dot_general3A_80 = tpu.matmul %convert_element_type3A_75, %get3A_78, %dot_general3A_79 {dimension_numbers = #tpu.dot_dimension_numbers<[1], [0], [0], [1], [0, 0, 1, 1], [], []>, transpose_lhs_hint = false} : vector<640x128xbf16>, vector<128x8xbf16>, vector<640x8xf32> -> vector<640x8xf32>
    %slice3A_81 = vector.extract_strided_slice %dot_general3A_80 {offsets = [0, 0], sizes = [640, 1], strides = [1, 1]} : vector<640x8xf32> to vector<640x1xf32>
    %get3A_82 = arith.constant 0 : index
    %get3A_83 = arith.constant 0 : index
    %get3A_84 = vector.load %arg13[%get3A_82, %get3A_83] : memref<1x1xf32, #tpu.memory_space<vmem>>, vector<1x1xf32>
    %add3A_85 = vector.broadcast %get3A_84 : vector<1x1xf32> to vector<640x1xf32>
    %add3A_86 = arith.addf %slice3A_81, %add3A_85 : vector<640x1xf32>
    %logistic3A_87 = arith.negf %add3A_86 : vector<640x1xf32>
    %logistic3A_88 = math.exp %logistic3A_87 : vector<640x1xf32>
    %logistic3A_89 = arith.constant 1.000000e+00 : f32
    %logistic3A_90 = vector.broadcast %logistic3A_89 : f32 to vector<640x1xf32>
    %logistic3A_91 = arith.addf %logistic3A_90, %logistic3A_88 : vector<640x1xf32>
    %logistic3A_92 = arith.divf %logistic3A_90, %logistic3A_91 : vector<640x1xf32>
    %mul3A_93 = vector.broadcast %logistic3A_92 : vector<640x1xf32> to vector<640x128xf32>
    %mul3A_94 = arith.mulf %mul3A_74, %mul3A_93 : vector<640x128xf32>
    %swap3A = arith.constant 0 : index
    %swap3A_95 = arith.constant 0 : index
    %swap3A_96 = vector.load %arg15[%swap3A, %swap3A_95] : memref<640x128xf32, #tpu.memory_space<vmem>>, vector<640x128xf32>
    tpu.vector_store %arg15[%swap3A, %swap3A_95], %mul3A_94 {strides = array<i32>} : memref<640x128xf32, #tpu.memory_space<vmem>>, vector<640x128xf32>,
    %convert_element_type3A_97 = arith.truncf %mul3A_56 : vector<640x128xf32> to vector<640x128xbf16>
    %get3A_98 = arith.constant 0 : index
    %get3A_99 = arith.constant 0 : index
    %get3A_100 = vector.load %arg14[%get3A_98, %get3A_99] : memref<128x8xbf16, #tpu.memory_space<vmem>>, vector<128x8xbf16>
    %dot_general3A_101 = arith.constant dense<0.000000e+00> : vector<640x8xf32>
    %dot_general3A_102 = tpu.matmul %convert_element_type3A_97, %get3A_100, %dot_general3A_101 {dimension_numbers = #tpu.dot_dimension_numbers<[1], [0], [0], [1], [0, 0, 1, 1], [], []>, transpose_lhs_hint = false} : vector<640x128xbf16>, vector<128x8xbf16>, vector<640x8xf32> -> vector<640x8xf32>
    %slice3A_103 = vector.extract_strided_slice %dot_general3A_102 {offsets = [0, 0], sizes = [640, 1], strides = [1, 1]} : vector<640x8xf32> to vector<640x1xf32>
    %tanh3A = math.tanh %slice3A_103 : vector<640x1xf32>
    %add3A_104 = arith.constant 1.000000e+00 : f32
    %add3A_105 = vector.broadcast %add3A_104 : f32 to vector<640x1xf32>
    %add3A_106 = arith.addf %sqrt3A, %add3A_105 : vector<640x1xf32>
    %div3A = arith.constant 1.000000e+01 : f32
    %div3A_107 = vector.broadcast %div3A : f32 to vector<640x1xf32>
    %div3A_108 = arith.divf %div3A_107, %add3A_106 : vector<640x1xf32>
    %mul3A_109 = arith.mulf %tanh3A, %div3A_108 : vector<640x1xf32>
    %iota3A = tpu.iota {dimensions = array<i32: 1>} : vector<1x8xi32>
    %mul3A_110 = vector.broadcast %mul3A_109 : vector<640x1xf32> to vector<640x8xf32>
    %mul3A_111 = arith.mulf %transpose3A, %mul3A_110 : vector<640x8xf32>
    %lt3A = arith.constant 3 : i32
    %lt3A_112 = vector.broadcast %lt3A : i32 to vector<1x8xi32>
    %lt3A_113 = arith.cmpi slt, %iota3A, %lt3A_112 : vector<1x8xi32>
    %convert_element_type3A_114 = arith.extui %lt3A_113 : vector<1x8xi1> to vector<1x8xi32>
    %convert_element_type3A_115 = arith.sitofp %convert_element_type3A_114 : vector<1x8xi32> to vector<1x8xf32>
    %mul3A_116 = vector.broadcast %convert_element_type3A_115 : vector<1x8xf32> to vector<640x8xf32>
    %mul3A_117 = arith.mulf %mul3A_111, %mul3A_116 : vector<640x8xf32>
    %transpose3A_118 = tpu.transpose %mul3A_117, [1, 0] : vector<640x8xf32> -> vector<8x640xf32>
    %swap3A_119 = arith.constant 0 : index
    %swap3A_120 = arith.constant 0 : index
    %swap3A_121 = vector.load %arg16[%swap3A_119, %swap3A_120] : memref<8x640xf32, #tpu.memory_space<vmem>>, vector<8x640xf32>
    tpu.vector_store %arg16[%swap3A_119, %swap3A_120], %transpose3A_118 {strides = array<i32>} : memref<8x640xf32, #tpu.memory_space<vmem>>, vector<8x640xf32>,
    return
  }
  func.func @transform_0(%arg0: i32) -> (i32, i32) {
    %c0_i32 = arith.constant 0 : i32
    %c0_i32_0 = arith.constant 0 : i32
    return %arg0, %c0_i32 : i32, i32
  }
  func.func @transform_1(%arg0: i32) -> (i32, i32) {
    %c0_i32 = arith.constant 0 : i32
    %c0_i32_0 = arith.constant 0 : i32
    return %arg0, %c0_i32 : i32, i32
  }
  func.func @transform_2(%arg0: i32) -> (i32, i32) {
    %c0_i32 = arith.constant 0 : i32
    %c0_i32_0 = arith.constant 0 : i32
    return %c0_i32, %arg0 : i32, i32
  }
  func.func @transform_3(%arg0: i32) -> (i32, i32) {
    %add3A = arith.constant 250 : i32
    %add3A_0 = arith.addi %arg0, %add3A : i32
    %c0_i32 = arith.constant 0 : i32
    %c0_i32_1 = arith.constant 0 : i32
    return %add3A_0, %c0_i32 : i32, i32
  }
  func.func @transform_4(%arg0: i32) -> (i32, i32) {
    %c0_i32 = arith.constant 0 : i32
    %c0_i32_0 = arith.constant 0 : i32
    %c0_i32_1 = arith.constant 0 : i32
    return %c0_i32, %c0_i32_0 : i32, i32
  }
  func.func @transform_5(%arg0: i32) -> (i32, i32) {
    %c0_i32 = arith.constant 0 : i32
    %c0_i32_0 = arith.constant 0 : i32
    %c0_i32_1 = arith.constant 0 : i32
    return %c0_i32, %c0_i32_0 : i32, i32
  }
  func.func @transform_6(%arg0: i32) -> (i32, i32) {
    %c0_i32 = arith.constant 0 : i32
    %c0_i32_0 = arith.constant 0 : i32
    %c0_i32_1 = arith.constant 0 : i32
    return %c0_i32, %c0_i32_0 : i32, i32
  }
  func.func @transform_7(%arg0: i32) -> (i32, i32) {
    %c0_i32 = arith.constant 0 : i32
    %c0_i32_0 = arith.constant 0 : i32
    %c0_i32_1 = arith.constant 0 : i32
    return %c0_i32, %c0_i32_0 : i32, i32
  }
  func.func @transform_8(%arg0: i32) -> (i32, i32) {
    %c0_i32 = arith.constant 0 : i32
    %c0_i32_0 = arith.constant 0 : i32
    %c0_i32_1 = arith.constant 0 : i32
    return %c0_i32, %c0_i32_0 : i32, i32
  }
  func.func @transform_9(%arg0: i32) -> (i32, i32) {
    %c0_i32 = arith.constant 0 : i32
    %c0_i32_0 = arith.constant 0 : i32
    %c0_i32_1 = arith.constant 0 : i32
    return %c0_i32, %c0_i32_0 : i32, i32
  }
  func.func @transform_10(%arg0: i32) -> (i32, i32) {
    %c0_i32 = arith.constant 0 : i32
    %c0_i32_0 = arith.constant 0 : i32
    %c0_i32_1 = arith.constant 0 : i32
    return %c0_i32, %c0_i32_0 : i32, i32
  }
  func.func @transform_11(%arg0: i32) -> (i32, i32) {
    %c0_i32 = arith.constant 0 : i32
    %c0_i32_0 = arith.constant 0 : i32
    %c0_i32_1 = arith.constant 0 : i32
    return %c0_i32, %c0_i32_0 : i32, i32
  }
  func.func @transform_12(%arg0: i32) -> (i32, i32) {
    %c0_i32 = arith.constant 0 : i32
    %c0_i32_0 = arith.constant 0 : i32
    %c0_i32_1 = arith.constant 0 : i32
    return %c0_i32, %c0_i32_0 : i32, i32
  }
  func.func @transform_13(%arg0: i32) -> (i32, i32) {
    %c0_i32 = arith.constant 0 : i32
    %c0_i32_0 = arith.constant 0 : i32
    %c0_i32_1 = arith.constant 0 : i32
    return %c0_i32, %c0_i32_0 : i32, i32
  }
  func.func @transform_14(%arg0: i32) -> (i32, i32) {
    %c0_i32 = arith.constant 0 : i32
    %c0_i32_0 = arith.constant 0 : i32
    return %arg0, %c0_i32 : i32, i32
  }
  func.func @transform_15(%arg0: i32) -> (i32, i32) {
    %c0_i32 = arith.constant 0 : i32
    %c0_i32_0 = arith.constant 0 : i32
    return %c0_i32, %arg0 : i32, i32
  }
}

module attributes {stable_mosaic.version = 14 : i64} {
  func.func @_node_body(%arg0: i32, %arg1: memref<1000x128xf32, #tpu.memory_space<vmem>>, %arg2: memref<1000x16xf32, #tpu.memory_space<vmem>>, %arg3: memref<1000x1xf32, #tpu.memory_space<vmem>>, %arg4: memref<1000x128xf32, #tpu.memory_space<vmem>>, %arg5: memref<1000x128xf32, #tpu.memory_space<vmem>>, %arg6: memref<1000x128xf32, #tpu.memory_space<vmem>>, %arg7: memref<1000x128xf32, #tpu.memory_space<vmem>>, %arg8: memref<1000x16xf32, #tpu.memory_space<vmem>>, %arg9: memref<1000x16xf32, #tpu.memory_space<vmem>>, %arg10: memref<1000x16xf32, #tpu.memory_space<vmem>>, %arg11: memref<1000x16xf32, #tpu.memory_space<vmem>>, %arg12: memref<128x128xbf16, #tpu.memory_space<vmem>>, %arg13: memref<128x128xbf16, #tpu.memory_space<vmem>>, %arg14: memref<1x128xf32, #tpu.memory_space<vmem>>, %arg15: memref<128x128xbf16, #tpu.memory_space<vmem>>, %arg16: memref<1x128xf32, #tpu.memory_space<vmem>>, %arg17: memref<1x128xf32, #tpu.memory_space<vmem>>, %arg18: memref<1x128xf32, #tpu.memory_space<vmem>>, %arg19: memref<1000x128xf32, #tpu.memory_space<vmem>>, %arg20: memref<1000x16xf32, #tpu.memory_space<vmem>>) attributes {dimension_semantics = [#tpu.dimension_semantics<arbitrary>], iteration_bounds = array<i64: 10>, scalar_prefetch = 0 : i64, scratch_operands = 0 : i64, tpu.core_type = #tpu.core_type<tc>, window_params = [{transform_indices = @transform_0, window_bounds = array<i64: 1000, 128>}, {transform_indices = @transform_1, window_bounds = array<i64: 1000, 16>}, {transform_indices = @transform_2, window_bounds = array<i64: 1000, 1>}, {transform_indices = @transform_3, window_bounds = array<i64: 1000, 128>}, {transform_indices = @transform_4, window_bounds = array<i64: 1000, 128>}, {transform_indices = @transform_5, window_bounds = array<i64: 1000, 128>}, {transform_indices = @transform_6, window_bounds = array<i64: 1000, 128>}, {transform_indices = @transform_7, window_bounds = array<i64: 1000, 16>}, {transform_indices = @transform_8, window_bounds = array<i64: 1000, 16>}, {transform_indices = @transform_9, window_bounds = array<i64: 1000, 16>}, {transform_indices = @transform_10, window_bounds = array<i64: 1000, 16>}, {pipeline_mode = #tpu.pipeline_mode<synchronous>, transform_indices = @transform_11, window_bounds = array<i64: 128, 128>}, {pipeline_mode = #tpu.pipeline_mode<synchronous>, transform_indices = @transform_12, window_bounds = array<i64: 128, 128>}, {pipeline_mode = #tpu.pipeline_mode<synchronous>, transform_indices = @transform_13, window_bounds = array<i64: 1, 128>}, {pipeline_mode = #tpu.pipeline_mode<synchronous>, transform_indices = @transform_14, window_bounds = array<i64: 128, 128>}, {pipeline_mode = #tpu.pipeline_mode<synchronous>, transform_indices = @transform_15, window_bounds = array<i64: 1, 128>}, {pipeline_mode = #tpu.pipeline_mode<synchronous>, transform_indices = @transform_16, window_bounds = array<i64: 1, 128>}, {pipeline_mode = #tpu.pipeline_mode<synchronous>, transform_indices = @transform_17, window_bounds = array<i64: 1, 128>}, {transform_indices = @transform_18, window_bounds = array<i64: 1000, 128>}, {transform_indices = @transform_19, window_bounds = array<i64: 1000, 16>}]} {
    %get3A = arith.constant 0 : index
    %get3A_0 = arith.constant 0 : index
    %get3A_1 = vector.load %arg3[%get3A, %get3A_0] : memref<1000x1xf32, #tpu.memory_space<vmem>>, vector<1000x1xf32>
    %div3A = arith.constant 1.000000e+00 : f32
    %div3A_2 = vector.broadcast %div3A : f32 to vector<1000x1xf32>
    %div3A_3 = arith.divf %div3A_2, %get3A_1 : vector<1000x1xf32>
    %get3A_4 = arith.constant 0 : index
    %get3A_5 = arith.constant 0 : index
    %get3A_6 = vector.load %arg4[%get3A_4, %get3A_5] : memref<1000x128xf32, #tpu.memory_space<vmem>>, vector<1000x128xf32>
    %get3A_7 = arith.constant 0 : index
    %get3A_8 = arith.constant 0 : index
    %get3A_9 = vector.load %arg5[%get3A_7, %get3A_8] : memref<1000x128xf32, #tpu.memory_space<vmem>>, vector<1000x128xf32>
    %add3A = arith.addf %get3A_6, %get3A_9 : vector<1000x128xf32>
    %get3A_10 = arith.constant 0 : index
    %get3A_11 = arith.constant 0 : index
    %get3A_12 = vector.load %arg6[%get3A_10, %get3A_11] : memref<1000x128xf32, #tpu.memory_space<vmem>>, vector<1000x128xf32>
    %get3A_13 = arith.constant 0 : index
    %get3A_14 = arith.constant 0 : index
    %get3A_15 = vector.load %arg7[%get3A_13, %get3A_14] : memref<1000x128xf32, #tpu.memory_space<vmem>>, vector<1000x128xf32>
    %add3A_16 = arith.addf %get3A_12, %get3A_15 : vector<1000x128xf32>
    %add3A_17 = arith.addf %add3A, %add3A_16 : vector<1000x128xf32>
    %mul3A = vector.broadcast %div3A_3 : vector<1000x1xf32> to vector<1000x128xf32>
    %mul3A_18 = arith.mulf %add3A_17, %mul3A : vector<1000x128xf32>
    %get3A_19 = arith.constant 0 : index
    %get3A_20 = arith.constant 0 : index
    %get3A_21 = vector.load %arg8[%get3A_19, %get3A_20] : memref<1000x16xf32, #tpu.memory_space<vmem>>, vector<1000x16xf32>
    %get3A_22 = arith.constant 0 : index
    %get3A_23 = arith.constant 0 : index
    %get3A_24 = vector.load %arg9[%get3A_22, %get3A_23] : memref<1000x16xf32, #tpu.memory_space<vmem>>, vector<1000x16xf32>
    %add3A_25 = arith.addf %get3A_21, %get3A_24 : vector<1000x16xf32>
    %get3A_26 = arith.constant 0 : index
    %get3A_27 = arith.constant 0 : index
    %get3A_28 = vector.load %arg10[%get3A_26, %get3A_27] : memref<1000x16xf32, #tpu.memory_space<vmem>>, vector<1000x16xf32>
    %get3A_29 = arith.constant 0 : index
    %get3A_30 = arith.constant 0 : index
    %get3A_31 = vector.load %arg11[%get3A_29, %get3A_30] : memref<1000x16xf32, #tpu.memory_space<vmem>>, vector<1000x16xf32>
    %add3A_32 = arith.addf %get3A_28, %get3A_31 : vector<1000x16xf32>
    %add3A_33 = arith.addf %add3A_25, %add3A_32 : vector<1000x16xf32>
    %mul3A_34 = vector.broadcast %div3A_3 : vector<1000x1xf32> to vector<1000x16xf32>
    %mul3A_35 = arith.mulf %add3A_33, %mul3A_34 : vector<1000x16xf32>
    %get3A_36 = arith.constant 0 : index
    %get3A_37 = arith.constant 0 : index
    %get3A_38 = vector.load %arg1[%get3A_36, %get3A_37] : memref<1000x128xf32, #tpu.memory_space<vmem>>, vector<1000x128xf32>
    %convert_element_type3A = arith.truncf %get3A_38 : vector<1000x128xf32> to vector<1000x128xbf16>
    %get3A_39 = arith.constant 0 : index
    %get3A_40 = arith.constant 0 : index
    %get3A_41 = vector.load %arg12[%get3A_39, %get3A_40] : memref<128x128xbf16, #tpu.memory_space<vmem>>, vector<128x128xbf16>
    %dot_general3A = arith.constant dense<0.000000e+00> : vector<1000x128xf32>
    %dot_general3A_42 = tpu.matmul %convert_element_type3A, %get3A_41, %dot_general3A {dimension_numbers = #tpu.dot_dimension_numbers<[1], [0], [0], [1], [0, 0, 1, 1], [], []>, transpose_lhs_hint = false} : vector<1000x128xbf16>, vector<128x128xbf16>, vector<1000x128xf32> -> vector<1000x128xf32>
    %convert_element_type3A_43 = arith.truncf %mul3A_18 : vector<1000x128xf32> to vector<1000x128xbf16>
    %get3A_44 = arith.constant 0 : index
    %get3A_45 = arith.constant 0 : index
    %get3A_46 = vector.load %arg13[%get3A_44, %get3A_45] : memref<128x128xbf16, #tpu.memory_space<vmem>>, vector<128x128xbf16>
    %dot_general3A_47 = arith.constant dense<0.000000e+00> : vector<1000x128xf32>
    %dot_general3A_48 = tpu.matmul %convert_element_type3A_43, %get3A_46, %dot_general3A_47 {dimension_numbers = #tpu.dot_dimension_numbers<[1], [0], [0], [1], [0, 0, 1, 1], [], []>, transpose_lhs_hint = false} : vector<1000x128xbf16>, vector<128x128xbf16>, vector<1000x128xf32> -> vector<1000x128xf32>
    %add3A_49 = arith.addf %dot_general3A_42, %dot_general3A_48 : vector<1000x128xf32>
    %get3A_50 = arith.constant 0 : index
    %get3A_51 = arith.constant 0 : index
    %get3A_52 = vector.load %arg14[%get3A_50, %get3A_51] : memref<1x128xf32, #tpu.memory_space<vmem>>, vector<1x128xf32>
    %add3A_53 = vector.broadcast %get3A_52 : vector<1x128xf32> to vector<1000x128xf32>
    %add3A_54 = arith.addf %add3A_49, %add3A_53 : vector<1000x128xf32>
    %logistic3A = arith.negf %add3A_54 : vector<1000x128xf32>
    %logistic3A_55 = math.exp %logistic3A : vector<1000x128xf32>
    %logistic3A_56 = arith.constant 1.000000e+00 : f32
    %logistic3A_57 = vector.broadcast %logistic3A_56 : f32 to vector<1000x128xf32>
    %logistic3A_58 = arith.addf %logistic3A_57, %logistic3A_55 : vector<1000x128xf32>
    %logistic3A_59 = arith.divf %logistic3A_57, %logistic3A_58 : vector<1000x128xf32>
    %mul3A_60 = arith.mulf %add3A_54, %logistic3A_59 : vector<1000x128xf32>
    %convert_element_type3A_61 = arith.truncf %mul3A_60 : vector<1000x128xf32> to vector<1000x128xbf16>
    %get3A_62 = arith.constant 0 : index
    %get3A_63 = arith.constant 0 : index
    %get3A_64 = vector.load %arg15[%get3A_62, %get3A_63] : memref<128x128xbf16, #tpu.memory_space<vmem>>, vector<128x128xbf16>
    %dot_general3A_65 = arith.constant dense<0.000000e+00> : vector<1000x128xf32>
    %dot_general3A_66 = tpu.matmul %convert_element_type3A_61, %get3A_64, %dot_general3A_65 {dimension_numbers = #tpu.dot_dimension_numbers<[1], [0], [0], [1], [0, 0, 1, 1], [], []>, transpose_lhs_hint = false} : vector<1000x128xbf16>, vector<128x128xbf16>, vector<1000x128xf32> -> vector<1000x128xf32>
    %get3A_67 = arith.constant 0 : index
    %get3A_68 = arith.constant 0 : index
    %get3A_69 = vector.load %arg16[%get3A_67, %get3A_68] : memref<1x128xf32, #tpu.memory_space<vmem>>, vector<1x128xf32>
    %add3A_70 = vector.broadcast %get3A_69 : vector<1x128xf32> to vector<1000x128xf32>
    %add3A_71 = arith.addf %dot_general3A_66, %add3A_70 : vector<1000x128xf32>
    %reduce_sum3A = arith.constant dense<0.000000e+00> : vector<1000xf32>
    %reduce_sum3A_72 = vector.multi_reduction <add>, %add3A_71, %reduce_sum3A [1] : vector<1000x128xf32> to vector<1000xf32>
    %broadcast_in_dim3A = vector.shape_cast %reduce_sum3A_72 : vector<1000xf32> to vector<1000x1xf32>
    %div3A_73 = arith.constant 1.280000e+02 : f32
    %div3A_74 = vector.broadcast %div3A_73 : f32 to vector<1000x1xf32>
    %div3A_75 = arith.divf %broadcast_in_dim3A, %div3A_74 : vector<1000x1xf32>
    %sub3A = vector.broadcast %div3A_75 : vector<1000x1xf32> to vector<1000x128xf32>
    %sub3A_76 = arith.subf %add3A_71, %sub3A : vector<1000x128xf32>
    %sub3A_77 = vector.broadcast %div3A_75 : vector<1000x1xf32> to vector<1000x128xf32>
    %sub3A_78 = arith.subf %add3A_71, %sub3A_77 : vector<1000x128xf32>
    %mul3A_79 = arith.mulf %sub3A_76, %sub3A_78 : vector<1000x128xf32>
    %reduce_sum3A_80 = arith.constant dense<0.000000e+00> : vector<1000xf32>
    %reduce_sum3A_81 = vector.multi_reduction <add>, %mul3A_79, %reduce_sum3A_80 [1] : vector<1000x128xf32> to vector<1000xf32>
    %broadcast_in_dim3A_82 = vector.shape_cast %reduce_sum3A_81 : vector<1000xf32> to vector<1000x1xf32>
    %div3A_83 = arith.constant 1.280000e+02 : f32
    %div3A_84 = vector.broadcast %div3A_83 : f32 to vector<1000x1xf32>
    %div3A_85 = arith.divf %broadcast_in_dim3A_82, %div3A_84 : vector<1000x1xf32>
    %sub3A_86 = vector.broadcast %div3A_75 : vector<1000x1xf32> to vector<1000x128xf32>
    %sub3A_87 = arith.subf %add3A_71, %sub3A_86 : vector<1000x128xf32>
    %add3A_88 = arith.constant 9.99999974E-6 : f32
    %add3A_89 = vector.broadcast %add3A_88 : f32 to vector<1000x1xf32>
    %add3A_90 = arith.addf %div3A_85, %add3A_89 : vector<1000x1xf32>
    %sqrt3A = math.sqrt %add3A_90 : vector<1000x1xf32>
    %div3A_91 = vector.broadcast %sqrt3A : vector<1000x1xf32> to vector<1000x128xf32>
    %div3A_92 = arith.divf %sub3A_87, %div3A_91 : vector<1000x128xf32>
    %get3A_93 = arith.constant 0 : index
    %get3A_94 = arith.constant 0 : index
    %get3A_95 = vector.load %arg17[%get3A_93, %get3A_94] : memref<1x128xf32, #tpu.memory_space<vmem>>, vector<1x128xf32>
    %mul3A_96 = vector.broadcast %get3A_95 : vector<1x128xf32> to vector<1000x128xf32>
    %mul3A_97 = arith.mulf %div3A_92, %mul3A_96 : vector<1000x128xf32>
    %get3A_98 = arith.constant 0 : index
    %get3A_99 = arith.constant 0 : index
    %get3A_100 = vector.load %arg18[%get3A_98, %get3A_99] : memref<1x128xf32, #tpu.memory_space<vmem>>, vector<1x128xf32>
    %add3A_101 = vector.broadcast %get3A_100 : vector<1x128xf32> to vector<1000x128xf32>
    %add3A_102 = arith.addf %mul3A_97, %add3A_101 : vector<1000x128xf32>
    %swap3A = arith.constant 0 : index
    %swap3A_103 = arith.constant 0 : index
    %swap3A_104 = vector.load %arg19[%swap3A, %swap3A_103] : memref<1000x128xf32, #tpu.memory_space<vmem>>, vector<1000x128xf32>
    tpu.vector_store %arg19[%swap3A, %swap3A_103], %add3A_102 {strides = array<i32>} : memref<1000x128xf32, #tpu.memory_space<vmem>>, vector<1000x128xf32>,
    %get3A_105 = arith.constant 0 : index
    %get3A_106 = arith.constant 0 : index
    %get3A_107 = vector.load %arg2[%get3A_105, %get3A_106] : memref<1000x16xf32, #tpu.memory_space<vmem>>, vector<1000x16xf32>
    %add3A_108 = arith.addf %get3A_107, %mul3A_35 : vector<1000x16xf32>
    %swap3A_109 = arith.constant 0 : index
    %swap3A_110 = arith.constant 0 : index
    %swap3A_111 = vector.load %arg20[%swap3A_109, %swap3A_110] : memref<1000x16xf32, #tpu.memory_space<vmem>>, vector<1000x16xf32>
    tpu.vector_store %arg20[%swap3A_109, %swap3A_110], %add3A_108 {strides = array<i32>} : memref<1000x16xf32, #tpu.memory_space<vmem>>, vector<1000x16xf32>,
    return
  }
  func.func @transform_0(%arg0: i32) -> (i32, i32) {
    %c0_i32 = arith.constant 0 : i32
    %c0_i32_0 = arith.constant 0 : i32
    return %arg0, %c0_i32 : i32, i32
  }
  func.func @transform_1(%arg0: i32) -> (i32, i32) {
    %c0_i32 = arith.constant 0 : i32
    %c0_i32_0 = arith.constant 0 : i32
    return %arg0, %c0_i32 : i32, i32
  }
  func.func @transform_2(%arg0: i32) -> (i32, i32) {
    %c0_i32 = arith.constant 0 : i32
    %c0_i32_0 = arith.constant 0 : i32
    return %arg0, %c0_i32 : i32, i32
  }
  func.func @transform_3(%arg0: i32) -> (i32, i32) {
    %c0_i32 = arith.constant 0 : i32
    %c0_i32_0 = arith.constant 0 : i32
    return %arg0, %c0_i32 : i32, i32
  }
  func.func @transform_4(%arg0: i32) -> (i32, i32) {
    %c0_i32 = arith.constant 0 : i32
    %c0_i32_0 = arith.constant 0 : i32
    return %arg0, %c0_i32 : i32, i32
  }
  func.func @transform_5(%arg0: i32) -> (i32, i32) {
    %c0_i32 = arith.constant 0 : i32
    %c0_i32_0 = arith.constant 0 : i32
    return %arg0, %c0_i32 : i32, i32
  }
  func.func @transform_6(%arg0: i32) -> (i32, i32) {
    %c0_i32 = arith.constant 0 : i32
    %c0_i32_0 = arith.constant 0 : i32
    return %arg0, %c0_i32 : i32, i32
  }
  func.func @transform_7(%arg0: i32) -> (i32, i32) {
    %c0_i32 = arith.constant 0 : i32
    %c0_i32_0 = arith.constant 0 : i32
    return %arg0, %c0_i32 : i32, i32
  }
  func.func @transform_8(%arg0: i32) -> (i32, i32) {
    %c0_i32 = arith.constant 0 : i32
    %c0_i32_0 = arith.constant 0 : i32
    return %arg0, %c0_i32 : i32, i32
  }
  func.func @transform_9(%arg0: i32) -> (i32, i32) {
    %c0_i32 = arith.constant 0 : i32
    %c0_i32_0 = arith.constant 0 : i32
    return %arg0, %c0_i32 : i32, i32
  }
  func.func @transform_10(%arg0: i32) -> (i32, i32) {
    %c0_i32 = arith.constant 0 : i32
    %c0_i32_0 = arith.constant 0 : i32
    return %arg0, %c0_i32 : i32, i32
  }
  func.func @transform_11(%arg0: i32) -> (i32, i32) {
    %c0_i32 = arith.constant 0 : i32
    %c0_i32_0 = arith.constant 0 : i32
    %c0_i32_1 = arith.constant 0 : i32
    return %c0_i32, %c0_i32_0 : i32, i32
  }
  func.func @transform_12(%arg0: i32) -> (i32, i32) {
    %c0_i32 = arith.constant 0 : i32
    %c0_i32_0 = arith.constant 0 : i32
    %c0_i32_1 = arith.constant 0 : i32
    return %c0_i32, %c0_i32_0 : i32, i32
  }
  func.func @transform_13(%arg0: i32) -> (i32, i32) {
    %c0_i32 = arith.constant 0 : i32
    %c0_i32_0 = arith.constant 0 : i32
    %c0_i32_1 = arith.constant 0 : i32
    return %c0_i32, %c0_i32_0 : i32, i32
  }
  func.func @transform_14(%arg0: i32) -> (i32, i32) {
    %c0_i32 = arith.constant 0 : i32
    %c0_i32_0 = arith.constant 0 : i32
    %c0_i32_1 = arith.constant 0 : i32
    return %c0_i32, %c0_i32_0 : i32, i32
  }
  func.func @transform_15(%arg0: i32) -> (i32, i32) {
    %c0_i32 = arith.constant 0 : i32
    %c0_i32_0 = arith.constant 0 : i32
    %c0_i32_1 = arith.constant 0 : i32
    return %c0_i32, %c0_i32_0 : i32, i32
  }
  func.func @transform_16(%arg0: i32) -> (i32, i32) {
    %c0_i32 = arith.constant 0 : i32
    %c0_i32_0 = arith.constant 0 : i32
    %c0_i32_1 = arith.constant 0 : i32
    return %c0_i32, %c0_i32_0 : i32, i32
  }
  func.func @transform_17(%arg0: i32) -> (i32, i32) {
    %c0_i32 = arith.constant 0 : i32
    %c0_i32_0 = arith.constant 0 : i32
    %c0_i32_1 = arith.constant 0 : i32
    return %c0_i32, %c0_i32_0 : i32, i32
  }
  func.func @transform_18(%arg0: i32) -> (i32, i32) {
    %c0_i32 = arith.constant 0 : i32
    %c0_i32_0 = arith.constant 0 : i32
    return %arg0, %c0_i32 : i32, i32
  }
  func.func @transform_19(%arg0: i32) -> (i32, i32) {
    %c0_i32 = arith.constant 0 : i32
    %c0_i32_0 = arith.constant 0 : i32
    return %arg0, %c0_i32 : i32, i32
  }
}

</mosaic_0001>

<sc_bundles>
// kernel: kernel.12.cloned.1.call-start
scs
__scs_entry_jumppad:
0x0: {  	(pc) =	sbr.rel $0x88, $3  }
0x1: {  	(tag) =	ssettag $0x0;
	lr =	simm.s32 $0x1  }
0x2: {  	[smem:$0x3F8D] =	sst lr;
	_ =	strace $0xD0000000  }
0x3: {  	_ = 	snop  }
0x4: {  	_ = 	snop  }
0x5: {  	_ = 	snop  }
0x6: {  	_ = 	snop  }
0x7: {  	_ = 	snop  }
__scs_overlays_trampoline_lowered:
0x8: {  	[smem:$0x3F9C] =	sst s0  }
0x9: {  	[smem:$0x3F9D] =	sst s1  }
0xa: {  	[smem:$0x3F9E] =	sst s2  }
0xb: {  	[smem:$0x3F9F] =	sst s3  }
0xc: {  	[smem:$0x3FA0] =	sst s4  }
0xd: {  	[smem:$0x3FA1] =	sst s5  }
0xe: {  	[smem:$0x3FA2] =	sst s6  }
0xf: {  	[smem:$0x3FA3] =	sst s7  }
0x10: {  	[smem:$0x3FA4] =	sst s8  }
0x11: {  	[smem:$0x3FA5] =	sst s9;
	s0 =	simm.s32 @!p0 $0x0  }
0x12: {  	s1 =	sld [smem:$0x3F8B];
	s0 =	simm.s32 @p0 $0x1  }
0x13: {  	[smem:$0x3FA6] =	sst s0;
	s0 =	simm.s32 @!p1 $0x0  }
0x14: {  	s2 =	sld [smem:$0x3F8A];
	s0 =	simm.s32 @p1 $0x1  }
0x15: {  	[smem:$0x3FA7] =	sst s0;
	s0 =	simm.s32 @!p2 $0x0  }
0x16: {  	s3 =	sld [smem:$0x3FDB];
	s0 =	simm.s32 @p2 $0x1  }
0x17: {  	s4 =	simm.s32 $0x1BF5;
	[smem:$0x3FA9] =	sst s0  }
0x18: {  	s0 =	sld [smem:$0x3F8C];
	_ =	swait.ge [sflag:s4], $0x0  }
0x19: {  	s7 =	sld [smem:$0x3F8D]  }
0x1a: {  	s8 =	sadd.s32 $0xFFFFE003, lr  }
0x1b: {  	s9 =	sadd.s32 $0xFFFFFEF7, lr;
	s5 =	simm.s32 $0xFFFFFFFF;
	p2 =	slt.u32 s8, $0xFFFFF086  }
0x1c: {  	p1 =	slt.u32 s9, $0xF7A;
	s5 =	simm.s32 @!p2 $0x0  }
0x1d: {  	s5 =	simm.s32 @p1 $0x1;
	p0 =	seq.s32 s7, s2  }
0x1e: {  	s7 =	smul.u32 @!p0 $0xF7A, s2;
	p2 =	seq.s32 @!p0 s5, $0x0  }
0x1f: {  	s9 =	smul.u32 $0xF7A, s1;
	s8 =	simm.s32 @!p0 $0x1BF5;
	p2 =	por !p2, p0  }
0x20: {  	[sflag:s8] =	ssyncset.s32 @!p0 $0xFFFFF086;
	s6 =	sadd.s32 @!p0 s3, s7;
	s7 =	simm.s32 @!p0 $0x108  }
0x21: {  	s3 =	sadd.s32 s3, s9;
	s6 =	sadd.s32 @!p0 $0x88, s6;
	s7 =	simm.s32 @p2 $0x1082  }
0x22: {  	[simem:s7], [sflag:s8] =	dma.local @!p0 [hbm:s6], $0xF7A  }
0x23: {  	s9 =	sor.u32 $0xD0000000, s2;
	s6 =	simm.s32 $0x108;
	_ =	swait.ge @!p0 [sflag:s8], $0x0  }
0x24: {  	s3 =	sadd.s32 $0x88, s3;
	s6 =	simm.s32 @!p1 $0x1082;
	[sflag:s4] =	ssyncset.s32 $0xFFFFF086  }
0x25: {  	[simem:s6], [sflag:s4] =	dma.local [hbm:s3], $0xF7A  }
0x26: {  	[smem:$0x3F8D] =	sst s1;
	(tag) =	ssettag s2;
	_ =	strace s9  }
0x27: {  	s1 =	sld [smem:$0x3F9D]  }
0x28: {  	s2 =	sld [smem:$0x3F9E]  }
0x29: {  	s4 =	sld [smem:$0x3FA0]  }
0x2a: {  	p0 =	seq.s32 s5, $0x0;
	s5 =	sld [smem:$0x3FA1]  }
0x2b: {  	s6 =	sld [smem:$0x3FA2]  }
0x2c: {  	s7 =	sld [smem:$0x3FA3]  }
0x2d: {  	s3 =	simm.s32 $0x108;
	s8 =	sld [smem:$0x3FA4]  }
0x2e: {  	s3 =	simm.s32 @!p0 $0x1082;
	s9 =	sld [smem:$0x3FA5]  }
0x2f: {  	lr =	sadd.s32 s0, s3;
	s0 =	sld [smem:$0x3F9C]  }
0x30: {  	s3 =	sld [smem:$0x3F9F]  }
0x31: {  	[smem:$0x3FA8] =	sst s10  }
0x32: {  	s10 =	sld [smem:$0x3FA6];
	_ =	sdelay $0x3  }
0x33: {  	p0 =	seq.s32 s10, $0x1;
	s10 =	sld [smem:$0x3FA8];
	_ =	sdelay $0x3  }
0x34: {  	[smem:$0x3FA8] =	sst s10  }
0x35: {  	s10 =	sld [smem:$0x3FA7];
	_ =	sdelay $0x3  }
0x36: {  	p1 =	seq.s32 s10, $0x1;
	s10 =	sld [smem:$0x3FA8];
	_ =	sdelay $0x3  }
0x37: {  	[smem:$0x3FA8] =	sst s10  }
0x38: {  	s10 =	sld [smem:$0x3FA9]  }
0x39: {  	_ = 	snop;
	(pc) =	sbr.ind lr, $3  }
0x3a: {  	_ = 	snop  }
0x3b: {  	_ = 	snop  }
0x3c: {  	p2 =	seq.s32 s10, $0x1;
	s10 =	sld [smem:$0x3FA8]  }
0x3d: {  	_ =	shalt  }
0x3e: {  	_ =	shalt  }
0x3f: {  	_ =	shalt  }
0x40: {  	_ =	shalt  }
0x41: {  	_ =	shalt  }
0x42: {  	_ =	shalt  }
0x43: {  	_ =	shalt  }
0x44: {  	_ =	shalt  }
0x45: {  	_ =	shalt  }
0x46: {  	_ =	shalt  }
0x47: {  	_ =	shalt  }
0x48: {  	_ =	shalt  }
0x49: {  	_ =	shalt  }
0x4a: {  	_ =	shalt  }
0x4b: {  	_ =	shalt  }
0x4c: {  	_ =	shalt  }
0x4d: {  	_ =	shalt  }
0x4e: {  	_ =	shalt  }
0x4f: {  	_ =	shalt  }
0x50: {  	_ =	shalt  }
0x51: {  	_ =	shalt  }
0x52: {  	_ =	shalt  }
0x53: {  	_ =	shalt  }
0x54: {  	_ =	shalt  }
0x55: {  	_ =	shalt  }
0x56: {  	_ =	shalt  }
0x57: {  	_ =	shalt  }
0x58: {  	_ =	shalt  }
0x59: {  	_ =	shalt  }
0x5a: {  	_ =	shalt  }
0x5b: {  	_ =	shalt  }
0x5c: {  	_ =	shalt  }
0x5d: {  	_ =	shalt  }
0x5e: {  	_ =	shalt  }
0x5f: {  	_ =	shalt  }
0x60: {  	_ =	shalt  }
0x61: {  	_ =	shalt  }
0x62: {  	_ =	shalt  }
0x63: {  	_ =	shalt  }
0x64: {  	_ =	shalt  }
0x65: {  	_ =	shalt  }
0x66: {  	_ =	shalt  }
0x67: {  	_ =	shalt  }
0x68: {  	_ =	shalt  }
0x69: {  	_ =	shalt  }
0x6a: {  	_ =	shalt  }
0x6b: {  	_ =	shalt  }
0x6c: {  	_ =	shalt  }
0x6d: {  	_ =	shalt  }
0x6e: {  	_ =	shalt  }
0x6f: {  	_ =	shalt  }
0x70: {  	_ =	shalt  }
0x71: {  	_ =	shalt  }
0x72: {  	_ =	shalt  }
0x73: {  	_ =	shalt  }
0x74: {  	_ =	shalt  }
0x75: {  	_ =	shalt  }
0x76: {  	_ =	shalt  }
0x77: {  	_ =	shalt  }
0x78: {  	_ =	shalt  }
0x79: {  	_ =	shalt  }
0x7a: {  	_ =	shalt  }
0x7b: {  	_ =	shalt  }
0x7c: {  	_ =	shalt  }
0x7d: {  	_ =	shalt  }
0x7e: {  	_ =	shalt  }
0x7f: {  	_ =	shalt  }
0x80: {  	_ =	shalt  }
0x81: {  	_ =	shalt  }
0x82: {  	_ =	shalt  }
0x83: {  	_ =	shalt  }
0x84: {  	_ =	shalt  }
0x85: {  	_ =	shalt  }
0x86: {  	_ =	shalt  }
0x87: {  	_ =	shalt  }
.Lfunc_end0:
.L_simem_size_0:
called_computation.1_lowered:
.L_overlay_start_0:
0x88: {  	s2 =	sld [smem:$0x3FD9]  }
0x89: {  	s3 =	sld [smem:$0x3FFE];
	_ =	sdelay $0x1  }
0x8a: {  	s1 =	srdreg.scid  }
0x8b: {  	s0 =	sand.u32 $0x1, s1  }
0x8c: {  	s17 =	sshll.u32 s0, $0xA;
	s2 =	sadd.s32 s3, s2  }
0x8d: {  	s2 =	sadd.s32 s2, s17  }
0x8e: {  	[smem:$0x3FB4] =	sst s2  }
0x8f: {  	_ = 	snop  }
0x90: {  	s18 =	sld [smem:$0x3FC9];
	(tm) =	ssettm $0x1  }
0x91: {  	s19 =	sld [smem:$0x3FFB];
	_ =	sdelay $0x3  }
0x92: {  	_ =	strace s19  }
0x93: {  	s2 =	sld [smem:$0x3FFC];
	_ =	sdelay $0x3  }
0x94: {  	_ =	strace s2  }
0x95: {  	s2 =	sld [smem:$0x3FFD];
	_ =	sdelay $0x3  }
0x96: {  	_ =	strace s2  }
0x97: {  	_ =	strace $0x8FFFFFFF  }
0x98: {  	s20 =	sld [smem:$0x3FDB];
	_ =	sdelay $0x1  }
0x99: {  	s4 =	simm.s32 $_scs_section_size  }
0x9a: {  	s5 =	simm.s32 $_size__tile_overlayer_lowered;
	s6 =	simm.s32 $_tile_overlayer_lowered  }
0x9b: {  	s7 =	simm.s32 $0x1BFF;
	s21 =	sshll.u32 s6, $0x1;
	s4 =	sadd.s32 s4, s20  }
0x9c: {  	s22 =	simm.s32 $0x0;
	s5 =	sshll.u32 s5, $0x1;
	s6 =	sadd.s32 s21, s4  }
0x9d: {  	[timem:s22], [sflag:s7] =	dma.local [hbm:s6], s5  }
0x9e: {  	_ =	swait.ge [sflag:s7], s5  }
0x9f: {  	s5 =	ssub.s32 $0x0, s5;
	[sflag:s7] =	ssyncset.done $0x0  }
0xa0: {  	[sflag:s7] =	ssyncadd.s32 s5;
	_ =	sdelay $0x1  }
0xa1: {  	s23 =	simm.s32 $0x1B8B  }
0xa2: {  	_ =	swait.ge [sflag:s23], $0x1  }
0xa3: {  	[sflag:s23] =	ssyncset.done $0x0  }
0xa4: {  	[sflag:s23] =	ssyncadd.s32 $0xFFFFFFFF  }
0xa5: {  	s5 =	sld [smem:$0x0]  }
0xa6: {  	s6 =	sand.u32 $0xFFFFFFFE, s1  }
0xa7: {  	p0 =	sne.s32 s1, s6  }
0xa8: {  	s6 =	sshll.u32 @p0 s6, $0xE  }
0xa9: {  	s6 =	sadd.s32 @p0 $0x11B8D, s6;
	s7 =	sshll.u32 @p0 s5, $0x11  }
0xaa: {  	s6 =	sor.u32 @p0 s7, s6  }
0xab: {  	[sflag:s6] =	ssyncadd.remote.s32 @p0 $0x1;
	_ =	sdelay $0x1  }
0xac: {  	s6 =	simm.s32 @p0 $0x1B8D  }
0xad: {  	_ =	swait.eq @p0 [sflag:s6], $0x1  }
0xae: {  	[sflag:s6] =	ssyncadd.s32 @p0 $0xFFFFFFFF  }
0xaf: {  	s7 =	sshll.u32 @!p0 s1, $0xE  }
0xb0: {  	s7 =	sor.u32 @!p0 $0x4000, s7;
	s6 =	simm.s32 @!p0 $0x1B8D  }
0xb1: {  	s5 =	sshll.u32 @!p0 s5, $0x11;
	s7 =	sadd.s32 @!p0 $0x11B8D, s7;
	_ =	swait.eq @!p0 [sflag:s6], $0x1  }
0xb2: {  	s5 =	sor.u32 @!p0 s5, s7;
	[sflag:s6] =	ssyncadd.s32 @!p0 $0xFFFFFFFF  }
0xb3: {  	s25 =	simm.s32 $0x1B8E;
	s24 =	sld [smem:$0x3FFE];
	[sflag:s5] =	ssyncadd.remote.s32 @!p0 $0x1  }
0xb4: {  	s26 =	simm.s32 $execute0_lowered;
	[smem:$0x3FD2] =	sst s25  }
0xb5: {  	s6 =	sshll.u32 s26, $0x1;
	_ =	strace $0x80000049;
	[dreg:$0x1] =	wrdreg $0xFFFFFFFF  }
0xb6: {  	s28 =	simm.s32 $_size_execute0_lowered;
	s4 =	sadd.s32 s4, s6;
	[dreg:$0x0] =	wrdreg $0x0  }
0xb7: {  	s6 =	sshll.u32 s28, $0x1;
	[dreg:$0x2] =	wrdreg s4  }
0xb8: {  	[dreg:$0x3] =	wrdreg s6  }
0xb9: {  	[dreg:$0x4] =	wrdreg $0xC0  }
0xba: {  	_ =	task [dreg:s22], $0x5FFFF  }
0xbb: {  	[dreg:$0x1] =	wrdreg $0xFFFFFFFF  }
0xbc: {  	[dreg:$0x0] =	wrdreg $0x60  }
0xbd: {  	[dreg:$0x2] =	wrdreg s18  }
0xbe: {  	[dreg:$0x3] =	wrdreg s24  }
0xbf: {  	[dreg:$0x4] =	wrdreg $0x9  }
0xc0: {  	_ =	task.clear_ibuf [dreg:s22], $0x5FFFF;
	_ =	strace $0x90000049  }
0xc1: {  	s29 =	simm.s32 $0x9;
	_ =	strace $0x8000004B  }
0xc2: {  	_ =	swait.ge [sflag:s29], $0x1  }
0xc3: {  	[sflag:s29] =	ssyncadd.s32 $0xFFFFFFFF  }
0xc4: {  	_ =	strace $0x9000004B  }
0xc5: {  	_ =	sfence  }
0xc6: {  	s30 =	sld [smem:$0x0];
	_ =	sdelay $0x2  }
0xc7: {  	s31 =	sshll.u32 s1, $0xD;
	s1 =	sshrl.u32 s1, $0x2  }
0xc8: {  	s4 =	sand.u32 $0x4000, s31;
	s1 =	sadd.s32 s1, s30  }
0xc9: {  	s0 =	sor.u32 s4, s0;
	s1 =	sshll.u32 s1, $0x11  }
0xca: {  	s0 =	sor.u32 s1, s0  }
0xcb: {  	s0 =	sadd.s32 $0x8F2B, s0  }
0xcc: {  	[sflag:s0] =	ssyncadd.remote.s32 $0x1  }
0xcd: {  	_ =	sfence.sel $0xFFFF  }
0xce: {  	[dreg:$0x0] =	wrdreg $0xFFFFFFFF;
	(pc) =	sbr.abs _section_cstart, $3  }
0xcf: {  	[dreg:$0x1] =	wrdreg $0xFFFFFFFF  }
0xd0: {  	_ =	task.clear_ibuf [dreg:s22], $0x2FFFF;
	_ =	strace $0x9FFFFFFF  }
0xd1: {  	(tm) =	ssettm $0x7FFFFFFF  }
tec
execute0_lowered:
.L_overlay_start_1:
0x0: {  	(tag) =	ssettag $0x1  }
0x1: {  	s2 =	rddreg [dreg:$0x0]  }
0x2: {  	s0 =	rddreg [dreg:$0x1]  }
0x3: {  	s1 =	srdreg.scid;
	s4 =	stileid.u32;
	s3 =	simm.s32 $0x0  }
0x4: {  	s17 =	simm.s32 $0xC8;
	s18 =	simm.s32 $0x190;
	s19 =	simm.s32 $0x6590  }
0x5: {  	s20 =	simm.s32 $0xC990;
	s21 =	simm.s32 $0xD610;
	s22 =	simm.s32 $0x1  }
0x6: {  	s23 =	simm.s32 $0x27100;
	s24 =	simm.s32 $0xE290;
	s28 =	simm.s32 $0x1BEE0  }
0x7: {  	s30 =	simm.s32 $0x14E60;
	s31 =	simm.s32 $0x1CB60;
	s1 =	sand.u32 $0x1, s1  }
0x8: {  	s4 =	sshll.u32 s4, $0x1;
	[smem:$0x7FF] =	sst s3;
	s5 =	sadd.s32 $0x7A00, s0  }
0x9: {  	s6 =	sadd.s32 $0xCA00, s0;
	s7 =	sadd.s32 $0x16800, s0;
	s4 =	sor.u32 s1, s4  }
0xa: {  	s8 =	sadd.s32 $0x550A00, s0;
	s1 =	ssub.s32 $0x2, s1;
	s4 =	smul.u32 $0x1388, s4  }
0xb: {  	s10 =	sadd.s32 $0x7C1A00, s0;
	s11 =	sadd.s32 $0x529800, s0;
	s12 =	sshrl.u32 s1, $0x1  }
.Ltmp0:
0xc: {  	s25 =	ssub.s32 s1, s12;
	s9 =	sadd.s32 $0x27100, s4;
	(pc) =	sbr.rel .LBB2_1-.Ltmp0, $4  }
0xd: {  	v0 =	vlaneseq.u32;
	_ =	strace $0x8000004A;
	s0 =	smax.u32 s25, $0x1;
	s13 =	sshrl.u32 s9, $0x3  }
0xe: {  	v0 =	vmul.u32 $0x10, v0;
	s12 =	simm.s32 $0x0;
	[dreg:$0x5] =	wrdreg s0;
	s26 =	sadd.s32 s6, s13  }
0xf: {  	v1 =	vimm.f32 $0.0e+00;
	s14 =	sadd.s32 $0x27290, s4;
	s29 =	sadd.s32 s7, s13;
	[dreg:$0x3] =	wrdreg s26  }
0x10: {  	v2 =	vadd.s32 $0xB80, v0;
	v3 =	vadd.s32 $0xB81, v0;
	v4 =	vadd.s32 $0xB82, v0;
	s25 =	simm.s32 $0x2;
	[dreg:$0x4] =	wrdreg s29;
	s26 =	simm.s32 $0x1B260  }
.LBB2_9:
0x11: {  	s0 =	simm.s32 $0x3  }
0x12: {  	_ =	swait.ge [sflag:s0], $0x6400  }
0x13: {  	[sflag:s0] =	ssyncset.done $0x0  }
0x14: {  	[sflag:s0] =	ssyncadd.s32 $0xFFFF9C00  }
0x15: {  	_ =	swait.ge [sflag:s0], $0x6400  }
0x16: {  	[sflag:s0] =	ssyncset.done $0x0  }
0x17: {  	[sflag:s0] =	ssyncadd.s32 $0xFFFF9C00  }
0x18: {  	_ =	swait.ge [sflag:s0], $0x640  }
0x19: {  	[sflag:s0] =	ssyncset.done $0x0  }
0x1a: {  	s1 =	simm.s32 $0x4;
	[sflag:s0] =	ssyncadd.s32 $0xFFFFF9C0  }
0x1b: {  	_ =	swait.ge [sflag:s1], $0x6400  }
0x1c: {  	[sflag:s1] =	ssyncset.done $0x0  }
0x1d: {  	[sflag:s1] =	ssyncadd.s32 $0xFFFF9C00  }
0x1e: {  	_ =	swait.ge [sflag:s1], $0x6400  }
0x1f: {  	[sflag:s1] =	ssyncset.done $0x0  }
0x20: {  	[sflag:s1] =	ssyncadd.s32 $0xFFFF9C00  }
0x21: {  	_ =	swait.ge [sflag:s1], $0x640  }
0x22: {  	s12 =	rddreg [dreg:$0x6]  }
0x23: {  	s29 =	rddreg [dreg:$0x5];
	s12 =	sadd.s32 $0x1, s12  }
0x24: {  	p0 =	sne.s32 s12, s29  }
.Ltmp1:
0x25: {  	_ = 	snop;
	(pc) =	sbr.rel @!p0 .LBB2_10-.Ltmp1, $3  }
0x26: {  	_ =	sdelay $0x1  }
0x27: {  	[sflag:s1] =	ssyncset.done $0x0  }
0x28: {  	[sflag:s1] =	ssyncadd.s32 $0xFFFFF9C0  }
.LBB2_1:
0x29: {  	[tilespmem:$0xE5B0] =	vst v1  }
0x2a: {  	[tilespmem:$0xE678] =	vst v1  }
0x2b: {  	[tilespmem:$0xE740] =	vst v1  }
0x2c: {  	[tilespmem:$0xE808] =	vst v1  }
0x2d: {  	[tilespmem:$0xE5C0] =	vst v1  }
0x2e: {  	[tilespmem:$0xE688] =	vst v1  }
0x2f: {  	[tilespmem:$0xE750] =	vst v1  }
0x30: {  	[tilespmem:$0xE818] =	vst v1  }
0x31: {  	[tilespmem:$0xE5D0] =	vst v1  }
0x32: {  	[tilespmem:$0xE698] =	vst v1  }
0x33: {  	[tilespmem:$0xE760] =	vst v1  }
0x34: {  	[tilespmem:$0xE828] =	vst v1  }
0x35: {  	[tilespmem:$0xE5E0] =	vst v1  }
0x36: {  	[tilespmem:$0xE6A8] =	vst v1  }
0x37: {  	[tilespmem:$0xE770] =	vst v1  }
0x38: {  	[tilespmem:$0xE838] =	vst v1  }
0x39: {  	[tilespmem:$0xE5F0] =	vst v1  }
0x3a: {  	[tilespmem:$0xE6B8] =	vst v1  }
0x3b: {  	[tilespmem:$0xE780] =	vst v1  }
0x3c: {  	[tilespmem:$0xE848] =	vst v1  }
0x3d: {  	[tilespmem:$0xE600] =	vst v1  }
0x3e: {  	[tilespmem:$0xE6C8] =	vst v1  }
0x3f: {  	[tilespmem:$0xE790] =	vst v1  }
0x40: {  	[tilespmem:$0xE858] =	vst v1  }
0x41: {  	[tilespmem:$0xE610] =	vst v1  }
0x42: {  	[tilespmem:$0xE6D8] =	vst v1  }
0x43: {  	[tilespmem:$0xE7A0] =	vst v1  }
0x44: {  	[tilespmem:$0xE868] =	vst v1  }
0x45: {  	[tilespmem:$0xE620] =	vst v1  }
0x46: {  	[tilespmem:$0xE6E8] =	vst v1  }
0x47: {  	[tilespmem:$0xE7B0] =	vst v1  }
0x48: {  	[tilespmem:$0xE878] =	vst v1  }
0x49: {  	[tilespmem:$0xE630] =	vst v1  }
0x4a: {  	[tilespmem:$0xE6F8] =	vst v1  }
0x4b: {  	[tilespmem:$0xE7C0] =	vst v1  }
0x4c: {  	[tilespmem:$0xE888] =	vst v1  }
0x4d: {  	[tilespmem:$0xE640] =	vst v1  }
0x4e: {  	[tilespmem:$0xE708] =	vst v1  }
0x4f: {  	[tilespmem:$0xE7D0] =	vst v1  }
0x50: {  	[tilespmem:$0xE898] =	vst v1  }
0x51: {  	[tilespmem:$0xE650] =	vst v1  }
0x52: {  	[tilespmem:$0xE718] =	vst v1  }
0x53: {  	[tilespmem:$0xE7E0] =	vst v1  }
0x54: {  	[tilespmem:$0xE8A8] =	vst v1  }
0x55: {  	[tilespmem:$0xE660] =	vst v1  }
0x56: {  	[tilespmem:$0xE728] =	vst v1  }
0x57: {  	[tilespmem:$0xE7F0] =	vst v1  }
0x58: {  	[tilespmem:$0xE8B8] =	vst v1  }
0x59: {  	[tilespmem:$0x1CE80] =	vst v1  }
0x5a: {  	[tilespmem:$0x1CF48] =	vst v1  }
0x5b: {  	[tilespmem:$0x1D010] =	vst v1  }
0x5c: {  	[tilespmem:$0x1D0D8] =	vst v1  }
0x5d: {  	[tilespmem:$0x1CE90] =	vst v1  }
0x5e: {  	[tilespmem:$0x1CF58] =	vst v1  }
0x5f: {  	[tilespmem:$0x1D020] =	vst v1  }
0x60: {  	[tilespmem:$0x1D0E8] =	vst v1  }
0x61: {  	[tilespmem:$0x1CEA0] =	vst v1  }
0x62: {  	[tilespmem:$0x1CF68] =	vst v1  }
0x63: {  	[tilespmem:$0x1D030] =	vst v1  }
0x64: {  	[tilespmem:$0x1D0F8] =	vst v1  }
0x65: {  	[tilespmem:$0x1CEB0] =	vst v1  }
0x66: {  	[tilespmem:$0x1CF78] =	vst v1  }
0x67: {  	[tilespmem:$0x1D040] =	vst v1  }
0x68: {  	[tilespmem:$0x1D108] =	vst v1  }
0x69: {  	[tilespmem:$0x1CEC0] =	vst v1  }
0x6a: {  	[tilespmem:$0x1CF88] =	vst v1  }
0x6b: {  	[tilespmem:$0x1D050] =	vst v1  }
0x6c: {  	[tilespmem:$0x1D118] =	vst v1  }
0x6d: {  	[tilespmem:$0x1CED0] =	vst v1  }
0x6e: {  	[tilespmem:$0x1CF98] =	vst v1  }
0x6f: {  	[tilespmem:$0x1D060] =	vst v1  }
0x70: {  	[tilespmem:$0x1D128] =	vst v1  }
0x71: {  	[tilespmem:$0x1CEE0] =	vst v1  }
0x72: {  	[tilespmem:$0x1CFA8] =	vst v1  }
0x73: {  	[tilespmem:$0x1D070] =	vst v1  }
0x74: {  	[tilespmem:$0x1D138] =	vst v1  }
0x75: {  	[tilespmem:$0x1CEF0] =	vst v1  }
0x76: {  	[tilespmem:$0x1CFB8] =	vst v1  }
0x77: {  	[tilespmem:$0x1D080] =	vst v1  }
0x78: {  	[tilespmem:$0x1D148] =	vst v1  }
0x79: {  	[tilespmem:$0x1CF00] =	vst v1  }
0x7a: {  	[tilespmem:$0x1CFC8] =	vst v1  }
0x7b: {  	[tilespmem:$0x1D090] =	vst v1  }
0x7c: {  	[tilespmem:$0x1D158] =	vst v1  }
0x7d: {  	[tilespmem:$0x1CF10] =	vst v1  }
0x7e: {  	[tilespmem:$0x1CFD8] =	vst v1  }
0x7f: {  	[tilespmem:$0x1D0A0] =	vst v1  }
0x80: {  	[tilespmem:$0x1D168] =	vst v1  }
0x81: {  	[tilespmem:$0x1CF20] =	vst v1  }
0x82: {  	[tilespmem:$0x1CFE8] =	vst v1  }
0x83: {  	[tilespmem:$0x1D0B0] =	vst v1  }
0x84: {  	[tilespmem:$0x1D178] =	vst v1  }
0x85: {  	[tilespmem:$0x1CF30] =	vst v1  }
0x86: {  	[tilespmem:$0x1CFF8] =	vst v1  }
0x87: {  	[tilespmem:$0x1D0C0] =	vst v1  }
0x88: {  	[tilespmem:$0x1D188] =	vst v1  }
0x89: {  	[tilespmem:$0xE668] =	vst v1  }
0x8a: {  	[tilespmem:$0xE730] =	vst v1  }
0x8b: {  	[tilespmem:$0xE7F8] =	vst v1  }
0x8c: {  	[tilespmem:$0xE8C0] =	vst v1  }
0x8d: {  	[tilespmem:$0x1CF38] =	vst v1  }
0x8e: {  	[tilespmem:$0x1D000] =	vst v1  }
0x8f: {  	[dreg:$0x6] =	wrdreg s12;
	[tilespmem:$0x1D0C8] =	vst v1  }
0x90: {  	s0 =	rddreg [dreg:$0x3];
	s1 =	simm.s32 $0x5;
	[tilespmem:$0x1D190] =	vst v1  }
0x91: {  	[tilespmem:s3], [sflag:$0x5] =	stream.linear.gather [hbm4b:s0+s3], $0xC8, $0x38;
	[tilespmem:$0x1D1A0] =	vst v63  }
0x92: {  	_ =	swait.ge [sflag:s1], $0xC8  }
0x93: {  	[sflag:s1] =	ssyncset.done $0x0  }
0x94: {  	s29 =	rddreg [dreg:$0x4];
	[sflag:s1] =	ssyncadd.s32 $0xFFFFFF38  }
0x95: {  	[tilespmem:s17], [sflag:$0x5] =	stream.linear.gather [hbm4b:s29+s3], $0xC8, $0x38;
	[tilespmem:$0x1D1A0] =	vst v63  }
0x96: {  	_ =	swait.ge [sflag:s1], $0xC8  }
0x97: {  	[sflag:s1] =	ssyncset.done $0x0  }
0x98: {  	[sflag:s1] =	ssyncadd.s32 $0xFFFFFF38  }
0x99: {  	[tilespmem:s18], [sflag:$0x1] =	stream.indirect.gather [hbm4b:s2+s17], $0x80, s3, s17, $0xb8;
	[tilespmem:$0x1D1A0] =	vst v63  }
0x9a: {  	_ = 	snop  }
0x9b: {  	[tilespmem:s19], [sflag:$0x1] =	stream.indirect.gather [hbm4b:s2+s17], $0x80, s17, s17, $0xb8;
	[tilespmem:$0x1D1A0] =	vst v63  }
.Ltmp2:
0x9c: {  	_ = 	snop;
	(pc) =	sbr.rel .LBB2_2-.Ltmp2, $4  }
0x9d: {  	_ = 	snop  }
0x9e: {  	[tilespmem:s20], [sflag:$0x1] =	stream.indirect.gather [hbm4b:s5+s17], $0x10, s3, s17, $0xb8;
	[tilespmem:$0x1D1A0] =	vst v63  }
0x9f: {  	s13 =	simm.s32 $0x0  }
0xa0: {  	[tilespmem:s21], [sflag:$0x1] =	stream.indirect.gather [hbm4b:s5+s17], $0x10, s17, s17, $0xb8;
	[tilespmem:$0x1D1A0] =	vst v63  }
.LBB2_8:
0xa1: {  	s13 =	sadd.s32 $0x1, s13  }
0xa2: {  	p0 =	sne.s32 s13, $0xD  }
.Ltmp3:
0xa3: {  	_ = 	snop;
	(pc) =	sbr.rel @!p0 .LBB2_9-.Ltmp3, $1  }
0xa4: {  	_ =	sdelay $0x3  }
.LBB2_2:
0xa5: {  	s15 =	sshllo.u32 s13, $0x1  }
0xa6: {  	p0 =	sgt.u32 s15, $0x18  }
0xa7: {  	p1 =	seq.s32 @!p0 s13, $0x0  }
0xa8: {  	p1 =	por p1, p0  }
0xa9: {  	s0 =	simm.s32 @!p1 $0x4  }
0xaa: {  	_ =	swait.ge @!p1 [sflag:s0], $0x6400  }
0xab: {  	[sflag:s0] =	ssyncset.done @!p1 $0x0  }
0xac: {  	[sflag:s0] =	ssyncadd.s32 @!p1 $0xFFFF9C00  }
0xad: {  	_ =	swait.ge @!p1 [sflag:s0], $0x6400  }
0xae: {  	[sflag:s0] =	ssyncset.done @!p1 $0x0  }
0xaf: {  	s16 =	smul.u32 @!p0 $0xC8, s15;
	[sflag:s0] =	ssyncadd.s32 @!p1 $0xFFFF9C00  }
0xb0: {  	_ =	swait.ge @!p1 [sflag:s0], $0x640  }
0xb1: {  	s16 =	sadd.s32 @!p0 s9, s16;
	[sflag:s0] =	ssyncset.done @!p1 $0x0  }
0xb2: {  	[sflag:s0] =	ssyncadd.s32 @!p1 $0xFFFFF9C0;
	s0 =	sshrl.u32 @!p0 s16, $0x3  }
0xb3: {  	s1 =	simm.s32 @!p0 $0x0;
	s12 =	simm.s32 @!p0 $0xE8D0;
	s16 =	sadd.s32 @!p0 s6, s0  }
0xb4: {  	[tilespmem:s12], [sflag:$0x5] =	stream.linear.gather @!p0 [hbm4b:s16+s1], $0xC8, $0x38;
	[tilespmem:$0x1D1A0] =	vst v63  }
0xb5: {  	s16 =	simm.s32 @!p0 $0x5  }
0xb6: {  	_ =	swait.ge @!p0 [sflag:s16], $0xC8  }
0xb7: {  	[sflag:s16] =	ssyncset.done @!p0 $0x0  }
0xb8: {  	s29 =	simm.s32 @!p0 $0xE998;
	s0 =	sadd.s32 @!p0 s7, s0;
	[sflag:s16] =	ssyncadd.s32 @!p0 $0xFFFFFF38  }
0xb9: {  	[tilespmem:s29], [sflag:$0x5] =	stream.linear.gather @!p0 [hbm4b:s0+s1], $0xC8, $0x38;
	[tilespmem:$0x1D1A0] =	vst v63  }
0xba: {  	_ =	swait.ge @!p0 [sflag:s16], $0xC8  }
0xbb: {  	[sflag:s16] =	ssyncset.done @!p0 $0x0  }
0xbc: {  	s0 =	simm.s32 @!p0 $0xC8;
	s1 =	simm.s32 @!p0 $0xEA60;
	[sflag:s16] =	ssyncadd.s32 @!p0 $0xFFFFFF38  }
0xbd: {  	[tilespmem:s1], [sflag:$0x2] =	stream.indirect.gather @!p0 [hbm4b:s2+s0], $0x80, s12, s0, $0xb8;
	[tilespmem:$0x1D1A0] =	vst v63  }
0xbe: {  	s1 =	simm.s32 @!p0 $0x14E60  }
0xbf: {  	[tilespmem:s1], [sflag:$0x2] =	stream.indirect.gather @!p0 [hbm4b:s2+s0], $0x80, s29, s0, $0xb8;
	[tilespmem:$0x1D1A0] =	vst v63  }
0xc0: {  	s1 =	simm.s32 @!p0 $0x1B260  }
0xc1: {  	[tilespmem:s1], [sflag:$0x2] =	stream.indirect.gather @!p0 [hbm4b:s5+s0], $0x10, s12, s0, $0xb8;
	[tilespmem:$0x1D1A0] =	vst v63  }
0xc2: {  	s1 =	simm.s32 @!p0 $0x1BEE0  }
0xc3: {  	[tilespmem:s1], [sflag:$0x2] =	stream.indirect.gather @!p0 [hbm4b:s5+s0], $0x10, s29, s0, $0xb8;
	[tilespmem:$0x1D1A0] =	vst v63  }
0xc4: {  	_ =	swait.ge [sflag:s22], $0x6400  }
0xc5: {  	[sflag:s22] =	ssyncset.done $0x0  }
0xc6: {  	[sflag:s22] =	ssyncadd.s32 $0xFFFF9C00  }
0xc7: {  	s16 =	simm.s32 $0x0;
	_ =	swait.ge [sflag:s22], $0x6400  }
0xc8: {  	v5 =	vmov s16;
	[sflag:s22] =	ssyncset.done $0x0  }
0xc9: {  	v5 =	vshll.u32 v5, $0x4;
	[sflag:s22] =	ssyncadd.s32 $0xFFFF9C00  }
0xca: {  	v5 =	vadd.s32 v0, v5;
	_ =	swait.ge [sflag:s22], $0xC80  }
0xcb: {  	v6 =	vor.u32 $0x1, v5;
	[sflag:s22] =	ssyncset.done $0x0  }
0xcc: {  	[sflag:s22] =	ssyncadd.s32 $0xFFFFF380  }
0xcd: {  	_ =	swait.ge [sflag:s22], $0xC80  }
0xce: {  	[sflag:s22] =	ssyncset.done $0x0  }
0xcf: {  	v7 =	vor.u32 $0x2, v5;
	[sflag:s22] =	ssyncadd.s32 $0xFFFFF380  }
0xd0: {  	v8 =	vld.idx.msk [tilespmem:v6+s21+$0x0], $0xffff  }
0xd1: {  	v9 =	vld.idx.msk [tilespmem:v5+s20+$0x0], $0xffff  }
0xd2: {  	v5 =	vld.idx.msk [tilespmem:v5+s21+$0x0], $0xffff  }
0xd3: {  	v6 =	vld.idx.msk [tilespmem:v6+s20+$0x0], $0xffff  }
0xd4: {  	v10 =	vld.idx.msk [tilespmem:v7+s21+$0x0], $0xffff  }
0xd5: {  	v7 =	vld.idx.msk [tilespmem:v7+s20+$0x0], $0xffff;
	_ =	sdelay $0x1  }
0xd6: {  	s29 =	simm.s32 $0x10  }
0xd7: {  	v11 =	vmov s29;
	v9 =	vsub.f32 v9, v5;
	v5 =	vsub.f32 v6, v8  }
0xd8: {  	s16 =	simm.s32 $0xE420;
	v6 =	vshll.u32 v11, $0x4  }
0xd9: {  	v10 =	vsub.f32 v7, v10;
	v7 =	vmul.f32 v9, v9;
	v8 =	vmul.f32 v5, v5;
	[tilespmem:s16+$0xFFFFFF38] =	vst v5  }
0xda: {  	v5 =	vadd.s32 v0, v6;
	[tilespmem:s16+$0xFFFFFE70] =	vst v9  }
0xdb: {  	s0 =	simm.s32 $0x20;
	[tilespmem:s16+$0x0] =	vst v10;
	v6 =	vor.u32 $0x1, v5;
	v7 =	vadd.f32 v8, v7;
	v8 =	vmul.f32 v10, v10  }
.LBB2_3:
0xdc: {  	p1 =	sne.s32 s0, $0xB0  }
0xdd: {  	v7 =	vadd.f32 v8, v7;
	_ =	sdelay $0x1  }
0xde: {  	v8 =	vor.u32 $0x2, v5;
	[tilespmem:s16+$0xC8] =	vst v7  }
0xdf: {  	v7 =	vld.idx.msk [tilespmem:v6+s21+$0x0], $0xffff  }
0xe0: {  	v9 =	vld.idx.msk [tilespmem:v5+s20+$0x0], $0xffff  }
0xe1: {  	v5 =	vld.idx.msk [tilespmem:v5+s21+$0x0], $0xffff  }
0xe2: {  	v6 =	vld.idx.msk [tilespmem:v6+s20+$0x0], $0xffff  }
0xe3: {  	v10 =	vld.idx.msk [tilespmem:v8+s21+$0x0], $0xffff  }
0xe4: {  	v8 =	vld.idx.msk [tilespmem:v8+s20+$0x0], $0xffff;
	_ =	sdelay $0x3  }
.Ltmp4:
0xe5: {  	v11 =	vmov s0;
	v9 =	vsub.f32 v9, v5;
	v5 =	vsub.f32 v6, v7;
	(pc) =	sbr.rel @p1 .LBB2_3-.Ltmp4, $4  }
0xe6: {  	s16 =	sadd.s32 $0x10, s16;
	v6 =	vshll.u32 v11, $0x4  }
0xe7: {  	v7 =	vmul.f32 v9, v9;
	v10 =	vsub.f32 v8, v10;
	v8 =	vmul.f32 v5, v5;
	[tilespmem:s16+$0xFFFFFF38] =	vst v5  }
0xe8: {  	v5 =	vadd.s32 v0, v6;
	[tilespmem:s16+$0xFFFFFE70] =	vst v9  }
0xe9: {  	s0 =	sadd.s32 $0x10, s0;
	v6 =	vor.u32 $0x1, v5;
	v7 =	vadd.f32 v8, v7;
	v8 =	vmul.f32 v10, v10;
	[tilespmem:s16+$0x0] =	vst v10  }
0xea: {  	_ = 	snop  }
0xeb: {  	v7 =	vadd.f32 v8, v7;
	_ =	sdelay $0x1  }
0xec: {  	v54 =	vor.u32 $0x2, v5;
	[tilespmem:s16+$0xC8] =	vst v7  }
0xed: {  	v7 =	vld.idx.msk [tilespmem:v6+s21+$0x0], $0xffff  }
0xee: {  	v9 =	vld.idx.msk [tilespmem:v5+s20+$0x0], $0xffff  }
0xef: {  	v5 =	vld.idx.msk [tilespmem:v5+s21+$0x0], $0xffff  }
0xf0: {  	v6 =	vld.idx.msk [tilespmem:v6+s20+$0x0], $0xffff  }
0xf1: {  	v10 =	vld.idx.msk [tilespmem:v54+s21+$0x0], $0xffff  }
0xf2: {  	v8 =	vld.idx.msk [tilespmem:v54+s20+$0x0], $0xffff;
	_ =	sdelay $0x2  }
0xf3: {  	v5 =	vsub.f32 v9, v5;
	v6 =	vsub.f32 v6, v7;
	_ =	sdelay $0x1  }
0xf4: {  	v7 =	vsub.f32 v8, v10;
	v55 =	vmul.f32 v5, v5;
	v56 =	vmul.f32 v6, v6;
	_ =	sdelay $0x1  }
0xf5: {  	s0 =	sadd.s32 $0x10, s16;
	v57 =	vmul.f32 v7, v7;
	v8 =	vadd.f32 v56, v55  }
0xf6: {  	[tilespmem:s0+$0xFFFFFF38] =	vst v6  }
0xf7: {  	[tilespmem:s0+$0xFFFFFE70] =	vst v5;
	v5 =	vadd.f32 v57, v8  }
0xf8: {  	[tilespmem:s0+$0x0] =	vst v7  }
0xf9: {  	[tilespmem:s0+$0xC8] =	vst v5  }
0xfa: {  	v5 =	vld.idx.msk [tilespmem:v2+s20+$0x0], $0xffff  }
0xfb: {  	v6 =	vld.idx.msk [tilespmem:v2+s21+$0x0], $0xffff  }
0xfc: {  	v7 =	vld.idx.msk [tilespmem:v3+s20+$0x0], $0xffff  }
0xfd: {  	v58 =	vld.idx.msk [tilespmem:v3+s21+$0x0], $0xffff  }
0xfe: {  	v59 =	vld.idx.msk [tilespmem:v4+s20+$0x0], $0xffff  }
0xff: {  	v60 =	vld.idx.msk [tilespmem:v4+s21+$0x0], $0xffff;
	_ =	sdelay $0x2  }
0x100: {  	v5 =	vsub.f32 v5, v6;
	v6 =	vsub.f32 v7, v58;
	_ =	sdelay $0x1  }
0x101: {  	v7 =	vsub.f32 v59, v60;
	v61 =	vmul.f32 v5, v5;
	v62 =	vmul.f32 v6, v6;
	_ =	sdelay $0x1  }
0x102: {  	s0 =	smul.u32 $0x190, s13;
	v63 =	vmul.f32 v7, v7;
	v8 =	vadd.f32 v62, v61  }
0x103: {  	[tilespmem:$0xE348] =	vst v5  }
0x104: {  	s1 =	sadd.s32 s4, s0;
	[tilespmem:$0xE410] =	vst v6;
	v5 =	vadd.f32 v63, v8  }
0x105: {  	s12 =	sshll.u32 s1, $0x4;
	[tilespmem:$0xE4D8] =	vst v7  }
0x106: {  	s29 =	sadd.s32 s8, s12;
	[tilespmem:$0xE5A0] =	vst v5  }
0x107: {  	[hbm4b:s29+s3] =	stream.linear.scatter [tilespmem:s18], [sflag:$0x3], $0x6400, $0x38;
	[tilespmem:$0x1D1A0] =	vst v63  }
0x108: {  	s1 =	sshrl.u32 s1, $0x3;
	s12 =	sadd.s32 s10, s12  }
0x109: {  	[hbm4b:s12+s3] =	stream.linear.scatter [tilespmem:s19], [sflag:$0x3], $0x6400, $0x38;
	[tilespmem:$0x1D1A0] =	vst v63  }
0x10a: {  	p1 =	seq.s32 s13, $0xC;
	s1 =	sadd.s32 s11, s1  }
0x10b: {  	[hbm4b:s1+s17] =	stream.strided.scatter [tilespmem:s24], [sflag:$0x3], $0x640, s23, s17, $0x38;
	[tilespmem:$0x1D1A0] =	vst v63  }
0x10c: {  	s1 =	simm.s32 @!p1 $0x3  }
0x10d: {  	_ =	swait.ge @!p1 [sflag:s1], $0x6400  }
0x10e: {  	[sflag:s1] =	ssyncset.done @!p1 $0x0  }
0x10f: {  	[sflag:s1] =	ssyncadd.s32 @!p1 $0xFFFF9C00  }
0x110: {  	_ =	swait.ge @!p1 [sflag:s1], $0x6400  }
0x111: {  	[sflag:s1] =	ssyncset.done @!p1 $0x0  }
0x112: {  	[sflag:s1] =	ssyncadd.s32 @!p1 $0xFFFF9C00  }
0x113: {  	s0 =	sadd.s32 @!p1 s0, s14;
	_ =	swait.ge @!p1 [sflag:s1], $0x640  }
0x114: {  	s0 =	sshrl.u32 @!p1 s0, $0x3;
	[sflag:s1] =	ssyncset.done @!p1 $0x0  }
0x115: {  	s12 =	simm.s32 @!p1 $0x0;
	[sflag:s1] =	ssyncadd.s32 @!p1 $0xFFFFF9C0;
	s1 =	sadd.s32 @!p1 s6, s0  }
0x116: {  	[tilespmem:s12], [sflag:$0x5] =	stream.linear.gather @!p1 [hbm4b:s1+s12], $0xC8, $0x38;
	[tilespmem:$0x1D1A0] =	vst v63  }
0x117: {  	s1 =	simm.s32 @!p1 $0x5  }
0x118: {  	_ =	swait.ge @!p1 [sflag:s1], $0xC8  }
0x119: {  	[sflag:s1] =	ssyncset.done @!p1 $0x0  }
0x11a: {  	s16 =	simm.s32 @!p1 $0xC8;
	s0 =	sadd.s32 @!p1 s7, s0;
	[sflag:s1] =	ssyncadd.s32 @!p1 $0xFFFFFF38  }
0x11b: {  	[tilespmem:s16], [sflag:$0x5] =	stream.linear.gather @!p1 [hbm4b:s0+s12], $0xC8, $0x38;
	[tilespmem:$0x1D1A0] =	vst v63  }
0x11c: {  	_ =	swait.ge @!p1 [sflag:s1], $0xC8  }
0x11d: {  	[sflag:s1] =	ssyncset.done @!p1 $0x0  }
0x11e: {  	s0 =	simm.s32 @!p1 $0x190;
	[sflag:s1] =	ssyncadd.s32 @!p1 $0xFFFFFF38  }
0x11f: {  	[tilespmem:s0], [sflag:$0x1] =	stream.indirect.gather @!p1 [hbm4b:s2+s16], $0x80, s12, s16, $0xb8;
	[tilespmem:$0x1D1A0] =	vst v63  }
0x120: {  	s0 =	simm.s32 @!p1 $0x6590  }
0x121: {  	[tilespmem:s0], [sflag:$0x1] =	stream.indirect.gather @!p1 [hbm4b:s2+s16], $0x80, s16, s16, $0xb8;
	[tilespmem:$0x1D1A0] =	vst v63  }
.Ltmp5:
0x122: {  	_ = 	snop;
	(pc) =	sbr.rel @p0 .LBB2_8-.Ltmp5, $4  }
0x123: {  	s0 =	simm.s32 @!p1 $0xC990  }
0x124: {  	[tilespmem:s0], [sflag:$0x1] =	stream.indirect.gather @!p1 [hbm4b:s5+s16], $0x10, s12, s16, $0xb8;
	[tilespmem:$0x1D1A0] =	vst v63  }
0x125: {  	s0 =	simm.s32 @!p1 $0xD610  }
0x126: {  	[tilespmem:s0], [sflag:$0x1] =	stream.indirect.gather @!p1 [hbm4b:s5+s16], $0x10, s16, s16, $0xb8;
	[tilespmem:$0x1D1A0] =	vst v63  }
0x127: {  	_ =	swait.ge [sflag:s25], $0x6400  }
0x128: {  	[sflag:s25] =	ssyncset.done $0x0  }
0x129: {  	[sflag:s25] =	ssyncadd.s32 $0xFFFF9C00  }
0x12a: {  	s0 =	simm.s32 $0x0;
	_ =	swait.ge [sflag:s25], $0x6400  }
0x12b: {  	v5 =	vmov s0;
	[sflag:s25] =	ssyncset.done $0x0  }
0x12c: {  	v5 =	vshll.u32 v5, $0x4;
	[sflag:s25] =	ssyncadd.s32 $0xFFFF9C00  }
0x12d: {  	v5 =	vadd.s32 v0, v5;
	_ =	swait.ge [sflag:s25], $0xC80  }
0x12e: {  	v6 =	vor.u32 $0x1, v5;
	[sflag:s25] =	ssyncset.done $0x0  }
0x12f: {  	[sflag:s25] =	ssyncadd.s32 $0xFFFFF380  }
0x130: {  	_ =	swait.ge [sflag:s25], $0xC80  }
0x131: {  	[sflag:s25] =	ssyncset.done $0x0  }
0x132: {  	v7 =	vor.u32 $0x2, v5;
	[sflag:s25] =	ssyncadd.s32 $0xFFFFF380  }
0x133: {  	v8 =	vld.idx.msk [tilespmem:v6+s28+$0x0], $0xffff  }
0x134: {  	v9 =	vld.idx.msk [tilespmem:v5+s26+$0x0], $0xffff  }
0x135: {  	v5 =	vld.idx.msk [tilespmem:v5+s28+$0x0], $0xffff  }
0x136: {  	v6 =	vld.idx.msk [tilespmem:v6+s26+$0x0], $0xffff  }
0x137: {  	v10 =	vld.idx.msk [tilespmem:v7+s28+$0x0], $0xffff  }
0x138: {  	v7 =	vld.idx.msk [tilespmem:v7+s26+$0x0], $0xffff;
	_ =	sdelay $0x1  }
0x139: {  	s29 =	simm.s32 $0x10  }
0x13a: {  	v11 =	vmov s29;
	v9 =	vsub.f32 v9, v5;
	v5 =	vsub.f32 v6, v8  }
0x13b: {  	s16 =	simm.s32 $0x1CCF0;
	v6 =	vshll.u32 v11, $0x4  }
0x13c: {  	v10 =	vsub.f32 v7, v10;
	v7 =	vmul.f32 v9, v9;
	v8 =	vmul.f32 v5, v5;
	[tilespmem:s16+$0xFFFFFF38] =	vst v5  }
0x13d: {  	v5 =	vadd.s32 v0, v6;
	[tilespmem:s16+$0xFFFFFE70] =	vst v9  }
0x13e: {  	s0 =	simm.s32 $0x20;
	[tilespmem:s16+$0x0] =	vst v10;
	v6 =	vor.u32 $0x1, v5;
	v7 =	vadd.f32 v8, v7;
	v8 =	vmul.f32 v10, v10  }
.LBB2_6:
0x13f: {  	p0 =	sne.s32 s0, $0xB0  }
0x140: {  	v7 =	vadd.f32 v8, v7;
	_ =	sdelay $0x1  }
0x141: {  	v8 =	vor.u32 $0x2, v5;
	[tilespmem:s16+$0xC8] =	vst v7  }
0x142: {  	v7 =	vld.idx.msk [tilespmem:v6+s28+$0x0], $0xffff  }
0x143: {  	v9 =	vld.idx.msk [tilespmem:v5+s26+$0x0], $0xffff  }
0x144: {  	v5 =	vld.idx.msk [tilespmem:v5+s28+$0x0], $0xffff  }
0x145: {  	v6 =	vld.idx.msk [tilespmem:v6+s26+$0x0], $0xffff  }
0x146: {  	v10 =	vld.idx.msk [tilespmem:v8+s28+$0x0], $0xffff  }
0x147: {  	v8 =	vld.idx.msk [tilespmem:v8+s26+$0x0], $0xffff;
	_ =	sdelay $0x3  }
.Ltmp6:
0x148: {  	v11 =	vmov s0;
	v9 =	vsub.f32 v9, v5;
	v5 =	vsub.f32 v6, v7;
	(pc) =	sbr.rel @p0 .LBB2_6-.Ltmp6, $4  }
0x149: {  	s16 =	sadd.s32 $0x10, s16;
	v6 =	vshll.u32 v11, $0x4  }
0x14a: {  	v7 =	vmul.f32 v9, v9;
	v10 =	vsub.f32 v8, v10;
	v8 =	vmul.f32 v5, v5;
	[tilespmem:s16+$0xFFFFFF38] =	vst v5  }
0x14b: {  	v5 =	vadd.s32 v0, v6;
	[tilespmem:s16+$0xFFFFFE70] =	vst v9  }
0x14c: {  	s0 =	sadd.s32 $0x10, s0;
	v6 =	vor.u32 $0x1, v5;
	v7 =	vadd.f32 v8, v7;
	v8 =	vmul.f32 v10, v10;
	[tilespmem:s16+$0x0] =	vst v10  }
0x14d: {  	_ = 	snop  }
0x14e: {  	v7 =	vadd.f32 v8, v7;
	_ =	sdelay $0x1  }
0x14f: {  	v54 =	vor.u32 $0x2, v5;
	[tilespmem:s16+$0xC8] =	vst v7  }
0x150: {  	v7 =	vld.idx.msk [tilespmem:v6+s28+$0x0], $0xffff  }
0x151: {  	v9 =	vld.idx.msk [tilespmem:v5+s26+$0x0], $0xffff  }
0x152: {  	v5 =	vld.idx.msk [tilespmem:v5+s28+$0x0], $0xffff  }
0x153: {  	v6 =	vld.idx.msk [tilespmem:v6+s26+$0x0], $0xffff  }
0x154: {  	v10 =	vld.idx.msk [tilespmem:v54+s28+$0x0], $0xffff  }
0x155: {  	v8 =	vld.idx.msk [tilespmem:v54+s26+$0x0], $0xffff;
	_ =	sdelay $0x2  }
0x156: {  	v5 =	vsub.f32 v9, v5;
	v6 =	vsub.f32 v6, v7;
	_ =	sdelay $0x1  }
0x157: {  	v7 =	vsub.f32 v8, v10;
	v55 =	vmul.f32 v5, v5;
	v56 =	vmul.f32 v6, v6;
	_ =	sdelay $0x1  }
0x158: {  	s0 =	sadd.s32 $0x10, s16;
	v57 =	vmul.f32 v7, v7;
	v8 =	vadd.f32 v56, v55  }
0x159: {  	[tilespmem:s0+$0xFFFFFF38] =	vst v6  }
0x15a: {  	[tilespmem:s0+$0xFFFFFE70] =	vst v5;
	v5 =	vadd.f32 v57, v8  }
0x15b: {  	[tilespmem:s0+$0x0] =	vst v7  }
0x15c: {  	[tilespmem:s0+$0xC8] =	vst v5  }
0x15d: {  	v5 =	vld.idx.msk [tilespmem:v2+s26+$0x0], $0xffff  }
0x15e: {  	v6 =	vld.idx.msk [tilespmem:v2+s28+$0x0], $0xffff  }
0x15f: {  	v7 =	vld.idx.msk [tilespmem:v3+s26+$0x0], $0xffff  }
0x160: {  	v58 =	vld.idx.msk [tilespmem:v3+s28+$0x0], $0xffff  }
0x161: {  	v59 =	vld.idx.msk [tilespmem:v4+s26+$0x0], $0xffff  }
0x162: {  	v60 =	vld.idx.msk [tilespmem:v4+s28+$0x0], $0xffff;
	_ =	sdelay $0x2  }
0x163: {  	v5 =	vsub.f32 v5, v6;
	v6 =	vsub.f32 v7, v58;
	_ =	sdelay $0x1  }
0x164: {  	v7 =	vsub.f32 v59, v60;
	v61 =	vmul.f32 v5, v5;
	v62 =	vmul.f32 v6, v6  }
0x165: {  	s16 =	smul.u32 $0xC8, s15  }
0x166: {  	v63 =	vmul.f32 v7, v7;
	v8 =	vadd.f32 v62, v61  }
0x167: {  	s0 =	sadd.s32 s4, s16;
	[tilespmem:$0x1CC18] =	vst v5  }
0x168: {  	s1 =	sshll.u32 s0, $0x4;
	[tilespmem:$0x1CCE0] =	vst v6;
	v5 =	vadd.f32 v63, v8  }
0x169: {  	s1 =	sand.u32 $0x1FFFFF80, s1;
	[tilespmem:$0x1CDA8] =	vst v7  }
0x16a: {  	s29 =	simm.s32 $0xEA60;
	s12 =	sadd.s32 s8, s1;
	[tilespmem:$0x1CE70] =	vst v5  }
0x16b: {  	[hbm4b:s12+s3] =	stream.linear.scatter [tilespmem:s29], [sflag:$0x4], $0x6400, $0x38;
	[tilespmem:$0x1D1A0] =	vst v63  }
.Ltmp7:
0x16c: {  	_ = 	snop;
	(pc) =	sbr.rel .LBB2_8-.Ltmp7, $4  }
0x16d: {  	s0 =	sshrl.u32 s0, $0x3;
	s1 =	sadd.s32 s10, s1  }
0x16e: {  	[hbm4b:s1+s3] =	stream.linear.scatter [tilespmem:s30], [sflag:$0x4], $0x6400, $0x38;
	[tilespmem:$0x1D1A0] =	vst v63  }
0x16f: {  	s0 =	sadd.s32 s11, s0  }
0x170: {  	[hbm4b:s0+s17] =	stream.strided.scatter [tilespmem:s31], [sflag:$0x4], $0x640, s23, s17, $0x38;
	[tilespmem:$0x1D1A0] =	vst v63  }
.LBB2_10:
0x171: {  	_ =	sfence.sel $0x180000  }
0x172: {  	[bflag:$0x0] =	sbarrier.arrive $0xFFFF  }
0x173: {  	_ =	strace $0x9000004A  }
0x174: {  	s0 =	stileid.u32;
	[bflag:$0x2] =	sbarrier.arrive $0xFFFF  }
0x175: {  	p0 =	sne.s32 s0, $0x0;
	s0 =	rddreg [dreg:$0x2]  }
0x176: {  	s0 =	sadd.s32 @!p0 $0x100000, s0  }
0x177: {  	[sflag:s0] =	ssyncadd.tile.s32 @!p0 $0x1;
	_ =	shalt  }
.Lfunc_end2:
_tile_overlayer_lowered:
.L_overlay_start_2:
0x178: {  	(tag) =	ssettag $0x2  }
0x179: {  	s0 =	rddreg [dreg:$0x0];
	s2 =	stileid.u32  }
0x17a: {  	s1 =	rddreg [dreg:$0x1];
	p0 =	sne.s32 s2, $0x0  }
0x17b: {  	s3 =	rddreg [dreg:$0x2];
	[bflag:$0x3] =	sbarrier.arrive $0xFFFF;
	s2 =	simm.s32 @!p0 $0x1C05  }
0x17c: {  	[timem:s3], [sflag:s2] =	dma.local @!p0 [hbm:s0], s1  }
0x17d: {  	s0 =	simm.s32 @!p0 $0x5  }
0x17e: {  	_ =	swait.ge @!p0 [sflag:s0], s1  }
0x17f: {  	s1 =	ssub.s32 @!p0 $0x0, s1;
	[sflag:s0] =	ssyncset.done @!p0 $0x0  }
0x180: {  	[sflag:s0] =	ssyncadd.s32 @!p0 s1  }
0x181: {  	[bflag:$0x3] =	sbarrier.arrive $0xFFFF  }
0x182: {  	_ =	shalt  }

// kernel: kernel.15.cloned.1.call-start
scs
__scs_entry_jumppad:
0x0: {  	(pc) =	sbr.rel $0x88, $3  }
0x1: {  	(tag) =	ssettag $0x0;
	lr =	simm.s32 $0x1  }
0x2: {  	[smem:$0x3F8D] =	sst lr;
	_ =	strace $0xD0000000  }
0x3: {  	_ = 	snop  }
0x4: {  	_ = 	snop  }
0x5: {  	_ = 	snop  }
0x6: {  	_ = 	snop  }
0x7: {  	_ = 	snop  }
__scs_overlays_trampoline_lowered:
0x8: {  	[smem:$0x3F9C] =	sst s0  }
0x9: {  	[smem:$0x3F9D] =	sst s1  }
0xa: {  	[smem:$0x3F9E] =	sst s2  }
0xb: {  	[smem:$0x3F9F] =	sst s3  }
0xc: {  	[smem:$0x3FA0] =	sst s4  }
0xd: {  	[smem:$0x3FA1] =	sst s5  }
0xe: {  	[smem:$0x3FA2] =	sst s6  }
0xf: {  	[smem:$0x3FA3] =	sst s7  }
0x10: {  	[smem:$0x3FA4] =	sst s8  }
0x11: {  	[smem:$0x3FA5] =	sst s9;
	s0 =	simm.s32 @!p0 $0x0  }
0x12: {  	s1 =	sld [smem:$0x3F8B];
	s0 =	simm.s32 @p0 $0x1  }
0x13: {  	[smem:$0x3FA6] =	sst s0;
	s0 =	simm.s32 @!p1 $0x0  }
0x14: {  	s2 =	sld [smem:$0x3F8A];
	s0 =	simm.s32 @p1 $0x1  }
0x15: {  	[smem:$0x3FA7] =	sst s0;
	s0 =	simm.s32 @!p2 $0x0  }
0x16: {  	s3 =	sld [smem:$0x3FDB];
	s0 =	simm.s32 @p2 $0x1  }
0x17: {  	s4 =	simm.s32 $0x1BF5;
	[smem:$0x3FA9] =	sst s0  }
0x18: {  	s0 =	sld [smem:$0x3F8C];
	_ =	swait.ge [sflag:s4], $0x0  }
0x19: {  	s7 =	sld [smem:$0x3F8D]  }
0x1a: {  	s8 =	sadd.s32 $0xFFFFE003, lr  }
0x1b: {  	s9 =	sadd.s32 $0xFFFFFEF7, lr;
	s5 =	simm.s32 $0xFFFFFFFF;
	p2 =	slt.u32 s8, $0xFFFFF086  }
0x1c: {  	p1 =	slt.u32 s9, $0xF7A;
	s5 =	simm.s32 @!p2 $0x0  }
0x1d: {  	s5 =	simm.s32 @p1 $0x1;
	p0 =	seq.s32 s7, s2  }
0x1e: {  	s7 =	smul.u32 @!p0 $0xF7A, s2;
	p2 =	seq.s32 @!p0 s5, $0x0  }
0x1f: {  	s9 =	smul.u32 $0xF7A, s1;
	s8 =	simm.s32 @!p0 $0x1BF5;
	p2 =	por !p2, p0  }
0x20: {  	[sflag:s8] =	ssyncset.s32 @!p0 $0xFFFFF086;
	s6 =	sadd.s32 @!p0 s3, s7;
	s7 =	simm.s32 @!p0 $0x108  }
0x21: {  	s3 =	sadd.s32 s3, s9;
	s6 =	sadd.s32 @!p0 $0x88, s6;
	s7 =	simm.s32 @p2 $0x1082  }
0x22: {  	[simem:s7], [sflag:s8] =	dma.local @!p0 [hbm:s6], $0xF7A  }
0x23: {  	s9 =	sor.u32 $0xD0000000, s2;
	s6 =	simm.s32 $0x108;
	_ =	swait.ge @!p0 [sflag:s8], $0x0  }
0x24: {  	s3 =	sadd.s32 $0x88, s3;
	s6 =	simm.s32 @!p1 $0x1082;
	[sflag:s4] =	ssyncset.s32 $0xFFFFF086  }
0x25: {  	[simem:s6], [sflag:s4] =	dma.local [hbm:s3], $0xF7A  }
0x26: {  	[smem:$0x3F8D] =	sst s1;
	(tag) =	ssettag s2;
	_ =	strace s9  }
0x27: {  	s1 =	sld [smem:$0x3F9D]  }
0x28: {  	s2 =	sld [smem:$0x3F9E]  }
0x29: {  	s4 =	sld [smem:$0x3FA0]  }
0x2a: {  	p0 =	seq.s32 s5, $0x0;
	s5 =	sld [smem:$0x3FA1]  }
0x2b: {  	s6 =	sld [smem:$0x3FA2]  }
0x2c: {  	s7 =	sld [smem:$0x3FA3]  }
0x2d: {  	s3 =	simm.s32 $0x108;
	s8 =	sld [smem:$0x3FA4]  }
0x2e: {  	s3 =	simm.s32 @!p0 $0x1082;
	s9 =	sld [smem:$0x3FA5]  }
0x2f: {  	lr =	sadd.s32 s0, s3;
	s0 =	sld [smem:$0x3F9C]  }
0x30: {  	s3 =	sld [smem:$0x3F9F]  }
0x31: {  	[smem:$0x3FA8] =	sst s10  }
0x32: {  	s10 =	sld [smem:$0x3FA6];
	_ =	sdelay $0x3  }
0x33: {  	p0 =	seq.s32 s10, $0x1;
	s10 =	sld [smem:$0x3FA8];
	_ =	sdelay $0x3  }
0x34: {  	[smem:$0x3FA8] =	sst s10  }
0x35: {  	s10 =	sld [smem:$0x3FA7];
	_ =	sdelay $0x3  }
0x36: {  	p1 =	seq.s32 s10, $0x1;
	s10 =	sld [smem:$0x3FA8];
	_ =	sdelay $0x3  }
0x37: {  	[smem:$0x3FA8] =	sst s10  }
0x38: {  	s10 =	sld [smem:$0x3FA9]  }
0x39: {  	_ = 	snop;
	(pc) =	sbr.ind lr, $3  }
0x3a: {  	_ = 	snop  }
0x3b: {  	_ = 	snop  }
0x3c: {  	p2 =	seq.s32 s10, $0x1;
	s10 =	sld [smem:$0x3FA8]  }
0x3d: {  	_ =	shalt  }
0x3e: {  	_ =	shalt  }
0x3f: {  	_ =	shalt  }
0x40: {  	_ =	shalt  }
0x41: {  	_ =	shalt  }
0x42: {  	_ =	shalt  }
0x43: {  	_ =	shalt  }
0x44: {  	_ =	shalt  }
0x45: {  	_ =	shalt  }
0x46: {  	_ =	shalt  }
0x47: {  	_ =	shalt  }
0x48: {  	_ =	shalt  }
0x49: {  	_ =	shalt  }
0x4a: {  	_ =	shalt  }
0x4b: {  	_ =	shalt  }
0x4c: {  	_ =	shalt  }
0x4d: {  	_ =	shalt  }
0x4e: {  	_ =	shalt  }
0x4f: {  	_ =	shalt  }
0x50: {  	_ =	shalt  }
0x51: {  	_ =	shalt  }
0x52: {  	_ =	shalt  }
0x53: {  	_ =	shalt  }
0x54: {  	_ =	shalt  }
0x55: {  	_ =	shalt  }
0x56: {  	_ =	shalt  }
0x57: {  	_ =	shalt  }
0x58: {  	_ =	shalt  }
0x59: {  	_ =	shalt  }
0x5a: {  	_ =	shalt  }
0x5b: {  	_ =	shalt  }
0x5c: {  	_ =	shalt  }
0x5d: {  	_ =	shalt  }
0x5e: {  	_ =	shalt  }
0x5f: {  	_ =	shalt  }
0x60: {  	_ =	shalt  }
0x61: {  	_ =	shalt  }
0x62: {  	_ =	shalt  }
0x63: {  	_ =	shalt  }
0x64: {  	_ =	shalt  }
0x65: {  	_ =	shalt  }
0x66: {  	_ =	shalt  }
0x67: {  	_ =	shalt  }
0x68: {  	_ =	shalt  }
0x69: {  	_ =	shalt  }
0x6a: {  	_ =	shalt  }
0x6b: {  	_ =	shalt  }
0x6c: {  	_ =	shalt  }
0x6d: {  	_ =	shalt  }
0x6e: {  	_ =	shalt  }
0x6f: {  	_ =	shalt  }
0x70: {  	_ =	shalt  }
0x71: {  	_ =	shalt  }
0x72: {  	_ =	shalt  }
0x73: {  	_ =	shalt  }
0x74: {  	_ =	shalt  }
0x75: {  	_ =	shalt  }
0x76: {  	_ =	shalt  }
0x77: {  	_ =	shalt  }
0x78: {  	_ =	shalt  }
0x79: {  	_ =	shalt  }
0x7a: {  	_ =	shalt  }
0x7b: {  	_ =	shalt  }
0x7c: {  	_ =	shalt  }
0x7d: {  	_ =	shalt  }
0x7e: {  	_ =	shalt  }
0x7f: {  	_ =	shalt  }
0x80: {  	_ =	shalt  }
0x81: {  	_ =	shalt  }
0x82: {  	_ =	shalt  }
0x83: {  	_ =	shalt  }
0x84: {  	_ =	shalt  }
0x85: {  	_ =	shalt  }
0x86: {  	_ =	shalt  }
0x87: {  	_ =	shalt  }
.Lfunc_end0:
.L_simem_size_0:
called_computation.2_lowered:
.L_overlay_start_0:
0x88: {  	s2 =	sld [smem:$0x3FD9]  }
0x89: {  	s3 =	sld [smem:$0x3FFE];
	_ =	sdelay $0x1  }
0x8a: {  	s1 =	srdreg.scid  }
0x8b: {  	s0 =	sand.u32 $0x1, s1  }
0x8c: {  	s17 =	sshll.u32 s0, $0xA;
	s2 =	sadd.s32 s3, s2  }
0x8d: {  	s2 =	sadd.s32 s2, s17  }
0x8e: {  	[smem:$0x3FB4] =	sst s2  }
0x8f: {  	_ = 	snop  }
0x90: {  	(tm) =	ssettm $0x1  }
0x91: {  	s18 =	sld [smem:$0x3FFB];
	_ =	sdelay $0x3  }
0x92: {  	_ =	strace s18  }
0x93: {  	s2 =	sld [smem:$0x3FFC];
	_ =	sdelay $0x3  }
0x94: {  	_ =	strace s2  }
0x95: {  	s2 =	sld [smem:$0x3FFD];
	_ =	sdelay $0x3  }
0x96: {  	_ =	strace s2  }
0x97: {  	_ =	strace $0x8FFFFFFF  }
0x98: {  	s19 =	sld [smem:$0x3FDB];
	_ =	sdelay $0x1  }
0x99: {  	s20 =	simm.s32 $_scs_section_size  }
0x9a: {  	s4 =	simm.s32 $_size__tile_overlayer_lowered;
	s5 =	simm.s32 $_tile_overlayer_lowered  }
0x9b: {  	s6 =	simm.s32 $0x1BFF;
	s21 =	sshll.u32 s5, $0x1;
	s3 =	sadd.s32 s20, s19  }
0x9c: {  	s22 =	simm.s32 $0x0;
	s4 =	sshll.u32 s4, $0x1;
	s5 =	sadd.s32 s21, s3  }
0x9d: {  	[timem:s22], [sflag:s6] =	dma.local [hbm:s5], s4  }
0x9e: {  	_ =	swait.ge [sflag:s6], s4  }
0x9f: {  	s4 =	ssub.s32 $0x0, s4;
	[sflag:s6] =	ssyncset.done $0x0  }
0xa0: {  	[sflag:s6] =	ssyncadd.s32 s4;
	_ =	sdelay $0x1  }
0xa1: {  	s23 =	simm.s32 $0x1B8B  }
0xa2: {  	_ =	swait.ge [sflag:s23], $0x1  }
0xa3: {  	[sflag:s23] =	ssyncset.done $0x0  }
0xa4: {  	[sflag:s23] =	ssyncadd.s32 $0xFFFFFFFF  }
0xa5: {  	s4 =	sld [smem:$0x0]  }
0xa6: {  	s5 =	sand.u32 $0xFFFFFFFE, s1  }
0xa7: {  	p0 =	sne.s32 s1, s5  }
0xa8: {  	s5 =	sshll.u32 @p0 s5, $0xE  }
0xa9: {  	s5 =	sadd.s32 @p0 $0x11B8D, s5;
	s6 =	sshll.u32 @p0 s4, $0x11  }
0xaa: {  	s5 =	sor.u32 @p0 s6, s5  }
0xab: {  	[sflag:s5] =	ssyncadd.remote.s32 @p0 $0x1;
	_ =	sdelay $0x1  }
0xac: {  	s5 =	simm.s32 @p0 $0x1B8D  }
0xad: {  	_ =	swait.eq @p0 [sflag:s5], $0x1  }
0xae: {  	[sflag:s5] =	ssyncadd.s32 @p0 $0xFFFFFFFF  }
0xaf: {  	s6 =	sshll.u32 @!p0 s1, $0xE  }
0xb0: {  	s6 =	sor.u32 @!p0 $0x4000, s6;
	s5 =	simm.s32 @!p0 $0x1B8D  }
0xb1: {  	s4 =	sshll.u32 @!p0 s4, $0x11;
	s6 =	sadd.s32 @!p0 $0x11B8D, s6;
	_ =	swait.eq @!p0 [sflag:s5], $0x1  }
0xb2: {  	s4 =	sor.u32 @!p0 s4, s6;
	[sflag:s5] =	ssyncadd.s32 @!p0 $0xFFFFFFFF  }
0xb3: {  	s25 =	simm.s32 $0x1B8E;
	s24 =	sld [smem:$0x3FFE];
	[sflag:s4] =	ssyncadd.remote.s32 @!p0 $0x1  }
0xb4: {  	s26 =	simm.s32 $execute0_lowered;
	[smem:$0x3FD2] =	sst s25  }
0xb5: {  	s5 =	sshll.u32 s26, $0x1;
	_ =	strace $0x8000004C;
	[dreg:$0x1] =	wrdreg $0xFFFFFFFF  }
0xb6: {  	s28 =	simm.s32 $_size_execute0_lowered;
	s3 =	sadd.s32 s3, s5;
	[dreg:$0x0] =	wrdreg $0x0  }
0xb7: {  	s5 =	sshll.u32 s28, $0x1;
	[dreg:$0x2] =	wrdreg s3  }
0xb8: {  	[dreg:$0x3] =	wrdreg s5  }
0xb9: {  	[dreg:$0x4] =	wrdreg $0xC0  }
0xba: {  	_ =	task [dreg:s22], $0x5FFFF  }
0xbb: {  	[dreg:$0x1] =	wrdreg $0xFFFFFFFF  }
0xbc: {  	[dreg:$0x0] =	wrdreg $0x60  }
0xbd: {  	[dreg:$0x2] =	wrdreg s24  }
0xbe: {  	[dreg:$0x3] =	wrdreg $0x0  }
0xbf: {  	[dreg:$0x4] =	wrdreg $0x138800  }
0xc0: {  	[dreg:$0x5] =	wrdreg $0xA  }
0xc1: {  	_ =	task.clear_ibuf [dreg:s22], $0x6FFFF;
	_ =	strace $0x9000004C  }
0xc2: {  	s29 =	simm.s32 $0xA;
	_ =	strace $0x8000004E  }
0xc3: {  	_ =	swait.ge [sflag:s29], $0x1  }
0xc4: {  	[sflag:s29] =	ssyncadd.s32 $0xFFFFFFFF  }
0xc5: {  	_ =	strace $0x9000004E  }
0xc6: {  	_ =	sfence  }
0xc7: {  	s30 =	sld [smem:$0x0];
	_ =	sdelay $0x2  }
0xc8: {  	s31 =	sshll.u32 s1, $0xD;
	s1 =	sshrl.u32 s1, $0x2  }
0xc9: {  	s4 =	sand.u32 $0x4000, s31;
	s1 =	sadd.s32 s1, s30  }
0xca: {  	s0 =	sor.u32 s4, s0;
	s1 =	sshll.u32 s1, $0x11  }
0xcb: {  	s0 =	sor.u32 s1, s0  }
0xcc: {  	s0 =	sadd.s32 $0x8F2B, s0  }
0xcd: {  	[sflag:s0] =	ssyncadd.remote.s32 $0x1  }
0xce: {  	_ =	sfence.sel $0xFFFF  }
0xcf: {  	[dreg:$0x0] =	wrdreg $0xFFFFFFFF;
	(pc) =	sbr.abs _section_cstart, $3  }
0xd0: {  	[dreg:$0x1] =	wrdreg $0xFFFFFFFF  }
0xd1: {  	_ =	task.clear_ibuf [dreg:s22], $0x2FFFF;
	_ =	strace $0x9FFFFFFF  }
0xd2: {  	(tm) =	ssettm $0x7FFFFFFF  }
0xd3: {  	_ =	shalt  }
tec
execute0_lowered:
.L_overlay_start_1:
0x0: {  	(tag) =	ssettag $0x1  }
0x1: {  	s8 =	rddreg [dreg:$0x0]  }
0x2: {  	s1 =	rddreg [dreg:$0x1]  }
0x3: {  	s3 =	rddreg [dreg:$0x2]  }
0x4: {  	s0 =	rddreg [dreg:$0x3];
	s4 =	simm.s32 $0x0  }
0x5: {  	s2 =	stileid.u32;
	s10 =	srdreg.scid;
	s19 =	simm.s32 $0x27100  }
0x6: {  	s20 =	simm.s32 $0x1C458;
	[smem:$0x7FF] =	sst s4;
	s9 =	smul.u32 $0x13880, s2  }
0x7: {  	s5 =	sadd.s32 $0xF14A00, s8;
	s11 =	smul.u32 $0x2710, s2;
	s6 =	sadd.s32 $0x20600, s8  }
0x8: {  	s7 =	sadd.s32 $0x16800, s8;
	s10 =	sand.u32 $0x1, s10;
	s17 =	sshll.u32 s2, $0x1  }
0x9: {  	s30 =	sshll.u32 s2, $0x6;
	_ =	strace $0x8000004D;
	s14 =	smul.u32 $0x27100, s10  }
0xa: {  	s15 =	smul.u32 $0x4E20, s10;
	s16 =	ssub.s32 $0x2, s10;
	s10 =	sor.u32 s10, s17  }
0xb: {  	s17 =	simm.s32 $0x16058;
	s21 =	sshrl.u32 s9, $0x3;
	s23 =	sshrl.u32 s11, $0x3  }
0xc: {  	s18 =	sshrl.u32 s16, $0x1;
	s29 =	sadd.s32 s9, s1;
	s31 =	sadd.s32 s11, s3  }
0xd: {  	s12 =	sadd.s32 s21, s8;
	s13 =	sadd.s32 s23, s8;
	s14 =	sadd.s32 s14, s8  }
0xe: {  	s15 =	sadd.s32 s15, s8;
	s16 =	ssub.s32 s16, s18;
	s8 =	smul.u32 $0x1388, s10  }
0xf: {  	s10 =	sor.u32 $0x1C02, s30;
	s18 =	simm.s32 $0xC8;
	s9 =	sadd.s32 $0x47800, s12  }
0x10: {  	v0 =	vlaneseq.u32;
	s11 =	sadd.s32 $0x6EA00, s13;
	s22 =	sadd.s32 $0x73A00, s14;
	s24 =	sadd.s32 $0xC1C00, s15  }
0x11: {  	v0 =	vmul.u32 $0x10, v0;
	s12 =	smax.u32 s16, $0x1;
	s13 =	sshrl.u32 s29, $0x3;
	s14 =	simm.s32 $0x2  }
0x12: {  	v1 =	vimm.f32 $0.0e+00;
	s15 =	sshrl.u32 s31, $0x3;
	s16 =	simm.s32 $0x15F90;
	s21 =	sadd.s32 s21, s22  }
0x13: {  	v2 =	vadd.s32 $0xB80, v0;
	v3 =	vadd.s32 $0xB81, v0;
	v4 =	vadd.s32 $0xB82, v0;
	s22 =	simm.s32 $0x1;
	s23 =	sadd.s32 s23, s24;
	s24 =	simm.s32 $0x1CA98  }
.LBB2_1:
0x14: {  	s25 =	simm.s32 $0x40;
	s26 =	simm.s32 $0x0  }
.LBB2_2:
0x15: {  	p0 =	sne.s32 s25, $0x31C0;
	[tilespmem:s26+$0x1CA98] =	vst v1;
	s26 =	smov.u32 s25;
	s25 =	sadd.s32 $0x40, s25  }
.Ltmp0:
0x16: {  	(pc) =	sbr.rel @p0 .LBB2_2-.Ltmp0, $2  }
0x17: {  	_ =	sdelay $0x2  }
0x18: {  	s26 =	sshra.s32 s26, $0x2  }
0x19: {  	[tilespmem:s26+$0x1CA98] =	vst v1  }
0x1a: {  	[spmem:s13], [sflag:s10] =	dma.local [hbm:s9], $0x2710  }
0x1b: {  	_ =	swait.ge [sflag:s14], $0x2710  }
0x1c: {  	[sflag:s14] =	ssyncset.done $0x0  }
0x1d: {  	[sflag:s14] =	ssyncadd.s32 $0xFFFFD8F0  }
0x1e: {  	[spmem:s15], [sflag:s10] =	dma.local [hbm:s11], $0x4E2  }
0x1f: {  	_ =	swait.ge [sflag:s14], $0x4E2  }
0x20: {  	[sflag:s14] =	ssyncset.done $0x0  }
0x21: {  	[sflag:s14] =	ssyncadd.s32 $0xFFFFFB1E  }
0x22: {  	s25 =	simm.s32 $0x0;
	s26 =	simm.s32 $0x0;
	[bflag:$0x0] =	sbarrier.arrive $0xFFFF  }
.LBB2_4:
0x23: {  	s28 =	smul.u32 $0xC8, s26;
	_ =	sdelay $0x1  }
0x24: {  	s28 =	sadd.s32 s8, s28  }
0x25: {  	s29 =	sshrl.u32 s28, $0x3  }
0x26: {  	s28 =	sshll.u32 s28, $0x4;
	s30 =	sadd.s32 s7, s29  }
0x27: {  	[tilespmem:s16], [sflag:$0x1] =	stream.linear.gather [hbm4b:s30+s25], $0xC8, $0x38;
	[tilespmem:$0x1D718] =	vst v63  }
0x28: {  	s28 =	sadd.s32 s5, s28  }
0x29: {  	[tilespmem:s17], [sflag:$0x1] =	stream.linear.gather [hbm4b:s28+s25], $0x6400, $0x38;
	[tilespmem:$0x1D718] =	vst v63  }
0x2a: {  	s28 =	sadd.s32 s6, s29  }
0x2b: {  	[tilespmem:s20], [sflag:$0x1] =	stream.strided.gather [hbm4b:s28+s18], $0x640, s19, s18, $0x38;
	[tilespmem:$0x1D718] =	vst v63  }
0x2c: {  	_ =	swait.ge [sflag:s22], $0xC8  }
0x2d: {  	[sflag:s22] =	ssyncset.done $0x0  }
0x2e: {  	[sflag:s22] =	ssyncadd.s32 $0xFFFFFF38  }
0x2f: {  	_ =	swait.ge [sflag:s22], $0x6400  }
0x30: {  	[sflag:s22] =	ssyncset.done $0x0  }
0x31: {  	[sflag:s22] =	ssyncadd.s32 $0xFFFF9C00  }
0x32: {  	_ =	swait.ge [sflag:s22], $0x640  }
0x33: {  	v5 =	vmov s25;
	[sflag:s22] =	ssyncset.done $0x0  }
0x34: {  	v5 =	vshll.u32 v5, $0x4;
	s28 =	simm.s32 $0x1C520;
	[sflag:s22] =	ssyncadd.s32 $0xFFFFF9C0  }
0x35: {  	v7 =	vadd.s32 v0, v5;
	v6 =	vld [tilespmem:s28+$0xFFFFFF38];
	_ =	sdelay $0x4  }
0x36: {  	[tilespmem:v7+s24+$0x0] =	vst.idx.msk $0xffff, v6  }
0x37: {  	v6 =	vor.u32 $0x1, v7;
	v5 =	vld [tilespmem:s28+$0x0];
	_ =	sdelay $0x4  }
0x38: {  	[tilespmem:v6+s24+$0x0] =	vst.idx.msk $0xffff, v5  }
0x39: {  	v6 =	vor.u32 $0x2, v7;
	v5 =	vld [tilespmem:s28+$0xC8];
	_ =	sdelay $0x2  }
0x3a: {  	s29 =	simm.s32 $0x10  }
0x3b: {  	v7 =	vmov s29;
	s29 =	simm.s32 $0x20  }
.LBB2_5:
0x3c: {  	p0 =	sne.s32 s29, $0xB0;
	v7 =	vshll.u32 v7, $0x4;
	[tilespmem:v6+s24+$0x0] =	vst.idx.msk $0xffff, v5;
	s28 =	sadd.s32 $0x10, s28  }
0x3d: {  	v5 =	vld [tilespmem:s28+$0xFFFFFF38];
	v6 =	vadd.s32 v0, v7;
	_ =	sdelay $0x4  }
0x3e: {  	[tilespmem:v6+s24+$0x0] =	vst.idx.msk $0xffff, v5  }
0x3f: {  	v7 =	vor.u32 $0x1, v6;
	v5 =	vld [tilespmem:s28+$0x0];
	_ =	sdelay $0x4  }
0x40: {  	[tilespmem:v7+s24+$0x0] =	vst.idx.msk $0xffff, v5  }
.Ltmp1:
0x41: {  	v6 =	vor.u32 $0x2, v6;
	v5 =	vld [tilespmem:s28+$0xC8];
	(pc) =	sbr.rel @p0 .LBB2_5-.Ltmp1, $2  }
0x42: {  	_ =	sdelay $0x2  }
0x43: {  	v7 =	vmov s29;
	s29 =	sadd.s32 $0x10, s29  }
0x44: {  	_ =	sdelay $0x3  }
0x45: {  	v7 =	vshll.u32 v7, $0x4;
	[tilespmem:v6+s24+$0x0] =	vst.idx.msk $0xffff, v5;
	s28 =	sadd.s32 $0x10, s28  }
0x46: {  	v5 =	vld [tilespmem:s28+$0xFFFFFF38];
	v6 =	vadd.s32 v0, v7;
	_ =	sdelay $0x4  }
0x47: {  	[tilespmem:v6+s24+$0x0] =	vst.idx.msk $0xffff, v5  }
0x48: {  	v7 =	vor.u32 $0x1, v6;
	v5 =	vld [tilespmem:s28+$0x0];
	_ =	sdelay $0x4  }
0x49: {  	[tilespmem:v7+s24+$0x0] =	vst.idx.msk $0xffff, v5  }
0x4a: {  	v6 =	vor.u32 $0x2, v6;
	v5 =	vld [tilespmem:s28+$0xC8];
	_ =	sdelay $0x4  }
0x4b: {  	[tilespmem:v6+s24+$0x0] =	vst.idx.msk $0xffff, v5  }
0x4c: {  	v5 =	vld [tilespmem:$0x1C510];
	_ =	sdelay $0x4  }
0x4d: {  	[tilespmem:v2+s24+$0x0] =	vst.idx.msk $0xffff, v5  }
0x4e: {  	v5 =	vld [tilespmem:$0x1C5D8];
	_ =	sdelay $0x4  }
0x4f: {  	[tilespmem:v3+s24+$0x0] =	vst.idx.msk $0xffff, v5  }
0x50: {  	v5 =	vld [tilespmem:$0x1C6A0];
	_ =	sdelay $0x4  }
0x51: {  	[tilespmem:v4+s24+$0x0] =	vst.idx.msk $0xffff, v5  }
0x52: {  	[spmem:s1] =	stream.indirect.scatter.add.f32 [tilespmem:s17], [sflag:$0x2], $0x80, s16, s18, $0xb8;
	[tilespmem:$0x1D718] =	vst v63  }
0x53: {  	s26 =	sadd.s32 $0x1, s26;
	_ =	swait.ge [sflag:s14], $0x6400  }
0x54: {  	p0 =	sne.s32 s26, $0x19;
	[sflag:s14] =	ssyncset.done $0x0  }
.Ltmp2:
0x55: {  	[sflag:s14] =	ssyncadd.s32 $0xFFFF9C00;
	(pc) =	sbr.rel @p0 .LBB2_4-.Ltmp2, $4  }
0x56: {  	[spmem:s3] =	stream.indirect.scatter.add.f32 [tilespmem:s24], [sflag:$0x2], $0x10, s16, s18, $0xb8;
	[tilespmem:$0x1D718] =	vst v63  }
0x57: {  	_ =	swait.ge [sflag:s14], $0xC80  }
0x58: {  	[sflag:s14] =	ssyncset.done $0x0  }
0x59: {  	[sflag:s14] =	ssyncadd.s32 $0xFFFFF380  }
0x5a: {  	[bflag:$0x0] =	sbarrier.arrive $0xFFFF  }
0x5b: {  	[hbm:s21], [sflag:s10] =	dma.local [spmem:s13], $0x2710  }
0x5c: {  	s4 =	sadd.s32 $0x1, s4;
	_ =	swait.ge [sflag:s14], $0x2710  }
0x5d: {  	p0 =	sne.s32 s4, s12;
	[sflag:s14] =	ssyncset.done $0x0  }
.Ltmp3:
0x5e: {  	[sflag:s14] =	ssyncadd.s32 $0xFFFFD8F0;
	(pc) =	sbr.rel @p0 .LBB2_1-.Ltmp3, $4  }
0x5f: {  	[hbm:s23], [sflag:s10] =	dma.local [spmem:s15], $0x4E2  }
0x60: {  	_ =	swait.ge [sflag:s14], $0x4E2  }
0x61: {  	[sflag:s14] =	ssyncset.done $0x0  }
0x62: {  	[sflag:s14] =	ssyncadd.s32 $0xFFFFFB1E  }
0x63: {  	_ =	sfence.sel $0x180000  }
0x64: {  	[bflag:$0x0] =	sbarrier.arrive $0xFFFF  }
0x65: {  	p0 =	sne.s32 s2, $0x0;
	_ =	strace $0x9000004D  }
0x66: {  	s0 =	sadd.s32 @!p0 $0x100000, s0;
	[bflag:$0x2] =	sbarrier.arrive $0xFFFF  }
0x67: {  	[sflag:s0] =	ssyncadd.tile.s32 @!p0 $0x1;
	_ =	shalt  }
.Lfunc_end2:
_tile_overlayer_lowered:
.L_overlay_start_2:
0x68: {  	(tag) =	ssettag $0x2  }
0x69: {  	s0 =	rddreg [dreg:$0x0];
	s2 =	stileid.u32  }
0x6a: {  	s1 =	rddreg [dreg:$0x1];
	p0 =	sne.s32 s2, $0x0  }
0x6b: {  	s3 =	rddreg [dreg:$0x2];
	[bflag:$0x3] =	sbarrier.arrive $0xFFFF;
	s2 =	simm.s32 @!p0 $0x1C02  }
0x6c: {  	[timem:s3], [sflag:s2] =	dma.local @!p0 [hbm:s0], s1  }
0x6d: {  	s0 =	simm.s32 @!p0 $0x2  }
0x6e: {  	_ =	swait.ge @!p0 [sflag:s0], s1  }
0x6f: {  	s1 =	ssub.s32 @!p0 $0x0, s1;
	[sflag:s0] =	ssyncset.done @!p0 $0x0  }
0x70: {  	[sflag:s0] =	ssyncadd.s32 @!p0 s1  }
0x71: {  	[bflag:$0x3] =	sbarrier.arrive $0xFFFF  }
0x72: {  	_ =	shalt  }

// kernel: kernel.18.cloned.1.call-start
scs
__scs_entry_jumppad:
0x0: {  	(pc) =	sbr.rel $0x88, $3  }
0x1: {  	(tag) =	ssettag $0x0;
	lr =	simm.s32 $0x1  }
0x2: {  	[smem:$0x3F8D] =	sst lr;
	_ =	strace $0xD0000000  }
0x3: {  	_ = 	snop  }
0x4: {  	_ = 	snop  }
0x5: {  	_ = 	snop  }
0x6: {  	_ = 	snop  }
0x7: {  	_ = 	snop  }
__scs_overlays_trampoline_lowered:
0x8: {  	[smem:$0x3F9C] =	sst s0  }
0x9: {  	[smem:$0x3F9D] =	sst s1  }
0xa: {  	[smem:$0x3F9E] =	sst s2  }
0xb: {  	[smem:$0x3F9F] =	sst s3  }
0xc: {  	[smem:$0x3FA0] =	sst s4  }
0xd: {  	[smem:$0x3FA1] =	sst s5  }
0xe: {  	[smem:$0x3FA2] =	sst s6  }
0xf: {  	[smem:$0x3FA3] =	sst s7  }
0x10: {  	[smem:$0x3FA4] =	sst s8  }
0x11: {  	[smem:$0x3FA5] =	sst s9;
	s0 =	simm.s32 @!p0 $0x0  }
0x12: {  	s1 =	sld [smem:$0x3F8B];
	s0 =	simm.s32 @p0 $0x1  }
0x13: {  	[smem:$0x3FA6] =	sst s0;
	s0 =	simm.s32 @!p1 $0x0  }
0x14: {  	s2 =	sld [smem:$0x3F8A];
	s0 =	simm.s32 @p1 $0x1  }
0x15: {  	[smem:$0x3FA7] =	sst s0;
	s0 =	simm.s32 @!p2 $0x0  }
0x16: {  	s3 =	sld [smem:$0x3FDB];
	s0 =	simm.s32 @p2 $0x1  }
0x17: {  	s4 =	simm.s32 $0x1BF5;
	[smem:$0x3FA9] =	sst s0  }
0x18: {  	s0 =	sld [smem:$0x3F8C];
	_ =	swait.ge [sflag:s4], $0x0  }
0x19: {  	s7 =	sld [smem:$0x3F8D]  }
0x1a: {  	s8 =	sadd.s32 $0xFFFFE003, lr  }
0x1b: {  	s9 =	sadd.s32 $0xFFFFFEF7, lr;
	s5 =	simm.s32 $0xFFFFFFFF;
	p2 =	slt.u32 s8, $0xFFFFF086  }
0x1c: {  	p1 =	slt.u32 s9, $0xF7A;
	s5 =	simm.s32 @!p2 $0x0  }
0x1d: {  	s5 =	simm.s32 @p1 $0x1;
	p0 =	seq.s32 s7, s2  }
0x1e: {  	s7 =	smul.u32 @!p0 $0xF7A, s2;
	p2 =	seq.s32 @!p0 s5, $0x0  }
0x1f: {  	s9 =	smul.u32 $0xF7A, s1;
	s8 =	simm.s32 @!p0 $0x1BF5;
	p2 =	por !p2, p0  }
0x20: {  	[sflag:s8] =	ssyncset.s32 @!p0 $0xFFFFF086;
	s6 =	sadd.s32 @!p0 s3, s7;
	s7 =	simm.s32 @!p0 $0x108  }
0x21: {  	s3 =	sadd.s32 s3, s9;
	s6 =	sadd.s32 @!p0 $0x88, s6;
	s7 =	simm.s32 @p2 $0x1082  }
0x22: {  	[simem:s7], [sflag:s8] =	dma.local @!p0 [hbm:s6], $0xF7A  }
0x23: {  	s9 =	sor.u32 $0xD0000000, s2;
	s6 =	simm.s32 $0x108;
	_ =	swait.ge @!p0 [sflag:s8], $0x0  }
0x24: {  	s3 =	sadd.s32 $0x88, s3;
	s6 =	simm.s32 @!p1 $0x1082;
	[sflag:s4] =	ssyncset.s32 $0xFFFFF086  }
0x25: {  	[simem:s6], [sflag:s4] =	dma.local [hbm:s3], $0xF7A  }
0x26: {  	[smem:$0x3F8D] =	sst s1;
	(tag) =	ssettag s2;
	_ =	strace s9  }
0x27: {  	s1 =	sld [smem:$0x3F9D]  }
0x28: {  	s2 =	sld [smem:$0x3F9E]  }
0x29: {  	s4 =	sld [smem:$0x3FA0]  }
0x2a: {  	p0 =	seq.s32 s5, $0x0;
	s5 =	sld [smem:$0x3FA1]  }
0x2b: {  	s6 =	sld [smem:$0x3FA2]  }
0x2c: {  	s7 =	sld [smem:$0x3FA3]  }
0x2d: {  	s3 =	simm.s32 $0x108;
	s8 =	sld [smem:$0x3FA4]  }
0x2e: {  	s3 =	simm.s32 @!p0 $0x1082;
	s9 =	sld [smem:$0x3FA5]  }
0x2f: {  	lr =	sadd.s32 s0, s3;
	s0 =	sld [smem:$0x3F9C]  }
0x30: {  	s3 =	sld [smem:$0x3F9F]  }
0x31: {  	[smem:$0x3FA8] =	sst s10  }
0x32: {  	s10 =	sld [smem:$0x3FA6];
	_ =	sdelay $0x3  }
0x33: {  	p0 =	seq.s32 s10, $0x1;
	s10 =	sld [smem:$0x3FA8];
	_ =	sdelay $0x3  }
0x34: {  	[smem:$0x3FA8] =	sst s10  }
0x35: {  	s10 =	sld [smem:$0x3FA7];
	_ =	sdelay $0x3  }
0x36: {  	p1 =	seq.s32 s10, $0x1;
	s10 =	sld [smem:$0x3FA8];
	_ =	sdelay $0x3  }
0x37: {  	[smem:$0x3FA8] =	sst s10  }
0x38: {  	s10 =	sld [smem:$0x3FA9]  }
0x39: {  	_ = 	snop;
	(pc) =	sbr.ind lr, $3  }
0x3a: {  	_ = 	snop  }
0x3b: {  	_ = 	snop  }
0x3c: {  	p2 =	seq.s32 s10, $0x1;
	s10 =	sld [smem:$0x3FA8]  }
0x3d: {  	_ =	shalt  }
0x3e: {  	_ =	shalt  }
0x3f: {  	_ =	shalt  }
0x40: {  	_ =	shalt  }
0x41: {  	_ =	shalt  }
0x42: {  	_ =	shalt  }
0x43: {  	_ =	shalt  }
0x44: {  	_ =	shalt  }
0x45: {  	_ =	shalt  }
0x46: {  	_ =	shalt  }
0x47: {  	_ =	shalt  }
0x48: {  	_ =	shalt  }
0x49: {  	_ =	shalt  }
0x4a: {  	_ =	shalt  }
0x4b: {  	_ =	shalt  }
0x4c: {  	_ =	shalt  }
0x4d: {  	_ =	shalt  }
0x4e: {  	_ =	shalt  }
0x4f: {  	_ =	shalt  }
0x50: {  	_ =	shalt  }
0x51: {  	_ =	shalt  }
0x52: {  	_ =	shalt  }
0x53: {  	_ =	shalt  }
0x54: {  	_ =	shalt  }
0x55: {  	_ =	shalt  }
0x56: {  	_ =	shalt  }
0x57: {  	_ =	shalt  }
0x58: {  	_ =	shalt  }
0x59: {  	_ =	shalt  }
0x5a: {  	_ =	shalt  }
0x5b: {  	_ =	shalt  }
0x5c: {  	_ =	shalt  }
0x5d: {  	_ =	shalt  }
0x5e: {  	_ =	shalt  }
0x5f: {  	_ =	shalt  }
0x60: {  	_ =	shalt  }
0x61: {  	_ =	shalt  }
0x62: {  	_ =	shalt  }
0x63: {  	_ =	shalt  }
0x64: {  	_ =	shalt  }
0x65: {  	_ =	shalt  }
0x66: {  	_ =	shalt  }
0x67: {  	_ =	shalt  }
0x68: {  	_ =	shalt  }
0x69: {  	_ =	shalt  }
0x6a: {  	_ =	shalt  }
0x6b: {  	_ =	shalt  }
0x6c: {  	_ =	shalt  }
0x6d: {  	_ =	shalt  }
0x6e: {  	_ =	shalt  }
0x6f: {  	_ =	shalt  }
0x70: {  	_ =	shalt  }
0x71: {  	_ =	shalt  }
0x72: {  	_ =	shalt  }
0x73: {  	_ =	shalt  }
0x74: {  	_ =	shalt  }
0x75: {  	_ =	shalt  }
0x76: {  	_ =	shalt  }
0x77: {  	_ =	shalt  }
0x78: {  	_ =	shalt  }
0x79: {  	_ =	shalt  }
0x7a: {  	_ =	shalt  }
0x7b: {  	_ =	shalt  }
0x7c: {  	_ =	shalt  }
0x7d: {  	_ =	shalt  }
0x7e: {  	_ =	shalt  }
0x7f: {  	_ =	shalt  }
0x80: {  	_ =	shalt  }
0x81: {  	_ =	shalt  }
0x82: {  	_ =	shalt  }
0x83: {  	_ =	shalt  }
0x84: {  	_ =	shalt  }
0x85: {  	_ =	shalt  }
0x86: {  	_ =	shalt  }
0x87: {  	_ =	shalt  }
.Lfunc_end0:
.L_simem_size_0:
called_computation.3_lowered:
.L_overlay_start_0:
0x88: {  	s2 =	sld [smem:$0x3FD9]  }
0x89: {  	s3 =	sld [smem:$0x3FFE];
	_ =	sdelay $0x1  }
0x8a: {  	s1 =	srdreg.scid  }
0x8b: {  	s0 =	sand.u32 $0x1, s1  }
0x8c: {  	s17 =	sshll.u32 s0, $0xA;
	s2 =	sadd.s32 s3, s2  }
0x8d: {  	s2 =	sadd.s32 s2, s17  }
0x8e: {  	[smem:$0x3FB4] =	sst s2  }
0x8f: {  	_ = 	snop  }
0x90: {  	(tm) =	ssettm $0x1  }
0x91: {  	s18 =	sld [smem:$0x3FFB];
	_ =	sdelay $0x3  }
0x92: {  	_ =	strace s18  }
0x93: {  	s2 =	sld [smem:$0x3FFC];
	_ =	sdelay $0x3  }
0x94: {  	_ =	strace s2  }
0x95: {  	s2 =	sld [smem:$0x3FFD];
	_ =	sdelay $0x3  }
0x96: {  	_ =	strace s2  }
0x97: {  	_ =	strace $0x8FFFFFFF  }
0x98: {  	s19 =	sld [smem:$0x3FDB];
	_ =	sdelay $0x1  }
0x99: {  	s20 =	simm.s32 $_scs_section_size  }
0x9a: {  	s4 =	simm.s32 $_size__tile_overlayer_lowered;
	s5 =	simm.s32 $_tile_overlayer_lowered  }
0x9b: {  	s6 =	simm.s32 $0x1BFF;
	s21 =	sshll.u32 s5, $0x1;
	s3 =	sadd.s32 s20, s19  }
0x9c: {  	s22 =	simm.s32 $0x0;
	s4 =	sshll.u32 s4, $0x1;
	s5 =	sadd.s32 s21, s3  }
0x9d: {  	[timem:s22], [sflag:s6] =	dma.local [hbm:s5], s4  }
0x9e: {  	_ =	swait.ge [sflag:s6], s4  }
0x9f: {  	s4 =	ssub.s32 $0x0, s4;
	[sflag:s6] =	ssyncset.done $0x0  }
0xa0: {  	[sflag:s6] =	ssyncadd.s32 s4;
	_ =	sdelay $0x1  }
0xa1: {  	s23 =	simm.s32 $0x1B8B  }
0xa2: {  	_ =	swait.ge [sflag:s23], $0x1  }
0xa3: {  	[sflag:s23] =	ssyncset.done $0x0  }
0xa4: {  	[sflag:s23] =	ssyncadd.s32 $0xFFFFFFFF  }
0xa5: {  	s4 =	sld [smem:$0x0]  }
0xa6: {  	s5 =	sand.u32 $0xFFFFFFFE, s1  }
0xa7: {  	p0 =	sne.s32 s1, s5  }
0xa8: {  	s5 =	sshll.u32 @p0 s5, $0xE  }
0xa9: {  	s5 =	sadd.s32 @p0 $0x11B8D, s5;
	s6 =	sshll.u32 @p0 s4, $0x11  }
0xaa: {  	s5 =	sor.u32 @p0 s6, s5  }
0xab: {  	[sflag:s5] =	ssyncadd.remote.s32 @p0 $0x1;
	_ =	sdelay $0x1  }
0xac: {  	s5 =	simm.s32 @p0 $0x1B8D  }
0xad: {  	_ =	swait.eq @p0 [sflag:s5], $0x1  }
0xae: {  	[sflag:s5] =	ssyncadd.s32 @p0 $0xFFFFFFFF  }
0xaf: {  	s6 =	sshll.u32 @!p0 s1, $0xE  }
0xb0: {  	s6 =	sor.u32 @!p0 $0x4000, s6;
	s5 =	simm.s32 @!p0 $0x1B8D  }
0xb1: {  	s4 =	sshll.u32 @!p0 s4, $0x11;
	s6 =	sadd.s32 @!p0 $0x11B8D, s6;
	_ =	swait.eq @!p0 [sflag:s5], $0x1  }
0xb2: {  	s4 =	sor.u32 @!p0 s4, s6;
	[sflag:s5] =	ssyncadd.s32 @!p0 $0xFFFFFFFF  }
0xb3: {  	s25 =	simm.s32 $0x1B8E;
	s24 =	sld [smem:$0x3FFE];
	[sflag:s4] =	ssyncadd.remote.s32 @!p0 $0x1  }
0xb4: {  	s26 =	simm.s32 $execute0_lowered;
	[smem:$0x3FD2] =	sst s25  }
0xb5: {  	s5 =	sshll.u32 s26, $0x1;
	_ =	strace $0x8000004F;
	[dreg:$0x1] =	wrdreg $0xFFFFFFFF  }
0xb6: {  	s28 =	simm.s32 $_size_execute0_lowered;
	s3 =	sadd.s32 s3, s5;
	[dreg:$0x0] =	wrdreg $0x0  }
0xb7: {  	s5 =	sshll.u32 s28, $0x1;
	[dreg:$0x2] =	wrdreg s3  }
0xb8: {  	[dreg:$0x3] =	wrdreg s5  }
0xb9: {  	[dreg:$0x4] =	wrdreg $0xC0  }
0xba: {  	_ =	task [dreg:s22], $0x5FFFF  }
0xbb: {  	[dreg:$0x1] =	wrdreg $0xFFFFFFFF  }
0xbc: {  	[dreg:$0x0] =	wrdreg $0x60  }
0xbd: {  	[dreg:$0x2] =	wrdreg s24  }
0xbe: {  	[dreg:$0x3] =	wrdreg $0x0  }
0xbf: {  	[dreg:$0x4] =	wrdreg $0x138800  }
0xc0: {  	[dreg:$0x5] =	wrdreg $0x9  }
0xc1: {  	_ =	task.clear_ibuf [dreg:s22], $0x6FFFF;
	_ =	strace $0x9000004F  }
0xc2: {  	s29 =	simm.s32 $0x9;
	_ =	strace $0x80000051  }
0xc3: {  	_ =	swait.ge [sflag:s29], $0x1  }
0xc4: {  	[sflag:s29] =	ssyncadd.s32 $0xFFFFFFFF  }
0xc5: {  	_ =	strace $0x90000051  }
0xc6: {  	_ =	sfence  }
0xc7: {  	s30 =	sld [smem:$0x0];
	_ =	sdelay $0x2  }
0xc8: {  	s31 =	sshll.u32 s1, $0xD;
	s1 =	sshrl.u32 s1, $0x2  }
0xc9: {  	s4 =	sand.u32 $0x4000, s31;
	s1 =	sadd.s32 s1, s30  }
0xca: {  	s0 =	sor.u32 s4, s0;
	s1 =	sshll.u32 s1, $0x11  }
0xcb: {  	s0 =	sor.u32 s1, s0  }
0xcc: {  	s0 =	sadd.s32 $0x8F2B, s0  }
0xcd: {  	[sflag:s0] =	ssyncadd.remote.s32 $0x1  }
0xce: {  	_ =	sfence.sel $0xFFFF  }
0xcf: {  	[dreg:$0x0] =	wrdreg $0xFFFFFFFF;
	(pc) =	sbr.abs _section_cstart, $3  }
0xd0: {  	[dreg:$0x1] =	wrdreg $0xFFFFFFFF  }
0xd1: {  	_ =	task.clear_ibuf [dreg:s22], $0x2FFFF;
	_ =	strace $0x9FFFFFFF  }
0xd2: {  	(tm) =	ssettm $0x7FFFFFFF  }
0xd3: {  	_ =	shalt  }
tec
execute0_lowered:
.L_overlay_start_1:
0x0: {  	(tag) =	ssettag $0x1  }
0x1: {  	s9 =	rddreg [dreg:$0x0]  }
0x2: {  	s1 =	rddreg [dreg:$0x1]  }
0x3: {  	s3 =	rddreg [dreg:$0x2]  }
0x4: {  	s0 =	rddreg [dreg:$0x3];
	s4 =	simm.s32 $0x0  }
0x5: {  	s2 =	stileid.u32;
	s8 =	srdreg.scid;
	s19 =	simm.s32 $0xC8  }
0x6: {  	s20 =	simm.s32 $0x27100;
	s21 =	simm.s32 $0x1C458;
	[smem:$0x7FF] =	sst s4  }
0x7: {  	s10 =	smul.u32 $0x13880, s2;
	s5 =	sadd.s32 $0xCBA00, s9;
	s6 =	sadd.s32 $0x33CA00, s9  }
0x8: {  	s12 =	smul.u32 $0x2710, s2;
	s7 =	sadd.s32 $0x16800, s9;
	s8 =	sand.u32 $0x1, s8  }
0x9: {  	s14 =	sshll.u32 s2, $0x1;
	s31 =	sshll.u32 s2, $0x6;
	s13 =	smul.u32 $0x27100, s8  }
0xa: {  	_ =	strace $0x80000050;
	s15 =	smul.u32 $0x4E20, s8;
	s16 =	ssub.s32 $0x2, s8  }
0xb: {  	s8 =	sor.u32 s8, s14;
	s22 =	sshrl.u32 s10, $0x3;
	s24 =	sshrl.u32 s12, $0x3  }
0xc: {  	s17 =	sshrl.u32 s16, $0x1;
	s8 =	smul.u32 $0x1388, s8;
	s30 =	sadd.s32 s10, s1  }
0xd: {  	s12 =	sadd.s32 s12, s3;
	s11 =	sadd.s32 s22, s9;
	s29 =	sadd.s32 s24, s9  }
0xe: {  	s18 =	sadd.s32 s13, s9;
	s15 =	sadd.s32 s15, s9;
	s16 =	ssub.s32 s16, s17  }
0xf: {  	s17 =	simm.s32 $0x15F90;
	s9 =	sadd.s32 $0x27100, s8;
	s10 =	sadd.s32 $0x47800, s11  }
0x10: {  	v0 =	vlaneseq.u32;
	s11 =	sor.u32 $0x1C02, s31;
	s13 =	sadd.s32 $0x6EA00, s29;
	s23 =	sadd.s32 $0x363C00, s18  }
0x11: {  	v0 =	vmul.u32 $0x10, v0;
	s25 =	sadd.s32 $0x7A00, s15;
	s14 =	smax.u32 s16, $0x1;
	s15 =	sshrl.u32 s30, $0x3  }
0x12: {  	v1 =	vimm.f32 $0.0e+00;
	s16 =	simm.s32 $0x2;
	s18 =	simm.s32 $0x16058;
	s22 =	sadd.s32 s22, s23  }
0x13: {  	v2 =	vadd.s32 $0xB80, v0;
	v3 =	vadd.s32 $0xB81, v0;
	v4 =	vadd.s32 $0xB82, v0;
	s23 =	simm.s32 $0x1;
	s24 =	sadd.s32 s24, s25;
	s25 =	simm.s32 $0x1CA98  }
.LBB2_1:
0x14: {  	s26 =	simm.s32 $0x40;
	s28 =	simm.s32 $0x0  }
.LBB2_2:
0x15: {  	p0 =	sne.s32 s26, $0x31C0;
	[tilespmem:s28+$0x1CA98] =	vst v1;
	s28 =	smov.u32 s26;
	s26 =	sadd.s32 $0x40, s26  }
.Ltmp0:
0x16: {  	(pc) =	sbr.rel @p0 .LBB2_2-.Ltmp0, $2  }
0x17: {  	_ =	sdelay $0x2  }
0x18: {  	s28 =	sshra.s32 s28, $0x2  }
0x19: {  	[tilespmem:s28+$0x1CA98] =	vst v1  }
0x1a: {  	[spmem:s15], [sflag:s11] =	dma.local [hbm:s10], $0x2710  }
0x1b: {  	_ =	swait.ge [sflag:s16], $0x2710  }
0x1c: {  	[sflag:s16] =	ssyncset.done $0x0  }
0x1d: {  	s26 =	sshrl.u32 s12, $0x3;
	[sflag:s16] =	ssyncadd.s32 $0xFFFFD8F0  }
0x1e: {  	[spmem:s26], [sflag:s11] =	dma.local [hbm:s13], $0x4E2  }
0x1f: {  	_ =	swait.ge [sflag:s16], $0x4E2  }
0x20: {  	[sflag:s16] =	ssyncset.done $0x0  }
0x21: {  	[sflag:s16] =	ssyncadd.s32 $0xFFFFFB1E  }
0x22: {  	s28 =	simm.s32 $0x0;
	s29 =	simm.s32 $0x0;
	[bflag:$0x0] =	sbarrier.arrive $0xFFFF  }
.LBB2_4:
0x23: {  	s30 =	smul.u32 $0xC8, s29;
	_ =	sdelay $0x1  }
0x24: {  	s31 =	sadd.s32 s30, s9  }
0x25: {  	s31 =	sshrl.u32 s31, $0x3  }
0x26: {  	s30 =	sadd.s32 s8, s30;
	s31 =	sadd.s32 s7, s31  }
0x27: {  	[tilespmem:s17], [sflag:$0x1] =	stream.linear.gather [hbm4b:s31+s28], $0xC8, $0x38;
	[tilespmem:$0x1D718] =	vst v63  }
0x28: {  	s31 =	sshll.u32 s30, $0x4  }
0x29: {  	s30 =	sshrl.u32 s30, $0x3;
	s31 =	sadd.s32 s5, s31  }
0x2a: {  	[tilespmem:s18], [sflag:$0x1] =	stream.linear.gather [hbm4b:s31+s28], $0x6400, $0x38;
	[tilespmem:$0x1D718] =	vst v63  }
0x2b: {  	s30 =	sadd.s32 s6, s30  }
0x2c: {  	[tilespmem:s21], [sflag:$0x1] =	stream.strided.gather [hbm4b:s30+s19], $0x640, s20, s19, $0x38;
	[tilespmem:$0x1D718] =	vst v63  }
0x2d: {  	_ =	swait.ge [sflag:s23], $0xC8  }
0x2e: {  	[sflag:s23] =	ssyncset.done $0x0  }
0x2f: {  	[sflag:s23] =	ssyncadd.s32 $0xFFFFFF38  }
0x30: {  	_ =	swait.ge [sflag:s23], $0x6400  }
0x31: {  	[sflag:s23] =	ssyncset.done $0x0  }
0x32: {  	[sflag:s23] =	ssyncadd.s32 $0xFFFF9C00  }
0x33: {  	_ =	swait.ge [sflag:s23], $0x640  }
0x34: {  	v5 =	vmov s28;
	[sflag:s23] =	ssyncset.done $0x0  }
0x35: {  	v5 =	vshll.u32 v5, $0x4;
	s30 =	simm.s32 $0x1C520;
	[sflag:s23] =	ssyncadd.s32 $0xFFFFF9C0  }
0x36: {  	v7 =	vadd.s32 v0, v5;
	v6 =	vld [tilespmem:s30+$0xFFFFFF38];
	_ =	sdelay $0x4  }
0x37: {  	[tilespmem:v7+s25+$0x0] =	vst.idx.msk $0xffff, v6  }
0x38: {  	v6 =	vor.u32 $0x1, v7;
	v5 =	vld [tilespmem:s30+$0x0];
	_ =	sdelay $0x4  }
0x39: {  	[tilespmem:v6+s25+$0x0] =	vst.idx.msk $0xffff, v5  }
0x3a: {  	v6 =	vor.u32 $0x2, v7;
	v5 =	vld [tilespmem:s30+$0xC8];
	_ =	sdelay $0x2  }
0x3b: {  	s31 =	simm.s32 $0x10  }
0x3c: {  	v7 =	vmov s31;
	s31 =	simm.s32 $0x20  }
.LBB2_5:
0x3d: {  	p0 =	sne.s32 s31, $0xB0;
	v7 =	vshll.u32 v7, $0x4;
	[tilespmem:v6+s25+$0x0] =	vst.idx.msk $0xffff, v5;
	s30 =	sadd.s32 $0x10, s30  }
0x3e: {  	v5 =	vld [tilespmem:s30+$0xFFFFFF38];
	v6 =	vadd.s32 v0, v7;
	_ =	sdelay $0x4  }
0x3f: {  	[tilespmem:v6+s25+$0x0] =	vst.idx.msk $0xffff, v5  }
0x40: {  	v7 =	vor.u32 $0x1, v6;
	v5 =	vld [tilespmem:s30+$0x0];
	_ =	sdelay $0x4  }
0x41: {  	[tilespmem:v7+s25+$0x0] =	vst.idx.msk $0xffff, v5  }
.Ltmp1:
0x42: {  	v6 =	vor.u32 $0x2, v6;
	v5 =	vld [tilespmem:s30+$0xC8];
	(pc) =	sbr.rel @p0 .LBB2_5-.Ltmp1, $2  }
0x43: {  	_ =	sdelay $0x2  }
0x44: {  	v7 =	vmov s31;
	s31 =	sadd.s32 $0x10, s31  }
0x45: {  	_ =	sdelay $0x3  }
0x46: {  	v7 =	vshll.u32 v7, $0x4;
	[tilespmem:v6+s25+$0x0] =	vst.idx.msk $0xffff, v5;
	s30 =	sadd.s32 $0x10, s30  }
0x47: {  	v5 =	vld [tilespmem:s30+$0xFFFFFF38];
	v6 =	vadd.s32 v0, v7;
	_ =	sdelay $0x4  }
0x48: {  	[tilespmem:v6+s25+$0x0] =	vst.idx.msk $0xffff, v5  }
0x49: {  	v7 =	vor.u32 $0x1, v6;
	v5 =	vld [tilespmem:s30+$0x0];
	_ =	sdelay $0x4  }
0x4a: {  	[tilespmem:v7+s25+$0x0] =	vst.idx.msk $0xffff, v5  }
0x4b: {  	v6 =	vor.u32 $0x2, v6;
	v5 =	vld [tilespmem:s30+$0xC8];
	_ =	sdelay $0x4  }
0x4c: {  	[tilespmem:v6+s25+$0x0] =	vst.idx.msk $0xffff, v5  }
0x4d: {  	v5 =	vld [tilespmem:$0x1C510];
	_ =	sdelay $0x4  }
0x4e: {  	[tilespmem:v2+s25+$0x0] =	vst.idx.msk $0xffff, v5  }
0x4f: {  	v5 =	vld [tilespmem:$0x1C5D8];
	_ =	sdelay $0x4  }
0x50: {  	[tilespmem:v3+s25+$0x0] =	vst.idx.msk $0xffff, v5  }
0x51: {  	v5 =	vld [tilespmem:$0x1C6A0];
	_ =	sdelay $0x4  }
0x52: {  	[tilespmem:v4+s25+$0x0] =	vst.idx.msk $0xffff, v5  }
0x53: {  	[spmem:s1] =	stream.indirect.scatter.add.f32 [tilespmem:s18], [sflag:$0x2], $0x80, s17, s19, $0xb8;
	[tilespmem:$0x1D718] =	vst v63  }
0x54: {  	s29 =	sadd.s32 $0x1, s29;
	_ =	swait.ge [sflag:s16], $0x6400  }
0x55: {  	p0 =	sne.s32 s29, $0x19;
	[sflag:s16] =	ssyncset.done $0x0  }
.Ltmp2:
0x56: {  	[sflag:s16] =	ssyncadd.s32 $0xFFFF9C00;
	(pc) =	sbr.rel @p0 .LBB2_4-.Ltmp2, $4  }
0x57: {  	[spmem:s3] =	stream.indirect.scatter.add.f32 [tilespmem:s25], [sflag:$0x2], $0x10, s17, s19, $0xb8;
	[tilespmem:$0x1D718] =	vst v63  }
0x58: {  	_ =	swait.ge [sflag:s16], $0xC80  }
0x59: {  	[sflag:s16] =	ssyncset.done $0x0  }
0x5a: {  	[sflag:s16] =	ssyncadd.s32 $0xFFFFF380  }
0x5b: {  	[bflag:$0x0] =	sbarrier.arrive $0xFFFF  }
0x5c: {  	[hbm:s22], [sflag:s11] =	dma.local [spmem:s15], $0x2710  }
0x5d: {  	s4 =	sadd.s32 $0x1, s4;
	_ =	swait.ge [sflag:s16], $0x2710  }
0x5e: {  	p0 =	sne.s32 s4, s14;
	[sflag:s16] =	ssyncset.done $0x0  }
.Ltmp3:
0x5f: {  	[sflag:s16] =	ssyncadd.s32 $0xFFFFD8F0;
	(pc) =	sbr.rel @p0 .LBB2_1-.Ltmp3, $4  }
0x60: {  	[hbm:s24], [sflag:s11] =	dma.local [spmem:s26], $0x4E2  }
0x61: {  	_ =	swait.ge [sflag:s16], $0x4E2  }
0x62: {  	[sflag:s16] =	ssyncset.done $0x0  }
0x63: {  	[sflag:s16] =	ssyncadd.s32 $0xFFFFFB1E  }
0x64: {  	_ =	sfence.sel $0x180000  }
0x65: {  	[bflag:$0x0] =	sbarrier.arrive $0xFFFF  }
0x66: {  	p0 =	sne.s32 s2, $0x0;
	_ =	strace $0x90000050  }
0x67: {  	s0 =	sadd.s32 @!p0 $0x100000, s0;
	[bflag:$0x2] =	sbarrier.arrive $0xFFFF  }
0x68: {  	[sflag:s0] =	ssyncadd.tile.s32 @!p0 $0x1;
	_ =	shalt  }
.Lfunc_end2:
_tile_overlayer_lowered:
.L_overlay_start_2:
0x69: {  	(tag) =	ssettag $0x2  }
0x6a: {  	s0 =	rddreg [dreg:$0x0];
	s2 =	stileid.u32  }
0x6b: {  	s1 =	rddreg [dreg:$0x1];
	p0 =	sne.s32 s2, $0x0  }
0x6c: {  	s3 =	rddreg [dreg:$0x2];
	[bflag:$0x3] =	sbarrier.arrive $0xFFFF;
	s2 =	simm.s32 @!p0 $0x1C02  }
0x6d: {  	[timem:s3], [sflag:s2] =	dma.local @!p0 [hbm:s0], s1  }
0x6e: {  	s0 =	simm.s32 @!p0 $0x2  }
0x6f: {  	_ =	swait.ge @!p0 [sflag:s0], s1  }
0x70: {  	s1 =	ssub.s32 @!p0 $0x0, s1;
	[sflag:s0] =	ssyncset.done @!p0 $0x0  }
0x71: {  	[sflag:s0] =	ssyncadd.s32 @!p0 s1  }
0x72: {  	[bflag:$0x3] =	sbarrier.arrive $0xFFFF  }
0x73: {  	_ =	shalt  }

// kernel: kernel.9.cloned.1.call-start
scs
__scs_entry_jumppad:
0x0: {  	(pc) =	sbr.rel $0x88, $3  }
0x1: {  	(tag) =	ssettag $0x0;
	lr =	simm.s32 $0x1  }
0x2: {  	[smem:$0x3F8D] =	sst lr;
	_ =	strace $0xD0000000  }
0x3: {  	_ = 	snop  }
0x4: {  	_ = 	snop  }
0x5: {  	_ = 	snop  }
0x6: {  	_ = 	snop  }
0x7: {  	_ = 	snop  }
__scs_overlays_trampoline_lowered:
0x8: {  	[smem:$0x3F9C] =	sst s0  }
0x9: {  	[smem:$0x3F9D] =	sst s1  }
0xa: {  	[smem:$0x3F9E] =	sst s2  }
0xb: {  	[smem:$0x3F9F] =	sst s3  }
0xc: {  	[smem:$0x3FA0] =	sst s4  }
0xd: {  	[smem:$0x3FA1] =	sst s5  }
0xe: {  	[smem:$0x3FA2] =	sst s6  }
0xf: {  	[smem:$0x3FA3] =	sst s7  }
0x10: {  	[smem:$0x3FA4] =	sst s8  }
0x11: {  	[smem:$0x3FA5] =	sst s9;
	s0 =	simm.s32 @!p0 $0x0  }
0x12: {  	s1 =	sld [smem:$0x3F8B];
	s0 =	simm.s32 @p0 $0x1  }
0x13: {  	[smem:$0x3FA6] =	sst s0;
	s0 =	simm.s32 @!p1 $0x0  }
0x14: {  	s2 =	sld [smem:$0x3F8A];
	s0 =	simm.s32 @p1 $0x1  }
0x15: {  	[smem:$0x3FA7] =	sst s0;
	s0 =	simm.s32 @!p2 $0x0  }
0x16: {  	s3 =	sld [smem:$0x3FDB];
	s0 =	simm.s32 @p2 $0x1  }
0x17: {  	s4 =	simm.s32 $0x1BF5;
	[smem:$0x3FA9] =	sst s0  }
0x18: {  	s0 =	sld [smem:$0x3F8C];
	_ =	swait.ge [sflag:s4], $0x0  }
0x19: {  	s7 =	sld [smem:$0x3F8D]  }
0x1a: {  	s8 =	sadd.s32 $0xFFFFE003, lr  }
0x1b: {  	s9 =	sadd.s32 $0xFFFFFEF7, lr;
	s5 =	simm.s32 $0xFFFFFFFF;
	p2 =	slt.u32 s8, $0xFFFFF086  }
0x1c: {  	p1 =	slt.u32 s9, $0xF7A;
	s5 =	simm.s32 @!p2 $0x0  }
0x1d: {  	s5 =	simm.s32 @p1 $0x1;
	p0 =	seq.s32 s7, s2  }
0x1e: {  	s7 =	smul.u32 @!p0 $0xF7A, s2;
	p2 =	seq.s32 @!p0 s5, $0x0  }
0x1f: {  	s9 =	smul.u32 $0xF7A, s1;
	s8 =	simm.s32 @!p0 $0x1BF5;
	p2 =	por !p2, p0  }
0x20: {  	[sflag:s8] =	ssyncset.s32 @!p0 $0xFFFFF086;
	s6 =	sadd.s32 @!p0 s3, s7;
	s7 =	simm.s32 @!p0 $0x108  }
0x21: {  	s3 =	sadd.s32 s3, s9;
	s6 =	sadd.s32 @!p0 $0x88, s6;
	s7 =	simm.s32 @p2 $0x1082  }
0x22: {  	[simem:s7], [sflag:s8] =	dma.local @!p0 [hbm:s6], $0xF7A  }
0x23: {  	s9 =	sor.u32 $0xD0000000, s2;
	s6 =	simm.s32 $0x108;
	_ =	swait.ge @!p0 [sflag:s8], $0x0  }
0x24: {  	s3 =	sadd.s32 $0x88, s3;
	s6 =	simm.s32 @!p1 $0x1082;
	[sflag:s4] =	ssyncset.s32 $0xFFFFF086  }
0x25: {  	[simem:s6], [sflag:s4] =	dma.local [hbm:s3], $0xF7A  }
0x26: {  	[smem:$0x3F8D] =	sst s1;
	(tag) =	ssettag s2;
	_ =	strace s9  }
0x27: {  	s1 =	sld [smem:$0x3F9D]  }
0x28: {  	s2 =	sld [smem:$0x3F9E]  }
0x29: {  	s4 =	sld [smem:$0x3FA0]  }
0x2a: {  	p0 =	seq.s32 s5, $0x0;
	s5 =	sld [smem:$0x3FA1]  }
0x2b: {  	s6 =	sld [smem:$0x3FA2]  }
0x2c: {  	s7 =	sld [smem:$0x3FA3]  }
0x2d: {  	s3 =	simm.s32 $0x108;
	s8 =	sld [smem:$0x3FA4]  }
0x2e: {  	s3 =	simm.s32 @!p0 $0x1082;
	s9 =	sld [smem:$0x3FA5]  }
0x2f: {  	lr =	sadd.s32 s0, s3;
	s0 =	sld [smem:$0x3F9C]  }
0x30: {  	s3 =	sld [smem:$0x3F9F]  }
0x31: {  	[smem:$0x3FA8] =	sst s10  }
0x32: {  	s10 =	sld [smem:$0x3FA6];
	_ =	sdelay $0x3  }
0x33: {  	p0 =	seq.s32 s10, $0x1;
	s10 =	sld [smem:$0x3FA8];
	_ =	sdelay $0x3  }
0x34: {  	[smem:$0x3FA8] =	sst s10  }
0x35: {  	s10 =	sld [smem:$0x3FA7];
	_ =	sdelay $0x3  }
0x36: {  	p1 =	seq.s32 s10, $0x1;
	s10 =	sld [smem:$0x3FA8];
	_ =	sdelay $0x3  }
0x37: {  	[smem:$0x3FA8] =	sst s10  }
0x38: {  	s10 =	sld [smem:$0x3FA9]  }
0x39: {  	_ = 	snop;
	(pc) =	sbr.ind lr, $3  }
0x3a: {  	_ = 	snop  }
0x3b: {  	_ = 	snop  }
0x3c: {  	p2 =	seq.s32 s10, $0x1;
	s10 =	sld [smem:$0x3FA8]  }
0x3d: {  	_ =	shalt  }
0x3e: {  	_ =	shalt  }
0x3f: {  	_ =	shalt  }
0x40: {  	_ =	shalt  }
0x41: {  	_ =	shalt  }
0x42: {  	_ =	shalt  }
0x43: {  	_ =	shalt  }
0x44: {  	_ =	shalt  }
0x45: {  	_ =	shalt  }
0x46: {  	_ =	shalt  }
0x47: {  	_ =	shalt  }
0x48: {  	_ =	shalt  }
0x49: {  	_ =	shalt  }
0x4a: {  	_ =	shalt  }
0x4b: {  	_ =	shalt  }
0x4c: {  	_ =	shalt  }
0x4d: {  	_ =	shalt  }
0x4e: {  	_ =	shalt  }
0x4f: {  	_ =	shalt  }
0x50: {  	_ =	shalt  }
0x51: {  	_ =	shalt  }
0x52: {  	_ =	shalt  }
0x53: {  	_ =	shalt  }
0x54: {  	_ =	shalt  }
0x55: {  	_ =	shalt  }
0x56: {  	_ =	shalt  }
0x57: {  	_ =	shalt  }
0x58: {  	_ =	shalt  }
0x59: {  	_ =	shalt  }
0x5a: {  	_ =	shalt  }
0x5b: {  	_ =	shalt  }
0x5c: {  	_ =	shalt  }
0x5d: {  	_ =	shalt  }
0x5e: {  	_ =	shalt  }
0x5f: {  	_ =	shalt  }
0x60: {  	_ =	shalt  }
0x61: {  	_ =	shalt  }
0x62: {  	_ =	shalt  }
0x63: {  	_ =	shalt  }
0x64: {  	_ =	shalt  }
0x65: {  	_ =	shalt  }
0x66: {  	_ =	shalt  }
0x67: {  	_ =	shalt  }
0x68: {  	_ =	shalt  }
0x69: {  	_ =	shalt  }
0x6a: {  	_ =	shalt  }
0x6b: {  	_ =	shalt  }
0x6c: {  	_ =	shalt  }
0x6d: {  	_ =	shalt  }
0x6e: {  	_ =	shalt  }
0x6f: {  	_ =	shalt  }
0x70: {  	_ =	shalt  }
0x71: {  	_ =	shalt  }
0x72: {  	_ =	shalt  }
0x73: {  	_ =	shalt  }
0x74: {  	_ =	shalt  }
0x75: {  	_ =	shalt  }
0x76: {  	_ =	shalt  }
0x77: {  	_ =	shalt  }
0x78: {  	_ =	shalt  }
0x79: {  	_ =	shalt  }
0x7a: {  	_ =	shalt  }
0x7b: {  	_ =	shalt  }
0x7c: {  	_ =	shalt  }
0x7d: {  	_ =	shalt  }
0x7e: {  	_ =	shalt  }
0x7f: {  	_ =	shalt  }
0x80: {  	_ =	shalt  }
0x81: {  	_ =	shalt  }
0x82: {  	_ =	shalt  }
0x83: {  	_ =	shalt  }
0x84: {  	_ =	shalt  }
0x85: {  	_ =	shalt  }
0x86: {  	_ =	shalt  }
0x87: {  	_ =	shalt  }
.Lfunc_end0:
.L_simem_size_0:
called_computation_lowered:
.L_overlay_start_0:
0x88: {  	s2 =	sld [smem:$0x3FD9]  }
0x89: {  	s3 =	sld [smem:$0x3FFE];
	_ =	sdelay $0x1  }
0x8a: {  	s1 =	srdreg.scid  }
0x8b: {  	s0 =	sand.u32 $0x1, s1  }
0x8c: {  	s17 =	sshll.u32 s0, $0xA;
	s2 =	sadd.s32 s3, s2  }
0x8d: {  	s2 =	sadd.s32 s2, s17  }
0x8e: {  	[smem:$0x3FB4] =	sst s2  }
0x8f: {  	_ = 	snop  }
0x90: {  	s2 =	sld [smem:$0x3FC9];
	(tm) =	ssettm $0x1  }
0x91: {  	s18 =	sld [smem:$0x3FFB];
	_ =	sdelay $0x3  }
0x92: {  	_ =	strace s18  }
0x93: {  	s3 =	sld [smem:$0x3FFC];
	_ =	sdelay $0x3  }
0x94: {  	_ =	strace s3  }
0x95: {  	s3 =	sld [smem:$0x3FFD];
	_ =	sdelay $0x3  }
0x96: {  	_ =	strace s3  }
0x97: {  	_ =	strace $0x8FFFFFFF  }
0x98: {  	s19 =	sld [smem:$0x3FDB];
	_ =	sdelay $0x1  }
0x99: {  	s4 =	simm.s32 $_scs_section_size  }
0x9a: {  	s5 =	simm.s32 $_size__tile_overlayer_lowered;
	s6 =	simm.s32 $_tile_overlayer_lowered  }
0x9b: {  	s22 =	simm.s32 $0x1BFF;
	s21 =	sshll.u32 s6, $0x1;
	s3 =	sadd.s32 s4, s19  }
0x9c: {  	s7 =	simm.s32 $0x0;
	s20 =	sshll.u32 s5, $0x1;
	s5 =	sadd.s32 s21, s3  }
0x9d: {  	[timem:s7], [sflag:s22] =	dma.local [hbm:s5], s20  }
0x9e: {  	_ =	swait.ge [sflag:s22], s20  }
0x9f: {  	s4 =	ssub.s32 $0x0, s20;
	[sflag:s22] =	ssyncset.done $0x0  }
0xa0: {  	[sflag:s22] =	ssyncadd.s32 s4;
	_ =	sdelay $0x1  }
0xa1: {  	s23 =	simm.s32 $0x1B8B  }
0xa2: {  	_ =	swait.ge [sflag:s23], $0x1  }
0xa3: {  	[sflag:s23] =	ssyncset.done $0x0  }
0xa4: {  	s25 =	simm.s32 $0x1B8E;
	s24 =	sld [smem:$0x3FFE];
	[sflag:s23] =	ssyncadd.s32 $0xFFFFFFFF  }
0xa5: {  	s26 =	simm.s32 $execute0_lowered;
	[smem:$0x3FD2] =	sst s25  }
0xa6: {  	s5 =	sshll.u32 s26, $0x1;
	_ =	strace $0x80000046;
	[dreg:$0x1] =	wrdreg $0xFFFFFFFF  }
0xa7: {  	s28 =	simm.s32 $_size_execute0_lowered;
	s3 =	sadd.s32 s3, s5;
	[dreg:$0x0] =	wrdreg $0x0  }
0xa8: {  	s5 =	sshll.u32 s28, $0x1;
	[dreg:$0x2] =	wrdreg s3  }
0xa9: {  	[dreg:$0x3] =	wrdreg s5  }
0xaa: {  	[dreg:$0x4] =	wrdreg $0xC0  }
0xab: {  	_ =	task [dreg:s7], $0x5FFFF  }
0xac: {  	[dreg:$0x1] =	wrdreg $0xFFFFFFFF  }
0xad: {  	[dreg:$0x0] =	wrdreg $0x60  }
0xae: {  	[dreg:$0x2] =	wrdreg s2  }
0xaf: {  	[dreg:$0x3] =	wrdreg s24  }
0xb0: {  	[dreg:$0x4] =	wrdreg $0xA  }
0xb1: {  	_ =	task.clear_ibuf [dreg:s7], $0x5FFFF;
	_ =	strace $0x90000046  }
0xb2: {  	s29 =	simm.s32 $0xA;
	_ =	strace $0x80000048  }
0xb3: {  	_ =	swait.ge [sflag:s29], $0x1  }
0xb4: {  	[sflag:s29] =	ssyncadd.s32 $0xFFFFFFFF  }
0xb5: {  	_ =	strace $0x90000048  }
0xb6: {  	_ =	sfence  }
0xb7: {  	s30 =	sld [smem:$0x0];
	_ =	sdelay $0x2  }
0xb8: {  	s31 =	sshll.u32 s1, $0xD;
	s1 =	sshrl.u32 s1, $0x2  }
0xb9: {  	s3 =	sand.u32 $0x4000, s31;
	s1 =	sadd.s32 s1, s30  }
0xba: {  	s0 =	sor.u32 s3, s0;
	s1 =	sshll.u32 s1, $0x11  }
0xbb: {  	s0 =	sor.u32 s1, s0  }
0xbc: {  	s0 =	sadd.s32 $0x8F2B, s0  }
0xbd: {  	[sflag:s0] =	ssyncadd.remote.s32 $0x1  }
0xbe: {  	_ =	sfence.sel $0xFFFF  }
0xbf: {  	[dreg:$0x0] =	wrdreg $0xFFFFFFFF;
	(pc) =	sbr.abs _section_cstart, $3  }
0xc0: {  	[dreg:$0x1] =	wrdreg $0xFFFFFFFF  }
0xc1: {  	_ =	task.clear_ibuf [dreg:s7], $0x2FFFF;
	_ =	strace $0x9FFFFFFF  }
0xc2: {  	(tm) =	ssettm $0x7FFFFFFF  }
0xc3: {  	_ =	shalt  }
tec
execute0_lowered:
.L_overlay_start_1:
0x0: {  	(tag) =	ssettag $0x1  }
0x1: {  	s1 =	rddreg [dreg:$0x0]  }
0x2: {  	s0 =	rddreg [dreg:$0x1]  }
0x3: {  	s3 =	simm.s32 $0x0;
	s2 =	srdreg.scid;
	s4 =	stileid.u32  }
0x4: {  	s16 =	simm.s32 $0xC8;
	s17 =	simm.s32 $0x190;
	s18 =	simm.s32 $0x6590  }
0x5: {  	s19 =	simm.s32 $0xC990;
	s20 =	simm.s32 $0xD610;
	s21 =	simm.s32 $0x1  }
0x6: {  	s22 =	simm.s32 $0x27100;
	s23 =	simm.s32 $0xE290;
	s24 =	simm.s32 $0x2  }
0x7: {  	s28 =	simm.s32 $0xEA60;
	s29 =	simm.s32 $0x14E60;
	s30 =	simm.s32 $0x1CB60  }
0x8: {  	[smem:$0x7FF] =	sst s3;
	s2 =	sand.u32 $0x1, s2;
	s4 =	sshll.u32 s4, $0x1  }
0x9: {  	s5 =	sadd.s32 $0xCA00, s0;
	s7 =	sadd.s32 $0x16800, s0;
	s8 =	sadd.s32 $0x47800, s0  }
0xa: {  	s9 =	sadd.s32 $0x2B8800, s0;
	s6 =	sor.u32 s2, s4;
	s2 =	ssub.s32 $0x2, s2  }
0xb: {  	s10 =	sadd.s32 $0x20600, s0;
	s6 =	smul.u32 $0x1388, s6;
	s11 =	sshrl.u32 s2, $0x1  }
.Ltmp0:
0xc: {  	_ =	strace $0x80000047;
	s25 =	ssub.s32 s2, s11;
	(pc) =	sbr.rel .LBB2_1-.Ltmp0, $4  }
0xd: {  	v0 =	vlaneseq.u32;
	s4 =	sadd.s32 $0x7A00, s0;
	s12 =	sshrl.u32 s6, $0x3;
	s0 =	smax.u32 s25, $0x1  }
0xe: {  	v0 =	vmul.u32 $0x10, v0;
	s11 =	simm.s32 $0x0;
	s26 =	sadd.s32 s5, s12;
	[dreg:$0x5] =	wrdreg s0  }
0xf: {  	v1 =	vimm.f32 $0.0e+00;
	s13 =	sadd.s32 $0x190, s6;
	s31 =	sadd.s32 s7, s12;
	[dreg:$0x3] =	wrdreg s26  }
0x10: {  	v2 =	vadd.s32 $0xB80, v0;
	v3 =	vadd.s32 $0xB81, v0;
	v4 =	vadd.s32 $0xB82, v0;
	s25 =	simm.s32 $0x1B260;
	[dreg:$0x4] =	wrdreg s31;
	s26 =	simm.s32 $0x1BEE0  }
.LBB2_9:
0x11: {  	s0 =	simm.s32 $0x3  }
0x12: {  	_ =	swait.ge [sflag:s0], $0x6400  }
0x13: {  	[sflag:s0] =	ssyncset.done $0x0  }
0x14: {  	[sflag:s0] =	ssyncadd.s32 $0xFFFF9C00  }
0x15: {  	_ =	swait.ge [sflag:s0], $0x6400  }
0x16: {  	[sflag:s0] =	ssyncset.done $0x0  }
0x17: {  	[sflag:s0] =	ssyncadd.s32 $0xFFFF9C00  }
0x18: {  	_ =	swait.ge [sflag:s0], $0x640  }
0x19: {  	[sflag:s0] =	ssyncset.done $0x0  }
0x1a: {  	s2 =	simm.s32 $0x4;
	[sflag:s0] =	ssyncadd.s32 $0xFFFFF9C0  }
0x1b: {  	_ =	swait.ge [sflag:s2], $0x6400  }
0x1c: {  	[sflag:s2] =	ssyncset.done $0x0  }
0x1d: {  	[sflag:s2] =	ssyncadd.s32 $0xFFFF9C00  }
0x1e: {  	_ =	swait.ge [sflag:s2], $0x6400  }
0x1f: {  	[sflag:s2] =	ssyncset.done $0x0  }
0x20: {  	[sflag:s2] =	ssyncadd.s32 $0xFFFF9C00  }
0x21: {  	_ =	swait.ge [sflag:s2], $0x640  }
0x22: {  	s11 =	rddreg [dreg:$0x6]  }
0x23: {  	s31 =	rddreg [dreg:$0x5];
	s11 =	sadd.s32 $0x1, s11  }
0x24: {  	p0 =	sne.s32 s11, s31  }
.Ltmp1:
0x25: {  	_ = 	snop;
	(pc) =	sbr.rel @!p0 .LBB2_10-.Ltmp1, $3  }
0x26: {  	_ =	sdelay $0x1  }
0x27: {  	[sflag:s2] =	ssyncset.done $0x0  }
0x28: {  	[sflag:s2] =	ssyncadd.s32 $0xFFFFF9C0  }
.LBB2_1:
0x29: {  	[tilespmem:$0xE5B0] =	vst v1  }
0x2a: {  	[tilespmem:$0xE678] =	vst v1  }
0x2b: {  	[tilespmem:$0xE740] =	vst v1  }
0x2c: {  	[tilespmem:$0xE808] =	vst v1  }
0x2d: {  	[tilespmem:$0xE5C0] =	vst v1  }
0x2e: {  	[tilespmem:$0xE688] =	vst v1  }
0x2f: {  	[tilespmem:$0xE750] =	vst v1  }
0x30: {  	[tilespmem:$0xE818] =	vst v1  }
0x31: {  	[tilespmem:$0xE5D0] =	vst v1  }
0x32: {  	[tilespmem:$0xE698] =	vst v1  }
0x33: {  	[tilespmem:$0xE760] =	vst v1  }
0x34: {  	[tilespmem:$0xE828] =	vst v1  }
0x35: {  	[tilespmem:$0xE5E0] =	vst v1  }
0x36: {  	[tilespmem:$0xE6A8] =	vst v1  }
0x37: {  	[tilespmem:$0xE770] =	vst v1  }
0x38: {  	[tilespmem:$0xE838] =	vst v1  }
0x39: {  	[tilespmem:$0xE5F0] =	vst v1  }
0x3a: {  	[tilespmem:$0xE6B8] =	vst v1  }
0x3b: {  	[tilespmem:$0xE780] =	vst v1  }
0x3c: {  	[tilespmem:$0xE848] =	vst v1  }
0x3d: {  	[tilespmem:$0xE600] =	vst v1  }
0x3e: {  	[tilespmem:$0xE6C8] =	vst v1  }
0x3f: {  	[tilespmem:$0xE790] =	vst v1  }
0x40: {  	[tilespmem:$0xE858] =	vst v1  }
0x41: {  	[tilespmem:$0xE610] =	vst v1  }
0x42: {  	[tilespmem:$0xE6D8] =	vst v1  }
0x43: {  	[tilespmem:$0xE7A0] =	vst v1  }
0x44: {  	[tilespmem:$0xE868] =	vst v1  }
0x45: {  	[tilespmem:$0xE620] =	vst v1  }
0x46: {  	[tilespmem:$0xE6E8] =	vst v1  }
0x47: {  	[tilespmem:$0xE7B0] =	vst v1  }
0x48: {  	[tilespmem:$0xE878] =	vst v1  }
0x49: {  	[tilespmem:$0xE630] =	vst v1  }
0x4a: {  	[tilespmem:$0xE6F8] =	vst v1  }
0x4b: {  	[tilespmem:$0xE7C0] =	vst v1  }
0x4c: {  	[tilespmem:$0xE888] =	vst v1  }
0x4d: {  	[tilespmem:$0xE640] =	vst v1  }
0x4e: {  	[tilespmem:$0xE708] =	vst v1  }
0x4f: {  	[tilespmem:$0xE7D0] =	vst v1  }
0x50: {  	[tilespmem:$0xE898] =	vst v1  }
0x51: {  	[tilespmem:$0xE650] =	vst v1  }
0x52: {  	[tilespmem:$0xE718] =	vst v1  }
0x53: {  	[tilespmem:$0xE7E0] =	vst v1  }
0x54: {  	[tilespmem:$0xE8A8] =	vst v1  }
0x55: {  	[tilespmem:$0xE660] =	vst v1  }
0x56: {  	[tilespmem:$0xE728] =	vst v1  }
0x57: {  	[tilespmem:$0xE7F0] =	vst v1  }
0x58: {  	[tilespmem:$0xE8B8] =	vst v1  }
0x59: {  	[tilespmem:$0x1CE80] =	vst v1  }
0x5a: {  	[tilespmem:$0x1CF48] =	vst v1  }
0x5b: {  	[tilespmem:$0x1D010] =	vst v1  }
0x5c: {  	[tilespmem:$0x1D0D8] =	vst v1  }
0x5d: {  	[tilespmem:$0x1CE90] =	vst v1  }
0x5e: {  	[tilespmem:$0x1CF58] =	vst v1  }
0x5f: {  	[tilespmem:$0x1D020] =	vst v1  }
0x60: {  	[tilespmem:$0x1D0E8] =	vst v1  }
0x61: {  	[tilespmem:$0x1CEA0] =	vst v1  }
0x62: {  	[tilespmem:$0x1CF68] =	vst v1  }
0x63: {  	[tilespmem:$0x1D030] =	vst v1  }
0x64: {  	[tilespmem:$0x1D0F8] =	vst v1  }
0x65: {  	[tilespmem:$0x1CEB0] =	vst v1  }
0x66: {  	[tilespmem:$0x1CF78] =	vst v1  }
0x67: {  	[tilespmem:$0x1D040] =	vst v1  }
0x68: {  	[tilespmem:$0x1D108] =	vst v1  }
0x69: {  	[tilespmem:$0x1CEC0] =	vst v1  }
0x6a: {  	[tilespmem:$0x1CF88] =	vst v1  }
0x6b: {  	[tilespmem:$0x1D050] =	vst v1  }
0x6c: {  	[tilespmem:$0x1D118] =	vst v1  }
0x6d: {  	[tilespmem:$0x1CED0] =	vst v1  }
0x6e: {  	[tilespmem:$0x1CF98] =	vst v1  }
0x6f: {  	[tilespmem:$0x1D060] =	vst v1  }
0x70: {  	[tilespmem:$0x1D128] =	vst v1  }
0x71: {  	[tilespmem:$0x1CEE0] =	vst v1  }
0x72: {  	[tilespmem:$0x1CFA8] =	vst v1  }
0x73: {  	[tilespmem:$0x1D070] =	vst v1  }
0x74: {  	[tilespmem:$0x1D138] =	vst v1  }
0x75: {  	[tilespmem:$0x1CEF0] =	vst v1  }
0x76: {  	[tilespmem:$0x1CFB8] =	vst v1  }
0x77: {  	[tilespmem:$0x1D080] =	vst v1  }
0x78: {  	[tilespmem:$0x1D148] =	vst v1  }
0x79: {  	[tilespmem:$0x1CF00] =	vst v1  }
0x7a: {  	[tilespmem:$0x1CFC8] =	vst v1  }
0x7b: {  	[tilespmem:$0x1D090] =	vst v1  }
0x7c: {  	[tilespmem:$0x1D158] =	vst v1  }
0x7d: {  	[tilespmem:$0x1CF10] =	vst v1  }
0x7e: {  	[tilespmem:$0x1CFD8] =	vst v1  }
0x7f: {  	[tilespmem:$0x1D0A0] =	vst v1  }
0x80: {  	[tilespmem:$0x1D168] =	vst v1  }
0x81: {  	[tilespmem:$0x1CF20] =	vst v1  }
0x82: {  	[tilespmem:$0x1CFE8] =	vst v1  }
0x83: {  	[tilespmem:$0x1D0B0] =	vst v1  }
0x84: {  	[tilespmem:$0x1D178] =	vst v1  }
0x85: {  	[tilespmem:$0x1CF30] =	vst v1  }
0x86: {  	[tilespmem:$0x1CFF8] =	vst v1  }
0x87: {  	[tilespmem:$0x1D0C0] =	vst v1  }
0x88: {  	[tilespmem:$0x1D188] =	vst v1  }
0x89: {  	[tilespmem:$0xE668] =	vst v1  }
0x8a: {  	[tilespmem:$0xE730] =	vst v1  }
0x8b: {  	[tilespmem:$0xE7F8] =	vst v1  }
0x8c: {  	[tilespmem:$0xE8C0] =	vst v1  }
0x8d: {  	[tilespmem:$0x1CF38] =	vst v1  }
0x8e: {  	[tilespmem:$0x1D000] =	vst v1  }
0x8f: {  	[dreg:$0x6] =	wrdreg s11;
	[tilespmem:$0x1D0C8] =	vst v1  }
0x90: {  	s0 =	rddreg [dreg:$0x3];
	s2 =	simm.s32 $0x5;
	[tilespmem:$0x1D190] =	vst v1  }
0x91: {  	[tilespmem:s3], [sflag:$0x5] =	stream.linear.gather [hbm4b:s0+s3], $0xC8, $0x38;
	[tilespmem:$0x1D1A0] =	vst v63  }
0x92: {  	_ =	swait.ge [sflag:s2], $0xC8  }
0x93: {  	[sflag:s2] =	ssyncset.done $0x0  }
0x94: {  	s31 =	rddreg [dreg:$0x4];
	[sflag:s2] =	ssyncadd.s32 $0xFFFFFF38  }
0x95: {  	[tilespmem:s16], [sflag:$0x5] =	stream.linear.gather [hbm4b:s31+s3], $0xC8, $0x38;
	[tilespmem:$0x1D1A0] =	vst v63  }
0x96: {  	_ =	swait.ge [sflag:s2], $0xC8  }
0x97: {  	[sflag:s2] =	ssyncset.done $0x0  }
0x98: {  	[sflag:s2] =	ssyncadd.s32 $0xFFFFFF38  }
0x99: {  	[tilespmem:s17], [sflag:$0x1] =	stream.indirect.gather [hbm4b:s1+s16], $0x80, s3, s16, $0xb8;
	[tilespmem:$0x1D1A0] =	vst v63  }
0x9a: {  	_ = 	snop  }
0x9b: {  	[tilespmem:s18], [sflag:$0x1] =	stream.indirect.gather [hbm4b:s1+s16], $0x80, s16, s16, $0xb8;
	[tilespmem:$0x1D1A0] =	vst v63  }
.Ltmp2:
0x9c: {  	_ = 	snop;
	(pc) =	sbr.rel .LBB2_2-.Ltmp2, $4  }
0x9d: {  	_ = 	snop  }
0x9e: {  	[tilespmem:s19], [sflag:$0x1] =	stream.indirect.gather [hbm4b:s4+s16], $0x10, s3, s16, $0xb8;
	[tilespmem:$0x1D1A0] =	vst v63  }
0x9f: {  	s11 =	simm.s32 $0x0  }
0xa0: {  	[tilespmem:s20], [sflag:$0x1] =	stream.indirect.gather [hbm4b:s4+s16], $0x10, s16, s16, $0xb8;
	[tilespmem:$0x1D1A0] =	vst v63  }
.LBB2_8:
0xa1: {  	s11 =	sadd.s32 $0x1, s11  }
0xa2: {  	p0 =	sne.s32 s11, $0xD  }
.Ltmp3:
0xa3: {  	_ = 	snop;
	(pc) =	sbr.rel @!p0 .LBB2_9-.Ltmp3, $1  }
0xa4: {  	_ =	sdelay $0x3  }
.LBB2_2:
0xa5: {  	s12 =	sshllo.u32 s11, $0x1  }
0xa6: {  	p0 =	sgt.u32 s12, $0x18  }
0xa7: {  	p1 =	seq.s32 @!p0 s11, $0x0  }
0xa8: {  	p1 =	por p1, p0  }
0xa9: {  	s14 =	simm.s32 @!p1 $0x4  }
0xaa: {  	_ =	swait.ge @!p1 [sflag:s14], $0x6400  }
0xab: {  	[sflag:s14] =	ssyncset.done @!p1 $0x0  }
0xac: {  	[sflag:s14] =	ssyncadd.s32 @!p1 $0xFFFF9C00  }
0xad: {  	_ =	swait.ge @!p1 [sflag:s14], $0x6400  }
0xae: {  	[sflag:s14] =	ssyncset.done @!p1 $0x0  }
0xaf: {  	s15 =	smul.u32 @!p0 $0xC8, s12;
	[sflag:s14] =	ssyncadd.s32 @!p1 $0xFFFF9C00  }
0xb0: {  	_ =	swait.ge @!p1 [sflag:s14], $0x640  }
0xb1: {  	s15 =	sadd.s32 @!p0 s6, s15;
	[sflag:s14] =	ssyncset.done @!p1 $0x0  }
0xb2: {  	[sflag:s14] =	ssyncadd.s32 @!p1 $0xFFFFF9C0;
	s14 =	sshrl.u32 @!p0 s15, $0x3  }
0xb3: {  	s31 =	simm.s32 @!p0 $0x0;
	s0 =	simm.s32 @!p0 $0xE8D0;
	s15 =	sadd.s32 @!p0 s5, s14  }
0xb4: {  	[tilespmem:s0], [sflag:$0x5] =	stream.linear.gather @!p0 [hbm4b:s15+s31], $0xC8, $0x38;
	[tilespmem:$0x1D1A0] =	vst v63  }
0xb5: {  	s15 =	simm.s32 @!p0 $0x5  }
0xb6: {  	_ =	swait.ge @!p0 [sflag:s15], $0xC8  }
0xb7: {  	[sflag:s15] =	ssyncset.done @!p0 $0x0  }
0xb8: {  	s2 =	simm.s32 @!p0 $0xE998;
	s14 =	sadd.s32 @!p0 s7, s14;
	[sflag:s15] =	ssyncadd.s32 @!p0 $0xFFFFFF38  }
0xb9: {  	[tilespmem:s2], [sflag:$0x5] =	stream.linear.gather @!p0 [hbm4b:s14+s31], $0xC8, $0x38;
	[tilespmem:$0x1D1A0] =	vst v63  }
0xba: {  	_ =	swait.ge @!p0 [sflag:s15], $0xC8  }
0xbb: {  	[sflag:s15] =	ssyncset.done @!p0 $0x0  }
0xbc: {  	s14 =	simm.s32 @!p0 $0xC8;
	[sflag:s15] =	ssyncadd.s32 @!p0 $0xFFFFFF38;
	s15 =	simm.s32 @!p0 $0xEA60  }
0xbd: {  	[tilespmem:s15], [sflag:$0x2] =	stream.indirect.gather @!p0 [hbm4b:s1+s14], $0x80, s0, s14, $0xb8;
	[tilespmem:$0x1D1A0] =	vst v63  }
0xbe: {  	s15 =	simm.s32 @!p0 $0x14E60  }
0xbf: {  	[tilespmem:s15], [sflag:$0x2] =	stream.indirect.gather @!p0 [hbm4b:s1+s14], $0x80, s2, s14, $0xb8;
	[tilespmem:$0x1D1A0] =	vst v63  }
0xc0: {  	s15 =	simm.s32 @!p0 $0x1B260  }
0xc1: {  	[tilespmem:s15], [sflag:$0x2] =	stream.indirect.gather @!p0 [hbm4b:s4+s14], $0x10, s0, s14, $0xb8;
	[tilespmem:$0x1D1A0] =	vst v63  }
0xc2: {  	s0 =	simm.s32 @!p0 $0x1BEE0  }
0xc3: {  	[tilespmem:s0], [sflag:$0x2] =	stream.indirect.gather @!p0 [hbm4b:s4+s14], $0x10, s2, s14, $0xb8;
	[tilespmem:$0x1D1A0] =	vst v63  }
0xc4: {  	_ =	swait.ge [sflag:s21], $0x6400  }
0xc5: {  	[sflag:s21] =	ssyncset.done $0x0  }
0xc6: {  	[sflag:s21] =	ssyncadd.s32 $0xFFFF9C00  }
0xc7: {  	s15 =	simm.s32 $0x0;
	_ =	swait.ge [sflag:s21], $0x6400  }
0xc8: {  	v5 =	vmov s15;
	[sflag:s21] =	ssyncset.done $0x0  }
0xc9: {  	v5 =	vshll.u32 v5, $0x4;
	[sflag:s21] =	ssyncadd.s32 $0xFFFF9C00  }
0xca: {  	v5 =	vadd.s32 v0, v5;
	_ =	swait.ge [sflag:s21], $0xC80  }
0xcb: {  	v6 =	vor.u32 $0x1, v5;
	[sflag:s21] =	ssyncset.done $0x0  }
0xcc: {  	[sflag:s21] =	ssyncadd.s32 $0xFFFFF380  }
0xcd: {  	_ =	swait.ge [sflag:s21], $0xC80  }
0xce: {  	[sflag:s21] =	ssyncset.done $0x0  }
0xcf: {  	v7 =	vor.u32 $0x2, v5;
	[sflag:s21] =	ssyncadd.s32 $0xFFFFF380  }
0xd0: {  	v8 =	vld.idx.msk [tilespmem:v6+s20+$0x0], $0xffff  }
0xd1: {  	v9 =	vld.idx.msk [tilespmem:v5+s19+$0x0], $0xffff  }
0xd2: {  	v5 =	vld.idx.msk [tilespmem:v5+s20+$0x0], $0xffff  }
0xd3: {  	v6 =	vld.idx.msk [tilespmem:v6+s19+$0x0], $0xffff  }
0xd4: {  	v10 =	vld.idx.msk [tilespmem:v7+s20+$0x0], $0xffff  }
0xd5: {  	v7 =	vld.idx.msk [tilespmem:v7+s19+$0x0], $0xffff;
	_ =	sdelay $0x1  }
0xd6: {  	s31 =	simm.s32 $0x10  }
0xd7: {  	v11 =	vmov s31;
	v9 =	vsub.f32 v9, v5;
	v5 =	vsub.f32 v6, v8  }
0xd8: {  	s14 =	simm.s32 $0xE420;
	v6 =	vshll.u32 v11, $0x4  }
0xd9: {  	v10 =	vsub.f32 v7, v10;
	v7 =	vmul.f32 v9, v9;
	v8 =	vmul.f32 v5, v5;
	[tilespmem:s14+$0xFFFFFF38] =	vst v5  }
0xda: {  	v5 =	vadd.s32 v0, v6;
	[tilespmem:s14+$0xFFFFFE70] =	vst v9  }
0xdb: {  	s15 =	simm.s32 $0x20;
	[tilespmem:s14+$0x0] =	vst v10;
	v6 =	vor.u32 $0x1, v5;
	v7 =	vadd.f32 v8, v7;
	v8 =	vmul.f32 v10, v10  }
.LBB2_3:
0xdc: {  	p1 =	sne.s32 s15, $0xB0  }
0xdd: {  	v7 =	vadd.f32 v8, v7;
	_ =	sdelay $0x1  }
0xde: {  	v8 =	vor.u32 $0x2, v5;
	[tilespmem:s14+$0xC8] =	vst v7  }
0xdf: {  	v7 =	vld.idx.msk [tilespmem:v6+s20+$0x0], $0xffff  }
0xe0: {  	v9 =	vld.idx.msk [tilespmem:v5+s19+$0x0], $0xffff  }
0xe1: {  	v5 =	vld.idx.msk [tilespmem:v5+s20+$0x0], $0xffff  }
0xe2: {  	v6 =	vld.idx.msk [tilespmem:v6+s19+$0x0], $0xffff  }
0xe3: {  	v10 =	vld.idx.msk [tilespmem:v8+s20+$0x0], $0xffff  }
0xe4: {  	v8 =	vld.idx.msk [tilespmem:v8+s19+$0x0], $0xffff;
	_ =	sdelay $0x3  }
.Ltmp4:
0xe5: {  	v11 =	vmov s15;
	v9 =	vsub.f32 v9, v5;
	v5 =	vsub.f32 v6, v7;
	(pc) =	sbr.rel @p1 .LBB2_3-.Ltmp4, $4  }
0xe6: {  	s14 =	sadd.s32 $0x10, s14;
	v6 =	vshll.u32 v11, $0x4  }
0xe7: {  	v7 =	vmul.f32 v9, v9;
	v10 =	vsub.f32 v8, v10;
	v8 =	vmul.f32 v5, v5;
	[tilespmem:s14+$0xFFFFFF38] =	vst v5  }
0xe8: {  	v5 =	vadd.s32 v0, v6;
	[tilespmem:s14+$0xFFFFFE70] =	vst v9  }
0xe9: {  	s15 =	sadd.s32 $0x10, s15;
	v6 =	vor.u32 $0x1, v5;
	v7 =	vadd.f32 v8, v7;
	v8 =	vmul.f32 v10, v10;
	[tilespmem:s14+$0x0] =	vst v10  }
0xea: {  	_ = 	snop  }
0xeb: {  	v7 =	vadd.f32 v8, v7;
	_ =	sdelay $0x1  }
0xec: {  	v54 =	vor.u32 $0x2, v5;
	[tilespmem:s14+$0xC8] =	vst v7  }
0xed: {  	v7 =	vld.idx.msk [tilespmem:v6+s20+$0x0], $0xffff  }
0xee: {  	v9 =	vld.idx.msk [tilespmem:v5+s19+$0x0], $0xffff  }
0xef: {  	v5 =	vld.idx.msk [tilespmem:v5+s20+$0x0], $0xffff  }
0xf0: {  	v6 =	vld.idx.msk [tilespmem:v6+s19+$0x0], $0xffff  }
0xf1: {  	v10 =	vld.idx.msk [tilespmem:v54+s20+$0x0], $0xffff  }
0xf2: {  	v8 =	vld.idx.msk [tilespmem:v54+s19+$0x0], $0xffff;
	_ =	sdelay $0x2  }
0xf3: {  	v5 =	vsub.f32 v9, v5;
	v6 =	vsub.f32 v6, v7;
	_ =	sdelay $0x1  }
0xf4: {  	v7 =	vsub.f32 v8, v10;
	v55 =	vmul.f32 v5, v5;
	v56 =	vmul.f32 v6, v6;
	_ =	sdelay $0x1  }
0xf5: {  	s0 =	sadd.s32 $0x10, s14;
	v57 =	vmul.f32 v7, v7;
	v8 =	vadd.f32 v56, v55  }
0xf6: {  	[tilespmem:s0+$0xFFFFFF38] =	vst v6  }
0xf7: {  	[tilespmem:s0+$0xFFFFFE70] =	vst v5;
	v5 =	vadd.f32 v57, v8  }
0xf8: {  	[tilespmem:s0+$0x0] =	vst v7  }
0xf9: {  	[tilespmem:s0+$0xC8] =	vst v5  }
0xfa: {  	v5 =	vld.idx.msk [tilespmem:v2+s19+$0x0], $0xffff  }
0xfb: {  	v6 =	vld.idx.msk [tilespmem:v2+s20+$0x0], $0xffff  }
0xfc: {  	v7 =	vld.idx.msk [tilespmem:v3+s19+$0x0], $0xffff  }
0xfd: {  	v58 =	vld.idx.msk [tilespmem:v3+s20+$0x0], $0xffff  }
0xfe: {  	v59 =	vld.idx.msk [tilespmem:v4+s19+$0x0], $0xffff  }
0xff: {  	v60 =	vld.idx.msk [tilespmem:v4+s20+$0x0], $0xffff;
	_ =	sdelay $0x2  }
0x100: {  	v5 =	vsub.f32 v5, v6;
	v6 =	vsub.f32 v7, v58;
	_ =	sdelay $0x1  }
0x101: {  	v7 =	vsub.f32 v59, v60;
	v61 =	vmul.f32 v5, v5;
	v62 =	vmul.f32 v6, v6;
	_ =	sdelay $0x1  }
0x102: {  	s0 =	smul.u32 $0x190, s11;
	v63 =	vmul.f32 v7, v7;
	v8 =	vadd.f32 v62, v61  }
0x103: {  	[tilespmem:$0xE348] =	vst v5  }
0x104: {  	s2 =	sadd.s32 s6, s0;
	[tilespmem:$0xE410] =	vst v6;
	v5 =	vadd.f32 v63, v8  }
0x105: {  	s31 =	sshll.u32 s2, $0x4;
	[tilespmem:$0xE4D8] =	vst v7  }
0x106: {  	s15 =	sadd.s32 s8, s31;
	[tilespmem:$0xE5A0] =	vst v5  }
0x107: {  	[hbm4b:s15+s3] =	stream.linear.scatter [tilespmem:s17], [sflag:$0x3], $0x6400, $0x38;
	[tilespmem:$0x1D1A0] =	vst v63  }
0x108: {  	s2 =	sshrl.u32 s2, $0x3;
	s14 =	sadd.s32 s9, s31  }
0x109: {  	[hbm4b:s14+s3] =	stream.linear.scatter [tilespmem:s18], [sflag:$0x3], $0x6400, $0x38;
	[tilespmem:$0x1D1A0] =	vst v63  }
0x10a: {  	p1 =	seq.s32 s11, $0xC;
	s2 =	sadd.s32 s10, s2  }
0x10b: {  	[hbm4b:s2+s16] =	stream.strided.scatter [tilespmem:s23], [sflag:$0x3], $0x640, s22, s16, $0x38;
	[tilespmem:$0x1D1A0] =	vst v63  }
0x10c: {  	s2 =	simm.s32 @!p1 $0x3  }
0x10d: {  	_ =	swait.ge @!p1 [sflag:s2], $0x6400  }
0x10e: {  	[sflag:s2] =	ssyncset.done @!p1 $0x0  }
0x10f: {  	[sflag:s2] =	ssyncadd.s32 @!p1 $0xFFFF9C00  }
0x110: {  	_ =	swait.ge @!p1 [sflag:s2], $0x6400  }
0x111: {  	[sflag:s2] =	ssyncset.done @!p1 $0x0  }
0x112: {  	[sflag:s2] =	ssyncadd.s32 @!p1 $0xFFFF9C00  }
0x113: {  	s0 =	sadd.s32 @!p1 s0, s13;
	_ =	swait.ge @!p1 [sflag:s2], $0x640  }
0x114: {  	s0 =	sshrl.u32 @!p1 s0, $0x3;
	[sflag:s2] =	ssyncset.done @!p1 $0x0  }
0x115: {  	s14 =	simm.s32 @!p1 $0x0;
	[sflag:s2] =	ssyncadd.s32 @!p1 $0xFFFFF9C0;
	s2 =	sadd.s32 @!p1 s5, s0  }
0x116: {  	[tilespmem:s14], [sflag:$0x5] =	stream.linear.gather @!p1 [hbm4b:s2+s14], $0xC8, $0x38;
	[tilespmem:$0x1D1A0] =	vst v63  }
0x117: {  	s2 =	simm.s32 @!p1 $0x5  }
0x118: {  	_ =	swait.ge @!p1 [sflag:s2], $0xC8  }
0x119: {  	[sflag:s2] =	ssyncset.done @!p1 $0x0  }
0x11a: {  	s15 =	simm.s32 @!p1 $0xC8;
	s0 =	sadd.s32 @!p1 s7, s0;
	[sflag:s2] =	ssyncadd.s32 @!p1 $0xFFFFFF38  }
0x11b: {  	[tilespmem:s15], [sflag:$0x5] =	stream.linear.gather @!p1 [hbm4b:s0+s14], $0xC8, $0x38;
	[tilespmem:$0x1D1A0] =	vst v63  }
0x11c: {  	_ =	swait.ge @!p1 [sflag:s2], $0xC8  }
0x11d: {  	[sflag:s2] =	ssyncset.done @!p1 $0x0  }
0x11e: {  	s0 =	simm.s32 @!p1 $0x190;
	[sflag:s2] =	ssyncadd.s32 @!p1 $0xFFFFFF38  }
0x11f: {  	[tilespmem:s0], [sflag:$0x1] =	stream.indirect.gather @!p1 [hbm4b:s1+s15], $0x80, s14, s15, $0xb8;
	[tilespmem:$0x1D1A0] =	vst v63  }
0x120: {  	s0 =	simm.s32 @!p1 $0x6590  }
0x121: {  	[tilespmem:s0], [sflag:$0x1] =	stream.indirect.gather @!p1 [hbm4b:s1+s15], $0x80, s15, s15, $0xb8;
	[tilespmem:$0x1D1A0] =	vst v63  }
.Ltmp5:
0x122: {  	_ = 	snop;
	(pc) =	sbr.rel @p0 .LBB2_8-.Ltmp5, $4  }
0x123: {  	s0 =	simm.s32 @!p1 $0xC990  }
0x124: {  	[tilespmem:s0], [sflag:$0x1] =	stream.indirect.gather @!p1 [hbm4b:s4+s15], $0x10, s14, s15, $0xb8;
	[tilespmem:$0x1D1A0] =	vst v63  }
0x125: {  	s0 =	simm.s32 @!p1 $0xD610  }
0x126: {  	[tilespmem:s0], [sflag:$0x1] =	stream.indirect.gather @!p1 [hbm4b:s4+s15], $0x10, s15, s15, $0xb8;
	[tilespmem:$0x1D1A0] =	vst v63  }
0x127: {  	_ =	swait.ge [sflag:s24], $0x6400  }
0x128: {  	[sflag:s24] =	ssyncset.done $0x0  }
0x129: {  	[sflag:s24] =	ssyncadd.s32 $0xFFFF9C00  }
0x12a: {  	s0 =	simm.s32 $0x0;
	_ =	swait.ge [sflag:s24], $0x6400  }
0x12b: {  	v5 =	vmov s0;
	[sflag:s24] =	ssyncset.done $0x0  }
0x12c: {  	v5 =	vshll.u32 v5, $0x4;
	[sflag:s24] =	ssyncadd.s32 $0xFFFF9C00  }
0x12d: {  	v5 =	vadd.s32 v0, v5;
	_ =	swait.ge [sflag:s24], $0xC80  }
0x12e: {  	v6 =	vor.u32 $0x1, v5;
	[sflag:s24] =	ssyncset.done $0x0  }
0x12f: {  	[sflag:s24] =	ssyncadd.s32 $0xFFFFF380  }
0x130: {  	_ =	swait.ge [sflag:s24], $0xC80  }
0x131: {  	[sflag:s24] =	ssyncset.done $0x0  }
0x132: {  	v7 =	vor.u32 $0x2, v5;
	[sflag:s24] =	ssyncadd.s32 $0xFFFFF380  }
0x133: {  	v8 =	vld.idx.msk [tilespmem:v6+s26+$0x0], $0xffff  }
0x134: {  	v9 =	vld.idx.msk [tilespmem:v5+s25+$0x0], $0xffff  }
0x135: {  	v5 =	vld.idx.msk [tilespmem:v5+s26+$0x0], $0xffff  }
0x136: {  	v6 =	vld.idx.msk [tilespmem:v6+s25+$0x0], $0xffff  }
0x137: {  	v10 =	vld.idx.msk [tilespmem:v7+s26+$0x0], $0xffff  }
0x138: {  	v7 =	vld.idx.msk [tilespmem:v7+s25+$0x0], $0xffff;
	_ =	sdelay $0x1  }
0x139: {  	s31 =	simm.s32 $0x10  }
0x13a: {  	v11 =	vmov s31;
	v9 =	vsub.f32 v9, v5;
	v5 =	vsub.f32 v6, v8  }
0x13b: {  	s14 =	simm.s32 $0x1CCF0;
	v6 =	vshll.u32 v11, $0x4  }
0x13c: {  	v10 =	vsub.f32 v7, v10;
	v7 =	vmul.f32 v9, v9;
	v8 =	vmul.f32 v5, v5;
	[tilespmem:s14+$0xFFFFFF38] =	vst v5  }
0x13d: {  	v5 =	vadd.s32 v0, v6;
	[tilespmem:s14+$0xFFFFFE70] =	vst v9  }
0x13e: {  	s15 =	simm.s32 $0x20;
	[tilespmem:s14+$0x0] =	vst v10;
	v6 =	vor.u32 $0x1, v5;
	v7 =	vadd.f32 v8, v7;
	v8 =	vmul.f32 v10, v10  }
.LBB2_6:
0x13f: {  	p0 =	sne.s32 s15, $0xB0  }
0x140: {  	v7 =	vadd.f32 v8, v7;
	_ =	sdelay $0x1  }
0x141: {  	v8 =	vor.u32 $0x2, v5;
	[tilespmem:s14+$0xC8] =	vst v7  }
0x142: {  	v7 =	vld.idx.msk [tilespmem:v6+s26+$0x0], $0xffff  }
0x143: {  	v9 =	vld.idx.msk [tilespmem:v5+s25+$0x0], $0xffff  }
0x144: {  	v5 =	vld.idx.msk [tilespmem:v5+s26+$0x0], $0xffff  }
0x145: {  	v6 =	vld.idx.msk [tilespmem:v6+s25+$0x0], $0xffff  }
0x146: {  	v10 =	vld.idx.msk [tilespmem:v8+s26+$0x0], $0xffff  }
0x147: {  	v8 =	vld.idx.msk [tilespmem:v8+s25+$0x0], $0xffff;
	_ =	sdelay $0x3  }
.Ltmp6:
0x148: {  	v11 =	vmov s15;
	v9 =	vsub.f32 v9, v5;
	v5 =	vsub.f32 v6, v7;
	(pc) =	sbr.rel @p0 .LBB2_6-.Ltmp6, $4  }
0x149: {  	s14 =	sadd.s32 $0x10, s14;
	v6 =	vshll.u32 v11, $0x4  }
0x14a: {  	v7 =	vmul.f32 v9, v9;
	v10 =	vsub.f32 v8, v10;
	v8 =	vmul.f32 v5, v5;
	[tilespmem:s14+$0xFFFFFF38] =	vst v5  }
0x14b: {  	v5 =	vadd.s32 v0, v6;
	[tilespmem:s14+$0xFFFFFE70] =	vst v9  }
0x14c: {  	s15 =	sadd.s32 $0x10, s15;
	v6 =	vor.u32 $0x1, v5;
	v7 =	vadd.f32 v8, v7;
	v8 =	vmul.f32 v10, v10;
	[tilespmem:s14+$0x0] =	vst v10  }
0x14d: {  	_ = 	snop  }
0x14e: {  	v7 =	vadd.f32 v8, v7;
	_ =	sdelay $0x1  }
0x14f: {  	v54 =	vor.u32 $0x2, v5;
	[tilespmem:s14+$0xC8] =	vst v7  }
0x150: {  	v7 =	vld.idx.msk [tilespmem:v6+s26+$0x0], $0xffff  }
0x151: {  	v9 =	vld.idx.msk [tilespmem:v5+s25+$0x0], $0xffff  }
0x152: {  	v5 =	vld.idx.msk [tilespmem:v5+s26+$0x0], $0xffff  }
0x153: {  	v6 =	vld.idx.msk [tilespmem:v6+s25+$0x0], $0xffff  }
0x154: {  	v10 =	vld.idx.msk [tilespmem:v54+s26+$0x0], $0xffff  }
0x155: {  	v8 =	vld.idx.msk [tilespmem:v54+s25+$0x0], $0xffff;
	_ =	sdelay $0x2  }
0x156: {  	v5 =	vsub.f32 v9, v5;
	v6 =	vsub.f32 v6, v7;
	_ =	sdelay $0x1  }
0x157: {  	v7 =	vsub.f32 v8, v10;
	v55 =	vmul.f32 v5, v5;
	v56 =	vmul.f32 v6, v6;
	_ =	sdelay $0x1  }
0x158: {  	s0 =	sadd.s32 $0x10, s14;
	v57 =	vmul.f32 v7, v7;
	v8 =	vadd.f32 v56, v55  }
0x159: {  	[tilespmem:s0+$0xFFFFFF38] =	vst v6  }
0x15a: {  	[tilespmem:s0+$0xFFFFFE70] =	vst v5;
	v5 =	vadd.f32 v57, v8  }
0x15b: {  	[tilespmem:s0+$0x0] =	vst v7  }
0x15c: {  	[tilespmem:s0+$0xC8] =	vst v5  }
0x15d: {  	v5 =	vld.idx.msk [tilespmem:v2+s25+$0x0], $0xffff  }
0x15e: {  	v6 =	vld.idx.msk [tilespmem:v2+s26+$0x0], $0xffff  }
0x15f: {  	v7 =	vld.idx.msk [tilespmem:v3+s25+$0x0], $0xffff  }
0x160: {  	v58 =	vld.idx.msk [tilespmem:v3+s26+$0x0], $0xffff  }
0x161: {  	v59 =	vld.idx.msk [tilespmem:v4+s25+$0x0], $0xffff  }
0x162: {  	v60 =	vld.idx.msk [tilespmem:v4+s26+$0x0], $0xffff;
	_ =	sdelay $0x2  }
0x163: {  	v5 =	vsub.f32 v5, v6;
	v6 =	vsub.f32 v7, v58;
	_ =	sdelay $0x1  }
0x164: {  	v7 =	vsub.f32 v59, v60;
	v61 =	vmul.f32 v5, v5;
	v62 =	vmul.f32 v6, v6  }
0x165: {  	s15 =	smul.u32 $0xC8, s12  }
0x166: {  	v63 =	vmul.f32 v7, v7;
	v8 =	vadd.f32 v62, v61  }
0x167: {  	s0 =	sadd.s32 s6, s15;
	[tilespmem:$0x1CC18] =	vst v5  }
0x168: {  	s2 =	sshll.u32 s0, $0x4;
	[tilespmem:$0x1CCE0] =	vst v6;
	v5 =	vadd.f32 v63, v8  }
0x169: {  	s2 =	sand.u32 $0x1FFFFF80, s2;
	[tilespmem:$0x1CDA8] =	vst v7  }
0x16a: {  	s31 =	sadd.s32 s8, s2;
	[tilespmem:$0x1CE70] =	vst v5  }
0x16b: {  	[hbm4b:s31+s3] =	stream.linear.scatter [tilespmem:s28], [sflag:$0x4], $0x6400, $0x38;
	[tilespmem:$0x1D1A0] =	vst v63  }
.Ltmp7:
0x16c: {  	_ = 	snop;
	(pc) =	sbr.rel .LBB2_8-.Ltmp7, $4  }
0x16d: {  	s0 =	sshrl.u32 s0, $0x3;
	s2 =	sadd.s32 s9, s2  }
0x16e: {  	[hbm4b:s2+s3] =	stream.linear.scatter [tilespmem:s29], [sflag:$0x4], $0x6400, $0x38;
	[tilespmem:$0x1D1A0] =	vst v63  }
0x16f: {  	s0 =	sadd.s32 s10, s0  }
0x170: {  	[hbm4b:s0+s16] =	stream.strided.scatter [tilespmem:s30], [sflag:$0x4], $0x640, s22, s16, $0x38;
	[tilespmem:$0x1D1A0] =	vst v63  }
.LBB2_10:
0x171: {  	_ =	sfence.sel $0x180000  }
0x172: {  	[bflag:$0x0] =	sbarrier.arrive $0xFFFF  }
0x173: {  	_ =	strace $0x90000047  }
0x174: {  	s0 =	stileid.u32;
	[bflag:$0x2] =	sbarrier.arrive $0xFFFF  }
0x175: {  	p0 =	sne.s32 s0, $0x0;
	s0 =	rddreg [dreg:$0x2]  }
0x176: {  	s0 =	sadd.s32 @!p0 $0x100000, s0  }
0x177: {  	[sflag:s0] =	ssyncadd.tile.s32 @!p0 $0x1;
	_ =	shalt  }
.Lfunc_end2:
_tile_overlayer_lowered:
.L_overlay_start_2:
0x178: {  	(tag) =	ssettag $0x2  }
0x179: {  	s0 =	rddreg [dreg:$0x0];
	s2 =	stileid.u32  }
0x17a: {  	s1 =	rddreg [dreg:$0x1];
	p0 =	sne.s32 s2, $0x0  }
0x17b: {  	s3 =	rddreg [dreg:$0x2];
	[bflag:$0x3] =	sbarrier.arrive $0xFFFF;
	s2 =	simm.s32 @!p0 $0x1C05  }
0x17c: {  	[timem:s3], [sflag:s2] =	dma.local @!p0 [hbm:s0], s1  }
0x17d: {  	s0 =	simm.s32 @!p0 $0x5  }
0x17e: {  	_ =	swait.ge @!p0 [sflag:s0], s1  }
0x17f: {  	s1 =	ssub.s32 @!p0 $0x0, s1;
	[sflag:s0] =	ssyncset.done @!p0 $0x0  }
0x180: {  	[sflag:s0] =	ssyncadd.s32 @!p0 s1  }
0x181: {  	[bflag:$0x3] =	sbarrier.arrive $0xFFFF  }
0x182: {  	_ =	shalt  }

</sc_bundles>
